<compile_context>
chip_gen: v7x
topology: tpu7x:2x2x1
jax: 0.10.2.dev20260603
libtpu: 0.0.44.dev20260713+nightly
codegen_flags: <defaults>
</compile_context>

<pallas_src>
import functools

import jax
import jax.numpy as jnp
from jax import lax
from jax.experimental import pallas as pl
from jax.experimental.pallas import tpu as pltpu
from jax.experimental.pallas import tpu_sc as plsc

N = 10000
D = 128
E = 320000

NC = 2
NS = 16
NW = NC * NS
CH = 64
K = 160
EPAD = NW * K * CH
NPAD = 10240
SLAB = NPAD // NS
NBUF = 4


def _sc_agg(table, rowp, colp, width):
    mesh = plsc.VectorSubcoreMesh(core_axis_name="c", subcore_axis_name="s")

    @functools.partial(
        pl.kernel,
        out_type=jax.ShapeDtypeStruct((NC, NPAD, width), jnp.float32),
        mesh=mesh,
        scratch_types=[
            pltpu.VMEM((K // 4, CH), jnp.int32),
            pltpu.VMEM((K // 4, CH), jnp.int32),
        ] + [pltpu.VMEM((CH, width), jnp.float32) for _ in range(NBUF)] + [
            pltpu.VMEM_SHARED((NPAD, width), jnp.float32),
        ] + [pltpu.SemaphoreType.DMA for _ in range(2 * NBUF)],
    )
    def agg(table_hbm, rowp_hbm, colp_hbm, out_hbm,
            ridx, cidx, *rest):
        rb = rest[:NBUF]
        acc = rest[NBUF]
        gs = rest[NBUF + 1:2 * NBUF + 1]
        ss = rest[2 * NBUF + 1:]
        cid = lax.axis_index("c")
        sid = lax.axis_index("s")
        wid = cid * NS + sid
        r0 = sid * SLAB
        pltpu.sync_copy(table_hbm.at[pl.ds(r0, SLAB)], acc.at[pl.ds(r0, SLAB)])
        plsc.subcore_barrier()

        HS = K // 4
        for h in range(4):
            pltpu.sync_copy(rowp_hbm.at[wid, pl.ds(h * HS, HS)], ridx)
            pltpu.sync_copy(colp_hbm.at[wid, pl.ds(h * HS, HS)], cidx)
            pltpu.async_copy(table_hbm.at[ridx.at[0]], rb[0], gs[0])
            pltpu.async_copy(table_hbm.at[ridx.at[1]], rb[1], gs[1])
            pltpu.async_copy(table_hbm.at[ridx.at[2]], rb[2], gs[2])

            def step(j, carry):
                for u in range(NBUF):
                    c = NBUF * j + u
                    u3 = (u + 3) % NBUF
                    pltpu.make_async_copy(
                        table_hbm.at[ridx.at[c]], rb[u], gs[u]).wait()
                    pltpu.async_copy(rb[u], acc.at[cidx.at[c]], ss[u], add=True)

                    @pl.when(c >= 1)
                    def _():
                        pltpu.make_async_copy(
                            rb[u3], acc.at[cidx.at[c - 1]], ss[u3]).wait()

                    @pl.when(c + 3 < HS)
                    def _():
                        pltpu.async_copy(
                            table_hbm.at[ridx.at[c + 3]], rb[u3], gs[u3])
                return carry

            lax.fori_loop(0, HS // NBUF, step, 0)
            pltpu.make_async_copy(
                rb[NBUF - 1], acc.at[cidx.at[HS - 1]], ss[NBUF - 1]).wait()
        plsc.subcore_barrier()
        pltpu.sync_copy(acc.at[pl.ds(r0, SLAB)],
                        out_hbm.at[cid, pl.ds(r0, SLAB)])

    return agg(table, rowp, colp)


WD = 16


def _sc_deg(colp):
    mesh = plsc.VectorSubcoreMesh(core_axis_name="c", subcore_axis_name="s")

    @functools.partial(
        pl.kernel,
        out_type=jax.ShapeDtypeStruct((NC, NPAD, WD), jnp.float32),
        mesh=mesh,
        scratch_types=[
            pltpu.VMEM((K, CH), jnp.int32),
            pltpu.VMEM((CH, WD), jnp.float32),
            pltpu.VMEM_SHARED((NPAD, WD), jnp.float32),
        ],
    )
    def deg(colp_hbm, out_hbm, cidx, ones_v, acc):
        cid = lax.axis_index("c")
        sid = lax.axis_index("s")
        wid = cid * NS + sid
        r0 = sid * SLAB

        def fill(i, carry):
            ones_v[i, :] = jnp.ones((WD,), jnp.float32)
            return carry

        lax.fori_loop(0, CH, fill, 0)
        for t in range(SLAB // CH):
            pltpu.sync_copy(ones_v, acc.at[pl.ds(r0 + t * CH, CH)])
        pltpu.sync_copy(colp_hbm.at[wid], cidx)
        plsc.subcore_barrier()

        def step(i, carry):
            pltpu.sync_copy(ones_v, acc.at[cidx.at[i]], add=True)
            return carry

        lax.fori_loop(0, K, step, 0)
        plsc.subcore_barrier()
        pltpu.sync_copy(acc.at[pl.ds(r0, SLAB)],
                        out_hbm.at[cid, pl.ds(r0, SLAB)])

    return deg(colp)


R = 1280
_GRID = NPAD // R


def _dinv_block(dw):
    deg = dw[0, :, 0:1] + dw[1, :, 0:1] - 1.0
    return lax.rsqrt(deg)


def _tc1_body(x_ref, w_ref, dw_ref, o_ref):
    dinv = _dinv_block(dw_ref[...])
    h = jnp.dot(x_ref[...], w_ref[...], preferred_element_type=jnp.float32)
    o_ref[...] = h * dinv


def _tc_mid_body(g_ref, p_ref, dw_ref, b_ref, w_ref, o_ref):
    dinv = _dinv_block(dw_ref[...])
    p = p_ref[...]
    h = jnp.maximum(dinv * (p[0] + p[1] - g_ref[...]) + b_ref[...], 0.0)
    o_ref[...] = jnp.dot(h, w_ref[...], preferred_element_type=jnp.float32) * dinv


def _tc_fin_body(g_ref, p_ref, dw_ref, b_ref, o_ref):
    dinv = _dinv_block(dw_ref[...])
    p = p_ref[...]
    o_ref[...] = dinv * (p[0] + p[1] - g_ref[...]) + b_ref[...]


_spec_rd = pl.BlockSpec((R, D), lambda i: (i, 0))
_spec_w = pl.BlockSpec((D, D), lambda i: (0, 0))
_spec_dw = pl.BlockSpec((NC, R, WD), lambda i: (0, i, 0))
_spec_p = pl.BlockSpec((NC, R, D), lambda i: (0, i, 0))
_spec_b = pl.BlockSpec((1, D), lambda i: (0, 0))

_tc1 = pl.pallas_call(
    _tc1_body, grid=(_GRID,),
    in_specs=[_spec_rd, _spec_w, _spec_dw],
    out_specs=_spec_rd,
    out_shape=jax.ShapeDtypeStruct((NPAD, D), jnp.float32),
)
_tc_mid = pl.pallas_call(
    _tc_mid_body, grid=(_GRID,),
    in_specs=[_spec_rd, _spec_p, _spec_dw, _spec_b, _spec_w],
    out_specs=_spec_rd,
    out_shape=jax.ShapeDtypeStruct((NPAD, D), jnp.float32),
)
_tc_fin = pl.pallas_call(
    _tc_fin_body, grid=(_GRID,),
    in_specs=[_spec_rd, _spec_p, _spec_dw, _spec_b],
    out_specs=_spec_rd,
    out_shape=jax.ShapeDtypeStruct((NPAD, D), jnp.float32),
)


def kernel(x, edge_index, W1, b1, W2, b2):
    pad = EPAD - E
    rowp = jnp.concatenate(
        [edge_index[0], jnp.zeros((pad,), jnp.int32)]).reshape(NW, K, CH)
    colp = jnp.concatenate(
        [edge_index[1], jnp.full((pad,), N, jnp.int32)]).reshape(NW, K, CH)
    x_pad = jnp.zeros((NPAD, D), jnp.float32).at[:N].set(x)
    b1r = b1.reshape(1, D)
    b2r = b2.reshape(1, D)

    dw = _sc_deg(colp)
    g1 = _tc1(x_pad, W1, dw)
    p1 = _sc_agg(g1, rowp, colp, D)
    g2 = _tc_mid(g1, p1, dw, b1r, W2)
    p2 = _sc_agg(g2, rowp, colp, D)
    out = _tc_fin(g2, p2, dw, b2r)
    return out[:N]

# --- scband reference (transcript-rebuilt; emitter-appended) ---
"""Pipeline reference for scband-gcn-65386582114681 (READ-ONLY COPY).

The authoritative reference and input builder live on the scoring server;
editing this copy changes nothing except your own understanding.
"""

import jax, jax.numpy as jnp
import numpy as np

N = 10000
E = 320000
D = 128

def _gcn_norm(edge_index, num_nodes):
    loop = jnp.arange(num_nodes, dtype=edge_index.dtype)
    row = jnp.concatenate([edge_index[0], loop])
    col = jnp.concatenate([edge_index[1], loop])
    ew = jnp.ones(row.shape[0], dtype=jnp.float32)
    deg = jnp.zeros((num_nodes,), dtype=jnp.float32).at[col].add(ew)
    dinv = jnp.where(deg > 0, jax.lax.rsqrt(jnp.maximum(deg, 1e-12)), 0.0)
    norm = dinv[row] * ew * dinv[col]
    return row, col, norm

def _gcn_conv(x, row, col, norm, W, b, num_nodes):
    h = x @ W
    m = jnp.take(h, row, axis=0) * norm[:, None]
    out = jnp.zeros((num_nodes, h.shape[1]), dtype=h.dtype).at[col].add(m)
    return out + b

def setup_inputs(seed: int = 0):
    key = jax.random.key(seed)
    k1, k2, k3, k4 = jax.random.split(key, 4)
    x = jax.random.normal(k1, (N, D), dtype=jnp.float32)
    edge_index = jax.random.randint(k2, (2, E), 0, N, dtype=jnp.int32)
    W1 = jax.random.normal(k3, (D, D), dtype=jnp.float32) * 0.05
    b1 = jnp.zeros((D,), dtype=jnp.float32)
    W2 = jax.random.normal(k4, (D, D), dtype=jnp.float32) * 0.05
    b2 = jnp.zeros((D,), dtype=jnp.float32)
    return {"x": x, "edge_index": edge_index, "W1": W1, "b1": b1, "W2": W2, "b2": b2}

def reference(x, edge_index, W1, b1, W2, b2):
    num_nodes = x.shape[0]
    row, col, norm = _gcn_norm(edge_index, num_nodes)
    h = jax.nn.relu(_gcn_conv(x, row, col, norm, W1, b1, num_nodes))
    # dropout is identity in eval mode
    out = _gcn_conv(h, row, col, norm, W2, b2, num_nodes)
    return out

if __name__ == "__main__":
    import jax
    _d = setup_inputs()
    print(jax.jit(kernel)(*tuple(_d.values())))

</pallas_src>

<mosaic_0001>
#map = affine_map<(d0, d1) -> (0, 0, 0)>
module attributes {stable_mosaic.version = 14 : i64} {
  func.func @deg(%arg0: i32, %arg1: i32, %arg2: memref<32x160x64xi32, #tpu.memory_space<hbm>>, %arg3: memref<2x10240x16xf32, #tpu.memory_space<hbm>>, %arg4: memref<160x64xi32, #tpu.memory_space<vmem>>, %arg5: memref<64x16xf32, #tpu.memory_space<vmem>>, %arg6: memref<10240x16xf32, #tpu.memory_space<vmem_shared>>) attributes {dimension_semantics = [#tpu.dimension_semantics<core_parallel>, #tpu.dimension_semantics<subcore_parallel>], iteration_bounds = array<i64: 2, 16>, scalar_prefetch = 0 : i64, scratch_operands = 3 : i64, tpu.core_type = #tpu.core_type<sc_vector_subcore>, window_params = [{transform_indices = #map}, {transform_indices = #map}]} {
    %mul3A = arith.constant 16 : i32
    %mul3A_0 = arith.muli %arg0, %mul3A : i32
    %add3A = arith.addi %mul3A_0, %arg1 : i32
    %mul3A_1 = arith.constant 640 : i32
    %mul3A_2 = arith.muli %arg1, %mul3A_1 : i32
    %scan3A = arith.constant 0 : i32
    %scan3A_3 = arith.constant 0 : i32
    %scan3A_4 = arith.constant 64 : i32
    %scan3A_5 = arith.addi %scan3A_3, %scan3A_4 : i32
    %scan3A_6 = arith.constant 1 : i32
    scf.for %scan3A_35 = %scan3A_3 to %scan3A_5 step %scan3A_6  : i32 {
      %broadcast_in_dim3A = arith.constant 1.000000e+00 : f32
      %broadcast_in_dim3A_36 = vector.broadcast %broadcast_in_dim3A : f32 to vector<16xf32>
      %swap3A = arith.index_cast %scan3A_35 : i32 to index
      %swap3A_37 = arith.constant 0 : index
      %swap3A_38 = tpu.vector_load %arg5[%swap3A, %swap3A_37] {strides = array<i32>} : memref<64x16xf32, #tpu.memory_space<vmem>>, vector<1x16xf32>,
      %swap3A_39 = vector.shape_cast %swap3A_38 : vector<1x16xf32> to vector<16xf32>
      %swap3A_40 = vector.shape_cast %broadcast_in_dim3A_36 : vector<16xf32> to vector<1x16xf32>
      tpu.vector_store %arg5[%swap3A, %swap3A_37], %swap3A_40 {strides = array<i32>} : memref<64x16xf32, #tpu.memory_space<vmem>>, vector<1x16xf32>,
    }
    %scan3A_7 = arith.constant 64 : i32
    %add3A_8 = arith.constant 0 : i32
    %add3A_9 = arith.addi %mul3A_2, %add3A_8 : i32
    "tpu.region"() ({
      %run_scoped3A = tpu.sem_alloc : memref<!tpu.dma_semaphore, #tpu.memory_space<semaphore_mem>>
      %dma_start3A = arith.constant 0 : i32
      %dma_start3A_35 = tpu.memref_slice %arg6[%add3A_9, %dma_start3A] : memref<10240x16xf32, #tpu.memory_space<vmem_shared>> -> memref<64x16xf32, #tpu.memory_space<vmem_shared>>
      %dma_start3A_36 = arith.constant 0 : i32
      %dma_start3A_37 = tpu.memref_slice %arg6[%add3A_9, %dma_start3A_36] : memref<10240x16xf32, #tpu.memory_space<vmem_shared>> -> memref<64x16xf32, #tpu.memory_space<vmem_shared>>
      tpu.enqueue_dma source(%arg5 : memref<64x16xf32, #tpu.memory_space<vmem>>) target(%dma_start3A_37 : memref<64x16xf32, #tpu.memory_space<vmem_shared>>) target_semaphore(%run_scoped3A : memref<!tpu.dma_semaphore, #tpu.memory_space<semaphore_mem>>)
      %dma_wait3A = arith.constant 0 : i32
      %dma_wait3A_38 = tpu.memref_slice %arg6[%add3A_9, %dma_wait3A] : memref<10240x16xf32, #tpu.memory_space<vmem_shared>> -> memref<64x16xf32, #tpu.memory_space<vmem_shared>>
      %dma_wait3A_39 = arith.constant 0 : i32
      %dma_wait3A_40 = tpu.memref_slice %arg6[%add3A_9, %dma_wait3A_39] : memref<10240x16xf32, #tpu.memory_space<vmem_shared>> -> memref<64x16xf32, #tpu.memory_space<vmem_shared>>
      tpu.wait_dma2 semaphore(%run_scoped3A : memref<!tpu.dma_semaphore, #tpu.memory_space<semaphore_mem>>) src(%arg5 : memref<64x16xf32, #tpu.memory_space<vmem>>) dst(%dma_wait3A_40 : memref<64x16xf32, #tpu.memory_space<vmem_shared>>)
      tpu.yield
    }) : () -> ()
    %add3A_10 = arith.constant 64 : i32
    %add3A_11 = arith.addi %mul3A_2, %add3A_10 : i32
    "tpu.region"() ({
      %run_scoped3A = tpu.sem_alloc : memref<!tpu.dma_semaphore, #tpu.memory_space<semaphore_mem>>
      %dma_start3A = arith.constant 0 : i32
      %dma_start3A_35 = tpu.memref_slice %arg6[%add3A_11, %dma_start3A] : memref<10240x16xf32, #tpu.memory_space<vmem_shared>> -> memref<64x16xf32, #tpu.memory_space<vmem_shared>>
      %dma_start3A_36 = arith.constant 0 : i32
      %dma_start3A_37 = tpu.memref_slice %arg6[%add3A_11, %dma_start3A_36] : memref<10240x16xf32, #tpu.memory_space<vmem_shared>> -> memref<64x16xf32, #tpu.memory_space<vmem_shared>>
      tpu.enqueue_dma source(%arg5 : memref<64x16xf32, #tpu.memory_space<vmem>>) target(%dma_start3A_37 : memref<64x16xf32, #tpu.memory_space<vmem_shared>>) target_semaphore(%run_scoped3A : memref<!tpu.dma_semaphore, #tpu.memory_space<semaphore_mem>>)
      %dma_wait3A = arith.constant 0 : i32
      %dma_wait3A_38 = tpu.memref_slice %arg6[%add3A_11, %dma_wait3A] : memref<10240x16xf32, #tpu.memory_space<vmem_shared>> -> memref<64x16xf32, #tpu.memory_space<vmem_shared>>
      %dma_wait3A_39 = arith.constant 0 : i32
      %dma_wait3A_40 = tpu.memref_slice %arg6[%add3A_11, %dma_wait3A_39] : memref<10240x16xf32, #tpu.memory_space<vmem_shared>> -> memref<64x16xf32, #tpu.memory_space<vmem_shared>>
      tpu.wait_dma2 semaphore(%run_scoped3A : memref<!tpu.dma_semaphore, #tpu.memory_space<semaphore_mem>>) src(%arg5 : memref<64x16xf32, #tpu.memory_space<vmem>>) dst(%dma_wait3A_40 : memref<64x16xf32, #tpu.memory_space<vmem_shared>>)
      tpu.yield
    }) : () -> ()
    %add3A_12 = arith.constant 128 : i32
    %add3A_13 = arith.addi %mul3A_2, %add3A_12 : i32
    "tpu.region"() ({
      %run_scoped3A = tpu.sem_alloc : memref<!tpu.dma_semaphore, #tpu.memory_space<semaphore_mem>>
      %dma_start3A = arith.constant 0 : i32
      %dma_start3A_35 = tpu.memref_slice %arg6[%add3A_13, %dma_start3A] : memref<10240x16xf32, #tpu.memory_space<vmem_shared>> -> memref<64x16xf32, #tpu.memory_space<vmem_shared>>
      %dma_start3A_36 = arith.constant 0 : i32
      %dma_start3A_37 = tpu.memref_slice %arg6[%add3A_13, %dma_start3A_36] : memref<10240x16xf32, #tpu.memory_space<vmem_shared>> -> memref<64x16xf32, #tpu.memory_space<vmem_shared>>
      tpu.enqueue_dma source(%arg5 : memref<64x16xf32, #tpu.memory_space<vmem>>) target(%dma_start3A_37 : memref<64x16xf32, #tpu.memory_space<vmem_shared>>) target_semaphore(%run_scoped3A : memref<!tpu.dma_semaphore, #tpu.memory_space<semaphore_mem>>)
      %dma_wait3A = arith.constant 0 : i32
      %dma_wait3A_38 = tpu.memref_slice %arg6[%add3A_13, %dma_wait3A] : memref<10240x16xf32, #tpu.memory_space<vmem_shared>> -> memref<64x16xf32, #tpu.memory_space<vmem_shared>>
      %dma_wait3A_39 = arith.constant 0 : i32
      %dma_wait3A_40 = tpu.memref_slice %arg6[%add3A_13, %dma_wait3A_39] : memref<10240x16xf32, #tpu.memory_space<vmem_shared>> -> memref<64x16xf32, #tpu.memory_space<vmem_shared>>
      tpu.wait_dma2 semaphore(%run_scoped3A : memref<!tpu.dma_semaphore, #tpu.memory_space<semaphore_mem>>) src(%arg5 : memref<64x16xf32, #tpu.memory_space<vmem>>) dst(%dma_wait3A_40 : memref<64x16xf32, #tpu.memory_space<vmem_shared>>)
      tpu.yield
    }) : () -> ()
    %add3A_14 = arith.constant 192 : i32
    %add3A_15 = arith.addi %mul3A_2, %add3A_14 : i32
    "tpu.region"() ({
      %run_scoped3A = tpu.sem_alloc : memref<!tpu.dma_semaphore, #tpu.memory_space<semaphore_mem>>
      %dma_start3A = arith.constant 0 : i32
      %dma_start3A_35 = tpu.memref_slice %arg6[%add3A_15, %dma_start3A] : memref<10240x16xf32, #tpu.memory_space<vmem_shared>> -> memref<64x16xf32, #tpu.memory_space<vmem_shared>>
      %dma_start3A_36 = arith.constant 0 : i32
      %dma_start3A_37 = tpu.memref_slice %arg6[%add3A_15, %dma_start3A_36] : memref<10240x16xf32, #tpu.memory_space<vmem_shared>> -> memref<64x16xf32, #tpu.memory_space<vmem_shared>>
      tpu.enqueue_dma source(%arg5 : memref<64x16xf32, #tpu.memory_space<vmem>>) target(%dma_start3A_37 : memref<64x16xf32, #tpu.memory_space<vmem_shared>>) target_semaphore(%run_scoped3A : memref<!tpu.dma_semaphore, #tpu.memory_space<semaphore_mem>>)
      %dma_wait3A = arith.constant 0 : i32
      %dma_wait3A_38 = tpu.memref_slice %arg6[%add3A_15, %dma_wait3A] : memref<10240x16xf32, #tpu.memory_space<vmem_shared>> -> memref<64x16xf32, #tpu.memory_space<vmem_shared>>
      %dma_wait3A_39 = arith.constant 0 : i32
      %dma_wait3A_40 = tpu.memref_slice %arg6[%add3A_15, %dma_wait3A_39] : memref<10240x16xf32, #tpu.memory_space<vmem_shared>> -> memref<64x16xf32, #tpu.memory_space<vmem_shared>>
      tpu.wait_dma2 semaphore(%run_scoped3A : memref<!tpu.dma_semaphore, #tpu.memory_space<semaphore_mem>>) src(%arg5 : memref<64x16xf32, #tpu.memory_space<vmem>>) dst(%dma_wait3A_40 : memref<64x16xf32, #tpu.memory_space<vmem_shared>>)
      tpu.yield
    }) : () -> ()
    %add3A_16 = arith.constant 256 : i32
    %add3A_17 = arith.addi %mul3A_2, %add3A_16 : i32
    "tpu.region"() ({
      %run_scoped3A = tpu.sem_alloc : memref<!tpu.dma_semaphore, #tpu.memory_space<semaphore_mem>>
      %dma_start3A = arith.constant 0 : i32
      %dma_start3A_35 = tpu.memref_slice %arg6[%add3A_17, %dma_start3A] : memref<10240x16xf32, #tpu.memory_space<vmem_shared>> -> memref<64x16xf32, #tpu.memory_space<vmem_shared>>
      %dma_start3A_36 = arith.constant 0 : i32
      %dma_start3A_37 = tpu.memref_slice %arg6[%add3A_17, %dma_start3A_36] : memref<10240x16xf32, #tpu.memory_space<vmem_shared>> -> memref<64x16xf32, #tpu.memory_space<vmem_shared>>
      tpu.enqueue_dma source(%arg5 : memref<64x16xf32, #tpu.memory_space<vmem>>) target(%dma_start3A_37 : memref<64x16xf32, #tpu.memory_space<vmem_shared>>) target_semaphore(%run_scoped3A : memref<!tpu.dma_semaphore, #tpu.memory_space<semaphore_mem>>)
      %dma_wait3A = arith.constant 0 : i32
      %dma_wait3A_38 = tpu.memref_slice %arg6[%add3A_17, %dma_wait3A] : memref<10240x16xf32, #tpu.memory_space<vmem_shared>> -> memref<64x16xf32, #tpu.memory_space<vmem_shared>>
      %dma_wait3A_39 = arith.constant 0 : i32
      %dma_wait3A_40 = tpu.memref_slice %arg6[%add3A_17, %dma_wait3A_39] : memref<10240x16xf32, #tpu.memory_space<vmem_shared>> -> memref<64x16xf32, #tpu.memory_space<vmem_shared>>
      tpu.wait_dma2 semaphore(%run_scoped3A : memref<!tpu.dma_semaphore, #tpu.memory_space<semaphore_mem>>) src(%arg5 : memref<64x16xf32, #tpu.memory_space<vmem>>) dst(%dma_wait3A_40 : memref<64x16xf32, #tpu.memory_space<vmem_shared>>)
      tpu.yield
    }) : () -> ()
    %add3A_18 = arith.constant 320 : i32
    %add3A_19 = arith.addi %mul3A_2, %add3A_18 : i32
    "tpu.region"() ({
      %run_scoped3A = tpu.sem_alloc : memref<!tpu.dma_semaphore, #tpu.memory_space<semaphore_mem>>
      %dma_start3A = arith.constant 0 : i32
      %dma_start3A_35 = tpu.memref_slice %arg6[%add3A_19, %dma_start3A] : memref<10240x16xf32, #tpu.memory_space<vmem_shared>> -> memref<64x16xf32, #tpu.memory_space<vmem_shared>>
      %dma_start3A_36 = arith.constant 0 : i32
      %dma_start3A_37 = tpu.memref_slice %arg6[%add3A_19, %dma_start3A_36] : memref<10240x16xf32, #tpu.memory_space<vmem_shared>> -> memref<64x16xf32, #tpu.memory_space<vmem_shared>>
      tpu.enqueue_dma source(%arg5 : memref<64x16xf32, #tpu.memory_space<vmem>>) target(%dma_start3A_37 : memref<64x16xf32, #tpu.memory_space<vmem_shared>>) target_semaphore(%run_scoped3A : memref<!tpu.dma_semaphore, #tpu.memory_space<semaphore_mem>>)
      %dma_wait3A = arith.constant 0 : i32
      %dma_wait3A_38 = tpu.memref_slice %arg6[%add3A_19, %dma_wait3A] : memref<10240x16xf32, #tpu.memory_space<vmem_shared>> -> memref<64x16xf32, #tpu.memory_space<vmem_shared>>
      %dma_wait3A_39 = arith.constant 0 : i32
      %dma_wait3A_40 = tpu.memref_slice %arg6[%add3A_19, %dma_wait3A_39] : memref<10240x16xf32, #tpu.memory_space<vmem_shared>> -> memref<64x16xf32, #tpu.memory_space<vmem_shared>>
      tpu.wait_dma2 semaphore(%run_scoped3A : memref<!tpu.dma_semaphore, #tpu.memory_space<semaphore_mem>>) src(%arg5 : memref<64x16xf32, #tpu.memory_space<vmem>>) dst(%dma_wait3A_40 : memref<64x16xf32, #tpu.memory_space<vmem_shared>>)
      tpu.yield
    }) : () -> ()
    %add3A_20 = arith.constant 384 : i32
    %add3A_21 = arith.addi %mul3A_2, %add3A_20 : i32
    "tpu.region"() ({
      %run_scoped3A = tpu.sem_alloc : memref<!tpu.dma_semaphore, #tpu.memory_space<semaphore_mem>>
      %dma_start3A = arith.constant 0 : i32
      %dma_start3A_35 = tpu.memref_slice %arg6[%add3A_21, %dma_start3A] : memref<10240x16xf32, #tpu.memory_space<vmem_shared>> -> memref<64x16xf32, #tpu.memory_space<vmem_shared>>
      %dma_start3A_36 = arith.constant 0 : i32
      %dma_start3A_37 = tpu.memref_slice %arg6[%add3A_21, %dma_start3A_36] : memref<10240x16xf32, #tpu.memory_space<vmem_shared>> -> memref<64x16xf32, #tpu.memory_space<vmem_shared>>
      tpu.enqueue_dma source(%arg5 : memref<64x16xf32, #tpu.memory_space<vmem>>) target(%dma_start3A_37 : memref<64x16xf32, #tpu.memory_space<vmem_shared>>) target_semaphore(%run_scoped3A : memref<!tpu.dma_semaphore, #tpu.memory_space<semaphore_mem>>)
      %dma_wait3A = arith.constant 0 : i32
      %dma_wait3A_38 = tpu.memref_slice %arg6[%add3A_21, %dma_wait3A] : memref<10240x16xf32, #tpu.memory_space<vmem_shared>> -> memref<64x16xf32, #tpu.memory_space<vmem_shared>>
      %dma_wait3A_39 = arith.constant 0 : i32
      %dma_wait3A_40 = tpu.memref_slice %arg6[%add3A_21, %dma_wait3A_39] : memref<10240x16xf32, #tpu.memory_space<vmem_shared>> -> memref<64x16xf32, #tpu.memory_space<vmem_shared>>
      tpu.wait_dma2 semaphore(%run_scoped3A : memref<!tpu.dma_semaphore, #tpu.memory_space<semaphore_mem>>) src(%arg5 : memref<64x16xf32, #tpu.memory_space<vmem>>) dst(%dma_wait3A_40 : memref<64x16xf32, #tpu.memory_space<vmem_shared>>)
      tpu.yield
    }) : () -> ()
    %add3A_22 = arith.constant 448 : i32
    %add3A_23 = arith.addi %mul3A_2, %add3A_22 : i32
    "tpu.region"() ({
      %run_scoped3A = tpu.sem_alloc : memref<!tpu.dma_semaphore, #tpu.memory_space<semaphore_mem>>
      %dma_start3A = arith.constant 0 : i32
      %dma_start3A_35 = tpu.memref_slice %arg6[%add3A_23, %dma_start3A] : memref<10240x16xf32, #tpu.memory_space<vmem_shared>> -> memref<64x16xf32, #tpu.memory_space<vmem_shared>>
      %dma_start3A_36 = arith.constant 0 : i32
      %dma_start3A_37 = tpu.memref_slice %arg6[%add3A_23, %dma_start3A_36] : memref<10240x16xf32, #tpu.memory_space<vmem_shared>> -> memref<64x16xf32, #tpu.memory_space<vmem_shared>>
      tpu.enqueue_dma source(%arg5 : memref<64x16xf32, #tpu.memory_space<vmem>>) target(%dma_start3A_37 : memref<64x16xf32, #tpu.memory_space<vmem_shared>>) target_semaphore(%run_scoped3A : memref<!tpu.dma_semaphore, #tpu.memory_space<semaphore_mem>>)
      %dma_wait3A = arith.constant 0 : i32
      %dma_wait3A_38 = tpu.memref_slice %arg6[%add3A_23, %dma_wait3A] : memref<10240x16xf32, #tpu.memory_space<vmem_shared>> -> memref<64x16xf32, #tpu.memory_space<vmem_shared>>
      %dma_wait3A_39 = arith.constant 0 : i32
      %dma_wait3A_40 = tpu.memref_slice %arg6[%add3A_23, %dma_wait3A_39] : memref<10240x16xf32, #tpu.memory_space<vmem_shared>> -> memref<64x16xf32, #tpu.memory_space<vmem_shared>>
      tpu.wait_dma2 semaphore(%run_scoped3A : memref<!tpu.dma_semaphore, #tpu.memory_space<semaphore_mem>>) src(%arg5 : memref<64x16xf32, #tpu.memory_space<vmem>>) dst(%dma_wait3A_40 : memref<64x16xf32, #tpu.memory_space<vmem_shared>>)
      tpu.yield
    }) : () -> ()
    %add3A_24 = arith.constant 512 : i32
    %add3A_25 = arith.addi %mul3A_2, %add3A_24 : i32
    "tpu.region"() ({
      %run_scoped3A = tpu.sem_alloc : memref<!tpu.dma_semaphore, #tpu.memory_space<semaphore_mem>>
      %dma_start3A = arith.constant 0 : i32
      %dma_start3A_35 = tpu.memref_slice %arg6[%add3A_25, %dma_start3A] : memref<10240x16xf32, #tpu.memory_space<vmem_shared>> -> memref<64x16xf32, #tpu.memory_space<vmem_shared>>
      %dma_start3A_36 = arith.constant 0 : i32
      %dma_start3A_37 = tpu.memref_slice %arg6[%add3A_25, %dma_start3A_36] : memref<10240x16xf32, #tpu.memory_space<vmem_shared>> -> memref<64x16xf32, #tpu.memory_space<vmem_shared>>
      tpu.enqueue_dma source(%arg5 : memref<64x16xf32, #tpu.memory_space<vmem>>) target(%dma_start3A_37 : memref<64x16xf32, #tpu.memory_space<vmem_shared>>) target_semaphore(%run_scoped3A : memref<!tpu.dma_semaphore, #tpu.memory_space<semaphore_mem>>)
      %dma_wait3A = arith.constant 0 : i32
      %dma_wait3A_38 = tpu.memref_slice %arg6[%add3A_25, %dma_wait3A] : memref<10240x16xf32, #tpu.memory_space<vmem_shared>> -> memref<64x16xf32, #tpu.memory_space<vmem_shared>>
      %dma_wait3A_39 = arith.constant 0 : i32
      %dma_wait3A_40 = tpu.memref_slice %arg6[%add3A_25, %dma_wait3A_39] : memref<10240x16xf32, #tpu.memory_space<vmem_shared>> -> memref<64x16xf32, #tpu.memory_space<vmem_shared>>
      tpu.wait_dma2 semaphore(%run_scoped3A : memref<!tpu.dma_semaphore, #tpu.memory_space<semaphore_mem>>) src(%arg5 : memref<64x16xf32, #tpu.memory_space<vmem>>) dst(%dma_wait3A_40 : memref<64x16xf32, #tpu.memory_space<vmem_shared>>)
      tpu.yield
    }) : () -> ()
    %add3A_26 = arith.constant 576 : i32
    %add3A_27 = arith.addi %mul3A_2, %add3A_26 : i32
    "tpu.region"() ({
      %run_scoped3A = tpu.sem_alloc : memref<!tpu.dma_semaphore, #tpu.memory_space<semaphore_mem>>
      %dma_start3A = arith.constant 0 : i32
      %dma_start3A_35 = tpu.memref_slice %arg6[%add3A_27, %dma_start3A] : memref<10240x16xf32, #tpu.memory_space<vmem_shared>> -> memref<64x16xf32, #tpu.memory_space<vmem_shared>>
      %dma_start3A_36 = arith.constant 0 : i32
      %dma_start3A_37 = tpu.memref_slice %arg6[%add3A_27, %dma_start3A_36] : memref<10240x16xf32, #tpu.memory_space<vmem_shared>> -> memref<64x16xf32, #tpu.memory_space<vmem_shared>>
      tpu.enqueue_dma source(%arg5 : memref<64x16xf32, #tpu.memory_space<vmem>>) target(%dma_start3A_37 : memref<64x16xf32, #tpu.memory_space<vmem_shared>>) target_semaphore(%run_scoped3A : memref<!tpu.dma_semaphore, #tpu.memory_space<semaphore_mem>>)
      %dma_wait3A = arith.constant 0 : i32
      %dma_wait3A_38 = tpu.memref_slice %arg6[%add3A_27, %dma_wait3A] : memref<10240x16xf32, #tpu.memory_space<vmem_shared>> -> memref<64x16xf32, #tpu.memory_space<vmem_shared>>
      %dma_wait3A_39 = arith.constant 0 : i32
      %dma_wait3A_40 = tpu.memref_slice %arg6[%add3A_27, %dma_wait3A_39] : memref<10240x16xf32, #tpu.memory_space<vmem_shared>> -> memref<64x16xf32, #tpu.memory_space<vmem_shared>>
      tpu.wait_dma2 semaphore(%run_scoped3A : memref<!tpu.dma_semaphore, #tpu.memory_space<semaphore_mem>>) src(%arg5 : memref<64x16xf32, #tpu.memory_space<vmem>>) dst(%dma_wait3A_40 : memref<64x16xf32, #tpu.memory_space<vmem_shared>>)
      tpu.yield
    }) : () -> ()
    "tpu.region"() ({
      %run_scoped3A = tpu.sem_alloc : memref<!tpu.dma_semaphore, #tpu.memory_space<semaphore_mem>>
      %dma_start3A = arith.constant 0 : i32
      %dma_start3A_35 = arith.constant 0 : i32
      %dma_start3A_36 = tpu.memref_slice %arg2[%add3A, %dma_start3A, %dma_start3A_35] : memref<32x160x64xi32, #tpu.memory_space<hbm>> -> memref<1x160x64xi32, #tpu.memory_space<hbm>>
      %dma_start3A_37 = tpu.memref_squeeze %dma_start3A_36 : memref<1x160x64xi32, #tpu.memory_space<hbm>> -> memref<160x64xi32, #tpu.memory_space<hbm>>
      %dma_start3A_38 = arith.constant 0 : i32
      %dma_start3A_39 = arith.constant 0 : i32
      %dma_start3A_40 = tpu.memref_slice %arg2[%add3A, %dma_start3A_38, %dma_start3A_39] : memref<32x160x64xi32, #tpu.memory_space<hbm>> -> memref<1x160x64xi32, #tpu.memory_space<hbm>>
      %dma_start3A_41 = tpu.memref_squeeze %dma_start3A_40 : memref<1x160x64xi32, #tpu.memory_space<hbm>> -> memref<160x64xi32, #tpu.memory_space<hbm>>
      tpu.enqueue_dma source(%dma_start3A_41 : memref<160x64xi32, #tpu.memory_space<hbm>>) target(%arg4 : memref<160x64xi32, #tpu.memory_space<vmem>>) target_semaphore(%run_scoped3A : memref<!tpu.dma_semaphore, #tpu.memory_space<semaphore_mem>>)
      %dma_wait3A = arith.constant 0 : i32
      %dma_wait3A_42 = arith.constant 0 : i32
      %dma_wait3A_43 = tpu.memref_slice %arg2[%add3A, %dma_wait3A, %dma_wait3A_42] : memref<32x160x64xi32, #tpu.memory_space<hbm>> -> memref<1x160x64xi32, #tpu.memory_space<hbm>>
      %dma_wait3A_44 = tpu.memref_squeeze %dma_wait3A_43 : memref<1x160x64xi32, #tpu.memory_space<hbm>> -> memref<160x64xi32, #tpu.memory_space<hbm>>
      %dma_wait3A_45 = arith.constant 0 : i32
      %dma_wait3A_46 = arith.constant 0 : i32
      %dma_wait3A_47 = tpu.memref_slice %arg2[%add3A, %dma_wait3A_45, %dma_wait3A_46] : memref<32x160x64xi32, #tpu.memory_space<hbm>> -> memref<1x160x64xi32, #tpu.memory_space<hbm>>
      %dma_wait3A_48 = tpu.memref_squeeze %dma_wait3A_47 : memref<1x160x64xi32, #tpu.memory_space<hbm>> -> memref<160x64xi32, #tpu.memory_space<hbm>>
      tpu.wait_dma2 semaphore(%run_scoped3A : memref<!tpu.dma_semaphore, #tpu.memory_space<semaphore_mem>>) src(%dma_wait3A_48 : memref<160x64xi32, #tpu.memory_space<hbm>>) dst(%arg4 : memref<160x64xi32, #tpu.memory_space<vmem>>)
      tpu.yield
    }) : () -> ()
    %barrier3A = arith.constant 0 : index
    tpu.barrier barrier_id(%barrier3A)
    %scan3A_28 = arith.constant 0 : i32
    %scan3A_29 = arith.constant 0 : i32
    %scan3A_30 = arith.constant 160 : i32
    %scan3A_31 = arith.addi %scan3A_29, %scan3A_30 : i32
    %scan3A_32 = arith.constant 1 : i32
    scf.for %scan3A_35 = %scan3A_29 to %scan3A_31 step %scan3A_32  : i32 {
      "tpu.region"() ({
        %run_scoped3A = tpu.sem_alloc : memref<!tpu.dma_semaphore, #tpu.memory_space<semaphore_mem>>
        %dma_start3A = arith.constant 0 : i32
        %dma_start3A_36 = tpu.memref_slice %arg4[%scan3A_35, %dma_start3A] : memref<160x64xi32, #tpu.memory_space<vmem>> -> memref<1x64xi32, #tpu.memory_space<vmem>>
        %dma_start3A_37 = tpu.memref_squeeze %dma_start3A_36 : memref<1x64xi32, #tpu.memory_space<vmem>> -> memref<64xi32, #tpu.memory_space<vmem>>
        %dma_start3A_38 = arith.constant 0 : i32
        %dma_start3A_39 = arith.constant 0 : i32
        %dma_start3A_40 = tpu.memref_slice %arg6[%dma_start3A_38, %dma_start3A_39] : memref<10240x16xf32, #tpu.memory_space<vmem_shared>> -> memref<10240x16xf32, #tpu.memory_space<vmem_shared>>
        tpu.enqueue_indirect_dma source(%arg5 : memref<64x16xf32, #tpu.memory_space<vmem>>) target(%dma_start3A_40 : memref<10240x16xf32, #tpu.memory_space<vmem_shared>>) offsets(%dma_start3A_37 : memref<64xi32, #tpu.memory_space<vmem>>) semaphore(%run_scoped3A : memref<!tpu.dma_semaphore, #tpu.memory_space<semaphore_mem>>) {add = true}
        %dma_wait3A = arith.constant 0 : i32
        %dma_wait3A_41 = tpu.memref_slice %arg4[%scan3A_35, %dma_wait3A] : memref<160x64xi32, #tpu.memory_space<vmem>> -> memref<1x64xi32, #tpu.memory_space<vmem>>
        %dma_wait3A_42 = tpu.memref_squeeze %dma_wait3A_41 : memref<1x64xi32, #tpu.memory_space<vmem>> -> memref<64xi32, #tpu.memory_space<vmem>>
        %dma_wait3A_43 = arith.constant 0 : i32
        %dma_wait3A_44 = arith.constant 0 : i32
        %dma_wait3A_45 = tpu.memref_slice %arg6[%dma_wait3A_43, %dma_wait3A_44] : memref<10240x16xf32, #tpu.memory_space<vmem_shared>> -> memref<10240x16xf32, #tpu.memory_space<vmem_shared>>
        tpu.wait_indirect_dma semaphore(%run_scoped3A : memref<!tpu.dma_semaphore, #tpu.memory_space<semaphore_mem>>) src(%arg5 : memref<64x16xf32, #tpu.memory_space<vmem>>) dst(%dma_wait3A_45 : memref<10240x16xf32, #tpu.memory_space<vmem_shared>>)
        tpu.yield
      }) : () -> ()
    }
    %scan3A_33 = arith.constant 160 : i32
    %barrier3A_34 = arith.constant 0 : index
    tpu.barrier barrier_id(%barrier3A_34)
    "tpu.region"() ({
      %run_scoped3A = tpu.sem_alloc : memref<!tpu.dma_semaphore, #tpu.memory_space<semaphore_mem>>
      %dma_start3A = arith.constant 0 : i32
      %dma_start3A_35 = tpu.memref_slice %arg3[%arg0, %mul3A_2, %dma_start3A] : memref<2x10240x16xf32, #tpu.memory_space<hbm>> -> memref<1x640x16xf32, #tpu.memory_space<hbm>>
      %dma_start3A_36 = tpu.memref_squeeze %dma_start3A_35 : memref<1x640x16xf32, #tpu.memory_space<hbm>> -> memref<640x16xf32, #tpu.memory_space<hbm>>
      %dma_start3A_37 = arith.constant 0 : i32
      %dma_start3A_38 = tpu.memref_slice %arg6[%mul3A_2, %dma_start3A_37] : memref<10240x16xf32, #tpu.memory_space<vmem_shared>> -> memref<640x16xf32, #tpu.memory_space<vmem_shared>>
      tpu.enqueue_dma source(%dma_start3A_38 : memref<640x16xf32, #tpu.memory_space<vmem_shared>>) target(%dma_start3A_36 : memref<640x16xf32, #tpu.memory_space<hbm>>) target_semaphore(%run_scoped3A : memref<!tpu.dma_semaphore, #tpu.memory_space<semaphore_mem>>)
      %dma_wait3A = arith.constant 0 : i32
      %dma_wait3A_39 = tpu.memref_slice %arg3[%arg0, %mul3A_2, %dma_wait3A] : memref<2x10240x16xf32, #tpu.memory_space<hbm>> -> memref<1x640x16xf32, #tpu.memory_space<hbm>>
      %dma_wait3A_40 = tpu.memref_squeeze %dma_wait3A_39 : memref<1x640x16xf32, #tpu.memory_space<hbm>> -> memref<640x16xf32, #tpu.memory_space<hbm>>
      %dma_wait3A_41 = arith.constant 0 : i32
      %dma_wait3A_42 = tpu.memref_slice %arg6[%mul3A_2, %dma_wait3A_41] : memref<10240x16xf32, #tpu.memory_space<vmem_shared>> -> memref<640x16xf32, #tpu.memory_space<vmem_shared>>
      tpu.wait_dma2 semaphore(%run_scoped3A : memref<!tpu.dma_semaphore, #tpu.memory_space<semaphore_mem>>) src(%dma_wait3A_42 : memref<640x16xf32, #tpu.memory_space<vmem_shared>>) dst(%dma_wait3A_40 : memref<640x16xf32, #tpu.memory_space<hbm>>)
      tpu.yield
    }) : () -> ()
    return
  }
}

#map = affine_map<(d0, d1) -> (0, 0)>
#map1 = affine_map<(d0, d1) -> (0, 0, 0)>
module attributes {stable_mosaic.version = 14 : i64} {
  func.func @agg(%arg0: i32, %arg1: i32, %arg2: memref<10240x128xf32, #tpu.memory_space<hbm>>, %arg3: memref<32x160x64xi32, #tpu.memory_space<hbm>>, %arg4: memref<32x160x64xi32, #tpu.memory_space<hbm>>, %arg5: memref<2x10240x128xf32, #tpu.memory_space<hbm>>, %arg6: memref<40x64xi32, #tpu.memory_space<vmem>>, %arg7: memref<40x64xi32, #tpu.memory_space<vmem>>, %arg8: memref<64x128xf32, #tpu.memory_space<vmem>>, %arg9: memref<64x128xf32, #tpu.memory_space<vmem>>, %arg10: memref<64x128xf32, #tpu.memory_space<vmem>>, %arg11: memref<64x128xf32, #tpu.memory_space<vmem>>, %arg12: memref<10240x128xf32, #tpu.memory_space<vmem_shared>>, %arg13: memref<!tpu.dma_semaphore, #tpu.memory_space<semaphore_mem>>, %arg14: memref<!tpu.dma_semaphore, #tpu.memory_space<semaphore_mem>>, %arg15: memref<!tpu.dma_semaphore, #tpu.memory_space<semaphore_mem>>, %arg16: memref<!tpu.dma_semaphore, #tpu.memory_space<semaphore_mem>>, %arg17: memref<!tpu.dma_semaphore, #tpu.memory_space<semaphore_mem>>, %arg18: memref<!tpu.dma_semaphore, #tpu.memory_space<semaphore_mem>>, %arg19: memref<!tpu.dma_semaphore, #tpu.memory_space<semaphore_mem>>, %arg20: memref<!tpu.dma_semaphore, #tpu.memory_space<semaphore_mem>>) attributes {dimension_semantics = [#tpu.dimension_semantics<core_parallel>, #tpu.dimension_semantics<subcore_parallel>], iteration_bounds = array<i64: 2, 16>, scalar_prefetch = 0 : i64, scratch_operands = 15 : i64, tpu.core_type = #tpu.core_type<sc_vector_subcore>, window_params = [{transform_indices = #map}, {transform_indices = #map1}, {transform_indices = #map1}, {transform_indices = #map1}]} {
    %mul3A = arith.constant 16 : i32
    %mul3A_0 = arith.muli %arg0, %mul3A : i32
    %add3A = arith.addi %mul3A_0, %arg1 : i32
    %mul3A_1 = arith.constant 640 : i32
    %mul3A_2 = arith.muli %arg1, %mul3A_1 : i32
    "tpu.region"() ({
      %run_scoped3A = tpu.sem_alloc : memref<!tpu.dma_semaphore, #tpu.memory_space<semaphore_mem>>
      %dma_start3A_137 = arith.constant 0 : i32
      %dma_start3A_138 = tpu.memref_slice %arg12[%mul3A_2, %dma_start3A_137] : memref<10240x128xf32, #tpu.memory_space<vmem_shared>> -> memref<640x128xf32, #tpu.memory_space<vmem_shared>>
      %dma_start3A_139 = arith.constant 0 : i32
      %dma_start3A_140 = tpu.memref_slice %arg2[%mul3A_2, %dma_start3A_139] : memref<10240x128xf32, #tpu.memory_space<hbm>> -> memref<640x128xf32, #tpu.memory_space<hbm>>
      tpu.enqueue_dma source(%dma_start3A_140 : memref<640x128xf32, #tpu.memory_space<hbm>>) target(%dma_start3A_138 : memref<640x128xf32, #tpu.memory_space<vmem_shared>>) target_semaphore(%run_scoped3A : memref<!tpu.dma_semaphore, #tpu.memory_space<semaphore_mem>>)
      %dma_wait3A_141 = arith.constant 0 : i32
      %dma_wait3A_142 = tpu.memref_slice %arg12[%mul3A_2, %dma_wait3A_141] : memref<10240x128xf32, #tpu.memory_space<vmem_shared>> -> memref<640x128xf32, #tpu.memory_space<vmem_shared>>
      %dma_wait3A_143 = arith.constant 0 : i32
      %dma_wait3A_144 = tpu.memref_slice %arg2[%mul3A_2, %dma_wait3A_143] : memref<10240x128xf32, #tpu.memory_space<hbm>> -> memref<640x128xf32, #tpu.memory_space<hbm>>
      tpu.wait_dma2 semaphore(%run_scoped3A : memref<!tpu.dma_semaphore, #tpu.memory_space<semaphore_mem>>) src(%dma_wait3A_144 : memref<640x128xf32, #tpu.memory_space<hbm>>) dst(%dma_wait3A_142 : memref<640x128xf32, #tpu.memory_space<vmem_shared>>)
      tpu.yield
    }) : () -> ()
    %barrier3A = arith.constant 0 : index
    tpu.barrier barrier_id(%barrier3A)
    "tpu.region"() ({
      %run_scoped3A = tpu.sem_alloc : memref<!tpu.dma_semaphore, #tpu.memory_space<semaphore_mem>>
      %dma_start3A_137 = arith.constant 0 : i32
      %dma_start3A_138 = arith.constant 0 : i32
      %dma_start3A_139 = tpu.memref_slice %arg3[%add3A, %dma_start3A_137, %dma_start3A_138] : memref<32x160x64xi32, #tpu.memory_space<hbm>> -> memref<1x40x64xi32, #tpu.memory_space<hbm>>
      %dma_start3A_140 = tpu.memref_squeeze %dma_start3A_139 : memref<1x40x64xi32, #tpu.memory_space<hbm>> -> memref<40x64xi32, #tpu.memory_space<hbm>>
      %dma_start3A_141 = arith.constant 0 : i32
      %dma_start3A_142 = arith.constant 0 : i32
      %dma_start3A_143 = tpu.memref_slice %arg3[%add3A, %dma_start3A_141, %dma_start3A_142] : memref<32x160x64xi32, #tpu.memory_space<hbm>> -> memref<1x40x64xi32, #tpu.memory_space<hbm>>
      %dma_start3A_144 = tpu.memref_squeeze %dma_start3A_143 : memref<1x40x64xi32, #tpu.memory_space<hbm>> -> memref<40x64xi32, #tpu.memory_space<hbm>>
      tpu.enqueue_dma source(%dma_start3A_144 : memref<40x64xi32, #tpu.memory_space<hbm>>) target(%arg6 : memref<40x64xi32, #tpu.memory_space<vmem>>) target_semaphore(%run_scoped3A : memref<!tpu.dma_semaphore, #tpu.memory_space<semaphore_mem>>)
      %dma_wait3A_145 = arith.constant 0 : i32
      %dma_wait3A_146 = arith.constant 0 : i32
      %dma_wait3A_147 = tpu.memref_slice %arg3[%add3A, %dma_wait3A_145, %dma_wait3A_146] : memref<32x160x64xi32, #tpu.memory_space<hbm>> -> memref<1x40x64xi32, #tpu.memory_space<hbm>>
      %dma_wait3A_148 = tpu.memref_squeeze %dma_wait3A_147 : memref<1x40x64xi32, #tpu.memory_space<hbm>> -> memref<40x64xi32, #tpu.memory_space<hbm>>
      %dma_wait3A_149 = arith.constant 0 : i32
      %dma_wait3A_150 = arith.constant 0 : i32
      %dma_wait3A_151 = tpu.memref_slice %arg3[%add3A, %dma_wait3A_149, %dma_wait3A_150] : memref<32x160x64xi32, #tpu.memory_space<hbm>> -> memref<1x40x64xi32, #tpu.memory_space<hbm>>
      %dma_wait3A_152 = tpu.memref_squeeze %dma_wait3A_151 : memref<1x40x64xi32, #tpu.memory_space<hbm>> -> memref<40x64xi32, #tpu.memory_space<hbm>>
      tpu.wait_dma2 semaphore(%run_scoped3A : memref<!tpu.dma_semaphore, #tpu.memory_space<semaphore_mem>>) src(%dma_wait3A_152 : memref<40x64xi32, #tpu.memory_space<hbm>>) dst(%arg6 : memref<40x64xi32, #tpu.memory_space<vmem>>)
      tpu.yield
    }) : () -> ()
    "tpu.region"() ({
      %run_scoped3A = tpu.sem_alloc : memref<!tpu.dma_semaphore, #tpu.memory_space<semaphore_mem>>
      %dma_start3A_137 = arith.constant 0 : i32
      %dma_start3A_138 = arith.constant 0 : i32
      %dma_start3A_139 = tpu.memref_slice %arg4[%add3A, %dma_start3A_137, %dma_start3A_138] : memref<32x160x64xi32, #tpu.memory_space<hbm>> -> memref<1x40x64xi32, #tpu.memory_space<hbm>>
      %dma_start3A_140 = tpu.memref_squeeze %dma_start3A_139 : memref<1x40x64xi32, #tpu.memory_space<hbm>> -> memref<40x64xi32, #tpu.memory_space<hbm>>
      %dma_start3A_141 = arith.constant 0 : i32
      %dma_start3A_142 = arith.constant 0 : i32
      %dma_start3A_143 = tpu.memref_slice %arg4[%add3A, %dma_start3A_141, %dma_start3A_142] : memref<32x160x64xi32, #tpu.memory_space<hbm>> -> memref<1x40x64xi32, #tpu.memory_space<hbm>>
      %dma_start3A_144 = tpu.memref_squeeze %dma_start3A_143 : memref<1x40x64xi32, #tpu.memory_space<hbm>> -> memref<40x64xi32, #tpu.memory_space<hbm>>
      tpu.enqueue_dma source(%dma_start3A_144 : memref<40x64xi32, #tpu.memory_space<hbm>>) target(%arg7 : memref<40x64xi32, #tpu.memory_space<vmem>>) target_semaphore(%run_scoped3A : memref<!tpu.dma_semaphore, #tpu.memory_space<semaphore_mem>>)
      %dma_wait3A_145 = arith.constant 0 : i32
      %dma_wait3A_146 = arith.constant 0 : i32
      %dma_wait3A_147 = tpu.memref_slice %arg4[%add3A, %dma_wait3A_145, %dma_wait3A_146] : memref<32x160x64xi32, #tpu.memory_space<hbm>> -> memref<1x40x64xi32, #tpu.memory_space<hbm>>
      %dma_wait3A_148 = tpu.memref_squeeze %dma_wait3A_147 : memref<1x40x64xi32, #tpu.memory_space<hbm>> -> memref<40x64xi32, #tpu.memory_space<hbm>>
      %dma_wait3A_149 = arith.constant 0 : i32
      %dma_wait3A_150 = arith.constant 0 : i32
      %dma_wait3A_151 = tpu.memref_slice %arg4[%add3A, %dma_wait3A_149, %dma_wait3A_150] : memref<32x160x64xi32, #tpu.memory_space<hbm>> -> memref<1x40x64xi32, #tpu.memory_space<hbm>>
      %dma_wait3A_152 = tpu.memref_squeeze %dma_wait3A_151 : memref<1x40x64xi32, #tpu.memory_space<hbm>> -> memref<40x64xi32, #tpu.memory_space<hbm>>
      tpu.wait_dma2 semaphore(%run_scoped3A : memref<!tpu.dma_semaphore, #tpu.memory_space<semaphore_mem>>) src(%dma_wait3A_152 : memref<40x64xi32, #tpu.memory_space<hbm>>) dst(%arg7 : memref<40x64xi32, #tpu.memory_space<vmem>>)
      tpu.yield
    }) : () -> ()
    %dma_start3A = arith.constant 0 : i32
    %dma_start3A_3 = arith.constant 0 : i32
    %dma_start3A_4 = tpu.memref_slice %arg6[%dma_start3A, %dma_start3A_3] : memref<40x64xi32, #tpu.memory_space<vmem>> -> memref<1x64xi32, #tpu.memory_space<vmem>>
    %dma_start3A_5 = tpu.memref_squeeze %dma_start3A_4 : memref<1x64xi32, #tpu.memory_space<vmem>> -> memref<64xi32, #tpu.memory_space<vmem>>
    %dma_start3A_6 = arith.constant 0 : i32
    %dma_start3A_7 = arith.constant 0 : i32
    %dma_start3A_8 = tpu.memref_slice %arg2[%dma_start3A_6, %dma_start3A_7] : memref<10240x128xf32, #tpu.memory_space<hbm>> -> memref<10240x128xf32, #tpu.memory_space<hbm>>
    tpu.enqueue_indirect_dma source(%dma_start3A_8 : memref<10240x128xf32, #tpu.memory_space<hbm>>) target(%arg8 : memref<64x128xf32, #tpu.memory_space<vmem>>) offsets(%dma_start3A_5 : memref<64xi32, #tpu.memory_space<vmem>>) semaphore(%arg13 : memref<!tpu.dma_semaphore, #tpu.memory_space<semaphore_mem>>)
    %dma_start3A_9 = arith.constant 1 : i32
    %dma_start3A_10 = arith.constant 0 : i32
    %dma_start3A_11 = tpu.memref_slice %arg6[%dma_start3A_9, %dma_start3A_10] : memref<40x64xi32, #tpu.memory_space<vmem>> -> memref<1x64xi32, #tpu.memory_space<vmem>>
    %dma_start3A_12 = tpu.memref_squeeze %dma_start3A_11 : memref<1x64xi32, #tpu.memory_space<vmem>> -> memref<64xi32, #tpu.memory_space<vmem>>
    %dma_start3A_13 = arith.constant 0 : i32
    %dma_start3A_14 = arith.constant 0 : i32
    %dma_start3A_15 = tpu.memref_slice %arg2[%dma_start3A_13, %dma_start3A_14] : memref<10240x128xf32, #tpu.memory_space<hbm>> -> memref<10240x128xf32, #tpu.memory_space<hbm>>
    tpu.enqueue_indirect_dma source(%dma_start3A_15 : memref<10240x128xf32, #tpu.memory_space<hbm>>) target(%arg9 : memref<64x128xf32, #tpu.memory_space<vmem>>) offsets(%dma_start3A_12 : memref<64xi32, #tpu.memory_space<vmem>>) semaphore(%arg14 : memref<!tpu.dma_semaphore, #tpu.memory_space<semaphore_mem>>)
    %dma_start3A_16 = arith.constant 2 : i32
    %dma_start3A_17 = arith.constant 0 : i32
    %dma_start3A_18 = tpu.memref_slice %arg6[%dma_start3A_16, %dma_start3A_17] : memref<40x64xi32, #tpu.memory_space<vmem>> -> memref<1x64xi32, #tpu.memory_space<vmem>>
    %dma_start3A_19 = tpu.memref_squeeze %dma_start3A_18 : memref<1x64xi32, #tpu.memory_space<vmem>> -> memref<64xi32, #tpu.memory_space<vmem>>
    %dma_start3A_20 = arith.constant 0 : i32
    %dma_start3A_21 = arith.constant 0 : i32
    %dma_start3A_22 = tpu.memref_slice %arg2[%dma_start3A_20, %dma_start3A_21] : memref<10240x128xf32, #tpu.memory_space<hbm>> -> memref<10240x128xf32, #tpu.memory_space<hbm>>
    tpu.enqueue_indirect_dma source(%dma_start3A_22 : memref<10240x128xf32, #tpu.memory_space<hbm>>) target(%arg10 : memref<64x128xf32, #tpu.memory_space<vmem>>) offsets(%dma_start3A_19 : memref<64xi32, #tpu.memory_space<vmem>>) semaphore(%arg15 : memref<!tpu.dma_semaphore, #tpu.memory_space<semaphore_mem>>)
    %scan3A = arith.constant 0 : i32
    %scan3A_23 = arith.constant 0 : i32
    %scan3A_24 = arith.constant 10 : i32
    %scan3A_25 = arith.addi %scan3A_23, %scan3A_24 : i32
    %scan3A_26 = arith.constant 1 : i32
    scf.for %scan3A_137 = %scan3A_23 to %scan3A_25 step %scan3A_26  : i32 {
      %mul3A_138 = arith.constant 4 : i32
      %mul3A_139 = arith.muli %mul3A_138, %scan3A_137 : i32
      %add3A_140 = arith.constant 0 : i32
      %add3A_141 = arith.addi %mul3A_139, %add3A_140 : i32
      %dma_wait3A_142 = arith.constant 0 : i32
      %dma_wait3A_143 = tpu.memref_slice %arg6[%add3A_141, %dma_wait3A_142] : memref<40x64xi32, #tpu.memory_space<vmem>> -> memref<1x64xi32, #tpu.memory_space<vmem>>
      %dma_wait3A_144 = tpu.memref_squeeze %dma_wait3A_143 : memref<1x64xi32, #tpu.memory_space<vmem>> -> memref<64xi32, #tpu.memory_space<vmem>>
      %dma_wait3A_145 = arith.constant 0 : i32
      %dma_wait3A_146 = arith.constant 0 : i32
      %dma_wait3A_147 = tpu.memref_slice %arg2[%dma_wait3A_145, %dma_wait3A_146] : memref<10240x128xf32, #tpu.memory_space<hbm>> -> memref<10240x128xf32, #tpu.memory_space<hbm>>
      tpu.wait_indirect_dma semaphore(%arg13 : memref<!tpu.dma_semaphore, #tpu.memory_space<semaphore_mem>>) src(%dma_wait3A_147 : memref<10240x128xf32, #tpu.memory_space<hbm>>) dst(%arg8 : memref<64x128xf32, #tpu.memory_space<vmem>>)
      %dma_start3A_148 = arith.constant 0 : i32
      %dma_start3A_149 = tpu.memref_slice %arg7[%add3A_141, %dma_start3A_148] : memref<40x64xi32, #tpu.memory_space<vmem>> -> memref<1x64xi32, #tpu.memory_space<vmem>>
      %dma_start3A_150 = tpu.memref_squeeze %dma_start3A_149 : memref<1x64xi32, #tpu.memory_space<vmem>> -> memref<64xi32, #tpu.memory_space<vmem>>
      %dma_start3A_151 = arith.constant 0 : i32
      %dma_start3A_152 = arith.constant 0 : i32
      %dma_start3A_153 = tpu.memref_slice %arg12[%dma_start3A_151, %dma_start3A_152] : memref<10240x128xf32, #tpu.memory_space<vmem_shared>> -> memref<10240x128xf32, #tpu.memory_space<vmem_shared>>
      tpu.enqueue_indirect_dma source(%arg8 : memref<64x128xf32, #tpu.memory_space<vmem>>) target(%dma_start3A_153 : memref<10240x128xf32, #tpu.memory_space<vmem_shared>>) offsets(%dma_start3A_150 : memref<64xi32, #tpu.memory_space<vmem>>) semaphore(%arg17 : memref<!tpu.dma_semaphore, #tpu.memory_space<semaphore_mem>>) {add = true}
      %ge3A = arith.constant 1 : i32
      %ge3A_154 = arith.cmpi sge, %add3A_141, %ge3A : i32
      %convert_element_type3A = arith.extui %ge3A_154 : i1 to i32
      %cond3A = arith.constant 0 : i32
      %cond3A_155 = arith.cmpi ne, %convert_element_type3A, %cond3A : i32
      scf.if %cond3A_155 {
        %sub3A = arith.constant 1 : i32
        %sub3A_246 = arith.subi %add3A_141, %sub3A : i32
        %dma_wait3A_247 = arith.constant 0 : i32
        %dma_wait3A_248 = tpu.memref_slice %arg7[%sub3A_246, %dma_wait3A_247] : memref<40x64xi32, #tpu.memory_space<vmem>> -> memref<1x64xi32, #tpu.memory_space<vmem>>
        %dma_wait3A_249 = tpu.memref_squeeze %dma_wait3A_248 : memref<1x64xi32, #tpu.memory_space<vmem>> -> memref<64xi32, #tpu.memory_space<vmem>>
        %dma_wait3A_250 = arith.constant 0 : i32
        %dma_wait3A_251 = arith.constant 0 : i32
        %dma_wait3A_252 = tpu.memref_slice %arg12[%dma_wait3A_250, %dma_wait3A_251] : memref<10240x128xf32, #tpu.memory_space<vmem_shared>> -> memref<10240x128xf32, #tpu.memory_space<vmem_shared>>
        tpu.wait_indirect_dma semaphore(%arg20 : memref<!tpu.dma_semaphore, #tpu.memory_space<semaphore_mem>>) src(%arg11 : memref<64x128xf32, #tpu.memory_space<vmem>>) dst(%dma_wait3A_252 : memref<10240x128xf32, #tpu.memory_space<vmem_shared>>)
      } else {
      }
      %add3A_156 = arith.constant 3 : i32
      %add3A_157 = arith.addi %add3A_141, %add3A_156 : i32
      %lt3A = arith.constant 40 : i32
      %lt3A_158 = arith.cmpi slt, %add3A_157, %lt3A : i32
      %convert_element_type3A_159 = arith.extui %lt3A_158 : i1 to i32
      %cond3A_160 = arith.constant 0 : i32
      %cond3A_161 = arith.cmpi ne, %convert_element_type3A_159, %cond3A_160 : i32
      scf.if %cond3A_161 {
        %add3A_246 = arith.constant 3 : i32
        %add3A_247 = arith.addi %add3A_141, %add3A_246 : i32
        %dma_start3A_248 = arith.constant 0 : i32
        %dma_start3A_249 = tpu.memref_slice %arg6[%add3A_247, %dma_start3A_248] : memref<40x64xi32, #tpu.memory_space<vmem>> -> memref<1x64xi32, #tpu.memory_space<vmem>>
        %dma_start3A_250 = tpu.memref_squeeze %dma_start3A_249 : memref<1x64xi32, #tpu.memory_space<vmem>> -> memref<64xi32, #tpu.memory_space<vmem>>
        %dma_start3A_251 = arith.constant 0 : i32
        %dma_start3A_252 = arith.constant 0 : i32
        %dma_start3A_253 = tpu.memref_slice %arg2[%dma_start3A_251, %dma_start3A_252] : memref<10240x128xf32, #tpu.memory_space<hbm>> -> memref<10240x128xf32, #tpu.memory_space<hbm>>
        tpu.enqueue_indirect_dma source(%dma_start3A_253 : memref<10240x128xf32, #tpu.memory_space<hbm>>) target(%arg11 : memref<64x128xf32, #tpu.memory_space<vmem>>) offsets(%dma_start3A_250 : memref<64xi32, #tpu.memory_space<vmem>>) semaphore(%arg16 : memref<!tpu.dma_semaphore, #tpu.memory_space<semaphore_mem>>)
      } else {
      }
      %mul3A_162 = arith.constant 4 : i32
      %mul3A_163 = arith.muli %mul3A_162, %scan3A_137 : i32
      %add3A_164 = arith.constant 1 : i32
      %add3A_165 = arith.addi %mul3A_163, %add3A_164 : i32
      %dma_wait3A_166 = arith.constant 0 : i32
      %dma_wait3A_167 = tpu.memref_slice %arg6[%add3A_165, %dma_wait3A_166] : memref<40x64xi32, #tpu.memory_space<vmem>> -> memref<1x64xi32, #tpu.memory_space<vmem>>
      %dma_wait3A_168 = tpu.memref_squeeze %dma_wait3A_167 : memref<1x64xi32, #tpu.memory_space<vmem>> -> memref<64xi32, #tpu.memory_space<vmem>>
      %dma_wait3A_169 = arith.constant 0 : i32
      %dma_wait3A_170 = arith.constant 0 : i32
      %dma_wait3A_171 = tpu.memref_slice %arg2[%dma_wait3A_169, %dma_wait3A_170] : memref<10240x128xf32, #tpu.memory_space<hbm>> -> memref<10240x128xf32, #tpu.memory_space<hbm>>
      tpu.wait_indirect_dma semaphore(%arg14 : memref<!tpu.dma_semaphore, #tpu.memory_space<semaphore_mem>>) src(%dma_wait3A_171 : memref<10240x128xf32, #tpu.memory_space<hbm>>) dst(%arg9 : memref<64x128xf32, #tpu.memory_space<vmem>>)
      %dma_start3A_172 = arith.constant 0 : i32
      %dma_start3A_173 = tpu.memref_slice %arg7[%add3A_165, %dma_start3A_172] : memref<40x64xi32, #tpu.memory_space<vmem>> -> memref<1x64xi32, #tpu.memory_space<vmem>>
      %dma_start3A_174 = tpu.memref_squeeze %dma_start3A_173 : memref<1x64xi32, #tpu.memory_space<vmem>> -> memref<64xi32, #tpu.memory_space<vmem>>
      %dma_start3A_175 = arith.constant 0 : i32
      %dma_start3A_176 = arith.constant 0 : i32
      %dma_start3A_177 = tpu.memref_slice %arg12[%dma_start3A_175, %dma_start3A_176] : memref<10240x128xf32, #tpu.memory_space<vmem_shared>> -> memref<10240x128xf32, #tpu.memory_space<vmem_shared>>
      tpu.enqueue_indirect_dma source(%arg9 : memref<64x128xf32, #tpu.memory_space<vmem>>) target(%dma_start3A_177 : memref<10240x128xf32, #tpu.memory_space<vmem_shared>>) offsets(%dma_start3A_174 : memref<64xi32, #tpu.memory_space<vmem>>) semaphore(%arg18 : memref<!tpu.dma_semaphore, #tpu.memory_space<semaphore_mem>>) {add = true}
      %ge3A_178 = arith.constant 1 : i32
      %ge3A_179 = arith.cmpi sge, %add3A_165, %ge3A_178 : i32
      %convert_element_type3A_180 = arith.extui %ge3A_179 : i1 to i32
      %cond3A_181 = arith.constant 0 : i32
      %cond3A_182 = arith.cmpi ne, %convert_element_type3A_180, %cond3A_181 : i32
      scf.if %cond3A_182 {
        %sub3A = arith.constant 1 : i32
        %sub3A_246 = arith.subi %add3A_165, %sub3A : i32
        %dma_wait3A_247 = arith.constant 0 : i32
        %dma_wait3A_248 = tpu.memref_slice %arg7[%sub3A_246, %dma_wait3A_247] : memref<40x64xi32, #tpu.memory_space<vmem>> -> memref<1x64xi32, #tpu.memory_space<vmem>>
        %dma_wait3A_249 = tpu.memref_squeeze %dma_wait3A_248 : memref<1x64xi32, #tpu.memory_space<vmem>> -> memref<64xi32, #tpu.memory_space<vmem>>
        %dma_wait3A_250 = arith.constant 0 : i32
        %dma_wait3A_251 = arith.constant 0 : i32
        %dma_wait3A_252 = tpu.memref_slice %arg12[%dma_wait3A_250, %dma_wait3A_251] : memref<10240x128xf32, #tpu.memory_space<vmem_shared>> -> memref<10240x128xf32, #tpu.memory_space<vmem_shared>>
        tpu.wait_indirect_dma semaphore(%arg17 : memref<!tpu.dma_semaphore, #tpu.memory_space<semaphore_mem>>) src(%arg8 : memref<64x128xf32, #tpu.memory_space<vmem>>) dst(%dma_wait3A_252 : memref<10240x128xf32, #tpu.memory_space<vmem_shared>>)
      } else {
      }
      %add3A_183 = arith.constant 3 : i32
      %add3A_184 = arith.addi %add3A_165, %add3A_183 : i32
      %lt3A_185 = arith.constant 40 : i32
      %lt3A_186 = arith.cmpi slt, %add3A_184, %lt3A_185 : i32
      %convert_element_type3A_187 = arith.extui %lt3A_186 : i1 to i32
      %cond3A_188 = arith.constant 0 : i32
      %cond3A_189 = arith.cmpi ne, %convert_element_type3A_187, %cond3A_188 : i32
      scf.if %cond3A_189 {
        %add3A_246 = arith.constant 3 : i32
        %add3A_247 = arith.addi %add3A_165, %add3A_246 : i32
        %dma_start3A_248 = arith.constant 0 : i32
        %dma_start3A_249 = tpu.memref_slice %arg6[%add3A_247, %dma_start3A_248] : memref<40x64xi32, #tpu.memory_space<vmem>> -> memref<1x64xi32, #tpu.memory_space<vmem>>
        %dma_start3A_250 = tpu.memref_squeeze %dma_start3A_249 : memref<1x64xi32, #tpu.memory_space<vmem>> -> memref<64xi32, #tpu.memory_space<vmem>>
        %dma_start3A_251 = arith.constant 0 : i32
        %dma_start3A_252 = arith.constant 0 : i32
        %dma_start3A_253 = tpu.memref_slice %arg2[%dma_start3A_251, %dma_start3A_252] : memref<10240x128xf32, #tpu.memory_space<hbm>> -> memref<10240x128xf32, #tpu.memory_space<hbm>>
        tpu.enqueue_indirect_dma source(%dma_start3A_253 : memref<10240x128xf32, #tpu.memory_space<hbm>>) target(%arg8 : memref<64x128xf32, #tpu.memory_space<vmem>>) offsets(%dma_start3A_250 : memref<64xi32, #tpu.memory_space<vmem>>) semaphore(%arg13 : memref<!tpu.dma_semaphore, #tpu.memory_space<semaphore_mem>>)
      } else {
      }
      %mul3A_190 = arith.constant 4 : i32
      %mul3A_191 = arith.muli %mul3A_190, %scan3A_137 : i32
      %add3A_192 = arith.constant 2 : i32
      %add3A_193 = arith.addi %mul3A_191, %add3A_192 : i32
      %dma_wait3A_194 = arith.constant 0 : i32
      %dma_wait3A_195 = tpu.memref_slice %arg6[%add3A_193, %dma_wait3A_194] : memref<40x64xi32, #tpu.memory_space<vmem>> -> memref<1x64xi32, #tpu.memory_space<vmem>>
      %dma_wait3A_196 = tpu.memref_squeeze %dma_wait3A_195 : memref<1x64xi32, #tpu.memory_space<vmem>> -> memref<64xi32, #tpu.memory_space<vmem>>
      %dma_wait3A_197 = arith.constant 0 : i32
      %dma_wait3A_198 = arith.constant 0 : i32
      %dma_wait3A_199 = tpu.memref_slice %arg2[%dma_wait3A_197, %dma_wait3A_198] : memref<10240x128xf32, #tpu.memory_space<hbm>> -> memref<10240x128xf32, #tpu.memory_space<hbm>>
      tpu.wait_indirect_dma semaphore(%arg15 : memref<!tpu.dma_semaphore, #tpu.memory_space<semaphore_mem>>) src(%dma_wait3A_199 : memref<10240x128xf32, #tpu.memory_space<hbm>>) dst(%arg10 : memref<64x128xf32, #tpu.memory_space<vmem>>)
      %dma_start3A_200 = arith.constant 0 : i32
      %dma_start3A_201 = tpu.memref_slice %arg7[%add3A_193, %dma_start3A_200] : memref<40x64xi32, #tpu.memory_space<vmem>> -> memref<1x64xi32, #tpu.memory_space<vmem>>
      %dma_start3A_202 = tpu.memref_squeeze %dma_start3A_201 : memref<1x64xi32, #tpu.memory_space<vmem>> -> memref<64xi32, #tpu.memory_space<vmem>>
      %dma_start3A_203 = arith.constant 0 : i32
      %dma_start3A_204 = arith.constant 0 : i32
      %dma_start3A_205 = tpu.memref_slice %arg12[%dma_start3A_203, %dma_start3A_204] : memref<10240x128xf32, #tpu.memory_space<vmem_shared>> -> memref<10240x128xf32, #tpu.memory_space<vmem_shared>>
      tpu.enqueue_indirect_dma source(%arg10 : memref<64x128xf32, #tpu.memory_space<vmem>>) target(%dma_start3A_205 : memref<10240x128xf32, #tpu.memory_space<vmem_shared>>) offsets(%dma_start3A_202 : memref<64xi32, #tpu.memory_space<vmem>>) semaphore(%arg19 : memref<!tpu.dma_semaphore, #tpu.memory_space<semaphore_mem>>) {add = true}
      %ge3A_206 = arith.constant 1 : i32
      %ge3A_207 = arith.cmpi sge, %add3A_193, %ge3A_206 : i32
      %convert_element_type3A_208 = arith.extui %ge3A_207 : i1 to i32
      %cond3A_209 = arith.constant 0 : i32
      %cond3A_210 = arith.cmpi ne, %convert_element_type3A_208, %cond3A_209 : i32
      scf.if %cond3A_210 {
        %sub3A = arith.constant 1 : i32
        %sub3A_246 = arith.subi %add3A_193, %sub3A : i32
        %dma_wait3A_247 = arith.constant 0 : i32
        %dma_wait3A_248 = tpu.memref_slice %arg7[%sub3A_246, %dma_wait3A_247] : memref<40x64xi32, #tpu.memory_space<vmem>> -> memref<1x64xi32, #tpu.memory_space<vmem>>
        %dma_wait3A_249 = tpu.memref_squeeze %dma_wait3A_248 : memref<1x64xi32, #tpu.memory_space<vmem>> -> memref<64xi32, #tpu.memory_space<vmem>>
        %dma_wait3A_250 = arith.constant 0 : i32
        %dma_wait3A_251 = arith.constant 0 : i32
        %dma_wait3A_252 = tpu.memref_slice %arg12[%dma_wait3A_250, %dma_wait3A_251] : memref<10240x128xf32, #tpu.memory_space<vmem_shared>> -> memref<10240x128xf32, #tpu.memory_space<vmem_shared>>
        tpu.wait_indirect_dma semaphore(%arg18 : memref<!tpu.dma_semaphore, #tpu.memory_space<semaphore_mem>>) src(%arg9 : memref<64x128xf32, #tpu.memory_space<vmem>>) dst(%dma_wait3A_252 : memref<10240x128xf32, #tpu.memory_space<vmem_shared>>)
      } else {
      }
      %add3A_211 = arith.constant 3 : i32
      %add3A_212 = arith.addi %add3A_193, %add3A_211 : i32
      %lt3A_213 = arith.constant 40 : i32
      %lt3A_214 = arith.cmpi slt, %add3A_212, %lt3A_213 : i32
      %convert_element_type3A_215 = arith.extui %lt3A_214 : i1 to i32
      %cond3A_216 = arith.constant 0 : i32
      %cond3A_217 = arith.cmpi ne, %convert_element_type3A_215, %cond3A_216 : i32
      scf.if %cond3A_217 {
        %add3A_246 = arith.constant 3 : i32
        %add3A_247 = arith.addi %add3A_193, %add3A_246 : i32
        %dma_start3A_248 = arith.constant 0 : i32
        %dma_start3A_249 = tpu.memref_slice %arg6[%add3A_247, %dma_start3A_248] : memref<40x64xi32, #tpu.memory_space<vmem>> -> memref<1x64xi32, #tpu.memory_space<vmem>>
        %dma_start3A_250 = tpu.memref_squeeze %dma_start3A_249 : memref<1x64xi32, #tpu.memory_space<vmem>> -> memref<64xi32, #tpu.memory_space<vmem>>
        %dma_start3A_251 = arith.constant 0 : i32
        %dma_start3A_252 = arith.constant 0 : i32
        %dma_start3A_253 = tpu.memref_slice %arg2[%dma_start3A_251, %dma_start3A_252] : memref<10240x128xf32, #tpu.memory_space<hbm>> -> memref<10240x128xf32, #tpu.memory_space<hbm>>
        tpu.enqueue_indirect_dma source(%dma_start3A_253 : memref<10240x128xf32, #tpu.memory_space<hbm>>) target(%arg9 : memref<64x128xf32, #tpu.memory_space<vmem>>) offsets(%dma_start3A_250 : memref<64xi32, #tpu.memory_space<vmem>>) semaphore(%arg14 : memref<!tpu.dma_semaphore, #tpu.memory_space<semaphore_mem>>)
      } else {
      }
      %mul3A_218 = arith.constant 4 : i32
      %mul3A_219 = arith.muli %mul3A_218, %scan3A_137 : i32
      %add3A_220 = arith.constant 3 : i32
      %add3A_221 = arith.addi %mul3A_219, %add3A_220 : i32
      %dma_wait3A_222 = arith.constant 0 : i32
      %dma_wait3A_223 = tpu.memref_slice %arg6[%add3A_221, %dma_wait3A_222] : memref<40x64xi32, #tpu.memory_space<vmem>> -> memref<1x64xi32, #tpu.memory_space<vmem>>
      %dma_wait3A_224 = tpu.memref_squeeze %dma_wait3A_223 : memref<1x64xi32, #tpu.memory_space<vmem>> -> memref<64xi32, #tpu.memory_space<vmem>>
      %dma_wait3A_225 = arith.constant 0 : i32
      %dma_wait3A_226 = arith.constant 0 : i32
      %dma_wait3A_227 = tpu.memref_slice %arg2[%dma_wait3A_225, %dma_wait3A_226] : memref<10240x128xf32, #tpu.memory_space<hbm>> -> memref<10240x128xf32, #tpu.memory_space<hbm>>
      tpu.wait_indirect_dma semaphore(%arg16 : memref<!tpu.dma_semaphore, #tpu.memory_space<semaphore_mem>>) src(%dma_wait3A_227 : memref<10240x128xf32, #tpu.memory_space<hbm>>) dst(%arg11 : memref<64x128xf32, #tpu.memory_space<vmem>>)
      %dma_start3A_228 = arith.constant 0 : i32
      %dma_start3A_229 = tpu.memref_slice %arg7[%add3A_221, %dma_start3A_228] : memref<40x64xi32, #tpu.memory_space<vmem>> -> memref<1x64xi32, #tpu.memory_space<vmem>>
      %dma_start3A_230 = tpu.memref_squeeze %dma_start3A_229 : memref<1x64xi32, #tpu.memory_space<vmem>> -> memref<64xi32, #tpu.memory_space<vmem>>
      %dma_start3A_231 = arith.constant 0 : i32
      %dma_start3A_232 = arith.constant 0 : i32
      %dma_start3A_233 = tpu.memref_slice %arg12[%dma_start3A_231, %dma_start3A_232] : memref<10240x128xf32, #tpu.memory_space<vmem_shared>> -> memref<10240x128xf32, #tpu.memory_space<vmem_shared>>
      tpu.enqueue_indirect_dma source(%arg11 : memref<64x128xf32, #tpu.memory_space<vmem>>) target(%dma_start3A_233 : memref<10240x128xf32, #tpu.memory_space<vmem_shared>>) offsets(%dma_start3A_230 : memref<64xi32, #tpu.memory_space<vmem>>) semaphore(%arg20 : memref<!tpu.dma_semaphore, #tpu.memory_space<semaphore_mem>>) {add = true}
      %ge3A_234 = arith.constant 1 : i32
      %ge3A_235 = arith.cmpi sge, %add3A_221, %ge3A_234 : i32
      %convert_element_type3A_236 = arith.extui %ge3A_235 : i1 to i32
      %cond3A_237 = arith.constant 0 : i32
      %cond3A_238 = arith.cmpi ne, %convert_element_type3A_236, %cond3A_237 : i32
      scf.if %cond3A_238 {
        %sub3A = arith.constant 1 : i32
        %sub3A_246 = arith.subi %add3A_221, %sub3A : i32
        %dma_wait3A_247 = arith.constant 0 : i32
        %dma_wait3A_248 = tpu.memref_slice %arg7[%sub3A_246, %dma_wait3A_247] : memref<40x64xi32, #tpu.memory_space<vmem>> -> memref<1x64xi32, #tpu.memory_space<vmem>>
        %dma_wait3A_249 = tpu.memref_squeeze %dma_wait3A_248 : memref<1x64xi32, #tpu.memory_space<vmem>> -> memref<64xi32, #tpu.memory_space<vmem>>
        %dma_wait3A_250 = arith.constant 0 : i32
        %dma_wait3A_251 = arith.constant 0 : i32
        %dma_wait3A_252 = tpu.memref_slice %arg12[%dma_wait3A_250, %dma_wait3A_251] : memref<10240x128xf32, #tpu.memory_space<vmem_shared>> -> memref<10240x128xf32, #tpu.memory_space<vmem_shared>>
        tpu.wait_indirect_dma semaphore(%arg19 : memref<!tpu.dma_semaphore, #tpu.memory_space<semaphore_mem>>) src(%arg10 : memref<64x128xf32, #tpu.memory_space<vmem>>) dst(%dma_wait3A_252 : memref<10240x128xf32, #tpu.memory_space<vmem_shared>>)
      } else {
      }
      %add3A_239 = arith.constant 3 : i32
      %add3A_240 = arith.addi %add3A_221, %add3A_239 : i32
      %lt3A_241 = arith.constant 40 : i32
      %lt3A_242 = arith.cmpi slt, %add3A_240, %lt3A_241 : i32
      %convert_element_type3A_243 = arith.extui %lt3A_242 : i1 to i32
      %cond3A_244 = arith.constant 0 : i32
      %cond3A_245 = arith.cmpi ne, %convert_element_type3A_243, %cond3A_244 : i32
      scf.if %cond3A_245 {
        %add3A_246 = arith.constant 3 : i32
        %add3A_247 = arith.addi %add3A_221, %add3A_246 : i32
        %dma_start3A_248 = arith.constant 0 : i32
        %dma_start3A_249 = tpu.memref_slice %arg6[%add3A_247, %dma_start3A_248] : memref<40x64xi32, #tpu.memory_space<vmem>> -> memref<1x64xi32, #tpu.memory_space<vmem>>
        %dma_start3A_250 = tpu.memref_squeeze %dma_start3A_249 : memref<1x64xi32, #tpu.memory_space<vmem>> -> memref<64xi32, #tpu.memory_space<vmem>>
        %dma_start3A_251 = arith.constant 0 : i32
        %dma_start3A_252 = arith.constant 0 : i32
        %dma_start3A_253 = tpu.memref_slice %arg2[%dma_start3A_251, %dma_start3A_252] : memref<10240x128xf32, #tpu.memory_space<hbm>> -> memref<10240x128xf32, #tpu.memory_space<hbm>>
        tpu.enqueue_indirect_dma source(%dma_start3A_253 : memref<10240x128xf32, #tpu.memory_space<hbm>>) target(%arg10 : memref<64x128xf32, #tpu.memory_space<vmem>>) offsets(%dma_start3A_250 : memref<64xi32, #tpu.memory_space<vmem>>) semaphore(%arg15 : memref<!tpu.dma_semaphore, #tpu.memory_space<semaphore_mem>>)
      } else {
      }
    }
    %scan3A_27 = arith.constant 10 : i32
    %dma_wait3A = arith.constant 39 : i32
    %dma_wait3A_28 = arith.constant 0 : i32
    %dma_wait3A_29 = tpu.memref_slice %arg7[%dma_wait3A, %dma_wait3A_28] : memref<40x64xi32, #tpu.memory_space<vmem>> -> memref<1x64xi32, #tpu.memory_space<vmem>>
    %dma_wait3A_30 = tpu.memref_squeeze %dma_wait3A_29 : memref<1x64xi32, #tpu.memory_space<vmem>> -> memref<64xi32, #tpu.memory_space<vmem>>
    %dma_wait3A_31 = arith.constant 0 : i32
    %dma_wait3A_32 = arith.constant 0 : i32
    %dma_wait3A_33 = tpu.memref_slice %arg12[%dma_wait3A_31, %dma_wait3A_32] : memref<10240x128xf32, #tpu.memory_space<vmem_shared>> -> memref<10240x128xf32, #tpu.memory_space<vmem_shared>>
    tpu.wait_indirect_dma semaphore(%arg20 : memref<!tpu.dma_semaphore, #tpu.memory_space<semaphore_mem>>) src(%arg11 : memref<64x128xf32, #tpu.memory_space<vmem>>) dst(%dma_wait3A_33 : memref<10240x128xf32, #tpu.memory_space<vmem_shared>>)
    "tpu.region"() ({
      %run_scoped3A = tpu.sem_alloc : memref<!tpu.dma_semaphore, #tpu.memory_space<semaphore_mem>>
      %dma_start3A_137 = arith.constant 40 : i32
      %dma_start3A_138 = arith.constant 0 : i32
      %dma_start3A_139 = tpu.memref_slice %arg3[%add3A, %dma_start3A_137, %dma_start3A_138] : memref<32x160x64xi32, #tpu.memory_space<hbm>> -> memref<1x40x64xi32, #tpu.memory_space<hbm>>
      %dma_start3A_140 = tpu.memref_squeeze %dma_start3A_139 : memref<1x40x64xi32, #tpu.memory_space<hbm>> -> memref<40x64xi32, #tpu.memory_space<hbm>>
      %dma_start3A_141 = arith.constant 40 : i32
      %dma_start3A_142 = arith.constant 0 : i32
      %dma_start3A_143 = tpu.memref_slice %arg3[%add3A, %dma_start3A_141, %dma_start3A_142] : memref<32x160x64xi32, #tpu.memory_space<hbm>> -> memref<1x40x64xi32, #tpu.memory_space<hbm>>
      %dma_start3A_144 = tpu.memref_squeeze %dma_start3A_143 : memref<1x40x64xi32, #tpu.memory_space<hbm>> -> memref<40x64xi32, #tpu.memory_space<hbm>>
      tpu.enqueue_dma source(%dma_start3A_144 : memref<40x64xi32, #tpu.memory_space<hbm>>) target(%arg6 : memref<40x64xi32, #tpu.memory_space<vmem>>) target_semaphore(%run_scoped3A : memref<!tpu.dma_semaphore, #tpu.memory_space<semaphore_mem>>)
      %dma_wait3A_145 = arith.constant 40 : i32
      %dma_wait3A_146 = arith.constant 0 : i32
      %dma_wait3A_147 = tpu.memref_slice %arg3[%add3A, %dma_wait3A_145, %dma_wait3A_146] : memref<32x160x64xi32, #tpu.memory_space<hbm>> -> memref<1x40x64xi32, #tpu.memory_space<hbm>>
      %dma_wait3A_148 = tpu.memref_squeeze %dma_wait3A_147 : memref<1x40x64xi32, #tpu.memory_space<hbm>> -> memref<40x64xi32, #tpu.memory_space<hbm>>
      %dma_wait3A_149 = arith.constant 40 : i32
      %dma_wait3A_150 = arith.constant 0 : i32
      %dma_wait3A_151 = tpu.memref_slice %arg3[%add3A, %dma_wait3A_149, %dma_wait3A_150] : memref<32x160x64xi32, #tpu.memory_space<hbm>> -> memref<1x40x64xi32, #tpu.memory_space<hbm>>
      %dma_wait3A_152 = tpu.memref_squeeze %dma_wait3A_151 : memref<1x40x64xi32, #tpu.memory_space<hbm>> -> memref<40x64xi32, #tpu.memory_space<hbm>>
      tpu.wait_dma2 semaphore(%run_scoped3A : memref<!tpu.dma_semaphore, #tpu.memory_space<semaphore_mem>>) src(%dma_wait3A_152 : memref<40x64xi32, #tpu.memory_space<hbm>>) dst(%arg6 : memref<40x64xi32, #tpu.memory_space<vmem>>)
      tpu.yield
    }) : () -> ()
    "tpu.region"() ({
      %run_scoped3A = tpu.sem_alloc : memref<!tpu.dma_semaphore, #tpu.memory_space<semaphore_mem>>
      %dma_start3A_137 = arith.constant 40 : i32
      %dma_start3A_138 = arith.constant 0 : i32
      %dma_start3A_139 = tpu.memref_slice %arg4[%add3A, %dma_start3A_137, %dma_start3A_138] : memref<32x160x64xi32, #tpu.memory_space<hbm>> -> memref<1x40x64xi32, #tpu.memory_space<hbm>>
      %dma_start3A_140 = tpu.memref_squeeze %dma_start3A_139 : memref<1x40x64xi32, #tpu.memory_space<hbm>> -> memref<40x64xi32, #tpu.memory_space<hbm>>
      %dma_start3A_141 = arith.constant 40 : i32
      %dma_start3A_142 = arith.constant 0 : i32
      %dma_start3A_143 = tpu.memref_slice %arg4[%add3A, %dma_start3A_141, %dma_start3A_142] : memref<32x160x64xi32, #tpu.memory_space<hbm>> -> memref<1x40x64xi32, #tpu.memory_space<hbm>>
      %dma_start3A_144 = tpu.memref_squeeze %dma_start3A_143 : memref<1x40x64xi32, #tpu.memory_space<hbm>> -> memref<40x64xi32, #tpu.memory_space<hbm>>
      tpu.enqueue_dma source(%dma_start3A_144 : memref<40x64xi32, #tpu.memory_space<hbm>>) target(%arg7 : memref<40x64xi32, #tpu.memory_space<vmem>>) target_semaphore(%run_scoped3A : memref<!tpu.dma_semaphore, #tpu.memory_space<semaphore_mem>>)
      %dma_wait3A_145 = arith.constant 40 : i32
      %dma_wait3A_146 = arith.constant 0 : i32
      %dma_wait3A_147 = tpu.memref_slice %arg4[%add3A, %dma_wait3A_145, %dma_wait3A_146] : memref<32x160x64xi32, #tpu.memory_space<hbm>> -> memref<1x40x64xi32, #tpu.memory_space<hbm>>
      %dma_wait3A_148 = tpu.memref_squeeze %dma_wait3A_147 : memref<1x40x64xi32, #tpu.memory_space<hbm>> -> memref<40x64xi32, #tpu.memory_space<hbm>>
      %dma_wait3A_149 = arith.constant 40 : i32
      %dma_wait3A_150 = arith.constant 0 : i32
      %dma_wait3A_151 = tpu.memref_slice %arg4[%add3A, %dma_wait3A_149, %dma_wait3A_150] : memref<32x160x64xi32, #tpu.memory_space<hbm>> -> memref<1x40x64xi32, #tpu.memory_space<hbm>>
      %dma_wait3A_152 = tpu.memref_squeeze %dma_wait3A_151 : memref<1x40x64xi32, #tpu.memory_space<hbm>> -> memref<40x64xi32, #tpu.memory_space<hbm>>
      tpu.wait_dma2 semaphore(%run_scoped3A : memref<!tpu.dma_semaphore, #tpu.memory_space<semaphore_mem>>) src(%dma_wait3A_152 : memref<40x64xi32, #tpu.memory_space<hbm>>) dst(%arg7 : memref<40x64xi32, #tpu.memory_space<vmem>>)
      tpu.yield
    }) : () -> ()
    %dma_start3A_34 = arith.constant 0 : i32
    %dma_start3A_35 = arith.constant 0 : i32
    %dma_start3A_36 = tpu.memref_slice %arg6[%dma_start3A_34, %dma_start3A_35] : memref<40x64xi32, #tpu.memory_space<vmem>> -> memref<1x64xi32, #tpu.memory_space<vmem>>
    %dma_start3A_37 = tpu.memref_squeeze %dma_start3A_36 : memref<1x64xi32, #tpu.memory_space<vmem>> -> memref<64xi32, #tpu.memory_space<vmem>>
    %dma_start3A_38 = arith.constant 0 : i32
    %dma_start3A_39 = arith.constant 0 : i32
    %dma_start3A_40 = tpu.memref_slice %arg2[%dma_start3A_38, %dma_start3A_39] : memref<10240x128xf32, #tpu.memory_space<hbm>> -> memref<10240x128xf32, #tpu.memory_space<hbm>>
    tpu.enqueue_indirect_dma source(%dma_start3A_40 : memref<10240x128xf32, #tpu.memory_space<hbm>>) target(%arg8 : memref<64x128xf32, #tpu.memory_space<vmem>>) offsets(%dma_start3A_37 : memref<64xi32, #tpu.memory_space<vmem>>) semaphore(%arg13 : memref<!tpu.dma_semaphore, #tpu.memory_space<semaphore_mem>>)
    %dma_start3A_41 = arith.constant 1 : i32
    %dma_start3A_42 = arith.constant 0 : i32
    %dma_start3A_43 = tpu.memref_slice %arg6[%dma_start3A_41, %dma_start3A_42] : memref<40x64xi32, #tpu.memory_space<vmem>> -> memref<1x64xi32, #tpu.memory_space<vmem>>
    %dma_start3A_44 = tpu.memref_squeeze %dma_start3A_43 : memref<1x64xi32, #tpu.memory_space<vmem>> -> memref<64xi32, #tpu.memory_space<vmem>>
    %dma_start3A_45 = arith.constant 0 : i32
    %dma_start3A_46 = arith.constant 0 : i32
    %dma_start3A_47 = tpu.memref_slice %arg2[%dma_start3A_45, %dma_start3A_46] : memref<10240x128xf32, #tpu.memory_space<hbm>> -> memref<10240x128xf32, #tpu.memory_space<hbm>>
    tpu.enqueue_indirect_dma source(%dma_start3A_47 : memref<10240x128xf32, #tpu.memory_space<hbm>>) target(%arg9 : memref<64x128xf32, #tpu.memory_space<vmem>>) offsets(%dma_start3A_44 : memref<64xi32, #tpu.memory_space<vmem>>) semaphore(%arg14 : memref<!tpu.dma_semaphore, #tpu.memory_space<semaphore_mem>>)
    %dma_start3A_48 = arith.constant 2 : i32
    %dma_start3A_49 = arith.constant 0 : i32
    %dma_start3A_50 = tpu.memref_slice %arg6[%dma_start3A_48, %dma_start3A_49] : memref<40x64xi32, #tpu.memory_space<vmem>> -> memref<1x64xi32, #tpu.memory_space<vmem>>
    %dma_start3A_51 = tpu.memref_squeeze %dma_start3A_50 : memref<1x64xi32, #tpu.memory_space<vmem>> -> memref<64xi32, #tpu.memory_space<vmem>>
    %dma_start3A_52 = arith.constant 0 : i32
    %dma_start3A_53 = arith.constant 0 : i32
    %dma_start3A_54 = tpu.memref_slice %arg2[%dma_start3A_52, %dma_start3A_53] : memref<10240x128xf32, #tpu.memory_space<hbm>> -> memref<10240x128xf32, #tpu.memory_space<hbm>>
    tpu.enqueue_indirect_dma source(%dma_start3A_54 : memref<10240x128xf32, #tpu.memory_space<hbm>>) target(%arg10 : memref<64x128xf32, #tpu.memory_space<vmem>>) offsets(%dma_start3A_51 : memref<64xi32, #tpu.memory_space<vmem>>) semaphore(%arg15 : memref<!tpu.dma_semaphore, #tpu.memory_space<semaphore_mem>>)
    %scan3A_55 = arith.constant 0 : i32
    %scan3A_56 = arith.constant 0 : i32
    %scan3A_57 = arith.constant 10 : i32
    %scan3A_58 = arith.addi %scan3A_56, %scan3A_57 : i32
    %scan3A_59 = arith.constant 1 : i32
    scf.for %scan3A_137 = %scan3A_56 to %scan3A_58 step %scan3A_59  : i32 {
      %mul3A_138 = arith.constant 4 : i32
      %mul3A_139 = arith.muli %mul3A_138, %scan3A_137 : i32
      %add3A_140 = arith.constant 0 : i32
      %add3A_141 = arith.addi %mul3A_139, %add3A_140 : i32
      %dma_wait3A_142 = arith.constant 0 : i32
      %dma_wait3A_143 = tpu.memref_slice %arg6[%add3A_141, %dma_wait3A_142] : memref<40x64xi32, #tpu.memory_space<vmem>> -> memref<1x64xi32, #tpu.memory_space<vmem>>
      %dma_wait3A_144 = tpu.memref_squeeze %dma_wait3A_143 : memref<1x64xi32, #tpu.memory_space<vmem>> -> memref<64xi32, #tpu.memory_space<vmem>>
      %dma_wait3A_145 = arith.constant 0 : i32
      %dma_wait3A_146 = arith.constant 0 : i32
      %dma_wait3A_147 = tpu.memref_slice %arg2[%dma_wait3A_145, %dma_wait3A_146] : memref<10240x128xf32, #tpu.memory_space<hbm>> -> memref<10240x128xf32, #tpu.memory_space<hbm>>
      tpu.wait_indirect_dma semaphore(%arg13 : memref<!tpu.dma_semaphore, #tpu.memory_space<semaphore_mem>>) src(%dma_wait3A_147 : memref<10240x128xf32, #tpu.memory_space<hbm>>) dst(%arg8 : memref<64x128xf32, #tpu.memory_space<vmem>>)
      %dma_start3A_148 = arith.constant 0 : i32
      %dma_start3A_149 = tpu.memref_slice %arg7[%add3A_141, %dma_start3A_148] : memref<40x64xi32, #tpu.memory_space<vmem>> -> memref<1x64xi32, #tpu.memory_space<vmem>>
      %dma_start3A_150 = tpu.memref_squeeze %dma_start3A_149 : memref<1x64xi32, #tpu.memory_space<vmem>> -> memref<64xi32, #tpu.memory_space<vmem>>
      %dma_start3A_151 = arith.constant 0 : i32
      %dma_start3A_152 = arith.constant 0 : i32
      %dma_start3A_153 = tpu.memref_slice %arg12[%dma_start3A_151, %dma_start3A_152] : memref<10240x128xf32, #tpu.memory_space<vmem_shared>> -> memref<10240x128xf32, #tpu.memory_space<vmem_shared>>
      tpu.enqueue_indirect_dma source(%arg8 : memref<64x128xf32, #tpu.memory_space<vmem>>) target(%dma_start3A_153 : memref<10240x128xf32, #tpu.memory_space<vmem_shared>>) offsets(%dma_start3A_150 : memref<64xi32, #tpu.memory_space<vmem>>) semaphore(%arg17 : memref<!tpu.dma_semaphore, #tpu.memory_space<semaphore_mem>>) {add = true}
      %ge3A = arith.constant 1 : i32
      %ge3A_154 = arith.cmpi sge, %add3A_141, %ge3A : i32
      %convert_element_type3A = arith.extui %ge3A_154 : i1 to i32
      %cond3A = arith.constant 0 : i32
      %cond3A_155 = arith.cmpi ne, %convert_element_type3A, %cond3A : i32
      scf.if %cond3A_155 {
        %sub3A = arith.constant 1 : i32
        %sub3A_246 = arith.subi %add3A_141, %sub3A : i32
        %dma_wait3A_247 = arith.constant 0 : i32
        %dma_wait3A_248 = tpu.memref_slice %arg7[%sub3A_246, %dma_wait3A_247] : memref<40x64xi32, #tpu.memory_space<vmem>> -> memref<1x64xi32, #tpu.memory_space<vmem>>
        %dma_wait3A_249 = tpu.memref_squeeze %dma_wait3A_248 : memref<1x64xi32, #tpu.memory_space<vmem>> -> memref<64xi32, #tpu.memory_space<vmem>>
        %dma_wait3A_250 = arith.constant 0 : i32
        %dma_wait3A_251 = arith.constant 0 : i32
        %dma_wait3A_252 = tpu.memref_slice %arg12[%dma_wait3A_250, %dma_wait3A_251] : memref<10240x128xf32, #tpu.memory_space<vmem_shared>> -> memref<10240x128xf32, #tpu.memory_space<vmem_shared>>
        tpu.wait_indirect_dma semaphore(%arg20 : memref<!tpu.dma_semaphore, #tpu.memory_space<semaphore_mem>>) src(%arg11 : memref<64x128xf32, #tpu.memory_space<vmem>>) dst(%dma_wait3A_252 : memref<10240x128xf32, #tpu.memory_space<vmem_shared>>)
      } else {
      }
      %add3A_156 = arith.constant 3 : i32
      %add3A_157 = arith.addi %add3A_141, %add3A_156 : i32
      %lt3A = arith.constant 40 : i32
      %lt3A_158 = arith.cmpi slt, %add3A_157, %lt3A : i32
      %convert_element_type3A_159 = arith.extui %lt3A_158 : i1 to i32
      %cond3A_160 = arith.constant 0 : i32
      %cond3A_161 = arith.cmpi ne, %convert_element_type3A_159, %cond3A_160 : i32
      scf.if %cond3A_161 {
        %add3A_246 = arith.constant 3 : i32
        %add3A_247 = arith.addi %add3A_141, %add3A_246 : i32
        %dma_start3A_248 = arith.constant 0 : i32
        %dma_start3A_249 = tpu.memref_slice %arg6[%add3A_247, %dma_start3A_248] : memref<40x64xi32, #tpu.memory_space<vmem>> -> memref<1x64xi32, #tpu.memory_space<vmem>>
        %dma_start3A_250 = tpu.memref_squeeze %dma_start3A_249 : memref<1x64xi32, #tpu.memory_space<vmem>> -> memref<64xi32, #tpu.memory_space<vmem>>
        %dma_start3A_251 = arith.constant 0 : i32
        %dma_start3A_252 = arith.constant 0 : i32
        %dma_start3A_253 = tpu.memref_slice %arg2[%dma_start3A_251, %dma_start3A_252] : memref<10240x128xf32, #tpu.memory_space<hbm>> -> memref<10240x128xf32, #tpu.memory_space<hbm>>
        tpu.enqueue_indirect_dma source(%dma_start3A_253 : memref<10240x128xf32, #tpu.memory_space<hbm>>) target(%arg11 : memref<64x128xf32, #tpu.memory_space<vmem>>) offsets(%dma_start3A_250 : memref<64xi32, #tpu.memory_space<vmem>>) semaphore(%arg16 : memref<!tpu.dma_semaphore, #tpu.memory_space<semaphore_mem>>)
      } else {
      }
      %mul3A_162 = arith.constant 4 : i32
      %mul3A_163 = arith.muli %mul3A_162, %scan3A_137 : i32
      %add3A_164 = arith.constant 1 : i32
      %add3A_165 = arith.addi %mul3A_163, %add3A_164 : i32
      %dma_wait3A_166 = arith.constant 0 : i32
      %dma_wait3A_167 = tpu.memref_slice %arg6[%add3A_165, %dma_wait3A_166] : memref<40x64xi32, #tpu.memory_space<vmem>> -> memref<1x64xi32, #tpu.memory_space<vmem>>
      %dma_wait3A_168 = tpu.memref_squeeze %dma_wait3A_167 : memref<1x64xi32, #tpu.memory_space<vmem>> -> memref<64xi32, #tpu.memory_space<vmem>>
      %dma_wait3A_169 = arith.constant 0 : i32
      %dma_wait3A_170 = arith.constant 0 : i32
      %dma_wait3A_171 = tpu.memref_slice %arg2[%dma_wait3A_169, %dma_wait3A_170] : memref<10240x128xf32, #tpu.memory_space<hbm>> -> memref<10240x128xf32, #tpu.memory_space<hbm>>
      tpu.wait_indirect_dma semaphore(%arg14 : memref<!tpu.dma_semaphore, #tpu.memory_space<semaphore_mem>>) src(%dma_wait3A_171 : memref<10240x128xf32, #tpu.memory_space<hbm>>) dst(%arg9 : memref<64x128xf32, #tpu.memory_space<vmem>>)
      %dma_start3A_172 = arith.constant 0 : i32
      %dma_start3A_173 = tpu.memref_slice %arg7[%add3A_165, %dma_start3A_172] : memref<40x64xi32, #tpu.memory_space<vmem>> -> memref<1x64xi32, #tpu.memory_space<vmem>>
      %dma_start3A_174 = tpu.memref_squeeze %dma_start3A_173 : memref<1x64xi32, #tpu.memory_space<vmem>> -> memref<64xi32, #tpu.memory_space<vmem>>
      %dma_start3A_175 = arith.constant 0 : i32
      %dma_start3A_176 = arith.constant 0 : i32
      %dma_start3A_177 = tpu.memref_slice %arg12[%dma_start3A_175, %dma_start3A_176] : memref<10240x128xf32, #tpu.memory_space<vmem_shared>> -> memref<10240x128xf32, #tpu.memory_space<vmem_shared>>
      tpu.enqueue_indirect_dma source(%arg9 : memref<64x128xf32, #tpu.memory_space<vmem>>) target(%dma_start3A_177 : memref<10240x128xf32, #tpu.memory_space<vmem_shared>>) offsets(%dma_start3A_174 : memref<64xi32, #tpu.memory_space<vmem>>) semaphore(%arg18 : memref<!tpu.dma_semaphore, #tpu.memory_space<semaphore_mem>>) {add = true}
      %ge3A_178 = arith.constant 1 : i32
      %ge3A_179 = arith.cmpi sge, %add3A_165, %ge3A_178 : i32
      %convert_element_type3A_180 = arith.extui %ge3A_179 : i1 to i32
      %cond3A_181 = arith.constant 0 : i32
      %cond3A_182 = arith.cmpi ne, %convert_element_type3A_180, %cond3A_181 : i32
      scf.if %cond3A_182 {
        %sub3A = arith.constant 1 : i32
        %sub3A_246 = arith.subi %add3A_165, %sub3A : i32
        %dma_wait3A_247 = arith.constant 0 : i32
        %dma_wait3A_248 = tpu.memref_slice %arg7[%sub3A_246, %dma_wait3A_247] : memref<40x64xi32, #tpu.memory_space<vmem>> -> memref<1x64xi32, #tpu.memory_space<vmem>>
        %dma_wait3A_249 = tpu.memref_squeeze %dma_wait3A_248 : memref<1x64xi32, #tpu.memory_space<vmem>> -> memref<64xi32, #tpu.memory_space<vmem>>
        %dma_wait3A_250 = arith.constant 0 : i32
        %dma_wait3A_251 = arith.constant 0 : i32
        %dma_wait3A_252 = tpu.memref_slice %arg12[%dma_wait3A_250, %dma_wait3A_251] : memref<10240x128xf32, #tpu.memory_space<vmem_shared>> -> memref<10240x128xf32, #tpu.memory_space<vmem_shared>>
        tpu.wait_indirect_dma semaphore(%arg17 : memref<!tpu.dma_semaphore, #tpu.memory_space<semaphore_mem>>) src(%arg8 : memref<64x128xf32, #tpu.memory_space<vmem>>) dst(%dma_wait3A_252 : memref<10240x128xf32, #tpu.memory_space<vmem_shared>>)
      } else {
      }
      %add3A_183 = arith.constant 3 : i32
      %add3A_184 = arith.addi %add3A_165, %add3A_183 : i32
      %lt3A_185 = arith.constant 40 : i32
      %lt3A_186 = arith.cmpi slt, %add3A_184, %lt3A_185 : i32
      %convert_element_type3A_187 = arith.extui %lt3A_186 : i1 to i32
      %cond3A_188 = arith.constant 0 : i32
      %cond3A_189 = arith.cmpi ne, %convert_element_type3A_187, %cond3A_188 : i32
      scf.if %cond3A_189 {
        %add3A_246 = arith.constant 3 : i32
        %add3A_247 = arith.addi %add3A_165, %add3A_246 : i32
        %dma_start3A_248 = arith.constant 0 : i32
        %dma_start3A_249 = tpu.memref_slice %arg6[%add3A_247, %dma_start3A_248] : memref<40x64xi32, #tpu.memory_space<vmem>> -> memref<1x64xi32, #tpu.memory_space<vmem>>
        %dma_start3A_250 = tpu.memref_squeeze %dma_start3A_249 : memref<1x64xi32, #tpu.memory_space<vmem>> -> memref<64xi32, #tpu.memory_space<vmem>>
        %dma_start3A_251 = arith.constant 0 : i32
        %dma_start3A_252 = arith.constant 0 : i32
        %dma_start3A_253 = tpu.memref_slice %arg2[%dma_start3A_251, %dma_start3A_252] : memref<10240x128xf32, #tpu.memory_space<hbm>> -> memref<10240x128xf32, #tpu.memory_space<hbm>>
        tpu.enqueue_indirect_dma source(%dma_start3A_253 : memref<10240x128xf32, #tpu.memory_space<hbm>>) target(%arg8 : memref<64x128xf32, #tpu.memory_space<vmem>>) offsets(%dma_start3A_250 : memref<64xi32, #tpu.memory_space<vmem>>) semaphore(%arg13 : memref<!tpu.dma_semaphore, #tpu.memory_space<semaphore_mem>>)
      } else {
      }
      %mul3A_190 = arith.constant 4 : i32
      %mul3A_191 = arith.muli %mul3A_190, %scan3A_137 : i32
      %add3A_192 = arith.constant 2 : i32
      %add3A_193 = arith.addi %mul3A_191, %add3A_192 : i32
      %dma_wait3A_194 = arith.constant 0 : i32
      %dma_wait3A_195 = tpu.memref_slice %arg6[%add3A_193, %dma_wait3A_194] : memref<40x64xi32, #tpu.memory_space<vmem>> -> memref<1x64xi32, #tpu.memory_space<vmem>>
      %dma_wait3A_196 = tpu.memref_squeeze %dma_wait3A_195 : memref<1x64xi32, #tpu.memory_space<vmem>> -> memref<64xi32, #tpu.memory_space<vmem>>
      %dma_wait3A_197 = arith.constant 0 : i32
      %dma_wait3A_198 = arith.constant 0 : i32
      %dma_wait3A_199 = tpu.memref_slice %arg2[%dma_wait3A_197, %dma_wait3A_198] : memref<10240x128xf32, #tpu.memory_space<hbm>> -> memref<10240x128xf32, #tpu.memory_space<hbm>>
      tpu.wait_indirect_dma semaphore(%arg15 : memref<!tpu.dma_semaphore, #tpu.memory_space<semaphore_mem>>) src(%dma_wait3A_199 : memref<10240x128xf32, #tpu.memory_space<hbm>>) dst(%arg10 : memref<64x128xf32, #tpu.memory_space<vmem>>)
      %dma_start3A_200 = arith.constant 0 : i32
      %dma_start3A_201 = tpu.memref_slice %arg7[%add3A_193, %dma_start3A_200] : memref<40x64xi32, #tpu.memory_space<vmem>> -> memref<1x64xi32, #tpu.memory_space<vmem>>
      %dma_start3A_202 = tpu.memref_squeeze %dma_start3A_201 : memref<1x64xi32, #tpu.memory_space<vmem>> -> memref<64xi32, #tpu.memory_space<vmem>>
      %dma_start3A_203 = arith.constant 0 : i32
      %dma_start3A_204 = arith.constant 0 : i32
      %dma_start3A_205 = tpu.memref_slice %arg12[%dma_start3A_203, %dma_start3A_204] : memref<10240x128xf32, #tpu.memory_space<vmem_shared>> -> memref<10240x128xf32, #tpu.memory_space<vmem_shared>>
      tpu.enqueue_indirect_dma source(%arg10 : memref<64x128xf32, #tpu.memory_space<vmem>>) target(%dma_start3A_205 : memref<10240x128xf32, #tpu.memory_space<vmem_shared>>) offsets(%dma_start3A_202 : memref<64xi32, #tpu.memory_space<vmem>>) semaphore(%arg19 : memref<!tpu.dma_semaphore, #tpu.memory_space<semaphore_mem>>) {add = true}
      %ge3A_206 = arith.constant 1 : i32
      %ge3A_207 = arith.cmpi sge, %add3A_193, %ge3A_206 : i32
      %convert_element_type3A_208 = arith.extui %ge3A_207 : i1 to i32
      %cond3A_209 = arith.constant 0 : i32
      %cond3A_210 = arith.cmpi ne, %convert_element_type3A_208, %cond3A_209 : i32
      scf.if %cond3A_210 {
        %sub3A = arith.constant 1 : i32
        %sub3A_246 = arith.subi %add3A_193, %sub3A : i32
        %dma_wait3A_247 = arith.constant 0 : i32
        %dma_wait3A_248 = tpu.memref_slice %arg7[%sub3A_246, %dma_wait3A_247] : memref<40x64xi32, #tpu.memory_space<vmem>> -> memref<1x64xi32, #tpu.memory_space<vmem>>
        %dma_wait3A_249 = tpu.memref_squeeze %dma_wait3A_248 : memref<1x64xi32, #tpu.memory_space<vmem>> -> memref<64xi32, #tpu.memory_space<vmem>>
        %dma_wait3A_250 = arith.constant 0 : i32
        %dma_wait3A_251 = arith.constant 0 : i32
        %dma_wait3A_252 = tpu.memref_slice %arg12[%dma_wait3A_250, %dma_wait3A_251] : memref<10240x128xf32, #tpu.memory_space<vmem_shared>> -> memref<10240x128xf32, #tpu.memory_space<vmem_shared>>
        tpu.wait_indirect_dma semaphore(%arg18 : memref<!tpu.dma_semaphore, #tpu.memory_space<semaphore_mem>>) src(%arg9 : memref<64x128xf32, #tpu.memory_space<vmem>>) dst(%dma_wait3A_252 : memref<10240x128xf32, #tpu.memory_space<vmem_shared>>)
      } else {
      }
      %add3A_211 = arith.constant 3 : i32
      %add3A_212 = arith.addi %add3A_193, %add3A_211 : i32
      %lt3A_213 = arith.constant 40 : i32
      %lt3A_214 = arith.cmpi slt, %add3A_212, %lt3A_213 : i32
      %convert_element_type3A_215 = arith.extui %lt3A_214 : i1 to i32
      %cond3A_216 = arith.constant 0 : i32
      %cond3A_217 = arith.cmpi ne, %convert_element_type3A_215, %cond3A_216 : i32
      scf.if %cond3A_217 {
        %add3A_246 = arith.constant 3 : i32
        %add3A_247 = arith.addi %add3A_193, %add3A_246 : i32
        %dma_start3A_248 = arith.constant 0 : i32
        %dma_start3A_249 = tpu.memref_slice %arg6[%add3A_247, %dma_start3A_248] : memref<40x64xi32, #tpu.memory_space<vmem>> -> memref<1x64xi32, #tpu.memory_space<vmem>>
        %dma_start3A_250 = tpu.memref_squeeze %dma_start3A_249 : memref<1x64xi32, #tpu.memory_space<vmem>> -> memref<64xi32, #tpu.memory_space<vmem>>
        %dma_start3A_251 = arith.constant 0 : i32
        %dma_start3A_252 = arith.constant 0 : i32
        %dma_start3A_253 = tpu.memref_slice %arg2[%dma_start3A_251, %dma_start3A_252] : memref<10240x128xf32, #tpu.memory_space<hbm>> -> memref<10240x128xf32, #tpu.memory_space<hbm>>
        tpu.enqueue_indirect_dma source(%dma_start3A_253 : memref<10240x128xf32, #tpu.memory_space<hbm>>) target(%arg9 : memref<64x128xf32, #tpu.memory_space<vmem>>) offsets(%dma_start3A_250 : memref<64xi32, #tpu.memory_space<vmem>>) semaphore(%arg14 : memref<!tpu.dma_semaphore, #tpu.memory_space<semaphore_mem>>)
      } else {
      }
      %mul3A_218 = arith.constant 4 : i32
      %mul3A_219 = arith.muli %mul3A_218, %scan3A_137 : i32
      %add3A_220 = arith.constant 3 : i32
      %add3A_221 = arith.addi %mul3A_219, %add3A_220 : i32
      %dma_wait3A_222 = arith.constant 0 : i32
      %dma_wait3A_223 = tpu.memref_slice %arg6[%add3A_221, %dma_wait3A_222] : memref<40x64xi32, #tpu.memory_space<vmem>> -> memref<1x64xi32, #tpu.memory_space<vmem>>
      %dma_wait3A_224 = tpu.memref_squeeze %dma_wait3A_223 : memref<1x64xi32, #tpu.memory_space<vmem>> -> memref<64xi32, #tpu.memory_space<vmem>>
      %dma_wait3A_225 = arith.constant 0 : i32
      %dma_wait3A_226 = arith.constant 0 : i32
      %dma_wait3A_227 = tpu.memref_slice %arg2[%dma_wait3A_225, %dma_wait3A_226] : memref<10240x128xf32, #tpu.memory_space<hbm>> -> memref<10240x128xf32, #tpu.memory_space<hbm>>
      tpu.wait_indirect_dma semaphore(%arg16 : memref<!tpu.dma_semaphore, #tpu.memory_space<semaphore_mem>>) src(%dma_wait3A_227 : memref<10240x128xf32, #tpu.memory_space<hbm>>) dst(%arg11 : memref<64x128xf32, #tpu.memory_space<vmem>>)
      %dma_start3A_228 = arith.constant 0 : i32
      %dma_start3A_229 = tpu.memref_slice %arg7[%add3A_221, %dma_start3A_228] : memref<40x64xi32, #tpu.memory_space<vmem>> -> memref<1x64xi32, #tpu.memory_space<vmem>>
      %dma_start3A_230 = tpu.memref_squeeze %dma_start3A_229 : memref<1x64xi32, #tpu.memory_space<vmem>> -> memref<64xi32, #tpu.memory_space<vmem>>
      %dma_start3A_231 = arith.constant 0 : i32
      %dma_start3A_232 = arith.constant 0 : i32
      %dma_start3A_233 = tpu.memref_slice %arg12[%dma_start3A_231, %dma_start3A_232] : memref<10240x128xf32, #tpu.memory_space<vmem_shared>> -> memref<10240x128xf32, #tpu.memory_space<vmem_shared>>
      tpu.enqueue_indirect_dma source(%arg11 : memref<64x128xf32, #tpu.memory_space<vmem>>) target(%dma_start3A_233 : memref<10240x128xf32, #tpu.memory_space<vmem_shared>>) offsets(%dma_start3A_230 : memref<64xi32, #tpu.memory_space<vmem>>) semaphore(%arg20 : memref<!tpu.dma_semaphore, #tpu.memory_space<semaphore_mem>>) {add = true}
      %ge3A_234 = arith.constant 1 : i32
      %ge3A_235 = arith.cmpi sge, %add3A_221, %ge3A_234 : i32
      %convert_element_type3A_236 = arith.extui %ge3A_235 : i1 to i32
      %cond3A_237 = arith.constant 0 : i32
      %cond3A_238 = arith.cmpi ne, %convert_element_type3A_236, %cond3A_237 : i32
      scf.if %cond3A_238 {
        %sub3A = arith.constant 1 : i32
        %sub3A_246 = arith.subi %add3A_221, %sub3A : i32
        %dma_wait3A_247 = arith.constant 0 : i32
        %dma_wait3A_248 = tpu.memref_slice %arg7[%sub3A_246, %dma_wait3A_247] : memref<40x64xi32, #tpu.memory_space<vmem>> -> memref<1x64xi32, #tpu.memory_space<vmem>>
        %dma_wait3A_249 = tpu.memref_squeeze %dma_wait3A_248 : memref<1x64xi32, #tpu.memory_space<vmem>> -> memref<64xi32, #tpu.memory_space<vmem>>
        %dma_wait3A_250 = arith.constant 0 : i32
        %dma_wait3A_251 = arith.constant 0 : i32
        %dma_wait3A_252 = tpu.memref_slice %arg12[%dma_wait3A_250, %dma_wait3A_251] : memref<10240x128xf32, #tpu.memory_space<vmem_shared>> -> memref<10240x128xf32, #tpu.memory_space<vmem_shared>>
        tpu.wait_indirect_dma semaphore(%arg19 : memref<!tpu.dma_semaphore, #tpu.memory_space<semaphore_mem>>) src(%arg10 : memref<64x128xf32, #tpu.memory_space<vmem>>) dst(%dma_wait3A_252 : memref<10240x128xf32, #tpu.memory_space<vmem_shared>>)
      } else {
      }
      %add3A_239 = arith.constant 3 : i32
      %add3A_240 = arith.addi %add3A_221, %add3A_239 : i32
      %lt3A_241 = arith.constant 40 : i32
      %lt3A_242 = arith.cmpi slt, %add3A_240, %lt3A_241 : i32
      %convert_element_type3A_243 = arith.extui %lt3A_242 : i1 to i32
      %cond3A_244 = arith.constant 0 : i32
      %cond3A_245 = arith.cmpi ne, %convert_element_type3A_243, %cond3A_244 : i32
      scf.if %cond3A_245 {
        %add3A_246 = arith.constant 3 : i32
        %add3A_247 = arith.addi %add3A_221, %add3A_246 : i32
        %dma_start3A_248 = arith.constant 0 : i32
        %dma_start3A_249 = tpu.memref_slice %arg6[%add3A_247, %dma_start3A_248] : memref<40x64xi32, #tpu.memory_space<vmem>> -> memref<1x64xi32, #tpu.memory_space<vmem>>
        %dma_start3A_250 = tpu.memref_squeeze %dma_start3A_249 : memref<1x64xi32, #tpu.memory_space<vmem>> -> memref<64xi32, #tpu.memory_space<vmem>>
        %dma_start3A_251 = arith.constant 0 : i32
        %dma_start3A_252 = arith.constant 0 : i32
        %dma_start3A_253 = tpu.memref_slice %arg2[%dma_start3A_251, %dma_start3A_252] : memref<10240x128xf32, #tpu.memory_space<hbm>> -> memref<10240x128xf32, #tpu.memory_space<hbm>>
        tpu.enqueue_indirect_dma source(%dma_start3A_253 : memref<10240x128xf32, #tpu.memory_space<hbm>>) target(%arg10 : memref<64x128xf32, #tpu.memory_space<vmem>>) offsets(%dma_start3A_250 : memref<64xi32, #tpu.memory_space<vmem>>) semaphore(%arg15 : memref<!tpu.dma_semaphore, #tpu.memory_space<semaphore_mem>>)
      } else {
      }
    }
    %scan3A_60 = arith.constant 10 : i32
    %dma_wait3A_61 = arith.constant 39 : i32
    %dma_wait3A_62 = arith.constant 0 : i32
    %dma_wait3A_63 = tpu.memref_slice %arg7[%dma_wait3A_61, %dma_wait3A_62] : memref<40x64xi32, #tpu.memory_space<vmem>> -> memref<1x64xi32, #tpu.memory_space<vmem>>
    %dma_wait3A_64 = tpu.memref_squeeze %dma_wait3A_63 : memref<1x64xi32, #tpu.memory_space<vmem>> -> memref<64xi32, #tpu.memory_space<vmem>>
    %dma_wait3A_65 = arith.constant 0 : i32
    %dma_wait3A_66 = arith.constant 0 : i32
    %dma_wait3A_67 = tpu.memref_slice %arg12[%dma_wait3A_65, %dma_wait3A_66] : memref<10240x128xf32, #tpu.memory_space<vmem_shared>> -> memref<10240x128xf32, #tpu.memory_space<vmem_shared>>
    tpu.wait_indirect_dma semaphore(%arg20 : memref<!tpu.dma_semaphore, #tpu.memory_space<semaphore_mem>>) src(%arg11 : memref<64x128xf32, #tpu.memory_space<vmem>>) dst(%dma_wait3A_67 : memref<10240x128xf32, #tpu.memory_space<vmem_shared>>)
    "tpu.region"() ({
      %run_scoped3A = tpu.sem_alloc : memref<!tpu.dma_semaphore, #tpu.memory_space<semaphore_mem>>
      %dma_start3A_137 = arith.constant 80 : i32
      %dma_start3A_138 = arith.constant 0 : i32
      %dma_start3A_139 = tpu.memref_slice %arg3[%add3A, %dma_start3A_137, %dma_start3A_138] : memref<32x160x64xi32, #tpu.memory_space<hbm>> -> memref<1x40x64xi32, #tpu.memory_space<hbm>>
      %dma_start3A_140 = tpu.memref_squeeze %dma_start3A_139 : memref<1x40x64xi32, #tpu.memory_space<hbm>> -> memref<40x64xi32, #tpu.memory_space<hbm>>
      %dma_start3A_141 = arith.constant 80 : i32
      %dma_start3A_142 = arith.constant 0 : i32
      %dma_start3A_143 = tpu.memref_slice %arg3[%add3A, %dma_start3A_141, %dma_start3A_142] : memref<32x160x64xi32, #tpu.memory_space<hbm>> -> memref<1x40x64xi32, #tpu.memory_space<hbm>>
      %dma_start3A_144 = tpu.memref_squeeze %dma_start3A_143 : memref<1x40x64xi32, #tpu.memory_space<hbm>> -> memref<40x64xi32, #tpu.memory_space<hbm>>
      tpu.enqueue_dma source(%dma_start3A_144 : memref<40x64xi32, #tpu.memory_space<hbm>>) target(%arg6 : memref<40x64xi32, #tpu.memory_space<vmem>>) target_semaphore(%run_scoped3A : memref<!tpu.dma_semaphore, #tpu.memory_space<semaphore_mem>>)
      %dma_wait3A_145 = arith.constant 80 : i32
      %dma_wait3A_146 = arith.constant 0 : i32
      %dma_wait3A_147 = tpu.memref_slice %arg3[%add3A, %dma_wait3A_145, %dma_wait3A_146] : memref<32x160x64xi32, #tpu.memory_space<hbm>> -> memref<1x40x64xi32, #tpu.memory_space<hbm>>
      %dma_wait3A_148 = tpu.memref_squeeze %dma_wait3A_147 : memref<1x40x64xi32, #tpu.memory_space<hbm>> -> memref<40x64xi32, #tpu.memory_space<hbm>>
      %dma_wait3A_149 = arith.constant 80 : i32
      %dma_wait3A_150 = arith.constant 0 : i32
      %dma_wait3A_151 = tpu.memref_slice %arg3[%add3A, %dma_wait3A_149, %dma_wait3A_150] : memref<32x160x64xi32, #tpu.memory_space<hbm>> -> memref<1x40x64xi32, #tpu.memory_space<hbm>>
      %dma_wait3A_152 = tpu.memref_squeeze %dma_wait3A_151 : memref<1x40x64xi32, #tpu.memory_space<hbm>> -> memref<40x64xi32, #tpu.memory_space<hbm>>
      tpu.wait_dma2 semaphore(%run_scoped3A : memref<!tpu.dma_semaphore, #tpu.memory_space<semaphore_mem>>) src(%dma_wait3A_152 : memref<40x64xi32, #tpu.memory_space<hbm>>) dst(%arg6 : memref<40x64xi32, #tpu.memory_space<vmem>>)
      tpu.yield
    }) : () -> ()
    "tpu.region"() ({
      %run_scoped3A = tpu.sem_alloc : memref<!tpu.dma_semaphore, #tpu.memory_space<semaphore_mem>>
      %dma_start3A_137 = arith.constant 80 : i32
      %dma_start3A_138 = arith.constant 0 : i32
      %dma_start3A_139 = tpu.memref_slice %arg4[%add3A, %dma_start3A_137, %dma_start3A_138] : memref<32x160x64xi32, #tpu.memory_space<hbm>> -> memref<1x40x64xi32, #tpu.memory_space<hbm>>
      %dma_start3A_140 = tpu.memref_squeeze %dma_start3A_139 : memref<1x40x64xi32, #tpu.memory_space<hbm>> -> memref<40x64xi32, #tpu.memory_space<hbm>>
      %dma_start3A_141 = arith.constant 80 : i32
      %dma_start3A_142 = arith.constant 0 : i32
      %dma_start3A_143 = tpu.memref_slice %arg4[%add3A, %dma_start3A_141, %dma_start3A_142] : memref<32x160x64xi32, #tpu.memory_space<hbm>> -> memref<1x40x64xi32, #tpu.memory_space<hbm>>
      %dma_start3A_144 = tpu.memref_squeeze %dma_start3A_143 : memref<1x40x64xi32, #tpu.memory_space<hbm>> -> memref<40x64xi32, #tpu.memory_space<hbm>>
      tpu.enqueue_dma source(%dma_start3A_144 : memref<40x64xi32, #tpu.memory_space<hbm>>) target(%arg7 : memref<40x64xi32, #tpu.memory_space<vmem>>) target_semaphore(%run_scoped3A : memref<!tpu.dma_semaphore, #tpu.memory_space<semaphore_mem>>)
      %dma_wait3A_145 = arith.constant 80 : i32
      %dma_wait3A_146 = arith.constant 0 : i32
      %dma_wait3A_147 = tpu.memref_slice %arg4[%add3A, %dma_wait3A_145, %dma_wait3A_146] : memref<32x160x64xi32, #tpu.memory_space<hbm>> -> memref<1x40x64xi32, #tpu.memory_space<hbm>>
      %dma_wait3A_148 = tpu.memref_squeeze %dma_wait3A_147 : memref<1x40x64xi32, #tpu.memory_space<hbm>> -> memref<40x64xi32, #tpu.memory_space<hbm>>
      %dma_wait3A_149 = arith.constant 80 : i32
      %dma_wait3A_150 = arith.constant 0 : i32
      %dma_wait3A_151 = tpu.memref_slice %arg4[%add3A, %dma_wait3A_149, %dma_wait3A_150] : memref<32x160x64xi32, #tpu.memory_space<hbm>> -> memref<1x40x64xi32, #tpu.memory_space<hbm>>
      %dma_wait3A_152 = tpu.memref_squeeze %dma_wait3A_151 : memref<1x40x64xi32, #tpu.memory_space<hbm>> -> memref<40x64xi32, #tpu.memory_space<hbm>>
      tpu.wait_dma2 semaphore(%run_scoped3A : memref<!tpu.dma_semaphore, #tpu.memory_space<semaphore_mem>>) src(%dma_wait3A_152 : memref<40x64xi32, #tpu.memory_space<hbm>>) dst(%arg7 : memref<40x64xi32, #tpu.memory_space<vmem>>)
      tpu.yield
    }) : () -> ()
    %dma_start3A_68 = arith.constant 0 : i32
    %dma_start3A_69 = arith.constant 0 : i32
    %dma_start3A_70 = tpu.memref_slice %arg6[%dma_start3A_68, %dma_start3A_69] : memref<40x64xi32, #tpu.memory_space<vmem>> -> memref<1x64xi32, #tpu.memory_space<vmem>>
    %dma_start3A_71 = tpu.memref_squeeze %dma_start3A_70 : memref<1x64xi32, #tpu.memory_space<vmem>> -> memref<64xi32, #tpu.memory_space<vmem>>
    %dma_start3A_72 = arith.constant 0 : i32
    %dma_start3A_73 = arith.constant 0 : i32
    %dma_start3A_74 = tpu.memref_slice %arg2[%dma_start3A_72, %dma_start3A_73] : memref<10240x128xf32, #tpu.memory_space<hbm>> -> memref<10240x128xf32, #tpu.memory_space<hbm>>
    tpu.enqueue_indirect_dma source(%dma_start3A_74 : memref<10240x128xf32, #tpu.memory_space<hbm>>) target(%arg8 : memref<64x128xf32, #tpu.memory_space<vmem>>) offsets(%dma_start3A_71 : memref<64xi32, #tpu.memory_space<vmem>>) semaphore(%arg13 : memref<!tpu.dma_semaphore, #tpu.memory_space<semaphore_mem>>)
    %dma_start3A_75 = arith.constant 1 : i32
    %dma_start3A_76 = arith.constant 0 : i32
    %dma_start3A_77 = tpu.memref_slice %arg6[%dma_start3A_75, %dma_start3A_76] : memref<40x64xi32, #tpu.memory_space<vmem>> -> memref<1x64xi32, #tpu.memory_space<vmem>>
    %dma_start3A_78 = tpu.memref_squeeze %dma_start3A_77 : memref<1x64xi32, #tpu.memory_space<vmem>> -> memref<64xi32, #tpu.memory_space<vmem>>
    %dma_start3A_79 = arith.constant 0 : i32
    %dma_start3A_80 = arith.constant 0 : i32
    %dma_start3A_81 = tpu.memref_slice %arg2[%dma_start3A_79, %dma_start3A_80] : memref<10240x128xf32, #tpu.memory_space<hbm>> -> memref<10240x128xf32, #tpu.memory_space<hbm>>
    tpu.enqueue_indirect_dma source(%dma_start3A_81 : memref<10240x128xf32, #tpu.memory_space<hbm>>) target(%arg9 : memref<64x128xf32, #tpu.memory_space<vmem>>) offsets(%dma_start3A_78 : memref<64xi32, #tpu.memory_space<vmem>>) semaphore(%arg14 : memref<!tpu.dma_semaphore, #tpu.memory_space<semaphore_mem>>)
    %dma_start3A_82 = arith.constant 2 : i32
    %dma_start3A_83 = arith.constant 0 : i32
    %dma_start3A_84 = tpu.memref_slice %arg6[%dma_start3A_82, %dma_start3A_83] : memref<40x64xi32, #tpu.memory_space<vmem>> -> memref<1x64xi32, #tpu.memory_space<vmem>>
    %dma_start3A_85 = tpu.memref_squeeze %dma_start3A_84 : memref<1x64xi32, #tpu.memory_space<vmem>> -> memref<64xi32, #tpu.memory_space<vmem>>
    %dma_start3A_86 = arith.constant 0 : i32
    %dma_start3A_87 = arith.constant 0 : i32
    %dma_start3A_88 = tpu.memref_slice %arg2[%dma_start3A_86, %dma_start3A_87] : memref<10240x128xf32, #tpu.memory_space<hbm>> -> memref<10240x128xf32, #tpu.memory_space<hbm>>
    tpu.enqueue_indirect_dma source(%dma_start3A_88 : memref<10240x128xf32, #tpu.memory_space<hbm>>) target(%arg10 : memref<64x128xf32, #tpu.memory_space<vmem>>) offsets(%dma_start3A_85 : memref<64xi32, #tpu.memory_space<vmem>>) semaphore(%arg15 : memref<!tpu.dma_semaphore, #tpu.memory_space<semaphore_mem>>)
    %scan3A_89 = arith.constant 0 : i32
    %scan3A_90 = arith.constant 0 : i32
    %scan3A_91 = arith.constant 10 : i32
    %scan3A_92 = arith.addi %scan3A_90, %scan3A_91 : i32
    %scan3A_93 = arith.constant 1 : i32
    scf.for %scan3A_137 = %scan3A_90 to %scan3A_92 step %scan3A_93  : i32 {
      %mul3A_138 = arith.constant 4 : i32
      %mul3A_139 = arith.muli %mul3A_138, %scan3A_137 : i32
      %add3A_140 = arith.constant 0 : i32
      %add3A_141 = arith.addi %mul3A_139, %add3A_140 : i32
      %dma_wait3A_142 = arith.constant 0 : i32
      %dma_wait3A_143 = tpu.memref_slice %arg6[%add3A_141, %dma_wait3A_142] : memref<40x64xi32, #tpu.memory_space<vmem>> -> memref<1x64xi32, #tpu.memory_space<vmem>>
      %dma_wait3A_144 = tpu.memref_squeeze %dma_wait3A_143 : memref<1x64xi32, #tpu.memory_space<vmem>> -> memref<64xi32, #tpu.memory_space<vmem>>
      %dma_wait3A_145 = arith.constant 0 : i32
      %dma_wait3A_146 = arith.constant 0 : i32
      %dma_wait3A_147 = tpu.memref_slice %arg2[%dma_wait3A_145, %dma_wait3A_146] : memref<10240x128xf32, #tpu.memory_space<hbm>> -> memref<10240x128xf32, #tpu.memory_space<hbm>>
      tpu.wait_indirect_dma semaphore(%arg13 : memref<!tpu.dma_semaphore, #tpu.memory_space<semaphore_mem>>) src(%dma_wait3A_147 : memref<10240x128xf32, #tpu.memory_space<hbm>>) dst(%arg8 : memref<64x128xf32, #tpu.memory_space<vmem>>)
      %dma_start3A_148 = arith.constant 0 : i32
      %dma_start3A_149 = tpu.memref_slice %arg7[%add3A_141, %dma_start3A_148] : memref<40x64xi32, #tpu.memory_space<vmem>> -> memref<1x64xi32, #tpu.memory_space<vmem>>
      %dma_start3A_150 = tpu.memref_squeeze %dma_start3A_149 : memref<1x64xi32, #tpu.memory_space<vmem>> -> memref<64xi32, #tpu.memory_space<vmem>>
      %dma_start3A_151 = arith.constant 0 : i32
      %dma_start3A_152 = arith.constant 0 : i32
      %dma_start3A_153 = tpu.memref_slice %arg12[%dma_start3A_151, %dma_start3A_152] : memref<10240x128xf32, #tpu.memory_space<vmem_shared>> -> memref<10240x128xf32, #tpu.memory_space<vmem_shared>>
      tpu.enqueue_indirect_dma source(%arg8 : memref<64x128xf32, #tpu.memory_space<vmem>>) target(%dma_start3A_153 : memref<10240x128xf32, #tpu.memory_space<vmem_shared>>) offsets(%dma_start3A_150 : memref<64xi32, #tpu.memory_space<vmem>>) semaphore(%arg17 : memref<!tpu.dma_semaphore, #tpu.memory_space<semaphore_mem>>) {add = true}
      %ge3A = arith.constant 1 : i32
      %ge3A_154 = arith.cmpi sge, %add3A_141, %ge3A : i32
      %convert_element_type3A = arith.extui %ge3A_154 : i1 to i32
      %cond3A = arith.constant 0 : i32
      %cond3A_155 = arith.cmpi ne, %convert_element_type3A, %cond3A : i32
      scf.if %cond3A_155 {
        %sub3A = arith.constant 1 : i32
        %sub3A_246 = arith.subi %add3A_141, %sub3A : i32
        %dma_wait3A_247 = arith.constant 0 : i32
        %dma_wait3A_248 = tpu.memref_slice %arg7[%sub3A_246, %dma_wait3A_247] : memref<40x64xi32, #tpu.memory_space<vmem>> -> memref<1x64xi32, #tpu.memory_space<vmem>>
        %dma_wait3A_249 = tpu.memref_squeeze %dma_wait3A_248 : memref<1x64xi32, #tpu.memory_space<vmem>> -> memref<64xi32, #tpu.memory_space<vmem>>
        %dma_wait3A_250 = arith.constant 0 : i32
        %dma_wait3A_251 = arith.constant 0 : i32
        %dma_wait3A_252 = tpu.memref_slice %arg12[%dma_wait3A_250, %dma_wait3A_251] : memref<10240x128xf32, #tpu.memory_space<vmem_shared>> -> memref<10240x128xf32, #tpu.memory_space<vmem_shared>>
        tpu.wait_indirect_dma semaphore(%arg20 : memref<!tpu.dma_semaphore, #tpu.memory_space<semaphore_mem>>) src(%arg11 : memref<64x128xf32, #tpu.memory_space<vmem>>) dst(%dma_wait3A_252 : memref<10240x128xf32, #tpu.memory_space<vmem_shared>>)
      } else {
      }
      %add3A_156 = arith.constant 3 : i32
      %add3A_157 = arith.addi %add3A_141, %add3A_156 : i32
      %lt3A = arith.constant 40 : i32
      %lt3A_158 = arith.cmpi slt, %add3A_157, %lt3A : i32
      %convert_element_type3A_159 = arith.extui %lt3A_158 : i1 to i32
      %cond3A_160 = arith.constant 0 : i32
      %cond3A_161 = arith.cmpi ne, %convert_element_type3A_159, %cond3A_160 : i32
      scf.if %cond3A_161 {
        %add3A_246 = arith.constant 3 : i32
        %add3A_247 = arith.addi %add3A_141, %add3A_246 : i32
        %dma_start3A_248 = arith.constant 0 : i32
        %dma_start3A_249 = tpu.memref_slice %arg6[%add3A_247, %dma_start3A_248] : memref<40x64xi32, #tpu.memory_space<vmem>> -> memref<1x64xi32, #tpu.memory_space<vmem>>
        %dma_start3A_250 = tpu.memref_squeeze %dma_start3A_249 : memref<1x64xi32, #tpu.memory_space<vmem>> -> memref<64xi32, #tpu.memory_space<vmem>>
        %dma_start3A_251 = arith.constant 0 : i32
        %dma_start3A_252 = arith.constant 0 : i32
        %dma_start3A_253 = tpu.memref_slice %arg2[%dma_start3A_251, %dma_start3A_252] : memref<10240x128xf32, #tpu.memory_space<hbm>> -> memref<10240x128xf32, #tpu.memory_space<hbm>>
        tpu.enqueue_indirect_dma source(%dma_start3A_253 : memref<10240x128xf32, #tpu.memory_space<hbm>>) target(%arg11 : memref<64x128xf32, #tpu.memory_space<vmem>>) offsets(%dma_start3A_250 : memref<64xi32, #tpu.memory_space<vmem>>) semaphore(%arg16 : memref<!tpu.dma_semaphore, #tpu.memory_space<semaphore_mem>>)
      } else {
      }
      %mul3A_162 = arith.constant 4 : i32
      %mul3A_163 = arith.muli %mul3A_162, %scan3A_137 : i32
      %add3A_164 = arith.constant 1 : i32
      %add3A_165 = arith.addi %mul3A_163, %add3A_164 : i32
      %dma_wait3A_166 = arith.constant 0 : i32
      %dma_wait3A_167 = tpu.memref_slice %arg6[%add3A_165, %dma_wait3A_166] : memref<40x64xi32, #tpu.memory_space<vmem>> -> memref<1x64xi32, #tpu.memory_space<vmem>>
      %dma_wait3A_168 = tpu.memref_squeeze %dma_wait3A_167 : memref<1x64xi32, #tpu.memory_space<vmem>> -> memref<64xi32, #tpu.memory_space<vmem>>
      %dma_wait3A_169 = arith.constant 0 : i32
      %dma_wait3A_170 = arith.constant 0 : i32
      %dma_wait3A_171 = tpu.memref_slice %arg2[%dma_wait3A_169, %dma_wait3A_170] : memref<10240x128xf32, #tpu.memory_space<hbm>> -> memref<10240x128xf32, #tpu.memory_space<hbm>>
      tpu.wait_indirect_dma semaphore(%arg14 : memref<!tpu.dma_semaphore, #tpu.memory_space<semaphore_mem>>) src(%dma_wait3A_171 : memref<10240x128xf32, #tpu.memory_space<hbm>>) dst(%arg9 : memref<64x128xf32, #tpu.memory_space<vmem>>)
      %dma_start3A_172 = arith.constant 0 : i32
      %dma_start3A_173 = tpu.memref_slice %arg7[%add3A_165, %dma_start3A_172] : memref<40x64xi32, #tpu.memory_space<vmem>> -> memref<1x64xi32, #tpu.memory_space<vmem>>
      %dma_start3A_174 = tpu.memref_squeeze %dma_start3A_173 : memref<1x64xi32, #tpu.memory_space<vmem>> -> memref<64xi32, #tpu.memory_space<vmem>>
      %dma_start3A_175 = arith.constant 0 : i32
      %dma_start3A_176 = arith.constant 0 : i32
      %dma_start3A_177 = tpu.memref_slice %arg12[%dma_start3A_175, %dma_start3A_176] : memref<10240x128xf32, #tpu.memory_space<vmem_shared>> -> memref<10240x128xf32, #tpu.memory_space<vmem_shared>>
      tpu.enqueue_indirect_dma source(%arg9 : memref<64x128xf32, #tpu.memory_space<vmem>>) target(%dma_start3A_177 : memref<10240x128xf32, #tpu.memory_space<vmem_shared>>) offsets(%dma_start3A_174 : memref<64xi32, #tpu.memory_space<vmem>>) semaphore(%arg18 : memref<!tpu.dma_semaphore, #tpu.memory_space<semaphore_mem>>) {add = true}
      %ge3A_178 = arith.constant 1 : i32
      %ge3A_179 = arith.cmpi sge, %add3A_165, %ge3A_178 : i32
      %convert_element_type3A_180 = arith.extui %ge3A_179 : i1 to i32
      %cond3A_181 = arith.constant 0 : i32
      %cond3A_182 = arith.cmpi ne, %convert_element_type3A_180, %cond3A_181 : i32
      scf.if %cond3A_182 {
        %sub3A = arith.constant 1 : i32
        %sub3A_246 = arith.subi %add3A_165, %sub3A : i32
        %dma_wait3A_247 = arith.constant 0 : i32
        %dma_wait3A_248 = tpu.memref_slice %arg7[%sub3A_246, %dma_wait3A_247] : memref<40x64xi32, #tpu.memory_space<vmem>> -> memref<1x64xi32, #tpu.memory_space<vmem>>
        %dma_wait3A_249 = tpu.memref_squeeze %dma_wait3A_248 : memref<1x64xi32, #tpu.memory_space<vmem>> -> memref<64xi32, #tpu.memory_space<vmem>>
        %dma_wait3A_250 = arith.constant 0 : i32
        %dma_wait3A_251 = arith.constant 0 : i32
        %dma_wait3A_252 = tpu.memref_slice %arg12[%dma_wait3A_250, %dma_wait3A_251] : memref<10240x128xf32, #tpu.memory_space<vmem_shared>> -> memref<10240x128xf32, #tpu.memory_space<vmem_shared>>
        tpu.wait_indirect_dma semaphore(%arg17 : memref<!tpu.dma_semaphore, #tpu.memory_space<semaphore_mem>>) src(%arg8 : memref<64x128xf32, #tpu.memory_space<vmem>>) dst(%dma_wait3A_252 : memref<10240x128xf32, #tpu.memory_space<vmem_shared>>)
      } else {
      }
      %add3A_183 = arith.constant 3 : i32
      %add3A_184 = arith.addi %add3A_165, %add3A_183 : i32
      %lt3A_185 = arith.constant 40 : i32
      %lt3A_186 = arith.cmpi slt, %add3A_184, %lt3A_185 : i32
      %convert_element_type3A_187 = arith.extui %lt3A_186 : i1 to i32
      %cond3A_188 = arith.constant 0 : i32
      %cond3A_189 = arith.cmpi ne, %convert_element_type3A_187, %cond3A_188 : i32
      scf.if %cond3A_189 {
        %add3A_246 = arith.constant 3 : i32
        %add3A_247 = arith.addi %add3A_165, %add3A_246 : i32
        %dma_start3A_248 = arith.constant 0 : i32
        %dma_start3A_249 = tpu.memref_slice %arg6[%add3A_247, %dma_start3A_248] : memref<40x64xi32, #tpu.memory_space<vmem>> -> memref<1x64xi32, #tpu.memory_space<vmem>>
        %dma_start3A_250 = tpu.memref_squeeze %dma_start3A_249 : memref<1x64xi32, #tpu.memory_space<vmem>> -> memref<64xi32, #tpu.memory_space<vmem>>
        %dma_start3A_251 = arith.constant 0 : i32
        %dma_start3A_252 = arith.constant 0 : i32
        %dma_start3A_253 = tpu.memref_slice %arg2[%dma_start3A_251, %dma_start3A_252] : memref<10240x128xf32, #tpu.memory_space<hbm>> -> memref<10240x128xf32, #tpu.memory_space<hbm>>
        tpu.enqueue_indirect_dma source(%dma_start3A_253 : memref<10240x128xf32, #tpu.memory_space<hbm>>) target(%arg8 : memref<64x128xf32, #tpu.memory_space<vmem>>) offsets(%dma_start3A_250 : memref<64xi32, #tpu.memory_space<vmem>>) semaphore(%arg13 : memref<!tpu.dma_semaphore, #tpu.memory_space<semaphore_mem>>)
      } else {
      }
      %mul3A_190 = arith.constant 4 : i32
      %mul3A_191 = arith.muli %mul3A_190, %scan3A_137 : i32
      %add3A_192 = arith.constant 2 : i32
      %add3A_193 = arith.addi %mul3A_191, %add3A_192 : i32
      %dma_wait3A_194 = arith.constant 0 : i32
      %dma_wait3A_195 = tpu.memref_slice %arg6[%add3A_193, %dma_wait3A_194] : memref<40x64xi32, #tpu.memory_space<vmem>> -> memref<1x64xi32, #tpu.memory_space<vmem>>
      %dma_wait3A_196 = tpu.memref_squeeze %dma_wait3A_195 : memref<1x64xi32, #tpu.memory_space<vmem>> -> memref<64xi32, #tpu.memory_space<vmem>>
      %dma_wait3A_197 = arith.constant 0 : i32
      %dma_wait3A_198 = arith.constant 0 : i32
      %dma_wait3A_199 = tpu.memref_slice %arg2[%dma_wait3A_197, %dma_wait3A_198] : memref<10240x128xf32, #tpu.memory_space<hbm>> -> memref<10240x128xf32, #tpu.memory_space<hbm>>
      tpu.wait_indirect_dma semaphore(%arg15 : memref<!tpu.dma_semaphore, #tpu.memory_space<semaphore_mem>>) src(%dma_wait3A_199 : memref<10240x128xf32, #tpu.memory_space<hbm>>) dst(%arg10 : memref<64x128xf32, #tpu.memory_space<vmem>>)
      %dma_start3A_200 = arith.constant 0 : i32
      %dma_start3A_201 = tpu.memref_slice %arg7[%add3A_193, %dma_start3A_200] : memref<40x64xi32, #tpu.memory_space<vmem>> -> memref<1x64xi32, #tpu.memory_space<vmem>>
      %dma_start3A_202 = tpu.memref_squeeze %dma_start3A_201 : memref<1x64xi32, #tpu.memory_space<vmem>> -> memref<64xi32, #tpu.memory_space<vmem>>
      %dma_start3A_203 = arith.constant 0 : i32
      %dma_start3A_204 = arith.constant 0 : i32
      %dma_start3A_205 = tpu.memref_slice %arg12[%dma_start3A_203, %dma_start3A_204] : memref<10240x128xf32, #tpu.memory_space<vmem_shared>> -> memref<10240x128xf32, #tpu.memory_space<vmem_shared>>
      tpu.enqueue_indirect_dma source(%arg10 : memref<64x128xf32, #tpu.memory_space<vmem>>) target(%dma_start3A_205 : memref<10240x128xf32, #tpu.memory_space<vmem_shared>>) offsets(%dma_start3A_202 : memref<64xi32, #tpu.memory_space<vmem>>) semaphore(%arg19 : memref<!tpu.dma_semaphore, #tpu.memory_space<semaphore_mem>>) {add = true}
      %ge3A_206 = arith.constant 1 : i32
      %ge3A_207 = arith.cmpi sge, %add3A_193, %ge3A_206 : i32
      %convert_element_type3A_208 = arith.extui %ge3A_207 : i1 to i32
      %cond3A_209 = arith.constant 0 : i32
      %cond3A_210 = arith.cmpi ne, %convert_element_type3A_208, %cond3A_209 : i32
      scf.if %cond3A_210 {
        %sub3A = arith.constant 1 : i32
        %sub3A_246 = arith.subi %add3A_193, %sub3A : i32
        %dma_wait3A_247 = arith.constant 0 : i32
        %dma_wait3A_248 = tpu.memref_slice %arg7[%sub3A_246, %dma_wait3A_247] : memref<40x64xi32, #tpu.memory_space<vmem>> -> memref<1x64xi32, #tpu.memory_space<vmem>>
        %dma_wait3A_249 = tpu.memref_squeeze %dma_wait3A_248 : memref<1x64xi32, #tpu.memory_space<vmem>> -> memref<64xi32, #tpu.memory_space<vmem>>
        %dma_wait3A_250 = arith.constant 0 : i32
        %dma_wait3A_251 = arith.constant 0 : i32
        %dma_wait3A_252 = tpu.memref_slice %arg12[%dma_wait3A_250, %dma_wait3A_251] : memref<10240x128xf32, #tpu.memory_space<vmem_shared>> -> memref<10240x128xf32, #tpu.memory_space<vmem_shared>>
        tpu.wait_indirect_dma semaphore(%arg18 : memref<!tpu.dma_semaphore, #tpu.memory_space<semaphore_mem>>) src(%arg9 : memref<64x128xf32, #tpu.memory_space<vmem>>) dst(%dma_wait3A_252 : memref<10240x128xf32, #tpu.memory_space<vmem_shared>>)
      } else {
      }
      %add3A_211 = arith.constant 3 : i32
      %add3A_212 = arith.addi %add3A_193, %add3A_211 : i32
      %lt3A_213 = arith.constant 40 : i32
      %lt3A_214 = arith.cmpi slt, %add3A_212, %lt3A_213 : i32
      %convert_element_type3A_215 = arith.extui %lt3A_214 : i1 to i32
      %cond3A_216 = arith.constant 0 : i32
      %cond3A_217 = arith.cmpi ne, %convert_element_type3A_215, %cond3A_216 : i32
      scf.if %cond3A_217 {
        %add3A_246 = arith.constant 3 : i32
        %add3A_247 = arith.addi %add3A_193, %add3A_246 : i32
        %dma_start3A_248 = arith.constant 0 : i32
        %dma_start3A_249 = tpu.memref_slice %arg6[%add3A_247, %dma_start3A_248] : memref<40x64xi32, #tpu.memory_space<vmem>> -> memref<1x64xi32, #tpu.memory_space<vmem>>
        %dma_start3A_250 = tpu.memref_squeeze %dma_start3A_249 : memref<1x64xi32, #tpu.memory_space<vmem>> -> memref<64xi32, #tpu.memory_space<vmem>>
        %dma_start3A_251 = arith.constant 0 : i32
        %dma_start3A_252 = arith.constant 0 : i32
        %dma_start3A_253 = tpu.memref_slice %arg2[%dma_start3A_251, %dma_start3A_252] : memref<10240x128xf32, #tpu.memory_space<hbm>> -> memref<10240x128xf32, #tpu.memory_space<hbm>>
        tpu.enqueue_indirect_dma source(%dma_start3A_253 : memref<10240x128xf32, #tpu.memory_space<hbm>>) target(%arg9 : memref<64x128xf32, #tpu.memory_space<vmem>>) offsets(%dma_start3A_250 : memref<64xi32, #tpu.memory_space<vmem>>) semaphore(%arg14 : memref<!tpu.dma_semaphore, #tpu.memory_space<semaphore_mem>>)
      } else {
      }
      %mul3A_218 = arith.constant 4 : i32
      %mul3A_219 = arith.muli %mul3A_218, %scan3A_137 : i32
      %add3A_220 = arith.constant 3 : i32
      %add3A_221 = arith.addi %mul3A_219, %add3A_220 : i32
      %dma_wait3A_222 = arith.constant 0 : i32
      %dma_wait3A_223 = tpu.memref_slice %arg6[%add3A_221, %dma_wait3A_222] : memref<40x64xi32, #tpu.memory_space<vmem>> -> memref<1x64xi32, #tpu.memory_space<vmem>>
      %dma_wait3A_224 = tpu.memref_squeeze %dma_wait3A_223 : memref<1x64xi32, #tpu.memory_space<vmem>> -> memref<64xi32, #tpu.memory_space<vmem>>
      %dma_wait3A_225 = arith.constant 0 : i32
      %dma_wait3A_226 = arith.constant 0 : i32
      %dma_wait3A_227 = tpu.memref_slice %arg2[%dma_wait3A_225, %dma_wait3A_226] : memref<10240x128xf32, #tpu.memory_space<hbm>> -> memref<10240x128xf32, #tpu.memory_space<hbm>>
      tpu.wait_indirect_dma semaphore(%arg16 : memref<!tpu.dma_semaphore, #tpu.memory_space<semaphore_mem>>) src(%dma_wait3A_227 : memref<10240x128xf32, #tpu.memory_space<hbm>>) dst(%arg11 : memref<64x128xf32, #tpu.memory_space<vmem>>)
      %dma_start3A_228 = arith.constant 0 : i32
      %dma_start3A_229 = tpu.memref_slice %arg7[%add3A_221, %dma_start3A_228] : memref<40x64xi32, #tpu.memory_space<vmem>> -> memref<1x64xi32, #tpu.memory_space<vmem>>
      %dma_start3A_230 = tpu.memref_squeeze %dma_start3A_229 : memref<1x64xi32, #tpu.memory_space<vmem>> -> memref<64xi32, #tpu.memory_space<vmem>>
      %dma_start3A_231 = arith.constant 0 : i32
      %dma_start3A_232 = arith.constant 0 : i32
      %dma_start3A_233 = tpu.memref_slice %arg12[%dma_start3A_231, %dma_start3A_232] : memref<10240x128xf32, #tpu.memory_space<vmem_shared>> -> memref<10240x128xf32, #tpu.memory_space<vmem_shared>>
      tpu.enqueue_indirect_dma source(%arg11 : memref<64x128xf32, #tpu.memory_space<vmem>>) target(%dma_start3A_233 : memref<10240x128xf32, #tpu.memory_space<vmem_shared>>) offsets(%dma_start3A_230 : memref<64xi32, #tpu.memory_space<vmem>>) semaphore(%arg20 : memref<!tpu.dma_semaphore, #tpu.memory_space<semaphore_mem>>) {add = true}
      %ge3A_234 = arith.constant 1 : i32
      %ge3A_235 = arith.cmpi sge, %add3A_221, %ge3A_234 : i32
      %convert_element_type3A_236 = arith.extui %ge3A_235 : i1 to i32
      %cond3A_237 = arith.constant 0 : i32
      %cond3A_238 = arith.cmpi ne, %convert_element_type3A_236, %cond3A_237 : i32
      scf.if %cond3A_238 {
        %sub3A = arith.constant 1 : i32
        %sub3A_246 = arith.subi %add3A_221, %sub3A : i32
        %dma_wait3A_247 = arith.constant 0 : i32
        %dma_wait3A_248 = tpu.memref_slice %arg7[%sub3A_246, %dma_wait3A_247] : memref<40x64xi32, #tpu.memory_space<vmem>> -> memref<1x64xi32, #tpu.memory_space<vmem>>
        %dma_wait3A_249 = tpu.memref_squeeze %dma_wait3A_248 : memref<1x64xi32, #tpu.memory_space<vmem>> -> memref<64xi32, #tpu.memory_space<vmem>>
        %dma_wait3A_250 = arith.constant 0 : i32
        %dma_wait3A_251 = arith.constant 0 : i32
        %dma_wait3A_252 = tpu.memref_slice %arg12[%dma_wait3A_250, %dma_wait3A_251] : memref<10240x128xf32, #tpu.memory_space<vmem_shared>> -> memref<10240x128xf32, #tpu.memory_space<vmem_shared>>
        tpu.wait_indirect_dma semaphore(%arg19 : memref<!tpu.dma_semaphore, #tpu.memory_space<semaphore_mem>>) src(%arg10 : memref<64x128xf32, #tpu.memory_space<vmem>>) dst(%dma_wait3A_252 : memref<10240x128xf32, #tpu.memory_space<vmem_shared>>)
      } else {
      }
      %add3A_239 = arith.constant 3 : i32
      %add3A_240 = arith.addi %add3A_221, %add3A_239 : i32
      %lt3A_241 = arith.constant 40 : i32
      %lt3A_242 = arith.cmpi slt, %add3A_240, %lt3A_241 : i32
      %convert_element_type3A_243 = arith.extui %lt3A_242 : i1 to i32
      %cond3A_244 = arith.constant 0 : i32
      %cond3A_245 = arith.cmpi ne, %convert_element_type3A_243, %cond3A_244 : i32
      scf.if %cond3A_245 {
        %add3A_246 = arith.constant 3 : i32
        %add3A_247 = arith.addi %add3A_221, %add3A_246 : i32
        %dma_start3A_248 = arith.constant 0 : i32
        %dma_start3A_249 = tpu.memref_slice %arg6[%add3A_247, %dma_start3A_248] : memref<40x64xi32, #tpu.memory_space<vmem>> -> memref<1x64xi32, #tpu.memory_space<vmem>>
        %dma_start3A_250 = tpu.memref_squeeze %dma_start3A_249 : memref<1x64xi32, #tpu.memory_space<vmem>> -> memref<64xi32, #tpu.memory_space<vmem>>
        %dma_start3A_251 = arith.constant 0 : i32
        %dma_start3A_252 = arith.constant 0 : i32
        %dma_start3A_253 = tpu.memref_slice %arg2[%dma_start3A_251, %dma_start3A_252] : memref<10240x128xf32, #tpu.memory_space<hbm>> -> memref<10240x128xf32, #tpu.memory_space<hbm>>
        tpu.enqueue_indirect_dma source(%dma_start3A_253 : memref<10240x128xf32, #tpu.memory_space<hbm>>) target(%arg10 : memref<64x128xf32, #tpu.memory_space<vmem>>) offsets(%dma_start3A_250 : memref<64xi32, #tpu.memory_space<vmem>>) semaphore(%arg15 : memref<!tpu.dma_semaphore, #tpu.memory_space<semaphore_mem>>)
      } else {
      }
    }
    %scan3A_94 = arith.constant 10 : i32
    %dma_wait3A_95 = arith.constant 39 : i32
    %dma_wait3A_96 = arith.constant 0 : i32
    %dma_wait3A_97 = tpu.memref_slice %arg7[%dma_wait3A_95, %dma_wait3A_96] : memref<40x64xi32, #tpu.memory_space<vmem>> -> memref<1x64xi32, #tpu.memory_space<vmem>>
    %dma_wait3A_98 = tpu.memref_squeeze %dma_wait3A_97 : memref<1x64xi32, #tpu.memory_space<vmem>> -> memref<64xi32, #tpu.memory_space<vmem>>
    %dma_wait3A_99 = arith.constant 0 : i32
    %dma_wait3A_100 = arith.constant 0 : i32
    %dma_wait3A_101 = tpu.memref_slice %arg12[%dma_wait3A_99, %dma_wait3A_100] : memref<10240x128xf32, #tpu.memory_space<vmem_shared>> -> memref<10240x128xf32, #tpu.memory_space<vmem_shared>>
    tpu.wait_indirect_dma semaphore(%arg20 : memref<!tpu.dma_semaphore, #tpu.memory_space<semaphore_mem>>) src(%arg11 : memref<64x128xf32, #tpu.memory_space<vmem>>) dst(%dma_wait3A_101 : memref<10240x128xf32, #tpu.memory_space<vmem_shared>>)
    "tpu.region"() ({
      %run_scoped3A = tpu.sem_alloc : memref<!tpu.dma_semaphore, #tpu.memory_space<semaphore_mem>>
      %dma_start3A_137 = arith.constant 120 : i32
      %dma_start3A_138 = arith.constant 0 : i32
      %dma_start3A_139 = tpu.memref_slice %arg3[%add3A, %dma_start3A_137, %dma_start3A_138] : memref<32x160x64xi32, #tpu.memory_space<hbm>> -> memref<1x40x64xi32, #tpu.memory_space<hbm>>
      %dma_start3A_140 = tpu.memref_squeeze %dma_start3A_139 : memref<1x40x64xi32, #tpu.memory_space<hbm>> -> memref<40x64xi32, #tpu.memory_space<hbm>>
      %dma_start3A_141 = arith.constant 120 : i32
      %dma_start3A_142 = arith.constant 0 : i32
      %dma_start3A_143 = tpu.memref_slice %arg3[%add3A, %dma_start3A_141, %dma_start3A_142] : memref<32x160x64xi32, #tpu.memory_space<hbm>> -> memref<1x40x64xi32, #tpu.memory_space<hbm>>
      %dma_start3A_144 = tpu.memref_squeeze %dma_start3A_143 : memref<1x40x64xi32, #tpu.memory_space<hbm>> -> memref<40x64xi32, #tpu.memory_space<hbm>>
      tpu.enqueue_dma source(%dma_start3A_144 : memref<40x64xi32, #tpu.memory_space<hbm>>) target(%arg6 : memref<40x64xi32, #tpu.memory_space<vmem>>) target_semaphore(%run_scoped3A : memref<!tpu.dma_semaphore, #tpu.memory_space<semaphore_mem>>)
      %dma_wait3A_145 = arith.constant 120 : i32
      %dma_wait3A_146 = arith.constant 0 : i32
      %dma_wait3A_147 = tpu.memref_slice %arg3[%add3A, %dma_wait3A_145, %dma_wait3A_146] : memref<32x160x64xi32, #tpu.memory_space<hbm>> -> memref<1x40x64xi32, #tpu.memory_space<hbm>>
      %dma_wait3A_148 = tpu.memref_squeeze %dma_wait3A_147 : memref<1x40x64xi32, #tpu.memory_space<hbm>> -> memref<40x64xi32, #tpu.memory_space<hbm>>
      %dma_wait3A_149 = arith.constant 120 : i32
      %dma_wait3A_150 = arith.constant 0 : i32
      %dma_wait3A_151 = tpu.memref_slice %arg3[%add3A, %dma_wait3A_149, %dma_wait3A_150] : memref<32x160x64xi32, #tpu.memory_space<hbm>> -> memref<1x40x64xi32, #tpu.memory_space<hbm>>
      %dma_wait3A_152 = tpu.memref_squeeze %dma_wait3A_151 : memref<1x40x64xi32, #tpu.memory_space<hbm>> -> memref<40x64xi32, #tpu.memory_space<hbm>>
      tpu.wait_dma2 semaphore(%run_scoped3A : memref<!tpu.dma_semaphore, #tpu.memory_space<semaphore_mem>>) src(%dma_wait3A_152 : memref<40x64xi32, #tpu.memory_space<hbm>>) dst(%arg6 : memref<40x64xi32, #tpu.memory_space<vmem>>)
      tpu.yield
    }) : () -> ()
    "tpu.region"() ({
      %run_scoped3A = tpu.sem_alloc : memref<!tpu.dma_semaphore, #tpu.memory_space<semaphore_mem>>
      %dma_start3A_137 = arith.constant 120 : i32
      %dma_start3A_138 = arith.constant 0 : i32
      %dma_start3A_139 = tpu.memref_slice %arg4[%add3A, %dma_start3A_137, %dma_start3A_138] : memref<32x160x64xi32, #tpu.memory_space<hbm>> -> memref<1x40x64xi32, #tpu.memory_space<hbm>>
      %dma_start3A_140 = tpu.memref_squeeze %dma_start3A_139 : memref<1x40x64xi32, #tpu.memory_space<hbm>> -> memref<40x64xi32, #tpu.memory_space<hbm>>
      %dma_start3A_141 = arith.constant 120 : i32
      %dma_start3A_142 = arith.constant 0 : i32
      %dma_start3A_143 = tpu.memref_slice %arg4[%add3A, %dma_start3A_141, %dma_start3A_142] : memref<32x160x64xi32, #tpu.memory_space<hbm>> -> memref<1x40x64xi32, #tpu.memory_space<hbm>>
      %dma_start3A_144 = tpu.memref_squeeze %dma_start3A_143 : memref<1x40x64xi32, #tpu.memory_space<hbm>> -> memref<40x64xi32, #tpu.memory_space<hbm>>
      tpu.enqueue_dma source(%dma_start3A_144 : memref<40x64xi32, #tpu.memory_space<hbm>>) target(%arg7 : memref<40x64xi32, #tpu.memory_space<vmem>>) target_semaphore(%run_scoped3A : memref<!tpu.dma_semaphore, #tpu.memory_space<semaphore_mem>>)
      %dma_wait3A_145 = arith.constant 120 : i32
      %dma_wait3A_146 = arith.constant 0 : i32
      %dma_wait3A_147 = tpu.memref_slice %arg4[%add3A, %dma_wait3A_145, %dma_wait3A_146] : memref<32x160x64xi32, #tpu.memory_space<hbm>> -> memref<1x40x64xi32, #tpu.memory_space<hbm>>
      %dma_wait3A_148 = tpu.memref_squeeze %dma_wait3A_147 : memref<1x40x64xi32, #tpu.memory_space<hbm>> -> memref<40x64xi32, #tpu.memory_space<hbm>>
      %dma_wait3A_149 = arith.constant 120 : i32
      %dma_wait3A_150 = arith.constant 0 : i32
      %dma_wait3A_151 = tpu.memref_slice %arg4[%add3A, %dma_wait3A_149, %dma_wait3A_150] : memref<32x160x64xi32, #tpu.memory_space<hbm>> -> memref<1x40x64xi32, #tpu.memory_space<hbm>>
      %dma_wait3A_152 = tpu.memref_squeeze %dma_wait3A_151 : memref<1x40x64xi32, #tpu.memory_space<hbm>> -> memref<40x64xi32, #tpu.memory_space<hbm>>
      tpu.wait_dma2 semaphore(%run_scoped3A : memref<!tpu.dma_semaphore, #tpu.memory_space<semaphore_mem>>) src(%dma_wait3A_152 : memref<40x64xi32, #tpu.memory_space<hbm>>) dst(%arg7 : memref<40x64xi32, #tpu.memory_space<vmem>>)
      tpu.yield
    }) : () -> ()
    %dma_start3A_102 = arith.constant 0 : i32
    %dma_start3A_103 = arith.constant 0 : i32
    %dma_start3A_104 = tpu.memref_slice %arg6[%dma_start3A_102, %dma_start3A_103] : memref<40x64xi32, #tpu.memory_space<vmem>> -> memref<1x64xi32, #tpu.memory_space<vmem>>
    %dma_start3A_105 = tpu.memref_squeeze %dma_start3A_104 : memref<1x64xi32, #tpu.memory_space<vmem>> -> memref<64xi32, #tpu.memory_space<vmem>>
    %dma_start3A_106 = arith.constant 0 : i32
    %dma_start3A_107 = arith.constant 0 : i32
    %dma_start3A_108 = tpu.memref_slice %arg2[%dma_start3A_106, %dma_start3A_107] : memref<10240x128xf32, #tpu.memory_space<hbm>> -> memref<10240x128xf32, #tpu.memory_space<hbm>>
    tpu.enqueue_indirect_dma source(%dma_start3A_108 : memref<10240x128xf32, #tpu.memory_space<hbm>>) target(%arg8 : memref<64x128xf32, #tpu.memory_space<vmem>>) offsets(%dma_start3A_105 : memref<64xi32, #tpu.memory_space<vmem>>) semaphore(%arg13 : memref<!tpu.dma_semaphore, #tpu.memory_space<semaphore_mem>>)
    %dma_start3A_109 = arith.constant 1 : i32
    %dma_start3A_110 = arith.constant 0 : i32
    %dma_start3A_111 = tpu.memref_slice %arg6[%dma_start3A_109, %dma_start3A_110] : memref<40x64xi32, #tpu.memory_space<vmem>> -> memref<1x64xi32, #tpu.memory_space<vmem>>
    %dma_start3A_112 = tpu.memref_squeeze %dma_start3A_111 : memref<1x64xi32, #tpu.memory_space<vmem>> -> memref<64xi32, #tpu.memory_space<vmem>>
    %dma_start3A_113 = arith.constant 0 : i32
    %dma_start3A_114 = arith.constant 0 : i32
    %dma_start3A_115 = tpu.memref_slice %arg2[%dma_start3A_113, %dma_start3A_114] : memref<10240x128xf32, #tpu.memory_space<hbm>> -> memref<10240x128xf32, #tpu.memory_space<hbm>>
    tpu.enqueue_indirect_dma source(%dma_start3A_115 : memref<10240x128xf32, #tpu.memory_space<hbm>>) target(%arg9 : memref<64x128xf32, #tpu.memory_space<vmem>>) offsets(%dma_start3A_112 : memref<64xi32, #tpu.memory_space<vmem>>) semaphore(%arg14 : memref<!tpu.dma_semaphore, #tpu.memory_space<semaphore_mem>>)
    %dma_start3A_116 = arith.constant 2 : i32
    %dma_start3A_117 = arith.constant 0 : i32
    %dma_start3A_118 = tpu.memref_slice %arg6[%dma_start3A_116, %dma_start3A_117] : memref<40x64xi32, #tpu.memory_space<vmem>> -> memref<1x64xi32, #tpu.memory_space<vmem>>
    %dma_start3A_119 = tpu.memref_squeeze %dma_start3A_118 : memref<1x64xi32, #tpu.memory_space<vmem>> -> memref<64xi32, #tpu.memory_space<vmem>>
    %dma_start3A_120 = arith.constant 0 : i32
    %dma_start3A_121 = arith.constant 0 : i32
    %dma_start3A_122 = tpu.memref_slice %arg2[%dma_start3A_120, %dma_start3A_121] : memref<10240x128xf32, #tpu.memory_space<hbm>> -> memref<10240x128xf32, #tpu.memory_space<hbm>>
    tpu.enqueue_indirect_dma source(%dma_start3A_122 : memref<10240x128xf32, #tpu.memory_space<hbm>>) target(%arg10 : memref<64x128xf32, #tpu.memory_space<vmem>>) offsets(%dma_start3A_119 : memref<64xi32, #tpu.memory_space<vmem>>) semaphore(%arg15 : memref<!tpu.dma_semaphore, #tpu.memory_space<semaphore_mem>>)
    %scan3A_123 = arith.constant 0 : i32
    %scan3A_124 = arith.constant 0 : i32
    %scan3A_125 = arith.constant 10 : i32
    %scan3A_126 = arith.addi %scan3A_124, %scan3A_125 : i32
    %scan3A_127 = arith.constant 1 : i32
    scf.for %scan3A_137 = %scan3A_124 to %scan3A_126 step %scan3A_127  : i32 {
      %mul3A_138 = arith.constant 4 : i32
      %mul3A_139 = arith.muli %mul3A_138, %scan3A_137 : i32
      %add3A_140 = arith.constant 0 : i32
      %add3A_141 = arith.addi %mul3A_139, %add3A_140 : i32
      %dma_wait3A_142 = arith.constant 0 : i32
      %dma_wait3A_143 = tpu.memref_slice %arg6[%add3A_141, %dma_wait3A_142] : memref<40x64xi32, #tpu.memory_space<vmem>> -> memref<1x64xi32, #tpu.memory_space<vmem>>
      %dma_wait3A_144 = tpu.memref_squeeze %dma_wait3A_143 : memref<1x64xi32, #tpu.memory_space<vmem>> -> memref<64xi32, #tpu.memory_space<vmem>>
      %dma_wait3A_145 = arith.constant 0 : i32
      %dma_wait3A_146 = arith.constant 0 : i32
      %dma_wait3A_147 = tpu.memref_slice %arg2[%dma_wait3A_145, %dma_wait3A_146] : memref<10240x128xf32, #tpu.memory_space<hbm>> -> memref<10240x128xf32, #tpu.memory_space<hbm>>
      tpu.wait_indirect_dma semaphore(%arg13 : memref<!tpu.dma_semaphore, #tpu.memory_space<semaphore_mem>>) src(%dma_wait3A_147 : memref<10240x128xf32, #tpu.memory_space<hbm>>) dst(%arg8 : memref<64x128xf32, #tpu.memory_space<vmem>>)
      %dma_start3A_148 = arith.constant 0 : i32
      %dma_start3A_149 = tpu.memref_slice %arg7[%add3A_141, %dma_start3A_148] : memref<40x64xi32, #tpu.memory_space<vmem>> -> memref<1x64xi32, #tpu.memory_space<vmem>>
      %dma_start3A_150 = tpu.memref_squeeze %dma_start3A_149 : memref<1x64xi32, #tpu.memory_space<vmem>> -> memref<64xi32, #tpu.memory_space<vmem>>
      %dma_start3A_151 = arith.constant 0 : i32
      %dma_start3A_152 = arith.constant 0 : i32
      %dma_start3A_153 = tpu.memref_slice %arg12[%dma_start3A_151, %dma_start3A_152] : memref<10240x128xf32, #tpu.memory_space<vmem_shared>> -> memref<10240x128xf32, #tpu.memory_space<vmem_shared>>
      tpu.enqueue_indirect_dma source(%arg8 : memref<64x128xf32, #tpu.memory_space<vmem>>) target(%dma_start3A_153 : memref<10240x128xf32, #tpu.memory_space<vmem_shared>>) offsets(%dma_start3A_150 : memref<64xi32, #tpu.memory_space<vmem>>) semaphore(%arg17 : memref<!tpu.dma_semaphore, #tpu.memory_space<semaphore_mem>>) {add = true}
      %ge3A = arith.constant 1 : i32
      %ge3A_154 = arith.cmpi sge, %add3A_141, %ge3A : i32
      %convert_element_type3A = arith.extui %ge3A_154 : i1 to i32
      %cond3A = arith.constant 0 : i32
      %cond3A_155 = arith.cmpi ne, %convert_element_type3A, %cond3A : i32
      scf.if %cond3A_155 {
        %sub3A = arith.constant 1 : i32
        %sub3A_246 = arith.subi %add3A_141, %sub3A : i32
        %dma_wait3A_247 = arith.constant 0 : i32
        %dma_wait3A_248 = tpu.memref_slice %arg7[%sub3A_246, %dma_wait3A_247] : memref<40x64xi32, #tpu.memory_space<vmem>> -> memref<1x64xi32, #tpu.memory_space<vmem>>
        %dma_wait3A_249 = tpu.memref_squeeze %dma_wait3A_248 : memref<1x64xi32, #tpu.memory_space<vmem>> -> memref<64xi32, #tpu.memory_space<vmem>>
        %dma_wait3A_250 = arith.constant 0 : i32
        %dma_wait3A_251 = arith.constant 0 : i32
        %dma_wait3A_252 = tpu.memref_slice %arg12[%dma_wait3A_250, %dma_wait3A_251] : memref<10240x128xf32, #tpu.memory_space<vmem_shared>> -> memref<10240x128xf32, #tpu.memory_space<vmem_shared>>
        tpu.wait_indirect_dma semaphore(%arg20 : memref<!tpu.dma_semaphore, #tpu.memory_space<semaphore_mem>>) src(%arg11 : memref<64x128xf32, #tpu.memory_space<vmem>>) dst(%dma_wait3A_252 : memref<10240x128xf32, #tpu.memory_space<vmem_shared>>)
      } else {
      }
      %add3A_156 = arith.constant 3 : i32
      %add3A_157 = arith.addi %add3A_141, %add3A_156 : i32
      %lt3A = arith.constant 40 : i32
      %lt3A_158 = arith.cmpi slt, %add3A_157, %lt3A : i32
      %convert_element_type3A_159 = arith.extui %lt3A_158 : i1 to i32
      %cond3A_160 = arith.constant 0 : i32
      %cond3A_161 = arith.cmpi ne, %convert_element_type3A_159, %cond3A_160 : i32
      scf.if %cond3A_161 {
        %add3A_246 = arith.constant 3 : i32
        %add3A_247 = arith.addi %add3A_141, %add3A_246 : i32
        %dma_start3A_248 = arith.constant 0 : i32
        %dma_start3A_249 = tpu.memref_slice %arg6[%add3A_247, %dma_start3A_248] : memref<40x64xi32, #tpu.memory_space<vmem>> -> memref<1x64xi32, #tpu.memory_space<vmem>>
        %dma_start3A_250 = tpu.memref_squeeze %dma_start3A_249 : memref<1x64xi32, #tpu.memory_space<vmem>> -> memref<64xi32, #tpu.memory_space<vmem>>
        %dma_start3A_251 = arith.constant 0 : i32
        %dma_start3A_252 = arith.constant 0 : i32
        %dma_start3A_253 = tpu.memref_slice %arg2[%dma_start3A_251, %dma_start3A_252] : memref<10240x128xf32, #tpu.memory_space<hbm>> -> memref<10240x128xf32, #tpu.memory_space<hbm>>
        tpu.enqueue_indirect_dma source(%dma_start3A_253 : memref<10240x128xf32, #tpu.memory_space<hbm>>) target(%arg11 : memref<64x128xf32, #tpu.memory_space<vmem>>) offsets(%dma_start3A_250 : memref<64xi32, #tpu.memory_space<vmem>>) semaphore(%arg16 : memref<!tpu.dma_semaphore, #tpu.memory_space<semaphore_mem>>)
      } else {
      }
      %mul3A_162 = arith.constant 4 : i32
      %mul3A_163 = arith.muli %mul3A_162, %scan3A_137 : i32
      %add3A_164 = arith.constant 1 : i32
      %add3A_165 = arith.addi %mul3A_163, %add3A_164 : i32
      %dma_wait3A_166 = arith.constant 0 : i32
      %dma_wait3A_167 = tpu.memref_slice %arg6[%add3A_165, %dma_wait3A_166] : memref<40x64xi32, #tpu.memory_space<vmem>> -> memref<1x64xi32, #tpu.memory_space<vmem>>
      %dma_wait3A_168 = tpu.memref_squeeze %dma_wait3A_167 : memref<1x64xi32, #tpu.memory_space<vmem>> -> memref<64xi32, #tpu.memory_space<vmem>>
      %dma_wait3A_169 = arith.constant 0 : i32
      %dma_wait3A_170 = arith.constant 0 : i32
      %dma_wait3A_171 = tpu.memref_slice %arg2[%dma_wait3A_169, %dma_wait3A_170] : memref<10240x128xf32, #tpu.memory_space<hbm>> -> memref<10240x128xf32, #tpu.memory_space<hbm>>
      tpu.wait_indirect_dma semaphore(%arg14 : memref<!tpu.dma_semaphore, #tpu.memory_space<semaphore_mem>>) src(%dma_wait3A_171 : memref<10240x128xf32, #tpu.memory_space<hbm>>) dst(%arg9 : memref<64x128xf32, #tpu.memory_space<vmem>>)
      %dma_start3A_172 = arith.constant 0 : i32
      %dma_start3A_173 = tpu.memref_slice %arg7[%add3A_165, %dma_start3A_172] : memref<40x64xi32, #tpu.memory_space<vmem>> -> memref<1x64xi32, #tpu.memory_space<vmem>>
      %dma_start3A_174 = tpu.memref_squeeze %dma_start3A_173 : memref<1x64xi32, #tpu.memory_space<vmem>> -> memref<64xi32, #tpu.memory_space<vmem>>
      %dma_start3A_175 = arith.constant 0 : i32
      %dma_start3A_176 = arith.constant 0 : i32
      %dma_start3A_177 = tpu.memref_slice %arg12[%dma_start3A_175, %dma_start3A_176] : memref<10240x128xf32, #tpu.memory_space<vmem_shared>> -> memref<10240x128xf32, #tpu.memory_space<vmem_shared>>
      tpu.enqueue_indirect_dma source(%arg9 : memref<64x128xf32, #tpu.memory_space<vmem>>) target(%dma_start3A_177 : memref<10240x128xf32, #tpu.memory_space<vmem_shared>>) offsets(%dma_start3A_174 : memref<64xi32, #tpu.memory_space<vmem>>) semaphore(%arg18 : memref<!tpu.dma_semaphore, #tpu.memory_space<semaphore_mem>>) {add = true}
      %ge3A_178 = arith.constant 1 : i32
      %ge3A_179 = arith.cmpi sge, %add3A_165, %ge3A_178 : i32
      %convert_element_type3A_180 = arith.extui %ge3A_179 : i1 to i32
      %cond3A_181 = arith.constant 0 : i32
      %cond3A_182 = arith.cmpi ne, %convert_element_type3A_180, %cond3A_181 : i32
      scf.if %cond3A_182 {
        %sub3A = arith.constant 1 : i32
        %sub3A_246 = arith.subi %add3A_165, %sub3A : i32
        %dma_wait3A_247 = arith.constant 0 : i32
        %dma_wait3A_248 = tpu.memref_slice %arg7[%sub3A_246, %dma_wait3A_247] : memref<40x64xi32, #tpu.memory_space<vmem>> -> memref<1x64xi32, #tpu.memory_space<vmem>>
        %dma_wait3A_249 = tpu.memref_squeeze %dma_wait3A_248 : memref<1x64xi32, #tpu.memory_space<vmem>> -> memref<64xi32, #tpu.memory_space<vmem>>
        %dma_wait3A_250 = arith.constant 0 : i32
        %dma_wait3A_251 = arith.constant 0 : i32
        %dma_wait3A_252 = tpu.memref_slice %arg12[%dma_wait3A_250, %dma_wait3A_251] : memref<10240x128xf32, #tpu.memory_space<vmem_shared>> -> memref<10240x128xf32, #tpu.memory_space<vmem_shared>>
        tpu.wait_indirect_dma semaphore(%arg17 : memref<!tpu.dma_semaphore, #tpu.memory_space<semaphore_mem>>) src(%arg8 : memref<64x128xf32, #tpu.memory_space<vmem>>) dst(%dma_wait3A_252 : memref<10240x128xf32, #tpu.memory_space<vmem_shared>>)
      } else {
      }
      %add3A_183 = arith.constant 3 : i32
      %add3A_184 = arith.addi %add3A_165, %add3A_183 : i32
      %lt3A_185 = arith.constant 40 : i32
      %lt3A_186 = arith.cmpi slt, %add3A_184, %lt3A_185 : i32
      %convert_element_type3A_187 = arith.extui %lt3A_186 : i1 to i32
      %cond3A_188 = arith.constant 0 : i32
      %cond3A_189 = arith.cmpi ne, %convert_element_type3A_187, %cond3A_188 : i32
      scf.if %cond3A_189 {
        %add3A_246 = arith.constant 3 : i32
        %add3A_247 = arith.addi %add3A_165, %add3A_246 : i32
        %dma_start3A_248 = arith.constant 0 : i32
        %dma_start3A_249 = tpu.memref_slice %arg6[%add3A_247, %dma_start3A_248] : memref<40x64xi32, #tpu.memory_space<vmem>> -> memref<1x64xi32, #tpu.memory_space<vmem>>
        %dma_start3A_250 = tpu.memref_squeeze %dma_start3A_249 : memref<1x64xi32, #tpu.memory_space<vmem>> -> memref<64xi32, #tpu.memory_space<vmem>>
        %dma_start3A_251 = arith.constant 0 : i32
        %dma_start3A_252 = arith.constant 0 : i32
        %dma_start3A_253 = tpu.memref_slice %arg2[%dma_start3A_251, %dma_start3A_252] : memref<10240x128xf32, #tpu.memory_space<hbm>> -> memref<10240x128xf32, #tpu.memory_space<hbm>>
        tpu.enqueue_indirect_dma source(%dma_start3A_253 : memref<10240x128xf32, #tpu.memory_space<hbm>>) target(%arg8 : memref<64x128xf32, #tpu.memory_space<vmem>>) offsets(%dma_start3A_250 : memref<64xi32, #tpu.memory_space<vmem>>) semaphore(%arg13 : memref<!tpu.dma_semaphore, #tpu.memory_space<semaphore_mem>>)
      } else {
      }
      %mul3A_190 = arith.constant 4 : i32
      %mul3A_191 = arith.muli %mul3A_190, %scan3A_137 : i32
      %add3A_192 = arith.constant 2 : i32
      %add3A_193 = arith.addi %mul3A_191, %add3A_192 : i32
      %dma_wait3A_194 = arith.constant 0 : i32
      %dma_wait3A_195 = tpu.memref_slice %arg6[%add3A_193, %dma_wait3A_194] : memref<40x64xi32, #tpu.memory_space<vmem>> -> memref<1x64xi32, #tpu.memory_space<vmem>>
      %dma_wait3A_196 = tpu.memref_squeeze %dma_wait3A_195 : memref<1x64xi32, #tpu.memory_space<vmem>> -> memref<64xi32, #tpu.memory_space<vmem>>
      %dma_wait3A_197 = arith.constant 0 : i32
      %dma_wait3A_198 = arith.constant 0 : i32
      %dma_wait3A_199 = tpu.memref_slice %arg2[%dma_wait3A_197, %dma_wait3A_198] : memref<10240x128xf32, #tpu.memory_space<hbm>> -> memref<10240x128xf32, #tpu.memory_space<hbm>>
      tpu.wait_indirect_dma semaphore(%arg15 : memref<!tpu.dma_semaphore, #tpu.memory_space<semaphore_mem>>) src(%dma_wait3A_199 : memref<10240x128xf32, #tpu.memory_space<hbm>>) dst(%arg10 : memref<64x128xf32, #tpu.memory_space<vmem>>)
      %dma_start3A_200 = arith.constant 0 : i32
      %dma_start3A_201 = tpu.memref_slice %arg7[%add3A_193, %dma_start3A_200] : memref<40x64xi32, #tpu.memory_space<vmem>> -> memref<1x64xi32, #tpu.memory_space<vmem>>
      %dma_start3A_202 = tpu.memref_squeeze %dma_start3A_201 : memref<1x64xi32, #tpu.memory_space<vmem>> -> memref<64xi32, #tpu.memory_space<vmem>>
      %dma_start3A_203 = arith.constant 0 : i32
      %dma_start3A_204 = arith.constant 0 : i32
      %dma_start3A_205 = tpu.memref_slice %arg12[%dma_start3A_203, %dma_start3A_204] : memref<10240x128xf32, #tpu.memory_space<vmem_shared>> -> memref<10240x128xf32, #tpu.memory_space<vmem_shared>>
      tpu.enqueue_indirect_dma source(%arg10 : memref<64x128xf32, #tpu.memory_space<vmem>>) target(%dma_start3A_205 : memref<10240x128xf32, #tpu.memory_space<vmem_shared>>) offsets(%dma_start3A_202 : memref<64xi32, #tpu.memory_space<vmem>>) semaphore(%arg19 : memref<!tpu.dma_semaphore, #tpu.memory_space<semaphore_mem>>) {add = true}
      %ge3A_206 = arith.constant 1 : i32
      %ge3A_207 = arith.cmpi sge, %add3A_193, %ge3A_206 : i32
      %convert_element_type3A_208 = arith.extui %ge3A_207 : i1 to i32
      %cond3A_209 = arith.constant 0 : i32
      %cond3A_210 = arith.cmpi ne, %convert_element_type3A_208, %cond3A_209 : i32
      scf.if %cond3A_210 {
        %sub3A = arith.constant 1 : i32
        %sub3A_246 = arith.subi %add3A_193, %sub3A : i32
        %dma_wait3A_247 = arith.constant 0 : i32
        %dma_wait3A_248 = tpu.memref_slice %arg7[%sub3A_246, %dma_wait3A_247] : memref<40x64xi32, #tpu.memory_space<vmem>> -> memref<1x64xi32, #tpu.memory_space<vmem>>
        %dma_wait3A_249 = tpu.memref_squeeze %dma_wait3A_248 : memref<1x64xi32, #tpu.memory_space<vmem>> -> memref<64xi32, #tpu.memory_space<vmem>>
        %dma_wait3A_250 = arith.constant 0 : i32
        %dma_wait3A_251 = arith.constant 0 : i32
        %dma_wait3A_252 = tpu.memref_slice %arg12[%dma_wait3A_250, %dma_wait3A_251] : memref<10240x128xf32, #tpu.memory_space<vmem_shared>> -> memref<10240x128xf32, #tpu.memory_space<vmem_shared>>
        tpu.wait_indirect_dma semaphore(%arg18 : memref<!tpu.dma_semaphore, #tpu.memory_space<semaphore_mem>>) src(%arg9 : memref<64x128xf32, #tpu.memory_space<vmem>>) dst(%dma_wait3A_252 : memref<10240x128xf32, #tpu.memory_space<vmem_shared>>)
      } else {
      }
      %add3A_211 = arith.constant 3 : i32
      %add3A_212 = arith.addi %add3A_193, %add3A_211 : i32
      %lt3A_213 = arith.constant 40 : i32
      %lt3A_214 = arith.cmpi slt, %add3A_212, %lt3A_213 : i32
      %convert_element_type3A_215 = arith.extui %lt3A_214 : i1 to i32
      %cond3A_216 = arith.constant 0 : i32
      %cond3A_217 = arith.cmpi ne, %convert_element_type3A_215, %cond3A_216 : i32
      scf.if %cond3A_217 {
        %add3A_246 = arith.constant 3 : i32
        %add3A_247 = arith.addi %add3A_193, %add3A_246 : i32
        %dma_start3A_248 = arith.constant 0 : i32
        %dma_start3A_249 = tpu.memref_slice %arg6[%add3A_247, %dma_start3A_248] : memref<40x64xi32, #tpu.memory_space<vmem>> -> memref<1x64xi32, #tpu.memory_space<vmem>>
        %dma_start3A_250 = tpu.memref_squeeze %dma_start3A_249 : memref<1x64xi32, #tpu.memory_space<vmem>> -> memref<64xi32, #tpu.memory_space<vmem>>
        %dma_start3A_251 = arith.constant 0 : i32
        %dma_start3A_252 = arith.constant 0 : i32
        %dma_start3A_253 = tpu.memref_slice %arg2[%dma_start3A_251, %dma_start3A_252] : memref<10240x128xf32, #tpu.memory_space<hbm>> -> memref<10240x128xf32, #tpu.memory_space<hbm>>
        tpu.enqueue_indirect_dma source(%dma_start3A_253 : memref<10240x128xf32, #tpu.memory_space<hbm>>) target(%arg9 : memref<64x128xf32, #tpu.memory_space<vmem>>) offsets(%dma_start3A_250 : memref<64xi32, #tpu.memory_space<vmem>>) semaphore(%arg14 : memref<!tpu.dma_semaphore, #tpu.memory_space<semaphore_mem>>)
      } else {
      }
      %mul3A_218 = arith.constant 4 : i32
      %mul3A_219 = arith.muli %mul3A_218, %scan3A_137 : i32
      %add3A_220 = arith.constant 3 : i32
      %add3A_221 = arith.addi %mul3A_219, %add3A_220 : i32
      %dma_wait3A_222 = arith.constant 0 : i32
      %dma_wait3A_223 = tpu.memref_slice %arg6[%add3A_221, %dma_wait3A_222] : memref<40x64xi32, #tpu.memory_space<vmem>> -> memref<1x64xi32, #tpu.memory_space<vmem>>
      %dma_wait3A_224 = tpu.memref_squeeze %dma_wait3A_223 : memref<1x64xi32, #tpu.memory_space<vmem>> -> memref<64xi32, #tpu.memory_space<vmem>>
      %dma_wait3A_225 = arith.constant 0 : i32
      %dma_wait3A_226 = arith.constant 0 : i32
      %dma_wait3A_227 = tpu.memref_slice %arg2[%dma_wait3A_225, %dma_wait3A_226] : memref<10240x128xf32, #tpu.memory_space<hbm>> -> memref<10240x128xf32, #tpu.memory_space<hbm>>
      tpu.wait_indirect_dma semaphore(%arg16 : memref<!tpu.dma_semaphore, #tpu.memory_space<semaphore_mem>>) src(%dma_wait3A_227 : memref<10240x128xf32, #tpu.memory_space<hbm>>) dst(%arg11 : memref<64x128xf32, #tpu.memory_space<vmem>>)
      %dma_start3A_228 = arith.constant 0 : i32
      %dma_start3A_229 = tpu.memref_slice %arg7[%add3A_221, %dma_start3A_228] : memref<40x64xi32, #tpu.memory_space<vmem>> -> memref<1x64xi32, #tpu.memory_space<vmem>>
      %dma_start3A_230 = tpu.memref_squeeze %dma_start3A_229 : memref<1x64xi32, #tpu.memory_space<vmem>> -> memref<64xi32, #tpu.memory_space<vmem>>
      %dma_start3A_231 = arith.constant 0 : i32
      %dma_start3A_232 = arith.constant 0 : i32
      %dma_start3A_233 = tpu.memref_slice %arg12[%dma_start3A_231, %dma_start3A_232] : memref<10240x128xf32, #tpu.memory_space<vmem_shared>> -> memref<10240x128xf32, #tpu.memory_space<vmem_shared>>
      tpu.enqueue_indirect_dma source(%arg11 : memref<64x128xf32, #tpu.memory_space<vmem>>) target(%dma_start3A_233 : memref<10240x128xf32, #tpu.memory_space<vmem_shared>>) offsets(%dma_start3A_230 : memref<64xi32, #tpu.memory_space<vmem>>) semaphore(%arg20 : memref<!tpu.dma_semaphore, #tpu.memory_space<semaphore_mem>>) {add = true}
      %ge3A_234 = arith.constant 1 : i32
      %ge3A_235 = arith.cmpi sge, %add3A_221, %ge3A_234 : i32
      %convert_element_type3A_236 = arith.extui %ge3A_235 : i1 to i32
      %cond3A_237 = arith.constant 0 : i32
      %cond3A_238 = arith.cmpi ne, %convert_element_type3A_236, %cond3A_237 : i32
      scf.if %cond3A_238 {
        %sub3A = arith.constant 1 : i32
        %sub3A_246 = arith.subi %add3A_221, %sub3A : i32
        %dma_wait3A_247 = arith.constant 0 : i32
        %dma_wait3A_248 = tpu.memref_slice %arg7[%sub3A_246, %dma_wait3A_247] : memref<40x64xi32, #tpu.memory_space<vmem>> -> memref<1x64xi32, #tpu.memory_space<vmem>>
        %dma_wait3A_249 = tpu.memref_squeeze %dma_wait3A_248 : memref<1x64xi32, #tpu.memory_space<vmem>> -> memref<64xi32, #tpu.memory_space<vmem>>
        %dma_wait3A_250 = arith.constant 0 : i32
        %dma_wait3A_251 = arith.constant 0 : i32
        %dma_wait3A_252 = tpu.memref_slice %arg12[%dma_wait3A_250, %dma_wait3A_251] : memref<10240x128xf32, #tpu.memory_space<vmem_shared>> -> memref<10240x128xf32, #tpu.memory_space<vmem_shared>>
        tpu.wait_indirect_dma semaphore(%arg19 : memref<!tpu.dma_semaphore, #tpu.memory_space<semaphore_mem>>) src(%arg10 : memref<64x128xf32, #tpu.memory_space<vmem>>) dst(%dma_wait3A_252 : memref<10240x128xf32, #tpu.memory_space<vmem_shared>>)
      } else {
      }
      %add3A_239 = arith.constant 3 : i32
      %add3A_240 = arith.addi %add3A_221, %add3A_239 : i32
      %lt3A_241 = arith.constant 40 : i32
      %lt3A_242 = arith.cmpi slt, %add3A_240, %lt3A_241 : i32
      %convert_element_type3A_243 = arith.extui %lt3A_242 : i1 to i32
      %cond3A_244 = arith.constant 0 : i32
      %cond3A_245 = arith.cmpi ne, %convert_element_type3A_243, %cond3A_244 : i32
      scf.if %cond3A_245 {
        %add3A_246 = arith.constant 3 : i32
        %add3A_247 = arith.addi %add3A_221, %add3A_246 : i32
        %dma_start3A_248 = arith.constant 0 : i32
        %dma_start3A_249 = tpu.memref_slice %arg6[%add3A_247, %dma_start3A_248] : memref<40x64xi32, #tpu.memory_space<vmem>> -> memref<1x64xi32, #tpu.memory_space<vmem>>
        %dma_start3A_250 = tpu.memref_squeeze %dma_start3A_249 : memref<1x64xi32, #tpu.memory_space<vmem>> -> memref<64xi32, #tpu.memory_space<vmem>>
        %dma_start3A_251 = arith.constant 0 : i32
        %dma_start3A_252 = arith.constant 0 : i32
        %dma_start3A_253 = tpu.memref_slice %arg2[%dma_start3A_251, %dma_start3A_252] : memref<10240x128xf32, #tpu.memory_space<hbm>> -> memref<10240x128xf32, #tpu.memory_space<hbm>>
        tpu.enqueue_indirect_dma source(%dma_start3A_253 : memref<10240x128xf32, #tpu.memory_space<hbm>>) target(%arg10 : memref<64x128xf32, #tpu.memory_space<vmem>>) offsets(%dma_start3A_250 : memref<64xi32, #tpu.memory_space<vmem>>) semaphore(%arg15 : memref<!tpu.dma_semaphore, #tpu.memory_space<semaphore_mem>>)
      } else {
      }
    }
    %scan3A_128 = arith.constant 10 : i32
    %dma_wait3A_129 = arith.constant 39 : i32
    %dma_wait3A_130 = arith.constant 0 : i32
    %dma_wait3A_131 = tpu.memref_slice %arg7[%dma_wait3A_129, %dma_wait3A_130] : memref<40x64xi32, #tpu.memory_space<vmem>> -> memref<1x64xi32, #tpu.memory_space<vmem>>
    %dma_wait3A_132 = tpu.memref_squeeze %dma_wait3A_131 : memref<1x64xi32, #tpu.memory_space<vmem>> -> memref<64xi32, #tpu.memory_space<vmem>>
    %dma_wait3A_133 = arith.constant 0 : i32
    %dma_wait3A_134 = arith.constant 0 : i32
    %dma_wait3A_135 = tpu.memref_slice %arg12[%dma_wait3A_133, %dma_wait3A_134] : memref<10240x128xf32, #tpu.memory_space<vmem_shared>> -> memref<10240x128xf32, #tpu.memory_space<vmem_shared>>
    tpu.wait_indirect_dma semaphore(%arg20 : memref<!tpu.dma_semaphore, #tpu.memory_space<semaphore_mem>>) src(%arg11 : memref<64x128xf32, #tpu.memory_space<vmem>>) dst(%dma_wait3A_135 : memref<10240x128xf32, #tpu.memory_space<vmem_shared>>)
    %barrier3A_136 = arith.constant 0 : index
    tpu.barrier barrier_id(%barrier3A_136)
    "tpu.region"() ({
      %run_scoped3A = tpu.sem_alloc : memref<!tpu.dma_semaphore, #tpu.memory_space<semaphore_mem>>
      %dma_start3A_137 = arith.constant 0 : i32
      %dma_start3A_138 = tpu.memref_slice %arg5[%arg0, %mul3A_2, %dma_start3A_137] : memref<2x10240x128xf32, #tpu.memory_space<hbm>> -> memref<1x640x128xf32, #tpu.memory_space<hbm>>
      %dma_start3A_139 = tpu.memref_squeeze %dma_start3A_138 : memref<1x640x128xf32, #tpu.memory_space<hbm>> -> memref<640x128xf32, #tpu.memory_space<hbm>>
      %dma_start3A_140 = arith.constant 0 : i32
      %dma_start3A_141 = tpu.memref_slice %arg12[%mul3A_2, %dma_start3A_140] : memref<10240x128xf32, #tpu.memory_space<vmem_shared>> -> memref<640x128xf32, #tpu.memory_space<vmem_shared>>
      tpu.enqueue_dma source(%dma_start3A_141 : memref<640x128xf32, #tpu.memory_space<vmem_shared>>) target(%dma_start3A_139 : memref<640x128xf32, #tpu.memory_space<hbm>>) target_semaphore(%run_scoped3A : memref<!tpu.dma_semaphore, #tpu.memory_space<semaphore_mem>>)
      %dma_wait3A_142 = arith.constant 0 : i32
      %dma_wait3A_143 = tpu.memref_slice %arg5[%arg0, %mul3A_2, %dma_wait3A_142] : memref<2x10240x128xf32, #tpu.memory_space<hbm>> -> memref<1x640x128xf32, #tpu.memory_space<hbm>>
      %dma_wait3A_144 = tpu.memref_squeeze %dma_wait3A_143 : memref<1x640x128xf32, #tpu.memory_space<hbm>> -> memref<640x128xf32, #tpu.memory_space<hbm>>
      %dma_wait3A_145 = arith.constant 0 : i32
      %dma_wait3A_146 = tpu.memref_slice %arg12[%mul3A_2, %dma_wait3A_145] : memref<10240x128xf32, #tpu.memory_space<vmem_shared>> -> memref<640x128xf32, #tpu.memory_space<vmem_shared>>
      tpu.wait_dma2 semaphore(%run_scoped3A : memref<!tpu.dma_semaphore, #tpu.memory_space<semaphore_mem>>) src(%dma_wait3A_146 : memref<640x128xf32, #tpu.memory_space<vmem_shared>>) dst(%dma_wait3A_144 : memref<640x128xf32, #tpu.memory_space<hbm>>)
      tpu.yield
    }) : () -> ()
    return
  }
}

#map = affine_map<(d0, d1) -> (0, 0)>
#map1 = affine_map<(d0, d1) -> (0, 0, 0)>
module attributes {stable_mosaic.version = 14 : i64} {
  func.func @agg(%arg0: i32, %arg1: i32, %arg2: memref<10240x128xf32, #tpu.memory_space<hbm>>, %arg3: memref<32x160x64xi32, #tpu.memory_space<hbm>>, %arg4: memref<32x160x64xi32, #tpu.memory_space<hbm>>, %arg5: memref<2x10240x128xf32, #tpu.memory_space<hbm>>, %arg6: memref<40x64xi32, #tpu.memory_space<vmem>>, %arg7: memref<40x64xi32, #tpu.memory_space<vmem>>, %arg8: memref<64x128xf32, #tpu.memory_space<vmem>>, %arg9: memref<64x128xf32, #tpu.memory_space<vmem>>, %arg10: memref<64x128xf32, #tpu.memory_space<vmem>>, %arg11: memref<64x128xf32, #tpu.memory_space<vmem>>, %arg12: memref<10240x128xf32, #tpu.memory_space<vmem_shared>>, %arg13: memref<!tpu.dma_semaphore, #tpu.memory_space<semaphore_mem>>, %arg14: memref<!tpu.dma_semaphore, #tpu.memory_space<semaphore_mem>>, %arg15: memref<!tpu.dma_semaphore, #tpu.memory_space<semaphore_mem>>, %arg16: memref<!tpu.dma_semaphore, #tpu.memory_space<semaphore_mem>>, %arg17: memref<!tpu.dma_semaphore, #tpu.memory_space<semaphore_mem>>, %arg18: memref<!tpu.dma_semaphore, #tpu.memory_space<semaphore_mem>>, %arg19: memref<!tpu.dma_semaphore, #tpu.memory_space<semaphore_mem>>, %arg20: memref<!tpu.dma_semaphore, #tpu.memory_space<semaphore_mem>>) attributes {dimension_semantics = [#tpu.dimension_semantics<core_parallel>, #tpu.dimension_semantics<subcore_parallel>], iteration_bounds = array<i64: 2, 16>, scalar_prefetch = 0 : i64, scratch_operands = 15 : i64, tpu.core_type = #tpu.core_type<sc_vector_subcore>, window_params = [{transform_indices = #map}, {transform_indices = #map1}, {transform_indices = #map1}, {transform_indices = #map1}]} {
    %mul3A = arith.constant 16 : i32
    %mul3A_0 = arith.muli %arg0, %mul3A : i32
    %add3A = arith.addi %mul3A_0, %arg1 : i32
    %mul3A_1 = arith.constant 640 : i32
    %mul3A_2 = arith.muli %arg1, %mul3A_1 : i32
    "tpu.region"() ({
      %run_scoped3A = tpu.sem_alloc : memref<!tpu.dma_semaphore, #tpu.memory_space<semaphore_mem>>
      %dma_start3A_137 = arith.constant 0 : i32
      %dma_start3A_138 = tpu.memref_slice %arg12[%mul3A_2, %dma_start3A_137] : memref<10240x128xf32, #tpu.memory_space<vmem_shared>> -> memref<640x128xf32, #tpu.memory_space<vmem_shared>>
      %dma_start3A_139 = arith.constant 0 : i32
      %dma_start3A_140 = tpu.memref_slice %arg2[%mul3A_2, %dma_start3A_139] : memref<10240x128xf32, #tpu.memory_space<hbm>> -> memref<640x128xf32, #tpu.memory_space<hbm>>
      tpu.enqueue_dma source(%dma_start3A_140 : memref<640x128xf32, #tpu.memory_space<hbm>>) target(%dma_start3A_138 : memref<640x128xf32, #tpu.memory_space<vmem_shared>>) target_semaphore(%run_scoped3A : memref<!tpu.dma_semaphore, #tpu.memory_space<semaphore_mem>>)
      %dma_wait3A_141 = arith.constant 0 : i32
      %dma_wait3A_142 = tpu.memref_slice %arg12[%mul3A_2, %dma_wait3A_141] : memref<10240x128xf32, #tpu.memory_space<vmem_shared>> -> memref<640x128xf32, #tpu.memory_space<vmem_shared>>
      %dma_wait3A_143 = arith.constant 0 : i32
      %dma_wait3A_144 = tpu.memref_slice %arg2[%mul3A_2, %dma_wait3A_143] : memref<10240x128xf32, #tpu.memory_space<hbm>> -> memref<640x128xf32, #tpu.memory_space<hbm>>
      tpu.wait_dma2 semaphore(%run_scoped3A : memref<!tpu.dma_semaphore, #tpu.memory_space<semaphore_mem>>) src(%dma_wait3A_144 : memref<640x128xf32, #tpu.memory_space<hbm>>) dst(%dma_wait3A_142 : memref<640x128xf32, #tpu.memory_space<vmem_shared>>)
      tpu.yield
    }) : () -> ()
    %barrier3A = arith.constant 0 : index
    tpu.barrier barrier_id(%barrier3A)
    "tpu.region"() ({
      %run_scoped3A = tpu.sem_alloc : memref<!tpu.dma_semaphore, #tpu.memory_space<semaphore_mem>>
      %dma_start3A_137 = arith.constant 0 : i32
      %dma_start3A_138 = arith.constant 0 : i32
      %dma_start3A_139 = tpu.memref_slice %arg3[%add3A, %dma_start3A_137, %dma_start3A_138] : memref<32x160x64xi32, #tpu.memory_space<hbm>> -> memref<1x40x64xi32, #tpu.memory_space<hbm>>
      %dma_start3A_140 = tpu.memref_squeeze %dma_start3A_139 : memref<1x40x64xi32, #tpu.memory_space<hbm>> -> memref<40x64xi32, #tpu.memory_space<hbm>>
      %dma_start3A_141 = arith.constant 0 : i32
      %dma_start3A_142 = arith.constant 0 : i32
      %dma_start3A_143 = tpu.memref_slice %arg3[%add3A, %dma_start3A_141, %dma_start3A_142] : memref<32x160x64xi32, #tpu.memory_space<hbm>> -> memref<1x40x64xi32, #tpu.memory_space<hbm>>
      %dma_start3A_144 = tpu.memref_squeeze %dma_start3A_143 : memref<1x40x64xi32, #tpu.memory_space<hbm>> -> memref<40x64xi32, #tpu.memory_space<hbm>>
      tpu.enqueue_dma source(%dma_start3A_144 : memref<40x64xi32, #tpu.memory_space<hbm>>) target(%arg6 : memref<40x64xi32, #tpu.memory_space<vmem>>) target_semaphore(%run_scoped3A : memref<!tpu.dma_semaphore, #tpu.memory_space<semaphore_mem>>)
      %dma_wait3A_145 = arith.constant 0 : i32
      %dma_wait3A_146 = arith.constant 0 : i32
      %dma_wait3A_147 = tpu.memref_slice %arg3[%add3A, %dma_wait3A_145, %dma_wait3A_146] : memref<32x160x64xi32, #tpu.memory_space<hbm>> -> memref<1x40x64xi32, #tpu.memory_space<hbm>>
      %dma_wait3A_148 = tpu.memref_squeeze %dma_wait3A_147 : memref<1x40x64xi32, #tpu.memory_space<hbm>> -> memref<40x64xi32, #tpu.memory_space<hbm>>
      %dma_wait3A_149 = arith.constant 0 : i32
      %dma_wait3A_150 = arith.constant 0 : i32
      %dma_wait3A_151 = tpu.memref_slice %arg3[%add3A, %dma_wait3A_149, %dma_wait3A_150] : memref<32x160x64xi32, #tpu.memory_space<hbm>> -> memref<1x40x64xi32, #tpu.memory_space<hbm>>
      %dma_wait3A_152 = tpu.memref_squeeze %dma_wait3A_151 : memref<1x40x64xi32, #tpu.memory_space<hbm>> -> memref<40x64xi32, #tpu.memory_space<hbm>>
      tpu.wait_dma2 semaphore(%run_scoped3A : memref<!tpu.dma_semaphore, #tpu.memory_space<semaphore_mem>>) src(%dma_wait3A_152 : memref<40x64xi32, #tpu.memory_space<hbm>>) dst(%arg6 : memref<40x64xi32, #tpu.memory_space<vmem>>)
      tpu.yield
    }) : () -> ()
    "tpu.region"() ({
      %run_scoped3A = tpu.sem_alloc : memref<!tpu.dma_semaphore, #tpu.memory_space<semaphore_mem>>
      %dma_start3A_137 = arith.constant 0 : i32
      %dma_start3A_138 = arith.constant 0 : i32
      %dma_start3A_139 = tpu.memref_slice %arg4[%add3A, %dma_start3A_137, %dma_start3A_138] : memref<32x160x64xi32, #tpu.memory_space<hbm>> -> memref<1x40x64xi32, #tpu.memory_space<hbm>>
      %dma_start3A_140 = tpu.memref_squeeze %dma_start3A_139 : memref<1x40x64xi32, #tpu.memory_space<hbm>> -> memref<40x64xi32, #tpu.memory_space<hbm>>
      %dma_start3A_141 = arith.constant 0 : i32
      %dma_start3A_142 = arith.constant 0 : i32
      %dma_start3A_143 = tpu.memref_slice %arg4[%add3A, %dma_start3A_141, %dma_start3A_142] : memref<32x160x64xi32, #tpu.memory_space<hbm>> -> memref<1x40x64xi32, #tpu.memory_space<hbm>>
      %dma_start3A_144 = tpu.memref_squeeze %dma_start3A_143 : memref<1x40x64xi32, #tpu.memory_space<hbm>> -> memref<40x64xi32, #tpu.memory_space<hbm>>
      tpu.enqueue_dma source(%dma_start3A_144 : memref<40x64xi32, #tpu.memory_space<hbm>>) target(%arg7 : memref<40x64xi32, #tpu.memory_space<vmem>>) target_semaphore(%run_scoped3A : memref<!tpu.dma_semaphore, #tpu.memory_space<semaphore_mem>>)
      %dma_wait3A_145 = arith.constant 0 : i32
      %dma_wait3A_146 = arith.constant 0 : i32
      %dma_wait3A_147 = tpu.memref_slice %arg4[%add3A, %dma_wait3A_145, %dma_wait3A_146] : memref<32x160x64xi32, #tpu.memory_space<hbm>> -> memref<1x40x64xi32, #tpu.memory_space<hbm>>
      %dma_wait3A_148 = tpu.memref_squeeze %dma_wait3A_147 : memref<1x40x64xi32, #tpu.memory_space<hbm>> -> memref<40x64xi32, #tpu.memory_space<hbm>>
      %dma_wait3A_149 = arith.constant 0 : i32
      %dma_wait3A_150 = arith.constant 0 : i32
      %dma_wait3A_151 = tpu.memref_slice %arg4[%add3A, %dma_wait3A_149, %dma_wait3A_150] : memref<32x160x64xi32, #tpu.memory_space<hbm>> -> memref<1x40x64xi32, #tpu.memory_space<hbm>>
      %dma_wait3A_152 = tpu.memref_squeeze %dma_wait3A_151 : memref<1x40x64xi32, #tpu.memory_space<hbm>> -> memref<40x64xi32, #tpu.memory_space<hbm>>
      tpu.wait_dma2 semaphore(%run_scoped3A : memref<!tpu.dma_semaphore, #tpu.memory_space<semaphore_mem>>) src(%dma_wait3A_152 : memref<40x64xi32, #tpu.memory_space<hbm>>) dst(%arg7 : memref<40x64xi32, #tpu.memory_space<vmem>>)
      tpu.yield
    }) : () -> ()
    %dma_start3A = arith.constant 0 : i32
    %dma_start3A_3 = arith.constant 0 : i32
    %dma_start3A_4 = tpu.memref_slice %arg6[%dma_start3A, %dma_start3A_3] : memref<40x64xi32, #tpu.memory_space<vmem>> -> memref<1x64xi32, #tpu.memory_space<vmem>>
    %dma_start3A_5 = tpu.memref_squeeze %dma_start3A_4 : memref<1x64xi32, #tpu.memory_space<vmem>> -> memref<64xi32, #tpu.memory_space<vmem>>
    %dma_start3A_6 = arith.constant 0 : i32
    %dma_start3A_7 = arith.constant 0 : i32
    %dma_start3A_8 = tpu.memref_slice %arg2[%dma_start3A_6, %dma_start3A_7] : memref<10240x128xf32, #tpu.memory_space<hbm>> -> memref<10240x128xf32, #tpu.memory_space<hbm>>
    tpu.enqueue_indirect_dma source(%dma_start3A_8 : memref<10240x128xf32, #tpu.memory_space<hbm>>) target(%arg8 : memref<64x128xf32, #tpu.memory_space<vmem>>) offsets(%dma_start3A_5 : memref<64xi32, #tpu.memory_space<vmem>>) semaphore(%arg13 : memref<!tpu.dma_semaphore, #tpu.memory_space<semaphore_mem>>)
    %dma_start3A_9 = arith.constant 1 : i32
    %dma_start3A_10 = arith.constant 0 : i32
    %dma_start3A_11 = tpu.memref_slice %arg6[%dma_start3A_9, %dma_start3A_10] : memref<40x64xi32, #tpu.memory_space<vmem>> -> memref<1x64xi32, #tpu.memory_space<vmem>>
    %dma_start3A_12 = tpu.memref_squeeze %dma_start3A_11 : memref<1x64xi32, #tpu.memory_space<vmem>> -> memref<64xi32, #tpu.memory_space<vmem>>
    %dma_start3A_13 = arith.constant 0 : i32
    %dma_start3A_14 = arith.constant 0 : i32
    %dma_start3A_15 = tpu.memref_slice %arg2[%dma_start3A_13, %dma_start3A_14] : memref<10240x128xf32, #tpu.memory_space<hbm>> -> memref<10240x128xf32, #tpu.memory_space<hbm>>
    tpu.enqueue_indirect_dma source(%dma_start3A_15 : memref<10240x128xf32, #tpu.memory_space<hbm>>) target(%arg9 : memref<64x128xf32, #tpu.memory_space<vmem>>) offsets(%dma_start3A_12 : memref<64xi32, #tpu.memory_space<vmem>>) semaphore(%arg14 : memref<!tpu.dma_semaphore, #tpu.memory_space<semaphore_mem>>)
    %dma_start3A_16 = arith.constant 2 : i32
    %dma_start3A_17 = arith.constant 0 : i32
    %dma_start3A_18 = tpu.memref_slice %arg6[%dma_start3A_16, %dma_start3A_17] : memref<40x64xi32, #tpu.memory_space<vmem>> -> memref<1x64xi32, #tpu.memory_space<vmem>>
    %dma_start3A_19 = tpu.memref_squeeze %dma_start3A_18 : memref<1x64xi32, #tpu.memory_space<vmem>> -> memref<64xi32, #tpu.memory_space<vmem>>
    %dma_start3A_20 = arith.constant 0 : i32
    %dma_start3A_21 = arith.constant 0 : i32
    %dma_start3A_22 = tpu.memref_slice %arg2[%dma_start3A_20, %dma_start3A_21] : memref<10240x128xf32, #tpu.memory_space<hbm>> -> memref<10240x128xf32, #tpu.memory_space<hbm>>
    tpu.enqueue_indirect_dma source(%dma_start3A_22 : memref<10240x128xf32, #tpu.memory_space<hbm>>) target(%arg10 : memref<64x128xf32, #tpu.memory_space<vmem>>) offsets(%dma_start3A_19 : memref<64xi32, #tpu.memory_space<vmem>>) semaphore(%arg15 : memref<!tpu.dma_semaphore, #tpu.memory_space<semaphore_mem>>)
    %scan3A = arith.constant 0 : i32
    %scan3A_23 = arith.constant 0 : i32
    %scan3A_24 = arith.constant 10 : i32
    %scan3A_25 = arith.addi %scan3A_23, %scan3A_24 : i32
    %scan3A_26 = arith.constant 1 : i32
    scf.for %scan3A_137 = %scan3A_23 to %scan3A_25 step %scan3A_26  : i32 {
      %mul3A_138 = arith.constant 4 : i32
      %mul3A_139 = arith.muli %mul3A_138, %scan3A_137 : i32
      %add3A_140 = arith.constant 0 : i32
      %add3A_141 = arith.addi %mul3A_139, %add3A_140 : i32
      %dma_wait3A_142 = arith.constant 0 : i32
      %dma_wait3A_143 = tpu.memref_slice %arg6[%add3A_141, %dma_wait3A_142] : memref<40x64xi32, #tpu.memory_space<vmem>> -> memref<1x64xi32, #tpu.memory_space<vmem>>
      %dma_wait3A_144 = tpu.memref_squeeze %dma_wait3A_143 : memref<1x64xi32, #tpu.memory_space<vmem>> -> memref<64xi32, #tpu.memory_space<vmem>>
      %dma_wait3A_145 = arith.constant 0 : i32
      %dma_wait3A_146 = arith.constant 0 : i32
      %dma_wait3A_147 = tpu.memref_slice %arg2[%dma_wait3A_145, %dma_wait3A_146] : memref<10240x128xf32, #tpu.memory_space<hbm>> -> memref<10240x128xf32, #tpu.memory_space<hbm>>
      tpu.wait_indirect_dma semaphore(%arg13 : memref<!tpu.dma_semaphore, #tpu.memory_space<semaphore_mem>>) src(%dma_wait3A_147 : memref<10240x128xf32, #tpu.memory_space<hbm>>) dst(%arg8 : memref<64x128xf32, #tpu.memory_space<vmem>>)
      %dma_start3A_148 = arith.constant 0 : i32
      %dma_start3A_149 = tpu.memref_slice %arg7[%add3A_141, %dma_start3A_148] : memref<40x64xi32, #tpu.memory_space<vmem>> -> memref<1x64xi32, #tpu.memory_space<vmem>>
      %dma_start3A_150 = tpu.memref_squeeze %dma_start3A_149 : memref<1x64xi32, #tpu.memory_space<vmem>> -> memref<64xi32, #tpu.memory_space<vmem>>
      %dma_start3A_151 = arith.constant 0 : i32
      %dma_start3A_152 = arith.constant 0 : i32
      %dma_start3A_153 = tpu.memref_slice %arg12[%dma_start3A_151, %dma_start3A_152] : memref<10240x128xf32, #tpu.memory_space<vmem_shared>> -> memref<10240x128xf32, #tpu.memory_space<vmem_shared>>
      tpu.enqueue_indirect_dma source(%arg8 : memref<64x128xf32, #tpu.memory_space<vmem>>) target(%dma_start3A_153 : memref<10240x128xf32, #tpu.memory_space<vmem_shared>>) offsets(%dma_start3A_150 : memref<64xi32, #tpu.memory_space<vmem>>) semaphore(%arg17 : memref<!tpu.dma_semaphore, #tpu.memory_space<semaphore_mem>>) {add = true}
      %ge3A = arith.constant 1 : i32
      %ge3A_154 = arith.cmpi sge, %add3A_141, %ge3A : i32
      %convert_element_type3A = arith.extui %ge3A_154 : i1 to i32
      %cond3A = arith.constant 0 : i32
      %cond3A_155 = arith.cmpi ne, %convert_element_type3A, %cond3A : i32
      scf.if %cond3A_155 {
        %sub3A = arith.constant 1 : i32
        %sub3A_246 = arith.subi %add3A_141, %sub3A : i32
        %dma_wait3A_247 = arith.constant 0 : i32
        %dma_wait3A_248 = tpu.memref_slice %arg7[%sub3A_246, %dma_wait3A_247] : memref<40x64xi32, #tpu.memory_space<vmem>> -> memref<1x64xi32, #tpu.memory_space<vmem>>
        %dma_wait3A_249 = tpu.memref_squeeze %dma_wait3A_248 : memref<1x64xi32, #tpu.memory_space<vmem>> -> memref<64xi32, #tpu.memory_space<vmem>>
        %dma_wait3A_250 = arith.constant 0 : i32
        %dma_wait3A_251 = arith.constant 0 : i32
        %dma_wait3A_252 = tpu.memref_slice %arg12[%dma_wait3A_250, %dma_wait3A_251] : memref<10240x128xf32, #tpu.memory_space<vmem_shared>> -> memref<10240x128xf32, #tpu.memory_space<vmem_shared>>
        tpu.wait_indirect_dma semaphore(%arg20 : memref<!tpu.dma_semaphore, #tpu.memory_space<semaphore_mem>>) src(%arg11 : memref<64x128xf32, #tpu.memory_space<vmem>>) dst(%dma_wait3A_252 : memref<10240x128xf32, #tpu.memory_space<vmem_shared>>)
      } else {
      }
      %add3A_156 = arith.constant 3 : i32
      %add3A_157 = arith.addi %add3A_141, %add3A_156 : i32
      %lt3A = arith.constant 40 : i32
      %lt3A_158 = arith.cmpi slt, %add3A_157, %lt3A : i32
      %convert_element_type3A_159 = arith.extui %lt3A_158 : i1 to i32
      %cond3A_160 = arith.constant 0 : i32
      %cond3A_161 = arith.cmpi ne, %convert_element_type3A_159, %cond3A_160 : i32
      scf.if %cond3A_161 {
        %add3A_246 = arith.constant 3 : i32
        %add3A_247 = arith.addi %add3A_141, %add3A_246 : i32
        %dma_start3A_248 = arith.constant 0 : i32
        %dma_start3A_249 = tpu.memref_slice %arg6[%add3A_247, %dma_start3A_248] : memref<40x64xi32, #tpu.memory_space<vmem>> -> memref<1x64xi32, #tpu.memory_space<vmem>>
        %dma_start3A_250 = tpu.memref_squeeze %dma_start3A_249 : memref<1x64xi32, #tpu.memory_space<vmem>> -> memref<64xi32, #tpu.memory_space<vmem>>
        %dma_start3A_251 = arith.constant 0 : i32
        %dma_start3A_252 = arith.constant 0 : i32
        %dma_start3A_253 = tpu.memref_slice %arg2[%dma_start3A_251, %dma_start3A_252] : memref<10240x128xf32, #tpu.memory_space<hbm>> -> memref<10240x128xf32, #tpu.memory_space<hbm>>
        tpu.enqueue_indirect_dma source(%dma_start3A_253 : memref<10240x128xf32, #tpu.memory_space<hbm>>) target(%arg11 : memref<64x128xf32, #tpu.memory_space<vmem>>) offsets(%dma_start3A_250 : memref<64xi32, #tpu.memory_space<vmem>>) semaphore(%arg16 : memref<!tpu.dma_semaphore, #tpu.memory_space<semaphore_mem>>)
      } else {
      }
      %mul3A_162 = arith.constant 4 : i32
      %mul3A_163 = arith.muli %mul3A_162, %scan3A_137 : i32
      %add3A_164 = arith.constant 1 : i32
      %add3A_165 = arith.addi %mul3A_163, %add3A_164 : i32
      %dma_wait3A_166 = arith.constant 0 : i32
      %dma_wait3A_167 = tpu.memref_slice %arg6[%add3A_165, %dma_wait3A_166] : memref<40x64xi32, #tpu.memory_space<vmem>> -> memref<1x64xi32, #tpu.memory_space<vmem>>
      %dma_wait3A_168 = tpu.memref_squeeze %dma_wait3A_167 : memref<1x64xi32, #tpu.memory_space<vmem>> -> memref<64xi32, #tpu.memory_space<vmem>>
      %dma_wait3A_169 = arith.constant 0 : i32
      %dma_wait3A_170 = arith.constant 0 : i32
      %dma_wait3A_171 = tpu.memref_slice %arg2[%dma_wait3A_169, %dma_wait3A_170] : memref<10240x128xf32, #tpu.memory_space<hbm>> -> memref<10240x128xf32, #tpu.memory_space<hbm>>
      tpu.wait_indirect_dma semaphore(%arg14 : memref<!tpu.dma_semaphore, #tpu.memory_space<semaphore_mem>>) src(%dma_wait3A_171 : memref<10240x128xf32, #tpu.memory_space<hbm>>) dst(%arg9 : memref<64x128xf32, #tpu.memory_space<vmem>>)
      %dma_start3A_172 = arith.constant 0 : i32
      %dma_start3A_173 = tpu.memref_slice %arg7[%add3A_165, %dma_start3A_172] : memref<40x64xi32, #tpu.memory_space<vmem>> -> memref<1x64xi32, #tpu.memory_space<vmem>>
      %dma_start3A_174 = tpu.memref_squeeze %dma_start3A_173 : memref<1x64xi32, #tpu.memory_space<vmem>> -> memref<64xi32, #tpu.memory_space<vmem>>
      %dma_start3A_175 = arith.constant 0 : i32
      %dma_start3A_176 = arith.constant 0 : i32
      %dma_start3A_177 = tpu.memref_slice %arg12[%dma_start3A_175, %dma_start3A_176] : memref<10240x128xf32, #tpu.memory_space<vmem_shared>> -> memref<10240x128xf32, #tpu.memory_space<vmem_shared>>
      tpu.enqueue_indirect_dma source(%arg9 : memref<64x128xf32, #tpu.memory_space<vmem>>) target(%dma_start3A_177 : memref<10240x128xf32, #tpu.memory_space<vmem_shared>>) offsets(%dma_start3A_174 : memref<64xi32, #tpu.memory_space<vmem>>) semaphore(%arg18 : memref<!tpu.dma_semaphore, #tpu.memory_space<semaphore_mem>>) {add = true}
      %ge3A_178 = arith.constant 1 : i32
      %ge3A_179 = arith.cmpi sge, %add3A_165, %ge3A_178 : i32
      %convert_element_type3A_180 = arith.extui %ge3A_179 : i1 to i32
      %cond3A_181 = arith.constant 0 : i32
      %cond3A_182 = arith.cmpi ne, %convert_element_type3A_180, %cond3A_181 : i32
      scf.if %cond3A_182 {
        %sub3A = arith.constant 1 : i32
        %sub3A_246 = arith.subi %add3A_165, %sub3A : i32
        %dma_wait3A_247 = arith.constant 0 : i32
        %dma_wait3A_248 = tpu.memref_slice %arg7[%sub3A_246, %dma_wait3A_247] : memref<40x64xi32, #tpu.memory_space<vmem>> -> memref<1x64xi32, #tpu.memory_space<vmem>>
        %dma_wait3A_249 = tpu.memref_squeeze %dma_wait3A_248 : memref<1x64xi32, #tpu.memory_space<vmem>> -> memref<64xi32, #tpu.memory_space<vmem>>
        %dma_wait3A_250 = arith.constant 0 : i32
        %dma_wait3A_251 = arith.constant 0 : i32
        %dma_wait3A_252 = tpu.memref_slice %arg12[%dma_wait3A_250, %dma_wait3A_251] : memref<10240x128xf32, #tpu.memory_space<vmem_shared>> -> memref<10240x128xf32, #tpu.memory_space<vmem_shared>>
        tpu.wait_indirect_dma semaphore(%arg17 : memref<!tpu.dma_semaphore, #tpu.memory_space<semaphore_mem>>) src(%arg8 : memref<64x128xf32, #tpu.memory_space<vmem>>) dst(%dma_wait3A_252 : memref<10240x128xf32, #tpu.memory_space<vmem_shared>>)
      } else {
      }
      %add3A_183 = arith.constant 3 : i32
      %add3A_184 = arith.addi %add3A_165, %add3A_183 : i32
      %lt3A_185 = arith.constant 40 : i32
      %lt3A_186 = arith.cmpi slt, %add3A_184, %lt3A_185 : i32
      %convert_element_type3A_187 = arith.extui %lt3A_186 : i1 to i32
      %cond3A_188 = arith.constant 0 : i32
      %cond3A_189 = arith.cmpi ne, %convert_element_type3A_187, %cond3A_188 : i32
      scf.if %cond3A_189 {
        %add3A_246 = arith.constant 3 : i32
        %add3A_247 = arith.addi %add3A_165, %add3A_246 : i32
        %dma_start3A_248 = arith.constant 0 : i32
        %dma_start3A_249 = tpu.memref_slice %arg6[%add3A_247, %dma_start3A_248] : memref<40x64xi32, #tpu.memory_space<vmem>> -> memref<1x64xi32, #tpu.memory_space<vmem>>
        %dma_start3A_250 = tpu.memref_squeeze %dma_start3A_249 : memref<1x64xi32, #tpu.memory_space<vmem>> -> memref<64xi32, #tpu.memory_space<vmem>>
        %dma_start3A_251 = arith.constant 0 : i32
        %dma_start3A_252 = arith.constant 0 : i32
        %dma_start3A_253 = tpu.memref_slice %arg2[%dma_start3A_251, %dma_start3A_252] : memref<10240x128xf32, #tpu.memory_space<hbm>> -> memref<10240x128xf32, #tpu.memory_space<hbm>>
        tpu.enqueue_indirect_dma source(%dma_start3A_253 : memref<10240x128xf32, #tpu.memory_space<hbm>>) target(%arg8 : memref<64x128xf32, #tpu.memory_space<vmem>>) offsets(%dma_start3A_250 : memref<64xi32, #tpu.memory_space<vmem>>) semaphore(%arg13 : memref<!tpu.dma_semaphore, #tpu.memory_space<semaphore_mem>>)
      } else {
      }
      %mul3A_190 = arith.constant 4 : i32
      %mul3A_191 = arith.muli %mul3A_190, %scan3A_137 : i32
      %add3A_192 = arith.constant 2 : i32
      %add3A_193 = arith.addi %mul3A_191, %add3A_192 : i32
      %dma_wait3A_194 = arith.constant 0 : i32
      %dma_wait3A_195 = tpu.memref_slice %arg6[%add3A_193, %dma_wait3A_194] : memref<40x64xi32, #tpu.memory_space<vmem>> -> memref<1x64xi32, #tpu.memory_space<vmem>>
      %dma_wait3A_196 = tpu.memref_squeeze %dma_wait3A_195 : memref<1x64xi32, #tpu.memory_space<vmem>> -> memref<64xi32, #tpu.memory_space<vmem>>
      %dma_wait3A_197 = arith.constant 0 : i32
      %dma_wait3A_198 = arith.constant 0 : i32
      %dma_wait3A_199 = tpu.memref_slice %arg2[%dma_wait3A_197, %dma_wait3A_198] : memref<10240x128xf32, #tpu.memory_space<hbm>> -> memref<10240x128xf32, #tpu.memory_space<hbm>>
      tpu.wait_indirect_dma semaphore(%arg15 : memref<!tpu.dma_semaphore, #tpu.memory_space<semaphore_mem>>) src(%dma_wait3A_199 : memref<10240x128xf32, #tpu.memory_space<hbm>>) dst(%arg10 : memref<64x128xf32, #tpu.memory_space<vmem>>)
      %dma_start3A_200 = arith.constant 0 : i32
      %dma_start3A_201 = tpu.memref_slice %arg7[%add3A_193, %dma_start3A_200] : memref<40x64xi32, #tpu.memory_space<vmem>> -> memref<1x64xi32, #tpu.memory_space<vmem>>
      %dma_start3A_202 = tpu.memref_squeeze %dma_start3A_201 : memref<1x64xi32, #tpu.memory_space<vmem>> -> memref<64xi32, #tpu.memory_space<vmem>>
      %dma_start3A_203 = arith.constant 0 : i32
      %dma_start3A_204 = arith.constant 0 : i32
      %dma_start3A_205 = tpu.memref_slice %arg12[%dma_start3A_203, %dma_start3A_204] : memref<10240x128xf32, #tpu.memory_space<vmem_shared>> -> memref<10240x128xf32, #tpu.memory_space<vmem_shared>>
      tpu.enqueue_indirect_dma source(%arg10 : memref<64x128xf32, #tpu.memory_space<vmem>>) target(%dma_start3A_205 : memref<10240x128xf32, #tpu.memory_space<vmem_shared>>) offsets(%dma_start3A_202 : memref<64xi32, #tpu.memory_space<vmem>>) semaphore(%arg19 : memref<!tpu.dma_semaphore, #tpu.memory_space<semaphore_mem>>) {add = true}
      %ge3A_206 = arith.constant 1 : i32
      %ge3A_207 = arith.cmpi sge, %add3A_193, %ge3A_206 : i32
      %convert_element_type3A_208 = arith.extui %ge3A_207 : i1 to i32
      %cond3A_209 = arith.constant 0 : i32
      %cond3A_210 = arith.cmpi ne, %convert_element_type3A_208, %cond3A_209 : i32
      scf.if %cond3A_210 {
        %sub3A = arith.constant 1 : i32
        %sub3A_246 = arith.subi %add3A_193, %sub3A : i32
        %dma_wait3A_247 = arith.constant 0 : i32
        %dma_wait3A_248 = tpu.memref_slice %arg7[%sub3A_246, %dma_wait3A_247] : memref<40x64xi32, #tpu.memory_space<vmem>> -> memref<1x64xi32, #tpu.memory_space<vmem>>
        %dma_wait3A_249 = tpu.memref_squeeze %dma_wait3A_248 : memref<1x64xi32, #tpu.memory_space<vmem>> -> memref<64xi32, #tpu.memory_space<vmem>>
        %dma_wait3A_250 = arith.constant 0 : i32
        %dma_wait3A_251 = arith.constant 0 : i32
        %dma_wait3A_252 = tpu.memref_slice %arg12[%dma_wait3A_250, %dma_wait3A_251] : memref<10240x128xf32, #tpu.memory_space<vmem_shared>> -> memref<10240x128xf32, #tpu.memory_space<vmem_shared>>
        tpu.wait_indirect_dma semaphore(%arg18 : memref<!tpu.dma_semaphore, #tpu.memory_space<semaphore_mem>>) src(%arg9 : memref<64x128xf32, #tpu.memory_space<vmem>>) dst(%dma_wait3A_252 : memref<10240x128xf32, #tpu.memory_space<vmem_shared>>)
      } else {
      }
      %add3A_211 = arith.constant 3 : i32
      %add3A_212 = arith.addi %add3A_193, %add3A_211 : i32
      %lt3A_213 = arith.constant 40 : i32
      %lt3A_214 = arith.cmpi slt, %add3A_212, %lt3A_213 : i32
      %convert_element_type3A_215 = arith.extui %lt3A_214 : i1 to i32
      %cond3A_216 = arith.constant 0 : i32
      %cond3A_217 = arith.cmpi ne, %convert_element_type3A_215, %cond3A_216 : i32
      scf.if %cond3A_217 {
        %add3A_246 = arith.constant 3 : i32
        %add3A_247 = arith.addi %add3A_193, %add3A_246 : i32
        %dma_start3A_248 = arith.constant 0 : i32
        %dma_start3A_249 = tpu.memref_slice %arg6[%add3A_247, %dma_start3A_248] : memref<40x64xi32, #tpu.memory_space<vmem>> -> memref<1x64xi32, #tpu.memory_space<vmem>>
        %dma_start3A_250 = tpu.memref_squeeze %dma_start3A_249 : memref<1x64xi32, #tpu.memory_space<vmem>> -> memref<64xi32, #tpu.memory_space<vmem>>
        %dma_start3A_251 = arith.constant 0 : i32
        %dma_start3A_252 = arith.constant 0 : i32
        %dma_start3A_253 = tpu.memref_slice %arg2[%dma_start3A_251, %dma_start3A_252] : memref<10240x128xf32, #tpu.memory_space<hbm>> -> memref<10240x128xf32, #tpu.memory_space<hbm>>
        tpu.enqueue_indirect_dma source(%dma_start3A_253 : memref<10240x128xf32, #tpu.memory_space<hbm>>) target(%arg9 : memref<64x128xf32, #tpu.memory_space<vmem>>) offsets(%dma_start3A_250 : memref<64xi32, #tpu.memory_space<vmem>>) semaphore(%arg14 : memref<!tpu.dma_semaphore, #tpu.memory_space<semaphore_mem>>)
      } else {
      }
      %mul3A_218 = arith.constant 4 : i32
      %mul3A_219 = arith.muli %mul3A_218, %scan3A_137 : i32
      %add3A_220 = arith.constant 3 : i32
      %add3A_221 = arith.addi %mul3A_219, %add3A_220 : i32
      %dma_wait3A_222 = arith.constant 0 : i32
      %dma_wait3A_223 = tpu.memref_slice %arg6[%add3A_221, %dma_wait3A_222] : memref<40x64xi32, #tpu.memory_space<vmem>> -> memref<1x64xi32, #tpu.memory_space<vmem>>
      %dma_wait3A_224 = tpu.memref_squeeze %dma_wait3A_223 : memref<1x64xi32, #tpu.memory_space<vmem>> -> memref<64xi32, #tpu.memory_space<vmem>>
      %dma_wait3A_225 = arith.constant 0 : i32
      %dma_wait3A_226 = arith.constant 0 : i32
      %dma_wait3A_227 = tpu.memref_slice %arg2[%dma_wait3A_225, %dma_wait3A_226] : memref<10240x128xf32, #tpu.memory_space<hbm>> -> memref<10240x128xf32, #tpu.memory_space<hbm>>
      tpu.wait_indirect_dma semaphore(%arg16 : memref<!tpu.dma_semaphore, #tpu.memory_space<semaphore_mem>>) src(%dma_wait3A_227 : memref<10240x128xf32, #tpu.memory_space<hbm>>) dst(%arg11 : memref<64x128xf32, #tpu.memory_space<vmem>>)
      %dma_start3A_228 = arith.constant 0 : i32
      %dma_start3A_229 = tpu.memref_slice %arg7[%add3A_221, %dma_start3A_228] : memref<40x64xi32, #tpu.memory_space<vmem>> -> memref<1x64xi32, #tpu.memory_space<vmem>>
      %dma_start3A_230 = tpu.memref_squeeze %dma_start3A_229 : memref<1x64xi32, #tpu.memory_space<vmem>> -> memref<64xi32, #tpu.memory_space<vmem>>
      %dma_start3A_231 = arith.constant 0 : i32
      %dma_start3A_232 = arith.constant 0 : i32
      %dma_start3A_233 = tpu.memref_slice %arg12[%dma_start3A_231, %dma_start3A_232] : memref<10240x128xf32, #tpu.memory_space<vmem_shared>> -> memref<10240x128xf32, #tpu.memory_space<vmem_shared>>
      tpu.enqueue_indirect_dma source(%arg11 : memref<64x128xf32, #tpu.memory_space<vmem>>) target(%dma_start3A_233 : memref<10240x128xf32, #tpu.memory_space<vmem_shared>>) offsets(%dma_start3A_230 : memref<64xi32, #tpu.memory_space<vmem>>) semaphore(%arg20 : memref<!tpu.dma_semaphore, #tpu.memory_space<semaphore_mem>>) {add = true}
      %ge3A_234 = arith.constant 1 : i32
      %ge3A_235 = arith.cmpi sge, %add3A_221, %ge3A_234 : i32
      %convert_element_type3A_236 = arith.extui %ge3A_235 : i1 to i32
      %cond3A_237 = arith.constant 0 : i32
      %cond3A_238 = arith.cmpi ne, %convert_element_type3A_236, %cond3A_237 : i32
      scf.if %cond3A_238 {
        %sub3A = arith.constant 1 : i32
        %sub3A_246 = arith.subi %add3A_221, %sub3A : i32
        %dma_wait3A_247 = arith.constant 0 : i32
        %dma_wait3A_248 = tpu.memref_slice %arg7[%sub3A_246, %dma_wait3A_247] : memref<40x64xi32, #tpu.memory_space<vmem>> -> memref<1x64xi32, #tpu.memory_space<vmem>>
        %dma_wait3A_249 = tpu.memref_squeeze %dma_wait3A_248 : memref<1x64xi32, #tpu.memory_space<vmem>> -> memref<64xi32, #tpu.memory_space<vmem>>
        %dma_wait3A_250 = arith.constant 0 : i32
        %dma_wait3A_251 = arith.constant 0 : i32
        %dma_wait3A_252 = tpu.memref_slice %arg12[%dma_wait3A_250, %dma_wait3A_251] : memref<10240x128xf32, #tpu.memory_space<vmem_shared>> -> memref<10240x128xf32, #tpu.memory_space<vmem_shared>>
        tpu.wait_indirect_dma semaphore(%arg19 : memref<!tpu.dma_semaphore, #tpu.memory_space<semaphore_mem>>) src(%arg10 : memref<64x128xf32, #tpu.memory_space<vmem>>) dst(%dma_wait3A_252 : memref<10240x128xf32, #tpu.memory_space<vmem_shared>>)
      } else {
      }
      %add3A_239 = arith.constant 3 : i32
      %add3A_240 = arith.addi %add3A_221, %add3A_239 : i32
      %lt3A_241 = arith.constant 40 : i32
      %lt3A_242 = arith.cmpi slt, %add3A_240, %lt3A_241 : i32
      %convert_element_type3A_243 = arith.extui %lt3A_242 : i1 to i32
      %cond3A_244 = arith.constant 0 : i32
      %cond3A_245 = arith.cmpi ne, %convert_element_type3A_243, %cond3A_244 : i32
      scf.if %cond3A_245 {
        %add3A_246 = arith.constant 3 : i32
        %add3A_247 = arith.addi %add3A_221, %add3A_246 : i32
        %dma_start3A_248 = arith.constant 0 : i32
        %dma_start3A_249 = tpu.memref_slice %arg6[%add3A_247, %dma_start3A_248] : memref<40x64xi32, #tpu.memory_space<vmem>> -> memref<1x64xi32, #tpu.memory_space<vmem>>
        %dma_start3A_250 = tpu.memref_squeeze %dma_start3A_249 : memref<1x64xi32, #tpu.memory_space<vmem>> -> memref<64xi32, #tpu.memory_space<vmem>>
        %dma_start3A_251 = arith.constant 0 : i32
        %dma_start3A_252 = arith.constant 0 : i32
        %dma_start3A_253 = tpu.memref_slice %arg2[%dma_start3A_251, %dma_start3A_252] : memref<10240x128xf32, #tpu.memory_space<hbm>> -> memref<10240x128xf32, #tpu.memory_space<hbm>>
        tpu.enqueue_indirect_dma source(%dma_start3A_253 : memref<10240x128xf32, #tpu.memory_space<hbm>>) target(%arg10 : memref<64x128xf32, #tpu.memory_space<vmem>>) offsets(%dma_start3A_250 : memref<64xi32, #tpu.memory_space<vmem>>) semaphore(%arg15 : memref<!tpu.dma_semaphore, #tpu.memory_space<semaphore_mem>>)
      } else {
      }
    }
    %scan3A_27 = arith.constant 10 : i32
    %dma_wait3A = arith.constant 39 : i32
    %dma_wait3A_28 = arith.constant 0 : i32
    %dma_wait3A_29 = tpu.memref_slice %arg7[%dma_wait3A, %dma_wait3A_28] : memref<40x64xi32, #tpu.memory_space<vmem>> -> memref<1x64xi32, #tpu.memory_space<vmem>>
    %dma_wait3A_30 = tpu.memref_squeeze %dma_wait3A_29 : memref<1x64xi32, #tpu.memory_space<vmem>> -> memref<64xi32, #tpu.memory_space<vmem>>
    %dma_wait3A_31 = arith.constant 0 : i32
    %dma_wait3A_32 = arith.constant 0 : i32
    %dma_wait3A_33 = tpu.memref_slice %arg12[%dma_wait3A_31, %dma_wait3A_32] : memref<10240x128xf32, #tpu.memory_space<vmem_shared>> -> memref<10240x128xf32, #tpu.memory_space<vmem_shared>>
    tpu.wait_indirect_dma semaphore(%arg20 : memref<!tpu.dma_semaphore, #tpu.memory_space<semaphore_mem>>) src(%arg11 : memref<64x128xf32, #tpu.memory_space<vmem>>) dst(%dma_wait3A_33 : memref<10240x128xf32, #tpu.memory_space<vmem_shared>>)
    "tpu.region"() ({
      %run_scoped3A = tpu.sem_alloc : memref<!tpu.dma_semaphore, #tpu.memory_space<semaphore_mem>>
      %dma_start3A_137 = arith.constant 40 : i32
      %dma_start3A_138 = arith.constant 0 : i32
      %dma_start3A_139 = tpu.memref_slice %arg3[%add3A, %dma_start3A_137, %dma_start3A_138] : memref<32x160x64xi32, #tpu.memory_space<hbm>> -> memref<1x40x64xi32, #tpu.memory_space<hbm>>
      %dma_start3A_140 = tpu.memref_squeeze %dma_start3A_139 : memref<1x40x64xi32, #tpu.memory_space<hbm>> -> memref<40x64xi32, #tpu.memory_space<hbm>>
      %dma_start3A_141 = arith.constant 40 : i32
      %dma_start3A_142 = arith.constant 0 : i32
      %dma_start3A_143 = tpu.memref_slice %arg3[%add3A, %dma_start3A_141, %dma_start3A_142] : memref<32x160x64xi32, #tpu.memory_space<hbm>> -> memref<1x40x64xi32, #tpu.memory_space<hbm>>
      %dma_start3A_144 = tpu.memref_squeeze %dma_start3A_143 : memref<1x40x64xi32, #tpu.memory_space<hbm>> -> memref<40x64xi32, #tpu.memory_space<hbm>>
      tpu.enqueue_dma source(%dma_start3A_144 : memref<40x64xi32, #tpu.memory_space<hbm>>) target(%arg6 : memref<40x64xi32, #tpu.memory_space<vmem>>) target_semaphore(%run_scoped3A : memref<!tpu.dma_semaphore, #tpu.memory_space<semaphore_mem>>)
      %dma_wait3A_145 = arith.constant 40 : i32
      %dma_wait3A_146 = arith.constant 0 : i32
      %dma_wait3A_147 = tpu.memref_slice %arg3[%add3A, %dma_wait3A_145, %dma_wait3A_146] : memref<32x160x64xi32, #tpu.memory_space<hbm>> -> memref<1x40x64xi32, #tpu.memory_space<hbm>>
      %dma_wait3A_148 = tpu.memref_squeeze %dma_wait3A_147 : memref<1x40x64xi32, #tpu.memory_space<hbm>> -> memref<40x64xi32, #tpu.memory_space<hbm>>
      %dma_wait3A_149 = arith.constant 40 : i32
      %dma_wait3A_150 = arith.constant 0 : i32
      %dma_wait3A_151 = tpu.memref_slice %arg3[%add3A, %dma_wait3A_149, %dma_wait3A_150] : memref<32x160x64xi32, #tpu.memory_space<hbm>> -> memref<1x40x64xi32, #tpu.memory_space<hbm>>
      %dma_wait3A_152 = tpu.memref_squeeze %dma_wait3A_151 : memref<1x40x64xi32, #tpu.memory_space<hbm>> -> memref<40x64xi32, #tpu.memory_space<hbm>>
      tpu.wait_dma2 semaphore(%run_scoped3A : memref<!tpu.dma_semaphore, #tpu.memory_space<semaphore_mem>>) src(%dma_wait3A_152 : memref<40x64xi32, #tpu.memory_space<hbm>>) dst(%arg6 : memref<40x64xi32, #tpu.memory_space<vmem>>)
      tpu.yield
    }) : () -> ()
    "tpu.region"() ({
      %run_scoped3A = tpu.sem_alloc : memref<!tpu.dma_semaphore, #tpu.memory_space<semaphore_mem>>
      %dma_start3A_137 = arith.constant 40 : i32
      %dma_start3A_138 = arith.constant 0 : i32
      %dma_start3A_139 = tpu.memref_slice %arg4[%add3A, %dma_start3A_137, %dma_start3A_138] : memref<32x160x64xi32, #tpu.memory_space<hbm>> -> memref<1x40x64xi32, #tpu.memory_space<hbm>>
      %dma_start3A_140 = tpu.memref_squeeze %dma_start3A_139 : memref<1x40x64xi32, #tpu.memory_space<hbm>> -> memref<40x64xi32, #tpu.memory_space<hbm>>
      %dma_start3A_141 = arith.constant 40 : i32
      %dma_start3A_142 = arith.constant 0 : i32
      %dma_start3A_143 = tpu.memref_slice %arg4[%add3A, %dma_start3A_141, %dma_start3A_142] : memref<32x160x64xi32, #tpu.memory_space<hbm>> -> memref<1x40x64xi32, #tpu.memory_space<hbm>>
      %dma_start3A_144 = tpu.memref_squeeze %dma_start3A_143 : memref<1x40x64xi32, #tpu.memory_space<hbm>> -> memref<40x64xi32, #tpu.memory_space<hbm>>
      tpu.enqueue_dma source(%dma_start3A_144 : memref<40x64xi32, #tpu.memory_space<hbm>>) target(%arg7 : memref<40x64xi32, #tpu.memory_space<vmem>>) target_semaphore(%run_scoped3A : memref<!tpu.dma_semaphore, #tpu.memory_space<semaphore_mem>>)
      %dma_wait3A_145 = arith.constant 40 : i32
      %dma_wait3A_146 = arith.constant 0 : i32
      %dma_wait3A_147 = tpu.memref_slice %arg4[%add3A, %dma_wait3A_145, %dma_wait3A_146] : memref<32x160x64xi32, #tpu.memory_space<hbm>> -> memref<1x40x64xi32, #tpu.memory_space<hbm>>
      %dma_wait3A_148 = tpu.memref_squeeze %dma_wait3A_147 : memref<1x40x64xi32, #tpu.memory_space<hbm>> -> memref<40x64xi32, #tpu.memory_space<hbm>>
      %dma_wait3A_149 = arith.constant 40 : i32
      %dma_wait3A_150 = arith.constant 0 : i32
      %dma_wait3A_151 = tpu.memref_slice %arg4[%add3A, %dma_wait3A_149, %dma_wait3A_150] : memref<32x160x64xi32, #tpu.memory_space<hbm>> -> memref<1x40x64xi32, #tpu.memory_space<hbm>>
      %dma_wait3A_152 = tpu.memref_squeeze %dma_wait3A_151 : memref<1x40x64xi32, #tpu.memory_space<hbm>> -> memref<40x64xi32, #tpu.memory_space<hbm>>
      tpu.wait_dma2 semaphore(%run_scoped3A : memref<!tpu.dma_semaphore, #tpu.memory_space<semaphore_mem>>) src(%dma_wait3A_152 : memref<40x64xi32, #tpu.memory_space<hbm>>) dst(%arg7 : memref<40x64xi32, #tpu.memory_space<vmem>>)
      tpu.yield
    }) : () -> ()
    %dma_start3A_34 = arith.constant 0 : i32
    %dma_start3A_35 = arith.constant 0 : i32
    %dma_start3A_36 = tpu.memref_slice %arg6[%dma_start3A_34, %dma_start3A_35] : memref<40x64xi32, #tpu.memory_space<vmem>> -> memref<1x64xi32, #tpu.memory_space<vmem>>
    %dma_start3A_37 = tpu.memref_squeeze %dma_start3A_36 : memref<1x64xi32, #tpu.memory_space<vmem>> -> memref<64xi32, #tpu.memory_space<vmem>>
    %dma_start3A_38 = arith.constant 0 : i32
    %dma_start3A_39 = arith.constant 0 : i32
    %dma_start3A_40 = tpu.memref_slice %arg2[%dma_start3A_38, %dma_start3A_39] : memref<10240x128xf32, #tpu.memory_space<hbm>> -> memref<10240x128xf32, #tpu.memory_space<hbm>>
    tpu.enqueue_indirect_dma source(%dma_start3A_40 : memref<10240x128xf32, #tpu.memory_space<hbm>>) target(%arg8 : memref<64x128xf32, #tpu.memory_space<vmem>>) offsets(%dma_start3A_37 : memref<64xi32, #tpu.memory_space<vmem>>) semaphore(%arg13 : memref<!tpu.dma_semaphore, #tpu.memory_space<semaphore_mem>>)
    %dma_start3A_41 = arith.constant 1 : i32
    %dma_start3A_42 = arith.constant 0 : i32
    %dma_start3A_43 = tpu.memref_slice %arg6[%dma_start3A_41, %dma_start3A_42] : memref<40x64xi32, #tpu.memory_space<vmem>> -> memref<1x64xi32, #tpu.memory_space<vmem>>
    %dma_start3A_44 = tpu.memref_squeeze %dma_start3A_43 : memref<1x64xi32, #tpu.memory_space<vmem>> -> memref<64xi32, #tpu.memory_space<vmem>>
    %dma_start3A_45 = arith.constant 0 : i32
    %dma_start3A_46 = arith.constant 0 : i32
    %dma_start3A_47 = tpu.memref_slice %arg2[%dma_start3A_45, %dma_start3A_46] : memref<10240x128xf32, #tpu.memory_space<hbm>> -> memref<10240x128xf32, #tpu.memory_space<hbm>>
    tpu.enqueue_indirect_dma source(%dma_start3A_47 : memref<10240x128xf32, #tpu.memory_space<hbm>>) target(%arg9 : memref<64x128xf32, #tpu.memory_space<vmem>>) offsets(%dma_start3A_44 : memref<64xi32, #tpu.memory_space<vmem>>) semaphore(%arg14 : memref<!tpu.dma_semaphore, #tpu.memory_space<semaphore_mem>>)
    %dma_start3A_48 = arith.constant 2 : i32
    %dma_start3A_49 = arith.constant 0 : i32
    %dma_start3A_50 = tpu.memref_slice %arg6[%dma_start3A_48, %dma_start3A_49] : memref<40x64xi32, #tpu.memory_space<vmem>> -> memref<1x64xi32, #tpu.memory_space<vmem>>
    %dma_start3A_51 = tpu.memref_squeeze %dma_start3A_50 : memref<1x64xi32, #tpu.memory_space<vmem>> -> memref<64xi32, #tpu.memory_space<vmem>>
    %dma_start3A_52 = arith.constant 0 : i32
    %dma_start3A_53 = arith.constant 0 : i32
    %dma_start3A_54 = tpu.memref_slice %arg2[%dma_start3A_52, %dma_start3A_53] : memref<10240x128xf32, #tpu.memory_space<hbm>> -> memref<10240x128xf32, #tpu.memory_space<hbm>>
    tpu.enqueue_indirect_dma source(%dma_start3A_54 : memref<10240x128xf32, #tpu.memory_space<hbm>>) target(%arg10 : memref<64x128xf32, #tpu.memory_space<vmem>>) offsets(%dma_start3A_51 : memref<64xi32, #tpu.memory_space<vmem>>) semaphore(%arg15 : memref<!tpu.dma_semaphore, #tpu.memory_space<semaphore_mem>>)
    %scan3A_55 = arith.constant 0 : i32
    %scan3A_56 = arith.constant 0 : i32
    %scan3A_57 = arith.constant 10 : i32
    %scan3A_58 = arith.addi %scan3A_56, %scan3A_57 : i32
    %scan3A_59 = arith.constant 1 : i32
    scf.for %scan3A_137 = %scan3A_56 to %scan3A_58 step %scan3A_59  : i32 {
      %mul3A_138 = arith.constant 4 : i32
      %mul3A_139 = arith.muli %mul3A_138, %scan3A_137 : i32
      %add3A_140 = arith.constant 0 : i32
      %add3A_141 = arith.addi %mul3A_139, %add3A_140 : i32
      %dma_wait3A_142 = arith.constant 0 : i32
      %dma_wait3A_143 = tpu.memref_slice %arg6[%add3A_141, %dma_wait3A_142] : memref<40x64xi32, #tpu.memory_space<vmem>> -> memref<1x64xi32, #tpu.memory_space<vmem>>
      %dma_wait3A_144 = tpu.memref_squeeze %dma_wait3A_143 : memref<1x64xi32, #tpu.memory_space<vmem>> -> memref<64xi32, #tpu.memory_space<vmem>>
      %dma_wait3A_145 = arith.constant 0 : i32
      %dma_wait3A_146 = arith.constant 0 : i32
      %dma_wait3A_147 = tpu.memref_slice %arg2[%dma_wait3A_145, %dma_wait3A_146] : memref<10240x128xf32, #tpu.memory_space<hbm>> -> memref<10240x128xf32, #tpu.memory_space<hbm>>
      tpu.wait_indirect_dma semaphore(%arg13 : memref<!tpu.dma_semaphore, #tpu.memory_space<semaphore_mem>>) src(%dma_wait3A_147 : memref<10240x128xf32, #tpu.memory_space<hbm>>) dst(%arg8 : memref<64x128xf32, #tpu.memory_space<vmem>>)
      %dma_start3A_148 = arith.constant 0 : i32
      %dma_start3A_149 = tpu.memref_slice %arg7[%add3A_141, %dma_start3A_148] : memref<40x64xi32, #tpu.memory_space<vmem>> -> memref<1x64xi32, #tpu.memory_space<vmem>>
      %dma_start3A_150 = tpu.memref_squeeze %dma_start3A_149 : memref<1x64xi32, #tpu.memory_space<vmem>> -> memref<64xi32, #tpu.memory_space<vmem>>
      %dma_start3A_151 = arith.constant 0 : i32
      %dma_start3A_152 = arith.constant 0 : i32
      %dma_start3A_153 = tpu.memref_slice %arg12[%dma_start3A_151, %dma_start3A_152] : memref<10240x128xf32, #tpu.memory_space<vmem_shared>> -> memref<10240x128xf32, #tpu.memory_space<vmem_shared>>
      tpu.enqueue_indirect_dma source(%arg8 : memref<64x128xf32, #tpu.memory_space<vmem>>) target(%dma_start3A_153 : memref<10240x128xf32, #tpu.memory_space<vmem_shared>>) offsets(%dma_start3A_150 : memref<64xi32, #tpu.memory_space<vmem>>) semaphore(%arg17 : memref<!tpu.dma_semaphore, #tpu.memory_space<semaphore_mem>>) {add = true}
      %ge3A = arith.constant 1 : i32
      %ge3A_154 = arith.cmpi sge, %add3A_141, %ge3A : i32
      %convert_element_type3A = arith.extui %ge3A_154 : i1 to i32
      %cond3A = arith.constant 0 : i32
      %cond3A_155 = arith.cmpi ne, %convert_element_type3A, %cond3A : i32
      scf.if %cond3A_155 {
        %sub3A = arith.constant 1 : i32
        %sub3A_246 = arith.subi %add3A_141, %sub3A : i32
        %dma_wait3A_247 = arith.constant 0 : i32
        %dma_wait3A_248 = tpu.memref_slice %arg7[%sub3A_246, %dma_wait3A_247] : memref<40x64xi32, #tpu.memory_space<vmem>> -> memref<1x64xi32, #tpu.memory_space<vmem>>
        %dma_wait3A_249 = tpu.memref_squeeze %dma_wait3A_248 : memref<1x64xi32, #tpu.memory_space<vmem>> -> memref<64xi32, #tpu.memory_space<vmem>>
        %dma_wait3A_250 = arith.constant 0 : i32
        %dma_wait3A_251 = arith.constant 0 : i32
        %dma_wait3A_252 = tpu.memref_slice %arg12[%dma_wait3A_250, %dma_wait3A_251] : memref<10240x128xf32, #tpu.memory_space<vmem_shared>> -> memref<10240x128xf32, #tpu.memory_space<vmem_shared>>
        tpu.wait_indirect_dma semaphore(%arg20 : memref<!tpu.dma_semaphore, #tpu.memory_space<semaphore_mem>>) src(%arg11 : memref<64x128xf32, #tpu.memory_space<vmem>>) dst(%dma_wait3A_252 : memref<10240x128xf32, #tpu.memory_space<vmem_shared>>)
      } else {
      }
      %add3A_156 = arith.constant 3 : i32
      %add3A_157 = arith.addi %add3A_141, %add3A_156 : i32
      %lt3A = arith.constant 40 : i32
      %lt3A_158 = arith.cmpi slt, %add3A_157, %lt3A : i32
      %convert_element_type3A_159 = arith.extui %lt3A_158 : i1 to i32
      %cond3A_160 = arith.constant 0 : i32
      %cond3A_161 = arith.cmpi ne, %convert_element_type3A_159, %cond3A_160 : i32
      scf.if %cond3A_161 {
        %add3A_246 = arith.constant 3 : i32
        %add3A_247 = arith.addi %add3A_141, %add3A_246 : i32
        %dma_start3A_248 = arith.constant 0 : i32
        %dma_start3A_249 = tpu.memref_slice %arg6[%add3A_247, %dma_start3A_248] : memref<40x64xi32, #tpu.memory_space<vmem>> -> memref<1x64xi32, #tpu.memory_space<vmem>>
        %dma_start3A_250 = tpu.memref_squeeze %dma_start3A_249 : memref<1x64xi32, #tpu.memory_space<vmem>> -> memref<64xi32, #tpu.memory_space<vmem>>
        %dma_start3A_251 = arith.constant 0 : i32
        %dma_start3A_252 = arith.constant 0 : i32
        %dma_start3A_253 = tpu.memref_slice %arg2[%dma_start3A_251, %dma_start3A_252] : memref<10240x128xf32, #tpu.memory_space<hbm>> -> memref<10240x128xf32, #tpu.memory_space<hbm>>
        tpu.enqueue_indirect_dma source(%dma_start3A_253 : memref<10240x128xf32, #tpu.memory_space<hbm>>) target(%arg11 : memref<64x128xf32, #tpu.memory_space<vmem>>) offsets(%dma_start3A_250 : memref<64xi32, #tpu.memory_space<vmem>>) semaphore(%arg16 : memref<!tpu.dma_semaphore, #tpu.memory_space<semaphore_mem>>)
      } else {
      }
      %mul3A_162 = arith.constant 4 : i32
      %mul3A_163 = arith.muli %mul3A_162, %scan3A_137 : i32
      %add3A_164 = arith.constant 1 : i32
      %add3A_165 = arith.addi %mul3A_163, %add3A_164 : i32
      %dma_wait3A_166 = arith.constant 0 : i32
      %dma_wait3A_167 = tpu.memref_slice %arg6[%add3A_165, %dma_wait3A_166] : memref<40x64xi32, #tpu.memory_space<vmem>> -> memref<1x64xi32, #tpu.memory_space<vmem>>
      %dma_wait3A_168 = tpu.memref_squeeze %dma_wait3A_167 : memref<1x64xi32, #tpu.memory_space<vmem>> -> memref<64xi32, #tpu.memory_space<vmem>>
      %dma_wait3A_169 = arith.constant 0 : i32
      %dma_wait3A_170 = arith.constant 0 : i32
      %dma_wait3A_171 = tpu.memref_slice %arg2[%dma_wait3A_169, %dma_wait3A_170] : memref<10240x128xf32, #tpu.memory_space<hbm>> -> memref<10240x128xf32, #tpu.memory_space<hbm>>
      tpu.wait_indirect_dma semaphore(%arg14 : memref<!tpu.dma_semaphore, #tpu.memory_space<semaphore_mem>>) src(%dma_wait3A_171 : memref<10240x128xf32, #tpu.memory_space<hbm>>) dst(%arg9 : memref<64x128xf32, #tpu.memory_space<vmem>>)
      %dma_start3A_172 = arith.constant 0 : i32
      %dma_start3A_173 = tpu.memref_slice %arg7[%add3A_165, %dma_start3A_172] : memref<40x64xi32, #tpu.memory_space<vmem>> -> memref<1x64xi32, #tpu.memory_space<vmem>>
      %dma_start3A_174 = tpu.memref_squeeze %dma_start3A_173 : memref<1x64xi32, #tpu.memory_space<vmem>> -> memref<64xi32, #tpu.memory_space<vmem>>
      %dma_start3A_175 = arith.constant 0 : i32
      %dma_start3A_176 = arith.constant 0 : i32
      %dma_start3A_177 = tpu.memref_slice %arg12[%dma_start3A_175, %dma_start3A_176] : memref<10240x128xf32, #tpu.memory_space<vmem_shared>> -> memref<10240x128xf32, #tpu.memory_space<vmem_shared>>
      tpu.enqueue_indirect_dma source(%arg9 : memref<64x128xf32, #tpu.memory_space<vmem>>) target(%dma_start3A_177 : memref<10240x128xf32, #tpu.memory_space<vmem_shared>>) offsets(%dma_start3A_174 : memref<64xi32, #tpu.memory_space<vmem>>) semaphore(%arg18 : memref<!tpu.dma_semaphore, #tpu.memory_space<semaphore_mem>>) {add = true}
      %ge3A_178 = arith.constant 1 : i32
      %ge3A_179 = arith.cmpi sge, %add3A_165, %ge3A_178 : i32
      %convert_element_type3A_180 = arith.extui %ge3A_179 : i1 to i32
      %cond3A_181 = arith.constant 0 : i32
      %cond3A_182 = arith.cmpi ne, %convert_element_type3A_180, %cond3A_181 : i32
      scf.if %cond3A_182 {
        %sub3A = arith.constant 1 : i32
        %sub3A_246 = arith.subi %add3A_165, %sub3A : i32
        %dma_wait3A_247 = arith.constant 0 : i32
        %dma_wait3A_248 = tpu.memref_slice %arg7[%sub3A_246, %dma_wait3A_247] : memref<40x64xi32, #tpu.memory_space<vmem>> -> memref<1x64xi32, #tpu.memory_space<vmem>>
        %dma_wait3A_249 = tpu.memref_squeeze %dma_wait3A_248 : memref<1x64xi32, #tpu.memory_space<vmem>> -> memref<64xi32, #tpu.memory_space<vmem>>
        %dma_wait3A_250 = arith.constant 0 : i32
        %dma_wait3A_251 = arith.constant 0 : i32
        %dma_wait3A_252 = tpu.memref_slice %arg12[%dma_wait3A_250, %dma_wait3A_251] : memref<10240x128xf32, #tpu.memory_space<vmem_shared>> -> memref<10240x128xf32, #tpu.memory_space<vmem_shared>>
        tpu.wait_indirect_dma semaphore(%arg17 : memref<!tpu.dma_semaphore, #tpu.memory_space<semaphore_mem>>) src(%arg8 : memref<64x128xf32, #tpu.memory_space<vmem>>) dst(%dma_wait3A_252 : memref<10240x128xf32, #tpu.memory_space<vmem_shared>>)
      } else {
      }
      %add3A_183 = arith.constant 3 : i32
      %add3A_184 = arith.addi %add3A_165, %add3A_183 : i32
      %lt3A_185 = arith.constant 40 : i32
      %lt3A_186 = arith.cmpi slt, %add3A_184, %lt3A_185 : i32
      %convert_element_type3A_187 = arith.extui %lt3A_186 : i1 to i32
      %cond3A_188 = arith.constant 0 : i32
      %cond3A_189 = arith.cmpi ne, %convert_element_type3A_187, %cond3A_188 : i32
      scf.if %cond3A_189 {
        %add3A_246 = arith.constant 3 : i32
        %add3A_247 = arith.addi %add3A_165, %add3A_246 : i32
        %dma_start3A_248 = arith.constant 0 : i32
        %dma_start3A_249 = tpu.memref_slice %arg6[%add3A_247, %dma_start3A_248] : memref<40x64xi32, #tpu.memory_space<vmem>> -> memref<1x64xi32, #tpu.memory_space<vmem>>
        %dma_start3A_250 = tpu.memref_squeeze %dma_start3A_249 : memref<1x64xi32, #tpu.memory_space<vmem>> -> memref<64xi32, #tpu.memory_space<vmem>>
        %dma_start3A_251 = arith.constant 0 : i32
        %dma_start3A_252 = arith.constant 0 : i32
        %dma_start3A_253 = tpu.memref_slice %arg2[%dma_start3A_251, %dma_start3A_252] : memref<10240x128xf32, #tpu.memory_space<hbm>> -> memref<10240x128xf32, #tpu.memory_space<hbm>>
        tpu.enqueue_indirect_dma source(%dma_start3A_253 : memref<10240x128xf32, #tpu.memory_space<hbm>>) target(%arg8 : memref<64x128xf32, #tpu.memory_space<vmem>>) offsets(%dma_start3A_250 : memref<64xi32, #tpu.memory_space<vmem>>) semaphore(%arg13 : memref<!tpu.dma_semaphore, #tpu.memory_space<semaphore_mem>>)
      } else {
      }
      %mul3A_190 = arith.constant 4 : i32
      %mul3A_191 = arith.muli %mul3A_190, %scan3A_137 : i32
      %add3A_192 = arith.constant 2 : i32
      %add3A_193 = arith.addi %mul3A_191, %add3A_192 : i32
      %dma_wait3A_194 = arith.constant 0 : i32
      %dma_wait3A_195 = tpu.memref_slice %arg6[%add3A_193, %dma_wait3A_194] : memref<40x64xi32, #tpu.memory_space<vmem>> -> memref<1x64xi32, #tpu.memory_space<vmem>>
      %dma_wait3A_196 = tpu.memref_squeeze %dma_wait3A_195 : memref<1x64xi32, #tpu.memory_space<vmem>> -> memref<64xi32, #tpu.memory_space<vmem>>
      %dma_wait3A_197 = arith.constant 0 : i32
      %dma_wait3A_198 = arith.constant 0 : i32
      %dma_wait3A_199 = tpu.memref_slice %arg2[%dma_wait3A_197, %dma_wait3A_198] : memref<10240x128xf32, #tpu.memory_space<hbm>> -> memref<10240x128xf32, #tpu.memory_space<hbm>>
      tpu.wait_indirect_dma semaphore(%arg15 : memref<!tpu.dma_semaphore, #tpu.memory_space<semaphore_mem>>) src(%dma_wait3A_199 : memref<10240x128xf32, #tpu.memory_space<hbm>>) dst(%arg10 : memref<64x128xf32, #tpu.memory_space<vmem>>)
      %dma_start3A_200 = arith.constant 0 : i32
      %dma_start3A_201 = tpu.memref_slice %arg7[%add3A_193, %dma_start3A_200] : memref<40x64xi32, #tpu.memory_space<vmem>> -> memref<1x64xi32, #tpu.memory_space<vmem>>
      %dma_start3A_202 = tpu.memref_squeeze %dma_start3A_201 : memref<1x64xi32, #tpu.memory_space<vmem>> -> memref<64xi32, #tpu.memory_space<vmem>>
      %dma_start3A_203 = arith.constant 0 : i32
      %dma_start3A_204 = arith.constant 0 : i32
      %dma_start3A_205 = tpu.memref_slice %arg12[%dma_start3A_203, %dma_start3A_204] : memref<10240x128xf32, #tpu.memory_space<vmem_shared>> -> memref<10240x128xf32, #tpu.memory_space<vmem_shared>>
      tpu.enqueue_indirect_dma source(%arg10 : memref<64x128xf32, #tpu.memory_space<vmem>>) target(%dma_start3A_205 : memref<10240x128xf32, #tpu.memory_space<vmem_shared>>) offsets(%dma_start3A_202 : memref<64xi32, #tpu.memory_space<vmem>>) semaphore(%arg19 : memref<!tpu.dma_semaphore, #tpu.memory_space<semaphore_mem>>) {add = true}
      %ge3A_206 = arith.constant 1 : i32
      %ge3A_207 = arith.cmpi sge, %add3A_193, %ge3A_206 : i32
      %convert_element_type3A_208 = arith.extui %ge3A_207 : i1 to i32
      %cond3A_209 = arith.constant 0 : i32
      %cond3A_210 = arith.cmpi ne, %convert_element_type3A_208, %cond3A_209 : i32
      scf.if %cond3A_210 {
        %sub3A = arith.constant 1 : i32
        %sub3A_246 = arith.subi %add3A_193, %sub3A : i32
        %dma_wait3A_247 = arith.constant 0 : i32
        %dma_wait3A_248 = tpu.memref_slice %arg7[%sub3A_246, %dma_wait3A_247] : memref<40x64xi32, #tpu.memory_space<vmem>> -> memref<1x64xi32, #tpu.memory_space<vmem>>
        %dma_wait3A_249 = tpu.memref_squeeze %dma_wait3A_248 : memref<1x64xi32, #tpu.memory_space<vmem>> -> memref<64xi32, #tpu.memory_space<vmem>>
        %dma_wait3A_250 = arith.constant 0 : i32
        %dma_wait3A_251 = arith.constant 0 : i32
        %dma_wait3A_252 = tpu.memref_slice %arg12[%dma_wait3A_250, %dma_wait3A_251] : memref<10240x128xf32, #tpu.memory_space<vmem_shared>> -> memref<10240x128xf32, #tpu.memory_space<vmem_shared>>
        tpu.wait_indirect_dma semaphore(%arg18 : memref<!tpu.dma_semaphore, #tpu.memory_space<semaphore_mem>>) src(%arg9 : memref<64x128xf32, #tpu.memory_space<vmem>>) dst(%dma_wait3A_252 : memref<10240x128xf32, #tpu.memory_space<vmem_shared>>)
      } else {
      }
      %add3A_211 = arith.constant 3 : i32
      %add3A_212 = arith.addi %add3A_193, %add3A_211 : i32
      %lt3A_213 = arith.constant 40 : i32
      %lt3A_214 = arith.cmpi slt, %add3A_212, %lt3A_213 : i32
      %convert_element_type3A_215 = arith.extui %lt3A_214 : i1 to i32
      %cond3A_216 = arith.constant 0 : i32
      %cond3A_217 = arith.cmpi ne, %convert_element_type3A_215, %cond3A_216 : i32
      scf.if %cond3A_217 {
        %add3A_246 = arith.constant 3 : i32
        %add3A_247 = arith.addi %add3A_193, %add3A_246 : i32
        %dma_start3A_248 = arith.constant 0 : i32
        %dma_start3A_249 = tpu.memref_slice %arg6[%add3A_247, %dma_start3A_248] : memref<40x64xi32, #tpu.memory_space<vmem>> -> memref<1x64xi32, #tpu.memory_space<vmem>>
        %dma_start3A_250 = tpu.memref_squeeze %dma_start3A_249 : memref<1x64xi32, #tpu.memory_space<vmem>> -> memref<64xi32, #tpu.memory_space<vmem>>
        %dma_start3A_251 = arith.constant 0 : i32
        %dma_start3A_252 = arith.constant 0 : i32
        %dma_start3A_253 = tpu.memref_slice %arg2[%dma_start3A_251, %dma_start3A_252] : memref<10240x128xf32, #tpu.memory_space<hbm>> -> memref<10240x128xf32, #tpu.memory_space<hbm>>
        tpu.enqueue_indirect_dma source(%dma_start3A_253 : memref<10240x128xf32, #tpu.memory_space<hbm>>) target(%arg9 : memref<64x128xf32, #tpu.memory_space<vmem>>) offsets(%dma_start3A_250 : memref<64xi32, #tpu.memory_space<vmem>>) semaphore(%arg14 : memref<!tpu.dma_semaphore, #tpu.memory_space<semaphore_mem>>)
      } else {
      }
      %mul3A_218 = arith.constant 4 : i32
      %mul3A_219 = arith.muli %mul3A_218, %scan3A_137 : i32
      %add3A_220 = arith.constant 3 : i32
      %add3A_221 = arith.addi %mul3A_219, %add3A_220 : i32
      %dma_wait3A_222 = arith.constant 0 : i32
      %dma_wait3A_223 = tpu.memref_slice %arg6[%add3A_221, %dma_wait3A_222] : memref<40x64xi32, #tpu.memory_space<vmem>> -> memref<1x64xi32, #tpu.memory_space<vmem>>
      %dma_wait3A_224 = tpu.memref_squeeze %dma_wait3A_223 : memref<1x64xi32, #tpu.memory_space<vmem>> -> memref<64xi32, #tpu.memory_space<vmem>>
      %dma_wait3A_225 = arith.constant 0 : i32
      %dma_wait3A_226 = arith.constant 0 : i32
      %dma_wait3A_227 = tpu.memref_slice %arg2[%dma_wait3A_225, %dma_wait3A_226] : memref<10240x128xf32, #tpu.memory_space<hbm>> -> memref<10240x128xf32, #tpu.memory_space<hbm>>
      tpu.wait_indirect_dma semaphore(%arg16 : memref<!tpu.dma_semaphore, #tpu.memory_space<semaphore_mem>>) src(%dma_wait3A_227 : memref<10240x128xf32, #tpu.memory_space<hbm>>) dst(%arg11 : memref<64x128xf32, #tpu.memory_space<vmem>>)
      %dma_start3A_228 = arith.constant 0 : i32
      %dma_start3A_229 = tpu.memref_slice %arg7[%add3A_221, %dma_start3A_228] : memref<40x64xi32, #tpu.memory_space<vmem>> -> memref<1x64xi32, #tpu.memory_space<vmem>>
      %dma_start3A_230 = tpu.memref_squeeze %dma_start3A_229 : memref<1x64xi32, #tpu.memory_space<vmem>> -> memref<64xi32, #tpu.memory_space<vmem>>
      %dma_start3A_231 = arith.constant 0 : i32
      %dma_start3A_232 = arith.constant 0 : i32
      %dma_start3A_233 = tpu.memref_slice %arg12[%dma_start3A_231, %dma_start3A_232] : memref<10240x128xf32, #tpu.memory_space<vmem_shared>> -> memref<10240x128xf32, #tpu.memory_space<vmem_shared>>
      tpu.enqueue_indirect_dma source(%arg11 : memref<64x128xf32, #tpu.memory_space<vmem>>) target(%dma_start3A_233 : memref<10240x128xf32, #tpu.memory_space<vmem_shared>>) offsets(%dma_start3A_230 : memref<64xi32, #tpu.memory_space<vmem>>) semaphore(%arg20 : memref<!tpu.dma_semaphore, #tpu.memory_space<semaphore_mem>>) {add = true}
      %ge3A_234 = arith.constant 1 : i32
      %ge3A_235 = arith.cmpi sge, %add3A_221, %ge3A_234 : i32
      %convert_element_type3A_236 = arith.extui %ge3A_235 : i1 to i32
      %cond3A_237 = arith.constant 0 : i32
      %cond3A_238 = arith.cmpi ne, %convert_element_type3A_236, %cond3A_237 : i32
      scf.if %cond3A_238 {
        %sub3A = arith.constant 1 : i32
        %sub3A_246 = arith.subi %add3A_221, %sub3A : i32
        %dma_wait3A_247 = arith.constant 0 : i32
        %dma_wait3A_248 = tpu.memref_slice %arg7[%sub3A_246, %dma_wait3A_247] : memref<40x64xi32, #tpu.memory_space<vmem>> -> memref<1x64xi32, #tpu.memory_space<vmem>>
        %dma_wait3A_249 = tpu.memref_squeeze %dma_wait3A_248 : memref<1x64xi32, #tpu.memory_space<vmem>> -> memref<64xi32, #tpu.memory_space<vmem>>
        %dma_wait3A_250 = arith.constant 0 : i32
        %dma_wait3A_251 = arith.constant 0 : i32
        %dma_wait3A_252 = tpu.memref_slice %arg12[%dma_wait3A_250, %dma_wait3A_251] : memref<10240x128xf32, #tpu.memory_space<vmem_shared>> -> memref<10240x128xf32, #tpu.memory_space<vmem_shared>>
        tpu.wait_indirect_dma semaphore(%arg19 : memref<!tpu.dma_semaphore, #tpu.memory_space<semaphore_mem>>) src(%arg10 : memref<64x128xf32, #tpu.memory_space<vmem>>) dst(%dma_wait3A_252 : memref<10240x128xf32, #tpu.memory_space<vmem_shared>>)
      } else {
      }
      %add3A_239 = arith.constant 3 : i32
      %add3A_240 = arith.addi %add3A_221, %add3A_239 : i32
      %lt3A_241 = arith.constant 40 : i32
      %lt3A_242 = arith.cmpi slt, %add3A_240, %lt3A_241 : i32
      %convert_element_type3A_243 = arith.extui %lt3A_242 : i1 to i32
      %cond3A_244 = arith.constant 0 : i32
      %cond3A_245 = arith.cmpi ne, %convert_element_type3A_243, %cond3A_244 : i32
      scf.if %cond3A_245 {
        %add3A_246 = arith.constant 3 : i32
        %add3A_247 = arith.addi %add3A_221, %add3A_246 : i32
        %dma_start3A_248 = arith.constant 0 : i32
        %dma_start3A_249 = tpu.memref_slice %arg6[%add3A_247, %dma_start3A_248] : memref<40x64xi32, #tpu.memory_space<vmem>> -> memref<1x64xi32, #tpu.memory_space<vmem>>
        %dma_start3A_250 = tpu.memref_squeeze %dma_start3A_249 : memref<1x64xi32, #tpu.memory_space<vmem>> -> memref<64xi32, #tpu.memory_space<vmem>>
        %dma_start3A_251 = arith.constant 0 : i32
        %dma_start3A_252 = arith.constant 0 : i32
        %dma_start3A_253 = tpu.memref_slice %arg2[%dma_start3A_251, %dma_start3A_252] : memref<10240x128xf32, #tpu.memory_space<hbm>> -> memref<10240x128xf32, #tpu.memory_space<hbm>>
        tpu.enqueue_indirect_dma source(%dma_start3A_253 : memref<10240x128xf32, #tpu.memory_space<hbm>>) target(%arg10 : memref<64x128xf32, #tpu.memory_space<vmem>>) offsets(%dma_start3A_250 : memref<64xi32, #tpu.memory_space<vmem>>) semaphore(%arg15 : memref<!tpu.dma_semaphore, #tpu.memory_space<semaphore_mem>>)
      } else {
      }
    }
    %scan3A_60 = arith.constant 10 : i32
    %dma_wait3A_61 = arith.constant 39 : i32
    %dma_wait3A_62 = arith.constant 0 : i32
    %dma_wait3A_63 = tpu.memref_slice %arg7[%dma_wait3A_61, %dma_wait3A_62] : memref<40x64xi32, #tpu.memory_space<vmem>> -> memref<1x64xi32, #tpu.memory_space<vmem>>
    %dma_wait3A_64 = tpu.memref_squeeze %dma_wait3A_63 : memref<1x64xi32, #tpu.memory_space<vmem>> -> memref<64xi32, #tpu.memory_space<vmem>>
    %dma_wait3A_65 = arith.constant 0 : i32
    %dma_wait3A_66 = arith.constant 0 : i32
    %dma_wait3A_67 = tpu.memref_slice %arg12[%dma_wait3A_65, %dma_wait3A_66] : memref<10240x128xf32, #tpu.memory_space<vmem_shared>> -> memref<10240x128xf32, #tpu.memory_space<vmem_shared>>
    tpu.wait_indirect_dma semaphore(%arg20 : memref<!tpu.dma_semaphore, #tpu.memory_space<semaphore_mem>>) src(%arg11 : memref<64x128xf32, #tpu.memory_space<vmem>>) dst(%dma_wait3A_67 : memref<10240x128xf32, #tpu.memory_space<vmem_shared>>)
    "tpu.region"() ({
      %run_scoped3A = tpu.sem_alloc : memref<!tpu.dma_semaphore, #tpu.memory_space<semaphore_mem>>
      %dma_start3A_137 = arith.constant 80 : i32
      %dma_start3A_138 = arith.constant 0 : i32
      %dma_start3A_139 = tpu.memref_slice %arg3[%add3A, %dma_start3A_137, %dma_start3A_138] : memref<32x160x64xi32, #tpu.memory_space<hbm>> -> memref<1x40x64xi32, #tpu.memory_space<hbm>>
      %dma_start3A_140 = tpu.memref_squeeze %dma_start3A_139 : memref<1x40x64xi32, #tpu.memory_space<hbm>> -> memref<40x64xi32, #tpu.memory_space<hbm>>
      %dma_start3A_141 = arith.constant 80 : i32
      %dma_start3A_142 = arith.constant 0 : i32
      %dma_start3A_143 = tpu.memref_slice %arg3[%add3A, %dma_start3A_141, %dma_start3A_142] : memref<32x160x64xi32, #tpu.memory_space<hbm>> -> memref<1x40x64xi32, #tpu.memory_space<hbm>>
      %dma_start3A_144 = tpu.memref_squeeze %dma_start3A_143 : memref<1x40x64xi32, #tpu.memory_space<hbm>> -> memref<40x64xi32, #tpu.memory_space<hbm>>
      tpu.enqueue_dma source(%dma_start3A_144 : memref<40x64xi32, #tpu.memory_space<hbm>>) target(%arg6 : memref<40x64xi32, #tpu.memory_space<vmem>>) target_semaphore(%run_scoped3A : memref<!tpu.dma_semaphore, #tpu.memory_space<semaphore_mem>>)
      %dma_wait3A_145 = arith.constant 80 : i32
      %dma_wait3A_146 = arith.constant 0 : i32
      %dma_wait3A_147 = tpu.memref_slice %arg3[%add3A, %dma_wait3A_145, %dma_wait3A_146] : memref<32x160x64xi32, #tpu.memory_space<hbm>> -> memref<1x40x64xi32, #tpu.memory_space<hbm>>
      %dma_wait3A_148 = tpu.memref_squeeze %dma_wait3A_147 : memref<1x40x64xi32, #tpu.memory_space<hbm>> -> memref<40x64xi32, #tpu.memory_space<hbm>>
      %dma_wait3A_149 = arith.constant 80 : i32
      %dma_wait3A_150 = arith.constant 0 : i32
      %dma_wait3A_151 = tpu.memref_slice %arg3[%add3A, %dma_wait3A_149, %dma_wait3A_150] : memref<32x160x64xi32, #tpu.memory_space<hbm>> -> memref<1x40x64xi32, #tpu.memory_space<hbm>>
      %dma_wait3A_152 = tpu.memref_squeeze %dma_wait3A_151 : memref<1x40x64xi32, #tpu.memory_space<hbm>> -> memref<40x64xi32, #tpu.memory_space<hbm>>
      tpu.wait_dma2 semaphore(%run_scoped3A : memref<!tpu.dma_semaphore, #tpu.memory_space<semaphore_mem>>) src(%dma_wait3A_152 : memref<40x64xi32, #tpu.memory_space<hbm>>) dst(%arg6 : memref<40x64xi32, #tpu.memory_space<vmem>>)
      tpu.yield
    }) : () -> ()
    "tpu.region"() ({
      %run_scoped3A = tpu.sem_alloc : memref<!tpu.dma_semaphore, #tpu.memory_space<semaphore_mem>>
      %dma_start3A_137 = arith.constant 80 : i32
      %dma_start3A_138 = arith.constant 0 : i32
      %dma_start3A_139 = tpu.memref_slice %arg4[%add3A, %dma_start3A_137, %dma_start3A_138] : memref<32x160x64xi32, #tpu.memory_space<hbm>> -> memref<1x40x64xi32, #tpu.memory_space<hbm>>
      %dma_start3A_140 = tpu.memref_squeeze %dma_start3A_139 : memref<1x40x64xi32, #tpu.memory_space<hbm>> -> memref<40x64xi32, #tpu.memory_space<hbm>>
      %dma_start3A_141 = arith.constant 80 : i32
      %dma_start3A_142 = arith.constant 0 : i32
      %dma_start3A_143 = tpu.memref_slice %arg4[%add3A, %dma_start3A_141, %dma_start3A_142] : memref<32x160x64xi32, #tpu.memory_space<hbm>> -> memref<1x40x64xi32, #tpu.memory_space<hbm>>
      %dma_start3A_144 = tpu.memref_squeeze %dma_start3A_143 : memref<1x40x64xi32, #tpu.memory_space<hbm>> -> memref<40x64xi32, #tpu.memory_space<hbm>>
      tpu.enqueue_dma source(%dma_start3A_144 : memref<40x64xi32, #tpu.memory_space<hbm>>) target(%arg7 : memref<40x64xi32, #tpu.memory_space<vmem>>) target_semaphore(%run_scoped3A : memref<!tpu.dma_semaphore, #tpu.memory_space<semaphore_mem>>)
      %dma_wait3A_145 = arith.constant 80 : i32
      %dma_wait3A_146 = arith.constant 0 : i32
      %dma_wait3A_147 = tpu.memref_slice %arg4[%add3A, %dma_wait3A_145, %dma_wait3A_146] : memref<32x160x64xi32, #tpu.memory_space<hbm>> -> memref<1x40x64xi32, #tpu.memory_space<hbm>>
      %dma_wait3A_148 = tpu.memref_squeeze %dma_wait3A_147 : memref<1x40x64xi32, #tpu.memory_space<hbm>> -> memref<40x64xi32, #tpu.memory_space<hbm>>
      %dma_wait3A_149 = arith.constant 80 : i32
      %dma_wait3A_150 = arith.constant 0 : i32
      %dma_wait3A_151 = tpu.memref_slice %arg4[%add3A, %dma_wait3A_149, %dma_wait3A_150] : memref<32x160x64xi32, #tpu.memory_space<hbm>> -> memref<1x40x64xi32, #tpu.memory_space<hbm>>
      %dma_wait3A_152 = tpu.memref_squeeze %dma_wait3A_151 : memref<1x40x64xi32, #tpu.memory_space<hbm>> -> memref<40x64xi32, #tpu.memory_space<hbm>>
      tpu.wait_dma2 semaphore(%run_scoped3A : memref<!tpu.dma_semaphore, #tpu.memory_space<semaphore_mem>>) src(%dma_wait3A_152 : memref<40x64xi32, #tpu.memory_space<hbm>>) dst(%arg7 : memref<40x64xi32, #tpu.memory_space<vmem>>)
      tpu.yield
    }) : () -> ()
    %dma_start3A_68 = arith.constant 0 : i32
    %dma_start3A_69 = arith.constant 0 : i32
    %dma_start3A_70 = tpu.memref_slice %arg6[%dma_start3A_68, %dma_start3A_69] : memref<40x64xi32, #tpu.memory_space<vmem>> -> memref<1x64xi32, #tpu.memory_space<vmem>>
    %dma_start3A_71 = tpu.memref_squeeze %dma_start3A_70 : memref<1x64xi32, #tpu.memory_space<vmem>> -> memref<64xi32, #tpu.memory_space<vmem>>
    %dma_start3A_72 = arith.constant 0 : i32
    %dma_start3A_73 = arith.constant 0 : i32
    %dma_start3A_74 = tpu.memref_slice %arg2[%dma_start3A_72, %dma_start3A_73] : memref<10240x128xf32, #tpu.memory_space<hbm>> -> memref<10240x128xf32, #tpu.memory_space<hbm>>
    tpu.enqueue_indirect_dma source(%dma_start3A_74 : memref<10240x128xf32, #tpu.memory_space<hbm>>) target(%arg8 : memref<64x128xf32, #tpu.memory_space<vmem>>) offsets(%dma_start3A_71 : memref<64xi32, #tpu.memory_space<vmem>>) semaphore(%arg13 : memref<!tpu.dma_semaphore, #tpu.memory_space<semaphore_mem>>)
    %dma_start3A_75 = arith.constant 1 : i32
    %dma_start3A_76 = arith.constant 0 : i32
    %dma_start3A_77 = tpu.memref_slice %arg6[%dma_start3A_75, %dma_start3A_76] : memref<40x64xi32, #tpu.memory_space<vmem>> -> memref<1x64xi32, #tpu.memory_space<vmem>>
    %dma_start3A_78 = tpu.memref_squeeze %dma_start3A_77 : memref<1x64xi32, #tpu.memory_space<vmem>> -> memref<64xi32, #tpu.memory_space<vmem>>
    %dma_start3A_79 = arith.constant 0 : i32
    %dma_start3A_80 = arith.constant 0 : i32
    %dma_start3A_81 = tpu.memref_slice %arg2[%dma_start3A_79, %dma_start3A_80] : memref<10240x128xf32, #tpu.memory_space<hbm>> -> memref<10240x128xf32, #tpu.memory_space<hbm>>
    tpu.enqueue_indirect_dma source(%dma_start3A_81 : memref<10240x128xf32, #tpu.memory_space<hbm>>) target(%arg9 : memref<64x128xf32, #tpu.memory_space<vmem>>) offsets(%dma_start3A_78 : memref<64xi32, #tpu.memory_space<vmem>>) semaphore(%arg14 : memref<!tpu.dma_semaphore, #tpu.memory_space<semaphore_mem>>)
    %dma_start3A_82 = arith.constant 2 : i32
    %dma_start3A_83 = arith.constant 0 : i32
    %dma_start3A_84 = tpu.memref_slice %arg6[%dma_start3A_82, %dma_start3A_83] : memref<40x64xi32, #tpu.memory_space<vmem>> -> memref<1x64xi32, #tpu.memory_space<vmem>>
    %dma_start3A_85 = tpu.memref_squeeze %dma_start3A_84 : memref<1x64xi32, #tpu.memory_space<vmem>> -> memref<64xi32, #tpu.memory_space<vmem>>
    %dma_start3A_86 = arith.constant 0 : i32
    %dma_start3A_87 = arith.constant 0 : i32
    %dma_start3A_88 = tpu.memref_slice %arg2[%dma_start3A_86, %dma_start3A_87] : memref<10240x128xf32, #tpu.memory_space<hbm>> -> memref<10240x128xf32, #tpu.memory_space<hbm>>
    tpu.enqueue_indirect_dma source(%dma_start3A_88 : memref<10240x128xf32, #tpu.memory_space<hbm>>) target(%arg10 : memref<64x128xf32, #tpu.memory_space<vmem>>) offsets(%dma_start3A_85 : memref<64xi32, #tpu.memory_space<vmem>>) semaphore(%arg15 : memref<!tpu.dma_semaphore, #tpu.memory_space<semaphore_mem>>)
    %scan3A_89 = arith.constant 0 : i32
    %scan3A_90 = arith.constant 0 : i32
    %scan3A_91 = arith.constant 10 : i32
    %scan3A_92 = arith.addi %scan3A_90, %scan3A_91 : i32
    %scan3A_93 = arith.constant 1 : i32
    scf.for %scan3A_137 = %scan3A_90 to %scan3A_92 step %scan3A_93  : i32 {
      %mul3A_138 = arith.constant 4 : i32
      %mul3A_139 = arith.muli %mul3A_138, %scan3A_137 : i32
      %add3A_140 = arith.constant 0 : i32
      %add3A_141 = arith.addi %mul3A_139, %add3A_140 : i32
      %dma_wait3A_142 = arith.constant 0 : i32
      %dma_wait3A_143 = tpu.memref_slice %arg6[%add3A_141, %dma_wait3A_142] : memref<40x64xi32, #tpu.memory_space<vmem>> -> memref<1x64xi32, #tpu.memory_space<vmem>>
      %dma_wait3A_144 = tpu.memref_squeeze %dma_wait3A_143 : memref<1x64xi32, #tpu.memory_space<vmem>> -> memref<64xi32, #tpu.memory_space<vmem>>
      %dma_wait3A_145 = arith.constant 0 : i32
      %dma_wait3A_146 = arith.constant 0 : i32
      %dma_wait3A_147 = tpu.memref_slice %arg2[%dma_wait3A_145, %dma_wait3A_146] : memref<10240x128xf32, #tpu.memory_space<hbm>> -> memref<10240x128xf32, #tpu.memory_space<hbm>>
      tpu.wait_indirect_dma semaphore(%arg13 : memref<!tpu.dma_semaphore, #tpu.memory_space<semaphore_mem>>) src(%dma_wait3A_147 : memref<10240x128xf32, #tpu.memory_space<hbm>>) dst(%arg8 : memref<64x128xf32, #tpu.memory_space<vmem>>)
      %dma_start3A_148 = arith.constant 0 : i32
      %dma_start3A_149 = tpu.memref_slice %arg7[%add3A_141, %dma_start3A_148] : memref<40x64xi32, #tpu.memory_space<vmem>> -> memref<1x64xi32, #tpu.memory_space<vmem>>
      %dma_start3A_150 = tpu.memref_squeeze %dma_start3A_149 : memref<1x64xi32, #tpu.memory_space<vmem>> -> memref<64xi32, #tpu.memory_space<vmem>>
      %dma_start3A_151 = arith.constant 0 : i32
      %dma_start3A_152 = arith.constant 0 : i32
      %dma_start3A_153 = tpu.memref_slice %arg12[%dma_start3A_151, %dma_start3A_152] : memref<10240x128xf32, #tpu.memory_space<vmem_shared>> -> memref<10240x128xf32, #tpu.memory_space<vmem_shared>>
      tpu.enqueue_indirect_dma source(%arg8 : memref<64x128xf32, #tpu.memory_space<vmem>>) target(%dma_start3A_153 : memref<10240x128xf32, #tpu.memory_space<vmem_shared>>) offsets(%dma_start3A_150 : memref<64xi32, #tpu.memory_space<vmem>>) semaphore(%arg17 : memref<!tpu.dma_semaphore, #tpu.memory_space<semaphore_mem>>) {add = true}
      %ge3A = arith.constant 1 : i32
      %ge3A_154 = arith.cmpi sge, %add3A_141, %ge3A : i32
      %convert_element_type3A = arith.extui %ge3A_154 : i1 to i32
      %cond3A = arith.constant 0 : i32
      %cond3A_155 = arith.cmpi ne, %convert_element_type3A, %cond3A : i32
      scf.if %cond3A_155 {
        %sub3A = arith.constant 1 : i32
        %sub3A_246 = arith.subi %add3A_141, %sub3A : i32
        %dma_wait3A_247 = arith.constant 0 : i32
        %dma_wait3A_248 = tpu.memref_slice %arg7[%sub3A_246, %dma_wait3A_247] : memref<40x64xi32, #tpu.memory_space<vmem>> -> memref<1x64xi32, #tpu.memory_space<vmem>>
        %dma_wait3A_249 = tpu.memref_squeeze %dma_wait3A_248 : memref<1x64xi32, #tpu.memory_space<vmem>> -> memref<64xi32, #tpu.memory_space<vmem>>
        %dma_wait3A_250 = arith.constant 0 : i32
        %dma_wait3A_251 = arith.constant 0 : i32
        %dma_wait3A_252 = tpu.memref_slice %arg12[%dma_wait3A_250, %dma_wait3A_251] : memref<10240x128xf32, #tpu.memory_space<vmem_shared>> -> memref<10240x128xf32, #tpu.memory_space<vmem_shared>>
        tpu.wait_indirect_dma semaphore(%arg20 : memref<!tpu.dma_semaphore, #tpu.memory_space<semaphore_mem>>) src(%arg11 : memref<64x128xf32, #tpu.memory_space<vmem>>) dst(%dma_wait3A_252 : memref<10240x128xf32, #tpu.memory_space<vmem_shared>>)
      } else {
      }
      %add3A_156 = arith.constant 3 : i32
      %add3A_157 = arith.addi %add3A_141, %add3A_156 : i32
      %lt3A = arith.constant 40 : i32
      %lt3A_158 = arith.cmpi slt, %add3A_157, %lt3A : i32
      %convert_element_type3A_159 = arith.extui %lt3A_158 : i1 to i32
      %cond3A_160 = arith.constant 0 : i32
      %cond3A_161 = arith.cmpi ne, %convert_element_type3A_159, %cond3A_160 : i32
      scf.if %cond3A_161 {
        %add3A_246 = arith.constant 3 : i32
        %add3A_247 = arith.addi %add3A_141, %add3A_246 : i32
        %dma_start3A_248 = arith.constant 0 : i32
        %dma_start3A_249 = tpu.memref_slice %arg6[%add3A_247, %dma_start3A_248] : memref<40x64xi32, #tpu.memory_space<vmem>> -> memref<1x64xi32, #tpu.memory_space<vmem>>
        %dma_start3A_250 = tpu.memref_squeeze %dma_start3A_249 : memref<1x64xi32, #tpu.memory_space<vmem>> -> memref<64xi32, #tpu.memory_space<vmem>>
        %dma_start3A_251 = arith.constant 0 : i32
        %dma_start3A_252 = arith.constant 0 : i32
        %dma_start3A_253 = tpu.memref_slice %arg2[%dma_start3A_251, %dma_start3A_252] : memref<10240x128xf32, #tpu.memory_space<hbm>> -> memref<10240x128xf32, #tpu.memory_space<hbm>>
        tpu.enqueue_indirect_dma source(%dma_start3A_253 : memref<10240x128xf32, #tpu.memory_space<hbm>>) target(%arg11 : memref<64x128xf32, #tpu.memory_space<vmem>>) offsets(%dma_start3A_250 : memref<64xi32, #tpu.memory_space<vmem>>) semaphore(%arg16 : memref<!tpu.dma_semaphore, #tpu.memory_space<semaphore_mem>>)
      } else {
      }
      %mul3A_162 = arith.constant 4 : i32
      %mul3A_163 = arith.muli %mul3A_162, %scan3A_137 : i32
      %add3A_164 = arith.constant 1 : i32
      %add3A_165 = arith.addi %mul3A_163, %add3A_164 : i32
      %dma_wait3A_166 = arith.constant 0 : i32
      %dma_wait3A_167 = tpu.memref_slice %arg6[%add3A_165, %dma_wait3A_166] : memref<40x64xi32, #tpu.memory_space<vmem>> -> memref<1x64xi32, #tpu.memory_space<vmem>>
      %dma_wait3A_168 = tpu.memref_squeeze %dma_wait3A_167 : memref<1x64xi32, #tpu.memory_space<vmem>> -> memref<64xi32, #tpu.memory_space<vmem>>
      %dma_wait3A_169 = arith.constant 0 : i32
      %dma_wait3A_170 = arith.constant 0 : i32
      %dma_wait3A_171 = tpu.memref_slice %arg2[%dma_wait3A_169, %dma_wait3A_170] : memref<10240x128xf32, #tpu.memory_space<hbm>> -> memref<10240x128xf32, #tpu.memory_space<hbm>>
      tpu.wait_indirect_dma semaphore(%arg14 : memref<!tpu.dma_semaphore, #tpu.memory_space<semaphore_mem>>) src(%dma_wait3A_171 : memref<10240x128xf32, #tpu.memory_space<hbm>>) dst(%arg9 : memref<64x128xf32, #tpu.memory_space<vmem>>)
      %dma_start3A_172 = arith.constant 0 : i32
      %dma_start3A_173 = tpu.memref_slice %arg7[%add3A_165, %dma_start3A_172] : memref<40x64xi32, #tpu.memory_space<vmem>> -> memref<1x64xi32, #tpu.memory_space<vmem>>
      %dma_start3A_174 = tpu.memref_squeeze %dma_start3A_173 : memref<1x64xi32, #tpu.memory_space<vmem>> -> memref<64xi32, #tpu.memory_space<vmem>>
      %dma_start3A_175 = arith.constant 0 : i32
      %dma_start3A_176 = arith.constant 0 : i32
      %dma_start3A_177 = tpu.memref_slice %arg12[%dma_start3A_175, %dma_start3A_176] : memref<10240x128xf32, #tpu.memory_space<vmem_shared>> -> memref<10240x128xf32, #tpu.memory_space<vmem_shared>>
      tpu.enqueue_indirect_dma source(%arg9 : memref<64x128xf32, #tpu.memory_space<vmem>>) target(%dma_start3A_177 : memref<10240x128xf32, #tpu.memory_space<vmem_shared>>) offsets(%dma_start3A_174 : memref<64xi32, #tpu.memory_space<vmem>>) semaphore(%arg18 : memref<!tpu.dma_semaphore, #tpu.memory_space<semaphore_mem>>) {add = true}
      %ge3A_178 = arith.constant 1 : i32
      %ge3A_179 = arith.cmpi sge, %add3A_165, %ge3A_178 : i32
      %convert_element_type3A_180 = arith.extui %ge3A_179 : i1 to i32
      %cond3A_181 = arith.constant 0 : i32
      %cond3A_182 = arith.cmpi ne, %convert_element_type3A_180, %cond3A_181 : i32
      scf.if %cond3A_182 {
        %sub3A = arith.constant 1 : i32
        %sub3A_246 = arith.subi %add3A_165, %sub3A : i32
        %dma_wait3A_247 = arith.constant 0 : i32
        %dma_wait3A_248 = tpu.memref_slice %arg7[%sub3A_246, %dma_wait3A_247] : memref<40x64xi32, #tpu.memory_space<vmem>> -> memref<1x64xi32, #tpu.memory_space<vmem>>
        %dma_wait3A_249 = tpu.memref_squeeze %dma_wait3A_248 : memref<1x64xi32, #tpu.memory_space<vmem>> -> memref<64xi32, #tpu.memory_space<vmem>>
        %dma_wait3A_250 = arith.constant 0 : i32
        %dma_wait3A_251 = arith.constant 0 : i32
        %dma_wait3A_252 = tpu.memref_slice %arg12[%dma_wait3A_250, %dma_wait3A_251] : memref<10240x128xf32, #tpu.memory_space<vmem_shared>> -> memref<10240x128xf32, #tpu.memory_space<vmem_shared>>
        tpu.wait_indirect_dma semaphore(%arg17 : memref<!tpu.dma_semaphore, #tpu.memory_space<semaphore_mem>>) src(%arg8 : memref<64x128xf32, #tpu.memory_space<vmem>>) dst(%dma_wait3A_252 : memref<10240x128xf32, #tpu.memory_space<vmem_shared>>)
      } else {
      }
      %add3A_183 = arith.constant 3 : i32
      %add3A_184 = arith.addi %add3A_165, %add3A_183 : i32
      %lt3A_185 = arith.constant 40 : i32
      %lt3A_186 = arith.cmpi slt, %add3A_184, %lt3A_185 : i32
      %convert_element_type3A_187 = arith.extui %lt3A_186 : i1 to i32
      %cond3A_188 = arith.constant 0 : i32
      %cond3A_189 = arith.cmpi ne, %convert_element_type3A_187, %cond3A_188 : i32
      scf.if %cond3A_189 {
        %add3A_246 = arith.constant 3 : i32
        %add3A_247 = arith.addi %add3A_165, %add3A_246 : i32
        %dma_start3A_248 = arith.constant 0 : i32
        %dma_start3A_249 = tpu.memref_slice %arg6[%add3A_247, %dma_start3A_248] : memref<40x64xi32, #tpu.memory_space<vmem>> -> memref<1x64xi32, #tpu.memory_space<vmem>>
        %dma_start3A_250 = tpu.memref_squeeze %dma_start3A_249 : memref<1x64xi32, #tpu.memory_space<vmem>> -> memref<64xi32, #tpu.memory_space<vmem>>
        %dma_start3A_251 = arith.constant 0 : i32
        %dma_start3A_252 = arith.constant 0 : i32
        %dma_start3A_253 = tpu.memref_slice %arg2[%dma_start3A_251, %dma_start3A_252] : memref<10240x128xf32, #tpu.memory_space<hbm>> -> memref<10240x128xf32, #tpu.memory_space<hbm>>
        tpu.enqueue_indirect_dma source(%dma_start3A_253 : memref<10240x128xf32, #tpu.memory_space<hbm>>) target(%arg8 : memref<64x128xf32, #tpu.memory_space<vmem>>) offsets(%dma_start3A_250 : memref<64xi32, #tpu.memory_space<vmem>>) semaphore(%arg13 : memref<!tpu.dma_semaphore, #tpu.memory_space<semaphore_mem>>)
      } else {
      }
      %mul3A_190 = arith.constant 4 : i32
      %mul3A_191 = arith.muli %mul3A_190, %scan3A_137 : i32
      %add3A_192 = arith.constant 2 : i32
      %add3A_193 = arith.addi %mul3A_191, %add3A_192 : i32
      %dma_wait3A_194 = arith.constant 0 : i32
      %dma_wait3A_195 = tpu.memref_slice %arg6[%add3A_193, %dma_wait3A_194] : memref<40x64xi32, #tpu.memory_space<vmem>> -> memref<1x64xi32, #tpu.memory_space<vmem>>
      %dma_wait3A_196 = tpu.memref_squeeze %dma_wait3A_195 : memref<1x64xi32, #tpu.memory_space<vmem>> -> memref<64xi32, #tpu.memory_space<vmem>>
      %dma_wait3A_197 = arith.constant 0 : i32
      %dma_wait3A_198 = arith.constant 0 : i32
      %dma_wait3A_199 = tpu.memref_slice %arg2[%dma_wait3A_197, %dma_wait3A_198] : memref<10240x128xf32, #tpu.memory_space<hbm>> -> memref<10240x128xf32, #tpu.memory_space<hbm>>
      tpu.wait_indirect_dma semaphore(%arg15 : memref<!tpu.dma_semaphore, #tpu.memory_space<semaphore_mem>>) src(%dma_wait3A_199 : memref<10240x128xf32, #tpu.memory_space<hbm>>) dst(%arg10 : memref<64x128xf32, #tpu.memory_space<vmem>>)
      %dma_start3A_200 = arith.constant 0 : i32
      %dma_start3A_201 = tpu.memref_slice %arg7[%add3A_193, %dma_start3A_200] : memref<40x64xi32, #tpu.memory_space<vmem>> -> memref<1x64xi32, #tpu.memory_space<vmem>>
      %dma_start3A_202 = tpu.memref_squeeze %dma_start3A_201 : memref<1x64xi32, #tpu.memory_space<vmem>> -> memref<64xi32, #tpu.memory_space<vmem>>
      %dma_start3A_203 = arith.constant 0 : i32
      %dma_start3A_204 = arith.constant 0 : i32
      %dma_start3A_205 = tpu.memref_slice %arg12[%dma_start3A_203, %dma_start3A_204] : memref<10240x128xf32, #tpu.memory_space<vmem_shared>> -> memref<10240x128xf32, #tpu.memory_space<vmem_shared>>
      tpu.enqueue_indirect_dma source(%arg10 : memref<64x128xf32, #tpu.memory_space<vmem>>) target(%dma_start3A_205 : memref<10240x128xf32, #tpu.memory_space<vmem_shared>>) offsets(%dma_start3A_202 : memref<64xi32, #tpu.memory_space<vmem>>) semaphore(%arg19 : memref<!tpu.dma_semaphore, #tpu.memory_space<semaphore_mem>>) {add = true}
      %ge3A_206 = arith.constant 1 : i32
      %ge3A_207 = arith.cmpi sge, %add3A_193, %ge3A_206 : i32
      %convert_element_type3A_208 = arith.extui %ge3A_207 : i1 to i32
      %cond3A_209 = arith.constant 0 : i32
      %cond3A_210 = arith.cmpi ne, %convert_element_type3A_208, %cond3A_209 : i32
      scf.if %cond3A_210 {
        %sub3A = arith.constant 1 : i32
        %sub3A_246 = arith.subi %add3A_193, %sub3A : i32
        %dma_wait3A_247 = arith.constant 0 : i32
        %dma_wait3A_248 = tpu.memref_slice %arg7[%sub3A_246, %dma_wait3A_247] : memref<40x64xi32, #tpu.memory_space<vmem>> -> memref<1x64xi32, #tpu.memory_space<vmem>>
        %dma_wait3A_249 = tpu.memref_squeeze %dma_wait3A_248 : memref<1x64xi32, #tpu.memory_space<vmem>> -> memref<64xi32, #tpu.memory_space<vmem>>
        %dma_wait3A_250 = arith.constant 0 : i32
        %dma_wait3A_251 = arith.constant 0 : i32
        %dma_wait3A_252 = tpu.memref_slice %arg12[%dma_wait3A_250, %dma_wait3A_251] : memref<10240x128xf32, #tpu.memory_space<vmem_shared>> -> memref<10240x128xf32, #tpu.memory_space<vmem_shared>>
        tpu.wait_indirect_dma semaphore(%arg18 : memref<!tpu.dma_semaphore, #tpu.memory_space<semaphore_mem>>) src(%arg9 : memref<64x128xf32, #tpu.memory_space<vmem>>) dst(%dma_wait3A_252 : memref<10240x128xf32, #tpu.memory_space<vmem_shared>>)
      } else {
      }
      %add3A_211 = arith.constant 3 : i32
      %add3A_212 = arith.addi %add3A_193, %add3A_211 : i32
      %lt3A_213 = arith.constant 40 : i32
      %lt3A_214 = arith.cmpi slt, %add3A_212, %lt3A_213 : i32
      %convert_element_type3A_215 = arith.extui %lt3A_214 : i1 to i32
      %cond3A_216 = arith.constant 0 : i32
      %cond3A_217 = arith.cmpi ne, %convert_element_type3A_215, %cond3A_216 : i32
      scf.if %cond3A_217 {
        %add3A_246 = arith.constant 3 : i32
        %add3A_247 = arith.addi %add3A_193, %add3A_246 : i32
        %dma_start3A_248 = arith.constant 0 : i32
        %dma_start3A_249 = tpu.memref_slice %arg6[%add3A_247, %dma_start3A_248] : memref<40x64xi32, #tpu.memory_space<vmem>> -> memref<1x64xi32, #tpu.memory_space<vmem>>
        %dma_start3A_250 = tpu.memref_squeeze %dma_start3A_249 : memref<1x64xi32, #tpu.memory_space<vmem>> -> memref<64xi32, #tpu.memory_space<vmem>>
        %dma_start3A_251 = arith.constant 0 : i32
        %dma_start3A_252 = arith.constant 0 : i32
        %dma_start3A_253 = tpu.memref_slice %arg2[%dma_start3A_251, %dma_start3A_252] : memref<10240x128xf32, #tpu.memory_space<hbm>> -> memref<10240x128xf32, #tpu.memory_space<hbm>>
        tpu.enqueue_indirect_dma source(%dma_start3A_253 : memref<10240x128xf32, #tpu.memory_space<hbm>>) target(%arg9 : memref<64x128xf32, #tpu.memory_space<vmem>>) offsets(%dma_start3A_250 : memref<64xi32, #tpu.memory_space<vmem>>) semaphore(%arg14 : memref<!tpu.dma_semaphore, #tpu.memory_space<semaphore_mem>>)
      } else {
      }
      %mul3A_218 = arith.constant 4 : i32
      %mul3A_219 = arith.muli %mul3A_218, %scan3A_137 : i32
      %add3A_220 = arith.constant 3 : i32
      %add3A_221 = arith.addi %mul3A_219, %add3A_220 : i32
      %dma_wait3A_222 = arith.constant 0 : i32
      %dma_wait3A_223 = tpu.memref_slice %arg6[%add3A_221, %dma_wait3A_222] : memref<40x64xi32, #tpu.memory_space<vmem>> -> memref<1x64xi32, #tpu.memory_space<vmem>>
      %dma_wait3A_224 = tpu.memref_squeeze %dma_wait3A_223 : memref<1x64xi32, #tpu.memory_space<vmem>> -> memref<64xi32, #tpu.memory_space<vmem>>
      %dma_wait3A_225 = arith.constant 0 : i32
      %dma_wait3A_226 = arith.constant 0 : i32
      %dma_wait3A_227 = tpu.memref_slice %arg2[%dma_wait3A_225, %dma_wait3A_226] : memref<10240x128xf32, #tpu.memory_space<hbm>> -> memref<10240x128xf32, #tpu.memory_space<hbm>>
      tpu.wait_indirect_dma semaphore(%arg16 : memref<!tpu.dma_semaphore, #tpu.memory_space<semaphore_mem>>) src(%dma_wait3A_227 : memref<10240x128xf32, #tpu.memory_space<hbm>>) dst(%arg11 : memref<64x128xf32, #tpu.memory_space<vmem>>)
      %dma_start3A_228 = arith.constant 0 : i32
      %dma_start3A_229 = tpu.memref_slice %arg7[%add3A_221, %dma_start3A_228] : memref<40x64xi32, #tpu.memory_space<vmem>> -> memref<1x64xi32, #tpu.memory_space<vmem>>
      %dma_start3A_230 = tpu.memref_squeeze %dma_start3A_229 : memref<1x64xi32, #tpu.memory_space<vmem>> -> memref<64xi32, #tpu.memory_space<vmem>>
      %dma_start3A_231 = arith.constant 0 : i32
      %dma_start3A_232 = arith.constant 0 : i32
      %dma_start3A_233 = tpu.memref_slice %arg12[%dma_start3A_231, %dma_start3A_232] : memref<10240x128xf32, #tpu.memory_space<vmem_shared>> -> memref<10240x128xf32, #tpu.memory_space<vmem_shared>>
      tpu.enqueue_indirect_dma source(%arg11 : memref<64x128xf32, #tpu.memory_space<vmem>>) target(%dma_start3A_233 : memref<10240x128xf32, #tpu.memory_space<vmem_shared>>) offsets(%dma_start3A_230 : memref<64xi32, #tpu.memory_space<vmem>>) semaphore(%arg20 : memref<!tpu.dma_semaphore, #tpu.memory_space<semaphore_mem>>) {add = true}
      %ge3A_234 = arith.constant 1 : i32
      %ge3A_235 = arith.cmpi sge, %add3A_221, %ge3A_234 : i32
      %convert_element_type3A_236 = arith.extui %ge3A_235 : i1 to i32
      %cond3A_237 = arith.constant 0 : i32
      %cond3A_238 = arith.cmpi ne, %convert_element_type3A_236, %cond3A_237 : i32
      scf.if %cond3A_238 {
        %sub3A = arith.constant 1 : i32
        %sub3A_246 = arith.subi %add3A_221, %sub3A : i32
        %dma_wait3A_247 = arith.constant 0 : i32
        %dma_wait3A_248 = tpu.memref_slice %arg7[%sub3A_246, %dma_wait3A_247] : memref<40x64xi32, #tpu.memory_space<vmem>> -> memref<1x64xi32, #tpu.memory_space<vmem>>
        %dma_wait3A_249 = tpu.memref_squeeze %dma_wait3A_248 : memref<1x64xi32, #tpu.memory_space<vmem>> -> memref<64xi32, #tpu.memory_space<vmem>>
        %dma_wait3A_250 = arith.constant 0 : i32
        %dma_wait3A_251 = arith.constant 0 : i32
        %dma_wait3A_252 = tpu.memref_slice %arg12[%dma_wait3A_250, %dma_wait3A_251] : memref<10240x128xf32, #tpu.memory_space<vmem_shared>> -> memref<10240x128xf32, #tpu.memory_space<vmem_shared>>
        tpu.wait_indirect_dma semaphore(%arg19 : memref<!tpu.dma_semaphore, #tpu.memory_space<semaphore_mem>>) src(%arg10 : memref<64x128xf32, #tpu.memory_space<vmem>>) dst(%dma_wait3A_252 : memref<10240x128xf32, #tpu.memory_space<vmem_shared>>)
      } else {
      }
      %add3A_239 = arith.constant 3 : i32
      %add3A_240 = arith.addi %add3A_221, %add3A_239 : i32
      %lt3A_241 = arith.constant 40 : i32
      %lt3A_242 = arith.cmpi slt, %add3A_240, %lt3A_241 : i32
      %convert_element_type3A_243 = arith.extui %lt3A_242 : i1 to i32
      %cond3A_244 = arith.constant 0 : i32
      %cond3A_245 = arith.cmpi ne, %convert_element_type3A_243, %cond3A_244 : i32
      scf.if %cond3A_245 {
        %add3A_246 = arith.constant 3 : i32
        %add3A_247 = arith.addi %add3A_221, %add3A_246 : i32
        %dma_start3A_248 = arith.constant 0 : i32
        %dma_start3A_249 = tpu.memref_slice %arg6[%add3A_247, %dma_start3A_248] : memref<40x64xi32, #tpu.memory_space<vmem>> -> memref<1x64xi32, #tpu.memory_space<vmem>>
        %dma_start3A_250 = tpu.memref_squeeze %dma_start3A_249 : memref<1x64xi32, #tpu.memory_space<vmem>> -> memref<64xi32, #tpu.memory_space<vmem>>
        %dma_start3A_251 = arith.constant 0 : i32
        %dma_start3A_252 = arith.constant 0 : i32
        %dma_start3A_253 = tpu.memref_slice %arg2[%dma_start3A_251, %dma_start3A_252] : memref<10240x128xf32, #tpu.memory_space<hbm>> -> memref<10240x128xf32, #tpu.memory_space<hbm>>
        tpu.enqueue_indirect_dma source(%dma_start3A_253 : memref<10240x128xf32, #tpu.memory_space<hbm>>) target(%arg10 : memref<64x128xf32, #tpu.memory_space<vmem>>) offsets(%dma_start3A_250 : memref<64xi32, #tpu.memory_space<vmem>>) semaphore(%arg15 : memref<!tpu.dma_semaphore, #tpu.memory_space<semaphore_mem>>)
      } else {
      }
    }
    %scan3A_94 = arith.constant 10 : i32
    %dma_wait3A_95 = arith.constant 39 : i32
    %dma_wait3A_96 = arith.constant 0 : i32
    %dma_wait3A_97 = tpu.memref_slice %arg7[%dma_wait3A_95, %dma_wait3A_96] : memref<40x64xi32, #tpu.memory_space<vmem>> -> memref<1x64xi32, #tpu.memory_space<vmem>>
    %dma_wait3A_98 = tpu.memref_squeeze %dma_wait3A_97 : memref<1x64xi32, #tpu.memory_space<vmem>> -> memref<64xi32, #tpu.memory_space<vmem>>
    %dma_wait3A_99 = arith.constant 0 : i32
    %dma_wait3A_100 = arith.constant 0 : i32
    %dma_wait3A_101 = tpu.memref_slice %arg12[%dma_wait3A_99, %dma_wait3A_100] : memref<10240x128xf32, #tpu.memory_space<vmem_shared>> -> memref<10240x128xf32, #tpu.memory_space<vmem_shared>>
    tpu.wait_indirect_dma semaphore(%arg20 : memref<!tpu.dma_semaphore, #tpu.memory_space<semaphore_mem>>) src(%arg11 : memref<64x128xf32, #tpu.memory_space<vmem>>) dst(%dma_wait3A_101 : memref<10240x128xf32, #tpu.memory_space<vmem_shared>>)
    "tpu.region"() ({
      %run_scoped3A = tpu.sem_alloc : memref<!tpu.dma_semaphore, #tpu.memory_space<semaphore_mem>>
      %dma_start3A_137 = arith.constant 120 : i32
      %dma_start3A_138 = arith.constant 0 : i32
      %dma_start3A_139 = tpu.memref_slice %arg3[%add3A, %dma_start3A_137, %dma_start3A_138] : memref<32x160x64xi32, #tpu.memory_space<hbm>> -> memref<1x40x64xi32, #tpu.memory_space<hbm>>
      %dma_start3A_140 = tpu.memref_squeeze %dma_start3A_139 : memref<1x40x64xi32, #tpu.memory_space<hbm>> -> memref<40x64xi32, #tpu.memory_space<hbm>>
      %dma_start3A_141 = arith.constant 120 : i32
      %dma_start3A_142 = arith.constant 0 : i32
      %dma_start3A_143 = tpu.memref_slice %arg3[%add3A, %dma_start3A_141, %dma_start3A_142] : memref<32x160x64xi32, #tpu.memory_space<hbm>> -> memref<1x40x64xi32, #tpu.memory_space<hbm>>
      %dma_start3A_144 = tpu.memref_squeeze %dma_start3A_143 : memref<1x40x64xi32, #tpu.memory_space<hbm>> -> memref<40x64xi32, #tpu.memory_space<hbm>>
      tpu.enqueue_dma source(%dma_start3A_144 : memref<40x64xi32, #tpu.memory_space<hbm>>) target(%arg6 : memref<40x64xi32, #tpu.memory_space<vmem>>) target_semaphore(%run_scoped3A : memref<!tpu.dma_semaphore, #tpu.memory_space<semaphore_mem>>)
      %dma_wait3A_145 = arith.constant 120 : i32
      %dma_wait3A_146 = arith.constant 0 : i32
      %dma_wait3A_147 = tpu.memref_slice %arg3[%add3A, %dma_wait3A_145, %dma_wait3A_146] : memref<32x160x64xi32, #tpu.memory_space<hbm>> -> memref<1x40x64xi32, #tpu.memory_space<hbm>>
      %dma_wait3A_148 = tpu.memref_squeeze %dma_wait3A_147 : memref<1x40x64xi32, #tpu.memory_space<hbm>> -> memref<40x64xi32, #tpu.memory_space<hbm>>
      %dma_wait3A_149 = arith.constant 120 : i32
      %dma_wait3A_150 = arith.constant 0 : i32
      %dma_wait3A_151 = tpu.memref_slice %arg3[%add3A, %dma_wait3A_149, %dma_wait3A_150] : memref<32x160x64xi32, #tpu.memory_space<hbm>> -> memref<1x40x64xi32, #tpu.memory_space<hbm>>
      %dma_wait3A_152 = tpu.memref_squeeze %dma_wait3A_151 : memref<1x40x64xi32, #tpu.memory_space<hbm>> -> memref<40x64xi32, #tpu.memory_space<hbm>>
      tpu.wait_dma2 semaphore(%run_scoped3A : memref<!tpu.dma_semaphore, #tpu.memory_space<semaphore_mem>>) src(%dma_wait3A_152 : memref<40x64xi32, #tpu.memory_space<hbm>>) dst(%arg6 : memref<40x64xi32, #tpu.memory_space<vmem>>)
      tpu.yield
    }) : () -> ()
    "tpu.region"() ({
      %run_scoped3A = tpu.sem_alloc : memref<!tpu.dma_semaphore, #tpu.memory_space<semaphore_mem>>
      %dma_start3A_137 = arith.constant 120 : i32
      %dma_start3A_138 = arith.constant 0 : i32
      %dma_start3A_139 = tpu.memref_slice %arg4[%add3A, %dma_start3A_137, %dma_start3A_138] : memref<32x160x64xi32, #tpu.memory_space<hbm>> -> memref<1x40x64xi32, #tpu.memory_space<hbm>>
      %dma_start3A_140 = tpu.memref_squeeze %dma_start3A_139 : memref<1x40x64xi32, #tpu.memory_space<hbm>> -> memref<40x64xi32, #tpu.memory_space<hbm>>
      %dma_start3A_141 = arith.constant 120 : i32
      %dma_start3A_142 = arith.constant 0 : i32
      %dma_start3A_143 = tpu.memref_slice %arg4[%add3A, %dma_start3A_141, %dma_start3A_142] : memref<32x160x64xi32, #tpu.memory_space<hbm>> -> memref<1x40x64xi32, #tpu.memory_space<hbm>>
      %dma_start3A_144 = tpu.memref_squeeze %dma_start3A_143 : memref<1x40x64xi32, #tpu.memory_space<hbm>> -> memref<40x64xi32, #tpu.memory_space<hbm>>
      tpu.enqueue_dma source(%dma_start3A_144 : memref<40x64xi32, #tpu.memory_space<hbm>>) target(%arg7 : memref<40x64xi32, #tpu.memory_space<vmem>>) target_semaphore(%run_scoped3A : memref<!tpu.dma_semaphore, #tpu.memory_space<semaphore_mem>>)
      %dma_wait3A_145 = arith.constant 120 : i32
      %dma_wait3A_146 = arith.constant 0 : i32
      %dma_wait3A_147 = tpu.memref_slice %arg4[%add3A, %dma_wait3A_145, %dma_wait3A_146] : memref<32x160x64xi32, #tpu.memory_space<hbm>> -> memref<1x40x64xi32, #tpu.memory_space<hbm>>
      %dma_wait3A_148 = tpu.memref_squeeze %dma_wait3A_147 : memref<1x40x64xi32, #tpu.memory_space<hbm>> -> memref<40x64xi32, #tpu.memory_space<hbm>>
      %dma_wait3A_149 = arith.constant 120 : i32
      %dma_wait3A_150 = arith.constant 0 : i32
      %dma_wait3A_151 = tpu.memref_slice %arg4[%add3A, %dma_wait3A_149, %dma_wait3A_150] : memref<32x160x64xi32, #tpu.memory_space<hbm>> -> memref<1x40x64xi32, #tpu.memory_space<hbm>>
      %dma_wait3A_152 = tpu.memref_squeeze %dma_wait3A_151 : memref<1x40x64xi32, #tpu.memory_space<hbm>> -> memref<40x64xi32, #tpu.memory_space<hbm>>
      tpu.wait_dma2 semaphore(%run_scoped3A : memref<!tpu.dma_semaphore, #tpu.memory_space<semaphore_mem>>) src(%dma_wait3A_152 : memref<40x64xi32, #tpu.memory_space<hbm>>) dst(%arg7 : memref<40x64xi32, #tpu.memory_space<vmem>>)
      tpu.yield
    }) : () -> ()
    %dma_start3A_102 = arith.constant 0 : i32
    %dma_start3A_103 = arith.constant 0 : i32
    %dma_start3A_104 = tpu.memref_slice %arg6[%dma_start3A_102, %dma_start3A_103] : memref<40x64xi32, #tpu.memory_space<vmem>> -> memref<1x64xi32, #tpu.memory_space<vmem>>
    %dma_start3A_105 = tpu.memref_squeeze %dma_start3A_104 : memref<1x64xi32, #tpu.memory_space<vmem>> -> memref<64xi32, #tpu.memory_space<vmem>>
    %dma_start3A_106 = arith.constant 0 : i32
    %dma_start3A_107 = arith.constant 0 : i32
    %dma_start3A_108 = tpu.memref_slice %arg2[%dma_start3A_106, %dma_start3A_107] : memref<10240x128xf32, #tpu.memory_space<hbm>> -> memref<10240x128xf32, #tpu.memory_space<hbm>>
    tpu.enqueue_indirect_dma source(%dma_start3A_108 : memref<10240x128xf32, #tpu.memory_space<hbm>>) target(%arg8 : memref<64x128xf32, #tpu.memory_space<vmem>>) offsets(%dma_start3A_105 : memref<64xi32, #tpu.memory_space<vmem>>) semaphore(%arg13 : memref<!tpu.dma_semaphore, #tpu.memory_space<semaphore_mem>>)
    %dma_start3A_109 = arith.constant 1 : i32
    %dma_start3A_110 = arith.constant 0 : i32
    %dma_start3A_111 = tpu.memref_slice %arg6[%dma_start3A_109, %dma_start3A_110] : memref<40x64xi32, #tpu.memory_space<vmem>> -> memref<1x64xi32, #tpu.memory_space<vmem>>
    %dma_start3A_112 = tpu.memref_squeeze %dma_start3A_111 : memref<1x64xi32, #tpu.memory_space<vmem>> -> memref<64xi32, #tpu.memory_space<vmem>>
    %dma_start3A_113 = arith.constant 0 : i32
    %dma_start3A_114 = arith.constant 0 : i32
    %dma_start3A_115 = tpu.memref_slice %arg2[%dma_start3A_113, %dma_start3A_114] : memref<10240x128xf32, #tpu.memory_space<hbm>> -> memref<10240x128xf32, #tpu.memory_space<hbm>>
    tpu.enqueue_indirect_dma source(%dma_start3A_115 : memref<10240x128xf32, #tpu.memory_space<hbm>>) target(%arg9 : memref<64x128xf32, #tpu.memory_space<vmem>>) offsets(%dma_start3A_112 : memref<64xi32, #tpu.memory_space<vmem>>) semaphore(%arg14 : memref<!tpu.dma_semaphore, #tpu.memory_space<semaphore_mem>>)
    %dma_start3A_116 = arith.constant 2 : i32
    %dma_start3A_117 = arith.constant 0 : i32
    %dma_start3A_118 = tpu.memref_slice %arg6[%dma_start3A_116, %dma_start3A_117] : memref<40x64xi32, #tpu.memory_space<vmem>> -> memref<1x64xi32, #tpu.memory_space<vmem>>
    %dma_start3A_119 = tpu.memref_squeeze %dma_start3A_118 : memref<1x64xi32, #tpu.memory_space<vmem>> -> memref<64xi32, #tpu.memory_space<vmem>>
    %dma_start3A_120 = arith.constant 0 : i32
    %dma_start3A_121 = arith.constant 0 : i32
    %dma_start3A_122 = tpu.memref_slice %arg2[%dma_start3A_120, %dma_start3A_121] : memref<10240x128xf32, #tpu.memory_space<hbm>> -> memref<10240x128xf32, #tpu.memory_space<hbm>>
    tpu.enqueue_indirect_dma source(%dma_start3A_122 : memref<10240x128xf32, #tpu.memory_space<hbm>>) target(%arg10 : memref<64x128xf32, #tpu.memory_space<vmem>>) offsets(%dma_start3A_119 : memref<64xi32, #tpu.memory_space<vmem>>) semaphore(%arg15 : memref<!tpu.dma_semaphore, #tpu.memory_space<semaphore_mem>>)
    %scan3A_123 = arith.constant 0 : i32
    %scan3A_124 = arith.constant 0 : i32
    %scan3A_125 = arith.constant 10 : i32
    %scan3A_126 = arith.addi %scan3A_124, %scan3A_125 : i32
    %scan3A_127 = arith.constant 1 : i32
    scf.for %scan3A_137 = %scan3A_124 to %scan3A_126 step %scan3A_127  : i32 {
      %mul3A_138 = arith.constant 4 : i32
      %mul3A_139 = arith.muli %mul3A_138, %scan3A_137 : i32
      %add3A_140 = arith.constant 0 : i32
      %add3A_141 = arith.addi %mul3A_139, %add3A_140 : i32
      %dma_wait3A_142 = arith.constant 0 : i32
      %dma_wait3A_143 = tpu.memref_slice %arg6[%add3A_141, %dma_wait3A_142] : memref<40x64xi32, #tpu.memory_space<vmem>> -> memref<1x64xi32, #tpu.memory_space<vmem>>
      %dma_wait3A_144 = tpu.memref_squeeze %dma_wait3A_143 : memref<1x64xi32, #tpu.memory_space<vmem>> -> memref<64xi32, #tpu.memory_space<vmem>>
      %dma_wait3A_145 = arith.constant 0 : i32
      %dma_wait3A_146 = arith.constant 0 : i32
      %dma_wait3A_147 = tpu.memref_slice %arg2[%dma_wait3A_145, %dma_wait3A_146] : memref<10240x128xf32, #tpu.memory_space<hbm>> -> memref<10240x128xf32, #tpu.memory_space<hbm>>
      tpu.wait_indirect_dma semaphore(%arg13 : memref<!tpu.dma_semaphore, #tpu.memory_space<semaphore_mem>>) src(%dma_wait3A_147 : memref<10240x128xf32, #tpu.memory_space<hbm>>) dst(%arg8 : memref<64x128xf32, #tpu.memory_space<vmem>>)
      %dma_start3A_148 = arith.constant 0 : i32
      %dma_start3A_149 = tpu.memref_slice %arg7[%add3A_141, %dma_start3A_148] : memref<40x64xi32, #tpu.memory_space<vmem>> -> memref<1x64xi32, #tpu.memory_space<vmem>>
      %dma_start3A_150 = tpu.memref_squeeze %dma_start3A_149 : memref<1x64xi32, #tpu.memory_space<vmem>> -> memref<64xi32, #tpu.memory_space<vmem>>
      %dma_start3A_151 = arith.constant 0 : i32
      %dma_start3A_152 = arith.constant 0 : i32
      %dma_start3A_153 = tpu.memref_slice %arg12[%dma_start3A_151, %dma_start3A_152] : memref<10240x128xf32, #tpu.memory_space<vmem_shared>> -> memref<10240x128xf32, #tpu.memory_space<vmem_shared>>
      tpu.enqueue_indirect_dma source(%arg8 : memref<64x128xf32, #tpu.memory_space<vmem>>) target(%dma_start3A_153 : memref<10240x128xf32, #tpu.memory_space<vmem_shared>>) offsets(%dma_start3A_150 : memref<64xi32, #tpu.memory_space<vmem>>) semaphore(%arg17 : memref<!tpu.dma_semaphore, #tpu.memory_space<semaphore_mem>>) {add = true}
      %ge3A = arith.constant 1 : i32
      %ge3A_154 = arith.cmpi sge, %add3A_141, %ge3A : i32
      %convert_element_type3A = arith.extui %ge3A_154 : i1 to i32
      %cond3A = arith.constant 0 : i32
      %cond3A_155 = arith.cmpi ne, %convert_element_type3A, %cond3A : i32
      scf.if %cond3A_155 {
        %sub3A = arith.constant 1 : i32
        %sub3A_246 = arith.subi %add3A_141, %sub3A : i32
        %dma_wait3A_247 = arith.constant 0 : i32
        %dma_wait3A_248 = tpu.memref_slice %arg7[%sub3A_246, %dma_wait3A_247] : memref<40x64xi32, #tpu.memory_space<vmem>> -> memref<1x64xi32, #tpu.memory_space<vmem>>
        %dma_wait3A_249 = tpu.memref_squeeze %dma_wait3A_248 : memref<1x64xi32, #tpu.memory_space<vmem>> -> memref<64xi32, #tpu.memory_space<vmem>>
        %dma_wait3A_250 = arith.constant 0 : i32
        %dma_wait3A_251 = arith.constant 0 : i32
        %dma_wait3A_252 = tpu.memref_slice %arg12[%dma_wait3A_250, %dma_wait3A_251] : memref<10240x128xf32, #tpu.memory_space<vmem_shared>> -> memref<10240x128xf32, #tpu.memory_space<vmem_shared>>
        tpu.wait_indirect_dma semaphore(%arg20 : memref<!tpu.dma_semaphore, #tpu.memory_space<semaphore_mem>>) src(%arg11 : memref<64x128xf32, #tpu.memory_space<vmem>>) dst(%dma_wait3A_252 : memref<10240x128xf32, #tpu.memory_space<vmem_shared>>)
      } else {
      }
      %add3A_156 = arith.constant 3 : i32
      %add3A_157 = arith.addi %add3A_141, %add3A_156 : i32
      %lt3A = arith.constant 40 : i32
      %lt3A_158 = arith.cmpi slt, %add3A_157, %lt3A : i32
      %convert_element_type3A_159 = arith.extui %lt3A_158 : i1 to i32
      %cond3A_160 = arith.constant 0 : i32
      %cond3A_161 = arith.cmpi ne, %convert_element_type3A_159, %cond3A_160 : i32
      scf.if %cond3A_161 {
        %add3A_246 = arith.constant 3 : i32
        %add3A_247 = arith.addi %add3A_141, %add3A_246 : i32
        %dma_start3A_248 = arith.constant 0 : i32
        %dma_start3A_249 = tpu.memref_slice %arg6[%add3A_247, %dma_start3A_248] : memref<40x64xi32, #tpu.memory_space<vmem>> -> memref<1x64xi32, #tpu.memory_space<vmem>>
        %dma_start3A_250 = tpu.memref_squeeze %dma_start3A_249 : memref<1x64xi32, #tpu.memory_space<vmem>> -> memref<64xi32, #tpu.memory_space<vmem>>
        %dma_start3A_251 = arith.constant 0 : i32
        %dma_start3A_252 = arith.constant 0 : i32
        %dma_start3A_253 = tpu.memref_slice %arg2[%dma_start3A_251, %dma_start3A_252] : memref<10240x128xf32, #tpu.memory_space<hbm>> -> memref<10240x128xf32, #tpu.memory_space<hbm>>
        tpu.enqueue_indirect_dma source(%dma_start3A_253 : memref<10240x128xf32, #tpu.memory_space<hbm>>) target(%arg11 : memref<64x128xf32, #tpu.memory_space<vmem>>) offsets(%dma_start3A_250 : memref<64xi32, #tpu.memory_space<vmem>>) semaphore(%arg16 : memref<!tpu.dma_semaphore, #tpu.memory_space<semaphore_mem>>)
      } else {
      }
      %mul3A_162 = arith.constant 4 : i32
      %mul3A_163 = arith.muli %mul3A_162, %scan3A_137 : i32
      %add3A_164 = arith.constant 1 : i32
      %add3A_165 = arith.addi %mul3A_163, %add3A_164 : i32
      %dma_wait3A_166 = arith.constant 0 : i32
      %dma_wait3A_167 = tpu.memref_slice %arg6[%add3A_165, %dma_wait3A_166] : memref<40x64xi32, #tpu.memory_space<vmem>> -> memref<1x64xi32, #tpu.memory_space<vmem>>
      %dma_wait3A_168 = tpu.memref_squeeze %dma_wait3A_167 : memref<1x64xi32, #tpu.memory_space<vmem>> -> memref<64xi32, #tpu.memory_space<vmem>>
      %dma_wait3A_169 = arith.constant 0 : i32
      %dma_wait3A_170 = arith.constant 0 : i32
      %dma_wait3A_171 = tpu.memref_slice %arg2[%dma_wait3A_169, %dma_wait3A_170] : memref<10240x128xf32, #tpu.memory_space<hbm>> -> memref<10240x128xf32, #tpu.memory_space<hbm>>
      tpu.wait_indirect_dma semaphore(%arg14 : memref<!tpu.dma_semaphore, #tpu.memory_space<semaphore_mem>>) src(%dma_wait3A_171 : memref<10240x128xf32, #tpu.memory_space<hbm>>) dst(%arg9 : memref<64x128xf32, #tpu.memory_space<vmem>>)
      %dma_start3A_172 = arith.constant 0 : i32
      %dma_start3A_173 = tpu.memref_slice %arg7[%add3A_165, %dma_start3A_172] : memref<40x64xi32, #tpu.memory_space<vmem>> -> memref<1x64xi32, #tpu.memory_space<vmem>>
      %dma_start3A_174 = tpu.memref_squeeze %dma_start3A_173 : memref<1x64xi32, #tpu.memory_space<vmem>> -> memref<64xi32, #tpu.memory_space<vmem>>
      %dma_start3A_175 = arith.constant 0 : i32
      %dma_start3A_176 = arith.constant 0 : i32
      %dma_start3A_177 = tpu.memref_slice %arg12[%dma_start3A_175, %dma_start3A_176] : memref<10240x128xf32, #tpu.memory_space<vmem_shared>> -> memref<10240x128xf32, #tpu.memory_space<vmem_shared>>
      tpu.enqueue_indirect_dma source(%arg9 : memref<64x128xf32, #tpu.memory_space<vmem>>) target(%dma_start3A_177 : memref<10240x128xf32, #tpu.memory_space<vmem_shared>>) offsets(%dma_start3A_174 : memref<64xi32, #tpu.memory_space<vmem>>) semaphore(%arg18 : memref<!tpu.dma_semaphore, #tpu.memory_space<semaphore_mem>>) {add = true}
      %ge3A_178 = arith.constant 1 : i32
      %ge3A_179 = arith.cmpi sge, %add3A_165, %ge3A_178 : i32
      %convert_element_type3A_180 = arith.extui %ge3A_179 : i1 to i32
      %cond3A_181 = arith.constant 0 : i32
      %cond3A_182 = arith.cmpi ne, %convert_element_type3A_180, %cond3A_181 : i32
      scf.if %cond3A_182 {
        %sub3A = arith.constant 1 : i32
        %sub3A_246 = arith.subi %add3A_165, %sub3A : i32
        %dma_wait3A_247 = arith.constant 0 : i32
        %dma_wait3A_248 = tpu.memref_slice %arg7[%sub3A_246, %dma_wait3A_247] : memref<40x64xi32, #tpu.memory_space<vmem>> -> memref<1x64xi32, #tpu.memory_space<vmem>>
        %dma_wait3A_249 = tpu.memref_squeeze %dma_wait3A_248 : memref<1x64xi32, #tpu.memory_space<vmem>> -> memref<64xi32, #tpu.memory_space<vmem>>
        %dma_wait3A_250 = arith.constant 0 : i32
        %dma_wait3A_251 = arith.constant 0 : i32
        %dma_wait3A_252 = tpu.memref_slice %arg12[%dma_wait3A_250, %dma_wait3A_251] : memref<10240x128xf32, #tpu.memory_space<vmem_shared>> -> memref<10240x128xf32, #tpu.memory_space<vmem_shared>>
        tpu.wait_indirect_dma semaphore(%arg17 : memref<!tpu.dma_semaphore, #tpu.memory_space<semaphore_mem>>) src(%arg8 : memref<64x128xf32, #tpu.memory_space<vmem>>) dst(%dma_wait3A_252 : memref<10240x128xf32, #tpu.memory_space<vmem_shared>>)
      } else {
      }
      %add3A_183 = arith.constant 3 : i32
      %add3A_184 = arith.addi %add3A_165, %add3A_183 : i32
      %lt3A_185 = arith.constant 40 : i32
      %lt3A_186 = arith.cmpi slt, %add3A_184, %lt3A_185 : i32
      %convert_element_type3A_187 = arith.extui %lt3A_186 : i1 to i32
      %cond3A_188 = arith.constant 0 : i32
      %cond3A_189 = arith.cmpi ne, %convert_element_type3A_187, %cond3A_188 : i32
      scf.if %cond3A_189 {
        %add3A_246 = arith.constant 3 : i32
        %add3A_247 = arith.addi %add3A_165, %add3A_246 : i32
        %dma_start3A_248 = arith.constant 0 : i32
        %dma_start3A_249 = tpu.memref_slice %arg6[%add3A_247, %dma_start3A_248] : memref<40x64xi32, #tpu.memory_space<vmem>> -> memref<1x64xi32, #tpu.memory_space<vmem>>
        %dma_start3A_250 = tpu.memref_squeeze %dma_start3A_249 : memref<1x64xi32, #tpu.memory_space<vmem>> -> memref<64xi32, #tpu.memory_space<vmem>>
        %dma_start3A_251 = arith.constant 0 : i32
        %dma_start3A_252 = arith.constant 0 : i32
        %dma_start3A_253 = tpu.memref_slice %arg2[%dma_start3A_251, %dma_start3A_252] : memref<10240x128xf32, #tpu.memory_space<hbm>> -> memref<10240x128xf32, #tpu.memory_space<hbm>>
        tpu.enqueue_indirect_dma source(%dma_start3A_253 : memref<10240x128xf32, #tpu.memory_space<hbm>>) target(%arg8 : memref<64x128xf32, #tpu.memory_space<vmem>>) offsets(%dma_start3A_250 : memref<64xi32, #tpu.memory_space<vmem>>) semaphore(%arg13 : memref<!tpu.dma_semaphore, #tpu.memory_space<semaphore_mem>>)
      } else {
      }
      %mul3A_190 = arith.constant 4 : i32
      %mul3A_191 = arith.muli %mul3A_190, %scan3A_137 : i32
      %add3A_192 = arith.constant 2 : i32
      %add3A_193 = arith.addi %mul3A_191, %add3A_192 : i32
      %dma_wait3A_194 = arith.constant 0 : i32
      %dma_wait3A_195 = tpu.memref_slice %arg6[%add3A_193, %dma_wait3A_194] : memref<40x64xi32, #tpu.memory_space<vmem>> -> memref<1x64xi32, #tpu.memory_space<vmem>>
      %dma_wait3A_196 = tpu.memref_squeeze %dma_wait3A_195 : memref<1x64xi32, #tpu.memory_space<vmem>> -> memref<64xi32, #tpu.memory_space<vmem>>
      %dma_wait3A_197 = arith.constant 0 : i32
      %dma_wait3A_198 = arith.constant 0 : i32
      %dma_wait3A_199 = tpu.memref_slice %arg2[%dma_wait3A_197, %dma_wait3A_198] : memref<10240x128xf32, #tpu.memory_space<hbm>> -> memref<10240x128xf32, #tpu.memory_space<hbm>>
      tpu.wait_indirect_dma semaphore(%arg15 : memref<!tpu.dma_semaphore, #tpu.memory_space<semaphore_mem>>) src(%dma_wait3A_199 : memref<10240x128xf32, #tpu.memory_space<hbm>>) dst(%arg10 : memref<64x128xf32, #tpu.memory_space<vmem>>)
      %dma_start3A_200 = arith.constant 0 : i32
      %dma_start3A_201 = tpu.memref_slice %arg7[%add3A_193, %dma_start3A_200] : memref<40x64xi32, #tpu.memory_space<vmem>> -> memref<1x64xi32, #tpu.memory_space<vmem>>
      %dma_start3A_202 = tpu.memref_squeeze %dma_start3A_201 : memref<1x64xi32, #tpu.memory_space<vmem>> -> memref<64xi32, #tpu.memory_space<vmem>>
      %dma_start3A_203 = arith.constant 0 : i32
      %dma_start3A_204 = arith.constant 0 : i32
      %dma_start3A_205 = tpu.memref_slice %arg12[%dma_start3A_203, %dma_start3A_204] : memref<10240x128xf32, #tpu.memory_space<vmem_shared>> -> memref<10240x128xf32, #tpu.memory_space<vmem_shared>>
      tpu.enqueue_indirect_dma source(%arg10 : memref<64x128xf32, #tpu.memory_space<vmem>>) target(%dma_start3A_205 : memref<10240x128xf32, #tpu.memory_space<vmem_shared>>) offsets(%dma_start3A_202 : memref<64xi32, #tpu.memory_space<vmem>>) semaphore(%arg19 : memref<!tpu.dma_semaphore, #tpu.memory_space<semaphore_mem>>) {add = true}
      %ge3A_206 = arith.constant 1 : i32
      %ge3A_207 = arith.cmpi sge, %add3A_193, %ge3A_206 : i32
      %convert_element_type3A_208 = arith.extui %ge3A_207 : i1 to i32
      %cond3A_209 = arith.constant 0 : i32
      %cond3A_210 = arith.cmpi ne, %convert_element_type3A_208, %cond3A_209 : i32
      scf.if %cond3A_210 {
        %sub3A = arith.constant 1 : i32
        %sub3A_246 = arith.subi %add3A_193, %sub3A : i32
        %dma_wait3A_247 = arith.constant 0 : i32
        %dma_wait3A_248 = tpu.memref_slice %arg7[%sub3A_246, %dma_wait3A_247] : memref<40x64xi32, #tpu.memory_space<vmem>> -> memref<1x64xi32, #tpu.memory_space<vmem>>
        %dma_wait3A_249 = tpu.memref_squeeze %dma_wait3A_248 : memref<1x64xi32, #tpu.memory_space<vmem>> -> memref<64xi32, #tpu.memory_space<vmem>>
        %dma_wait3A_250 = arith.constant 0 : i32
        %dma_wait3A_251 = arith.constant 0 : i32
        %dma_wait3A_252 = tpu.memref_slice %arg12[%dma_wait3A_250, %dma_wait3A_251] : memref<10240x128xf32, #tpu.memory_space<vmem_shared>> -> memref<10240x128xf32, #tpu.memory_space<vmem_shared>>
        tpu.wait_indirect_dma semaphore(%arg18 : memref<!tpu.dma_semaphore, #tpu.memory_space<semaphore_mem>>) src(%arg9 : memref<64x128xf32, #tpu.memory_space<vmem>>) dst(%dma_wait3A_252 : memref<10240x128xf32, #tpu.memory_space<vmem_shared>>)
      } else {
      }
      %add3A_211 = arith.constant 3 : i32
      %add3A_212 = arith.addi %add3A_193, %add3A_211 : i32
      %lt3A_213 = arith.constant 40 : i32
      %lt3A_214 = arith.cmpi slt, %add3A_212, %lt3A_213 : i32
      %convert_element_type3A_215 = arith.extui %lt3A_214 : i1 to i32
      %cond3A_216 = arith.constant 0 : i32
      %cond3A_217 = arith.cmpi ne, %convert_element_type3A_215, %cond3A_216 : i32
      scf.if %cond3A_217 {
        %add3A_246 = arith.constant 3 : i32
        %add3A_247 = arith.addi %add3A_193, %add3A_246 : i32
        %dma_start3A_248 = arith.constant 0 : i32
        %dma_start3A_249 = tpu.memref_slice %arg6[%add3A_247, %dma_start3A_248] : memref<40x64xi32, #tpu.memory_space<vmem>> -> memref<1x64xi32, #tpu.memory_space<vmem>>
        %dma_start3A_250 = tpu.memref_squeeze %dma_start3A_249 : memref<1x64xi32, #tpu.memory_space<vmem>> -> memref<64xi32, #tpu.memory_space<vmem>>
        %dma_start3A_251 = arith.constant 0 : i32
        %dma_start3A_252 = arith.constant 0 : i32
        %dma_start3A_253 = tpu.memref_slice %arg2[%dma_start3A_251, %dma_start3A_252] : memref<10240x128xf32, #tpu.memory_space<hbm>> -> memref<10240x128xf32, #tpu.memory_space<hbm>>
        tpu.enqueue_indirect_dma source(%dma_start3A_253 : memref<10240x128xf32, #tpu.memory_space<hbm>>) target(%arg9 : memref<64x128xf32, #tpu.memory_space<vmem>>) offsets(%dma_start3A_250 : memref<64xi32, #tpu.memory_space<vmem>>) semaphore(%arg14 : memref<!tpu.dma_semaphore, #tpu.memory_space<semaphore_mem>>)
      } else {
      }
      %mul3A_218 = arith.constant 4 : i32
      %mul3A_219 = arith.muli %mul3A_218, %scan3A_137 : i32
      %add3A_220 = arith.constant 3 : i32
      %add3A_221 = arith.addi %mul3A_219, %add3A_220 : i32
      %dma_wait3A_222 = arith.constant 0 : i32
      %dma_wait3A_223 = tpu.memref_slice %arg6[%add3A_221, %dma_wait3A_222] : memref<40x64xi32, #tpu.memory_space<vmem>> -> memref<1x64xi32, #tpu.memory_space<vmem>>
      %dma_wait3A_224 = tpu.memref_squeeze %dma_wait3A_223 : memref<1x64xi32, #tpu.memory_space<vmem>> -> memref<64xi32, #tpu.memory_space<vmem>>
      %dma_wait3A_225 = arith.constant 0 : i32
      %dma_wait3A_226 = arith.constant 0 : i32
      %dma_wait3A_227 = tpu.memref_slice %arg2[%dma_wait3A_225, %dma_wait3A_226] : memref<10240x128xf32, #tpu.memory_space<hbm>> -> memref<10240x128xf32, #tpu.memory_space<hbm>>
      tpu.wait_indirect_dma semaphore(%arg16 : memref<!tpu.dma_semaphore, #tpu.memory_space<semaphore_mem>>) src(%dma_wait3A_227 : memref<10240x128xf32, #tpu.memory_space<hbm>>) dst(%arg11 : memref<64x128xf32, #tpu.memory_space<vmem>>)
      %dma_start3A_228 = arith.constant 0 : i32
      %dma_start3A_229 = tpu.memref_slice %arg7[%add3A_221, %dma_start3A_228] : memref<40x64xi32, #tpu.memory_space<vmem>> -> memref<1x64xi32, #tpu.memory_space<vmem>>
      %dma_start3A_230 = tpu.memref_squeeze %dma_start3A_229 : memref<1x64xi32, #tpu.memory_space<vmem>> -> memref<64xi32, #tpu.memory_space<vmem>>
      %dma_start3A_231 = arith.constant 0 : i32
      %dma_start3A_232 = arith.constant 0 : i32
      %dma_start3A_233 = tpu.memref_slice %arg12[%dma_start3A_231, %dma_start3A_232] : memref<10240x128xf32, #tpu.memory_space<vmem_shared>> -> memref<10240x128xf32, #tpu.memory_space<vmem_shared>>
      tpu.enqueue_indirect_dma source(%arg11 : memref<64x128xf32, #tpu.memory_space<vmem>>) target(%dma_start3A_233 : memref<10240x128xf32, #tpu.memory_space<vmem_shared>>) offsets(%dma_start3A_230 : memref<64xi32, #tpu.memory_space<vmem>>) semaphore(%arg20 : memref<!tpu.dma_semaphore, #tpu.memory_space<semaphore_mem>>) {add = true}
      %ge3A_234 = arith.constant 1 : i32
      %ge3A_235 = arith.cmpi sge, %add3A_221, %ge3A_234 : i32
      %convert_element_type3A_236 = arith.extui %ge3A_235 : i1 to i32
      %cond3A_237 = arith.constant 0 : i32
      %cond3A_238 = arith.cmpi ne, %convert_element_type3A_236, %cond3A_237 : i32
      scf.if %cond3A_238 {
        %sub3A = arith.constant 1 : i32
        %sub3A_246 = arith.subi %add3A_221, %sub3A : i32
        %dma_wait3A_247 = arith.constant 0 : i32
        %dma_wait3A_248 = tpu.memref_slice %arg7[%sub3A_246, %dma_wait3A_247] : memref<40x64xi32, #tpu.memory_space<vmem>> -> memref<1x64xi32, #tpu.memory_space<vmem>>
        %dma_wait3A_249 = tpu.memref_squeeze %dma_wait3A_248 : memref<1x64xi32, #tpu.memory_space<vmem>> -> memref<64xi32, #tpu.memory_space<vmem>>
        %dma_wait3A_250 = arith.constant 0 : i32
        %dma_wait3A_251 = arith.constant 0 : i32
        %dma_wait3A_252 = tpu.memref_slice %arg12[%dma_wait3A_250, %dma_wait3A_251] : memref<10240x128xf32, #tpu.memory_space<vmem_shared>> -> memref<10240x128xf32, #tpu.memory_space<vmem_shared>>
        tpu.wait_indirect_dma semaphore(%arg19 : memref<!tpu.dma_semaphore, #tpu.memory_space<semaphore_mem>>) src(%arg10 : memref<64x128xf32, #tpu.memory_space<vmem>>) dst(%dma_wait3A_252 : memref<10240x128xf32, #tpu.memory_space<vmem_shared>>)
      } else {
      }
      %add3A_239 = arith.constant 3 : i32
      %add3A_240 = arith.addi %add3A_221, %add3A_239 : i32
      %lt3A_241 = arith.constant 40 : i32
      %lt3A_242 = arith.cmpi slt, %add3A_240, %lt3A_241 : i32
      %convert_element_type3A_243 = arith.extui %lt3A_242 : i1 to i32
      %cond3A_244 = arith.constant 0 : i32
      %cond3A_245 = arith.cmpi ne, %convert_element_type3A_243, %cond3A_244 : i32
      scf.if %cond3A_245 {
        %add3A_246 = arith.constant 3 : i32
        %add3A_247 = arith.addi %add3A_221, %add3A_246 : i32
        %dma_start3A_248 = arith.constant 0 : i32
        %dma_start3A_249 = tpu.memref_slice %arg6[%add3A_247, %dma_start3A_248] : memref<40x64xi32, #tpu.memory_space<vmem>> -> memref<1x64xi32, #tpu.memory_space<vmem>>
        %dma_start3A_250 = tpu.memref_squeeze %dma_start3A_249 : memref<1x64xi32, #tpu.memory_space<vmem>> -> memref<64xi32, #tpu.memory_space<vmem>>
        %dma_start3A_251 = arith.constant 0 : i32
        %dma_start3A_252 = arith.constant 0 : i32
        %dma_start3A_253 = tpu.memref_slice %arg2[%dma_start3A_251, %dma_start3A_252] : memref<10240x128xf32, #tpu.memory_space<hbm>> -> memref<10240x128xf32, #tpu.memory_space<hbm>>
        tpu.enqueue_indirect_dma source(%dma_start3A_253 : memref<10240x128xf32, #tpu.memory_space<hbm>>) target(%arg10 : memref<64x128xf32, #tpu.memory_space<vmem>>) offsets(%dma_start3A_250 : memref<64xi32, #tpu.memory_space<vmem>>) semaphore(%arg15 : memref<!tpu.dma_semaphore, #tpu.memory_space<semaphore_mem>>)
      } else {
      }
    }
    %scan3A_128 = arith.constant 10 : i32
    %dma_wait3A_129 = arith.constant 39 : i32
    %dma_wait3A_130 = arith.constant 0 : i32
    %dma_wait3A_131 = tpu.memref_slice %arg7[%dma_wait3A_129, %dma_wait3A_130] : memref<40x64xi32, #tpu.memory_space<vmem>> -> memref<1x64xi32, #tpu.memory_space<vmem>>
    %dma_wait3A_132 = tpu.memref_squeeze %dma_wait3A_131 : memref<1x64xi32, #tpu.memory_space<vmem>> -> memref<64xi32, #tpu.memory_space<vmem>>
    %dma_wait3A_133 = arith.constant 0 : i32
    %dma_wait3A_134 = arith.constant 0 : i32
    %dma_wait3A_135 = tpu.memref_slice %arg12[%dma_wait3A_133, %dma_wait3A_134] : memref<10240x128xf32, #tpu.memory_space<vmem_shared>> -> memref<10240x128xf32, #tpu.memory_space<vmem_shared>>
    tpu.wait_indirect_dma semaphore(%arg20 : memref<!tpu.dma_semaphore, #tpu.memory_space<semaphore_mem>>) src(%arg11 : memref<64x128xf32, #tpu.memory_space<vmem>>) dst(%dma_wait3A_135 : memref<10240x128xf32, #tpu.memory_space<vmem_shared>>)
    %barrier3A_136 = arith.constant 0 : index
    tpu.barrier barrier_id(%barrier3A_136)
    "tpu.region"() ({
      %run_scoped3A = tpu.sem_alloc : memref<!tpu.dma_semaphore, #tpu.memory_space<semaphore_mem>>
      %dma_start3A_137 = arith.constant 0 : i32
      %dma_start3A_138 = tpu.memref_slice %arg5[%arg0, %mul3A_2, %dma_start3A_137] : memref<2x10240x128xf32, #tpu.memory_space<hbm>> -> memref<1x640x128xf32, #tpu.memory_space<hbm>>
      %dma_start3A_139 = tpu.memref_squeeze %dma_start3A_138 : memref<1x640x128xf32, #tpu.memory_space<hbm>> -> memref<640x128xf32, #tpu.memory_space<hbm>>
      %dma_start3A_140 = arith.constant 0 : i32
      %dma_start3A_141 = tpu.memref_slice %arg12[%mul3A_2, %dma_start3A_140] : memref<10240x128xf32, #tpu.memory_space<vmem_shared>> -> memref<640x128xf32, #tpu.memory_space<vmem_shared>>
      tpu.enqueue_dma source(%dma_start3A_141 : memref<640x128xf32, #tpu.memory_space<vmem_shared>>) target(%dma_start3A_139 : memref<640x128xf32, #tpu.memory_space<hbm>>) target_semaphore(%run_scoped3A : memref<!tpu.dma_semaphore, #tpu.memory_space<semaphore_mem>>)
      %dma_wait3A_142 = arith.constant 0 : i32
      %dma_wait3A_143 = tpu.memref_slice %arg5[%arg0, %mul3A_2, %dma_wait3A_142] : memref<2x10240x128xf32, #tpu.memory_space<hbm>> -> memref<1x640x128xf32, #tpu.memory_space<hbm>>
      %dma_wait3A_144 = tpu.memref_squeeze %dma_wait3A_143 : memref<1x640x128xf32, #tpu.memory_space<hbm>> -> memref<640x128xf32, #tpu.memory_space<hbm>>
      %dma_wait3A_145 = arith.constant 0 : i32
      %dma_wait3A_146 = tpu.memref_slice %arg12[%mul3A_2, %dma_wait3A_145] : memref<10240x128xf32, #tpu.memory_space<vmem_shared>> -> memref<640x128xf32, #tpu.memory_space<vmem_shared>>
      tpu.wait_dma2 semaphore(%run_scoped3A : memref<!tpu.dma_semaphore, #tpu.memory_space<semaphore_mem>>) src(%dma_wait3A_146 : memref<640x128xf32, #tpu.memory_space<vmem_shared>>) dst(%dma_wait3A_144 : memref<640x128xf32, #tpu.memory_space<hbm>>)
      tpu.yield
    }) : () -> ()
    return
  }
}

module attributes {stable_mosaic.version = 14 : i64} {
  func.func @_tc1_body(%arg0: i32, %arg1: memref<1280x128xf32, #tpu.memory_space<vmem>>, %arg2: memref<128x128xf32, #tpu.memory_space<vmem>>, %arg3: memref<2x1280x16xf32, #tpu.memory_space<vmem>>, %arg4: memref<1280x128xf32, #tpu.memory_space<vmem>>) attributes {dimension_semantics = [#tpu.dimension_semantics<arbitrary>], iteration_bounds = array<i64: 8>, scalar_prefetch = 0 : i64, scratch_operands = 0 : i64, tpu.core_type = #tpu.core_type<tc>, window_params = [{transform_indices = @transform_0, window_bounds = array<i64: 1280, 128>}, {pipeline_mode = #tpu.pipeline_mode<synchronous>, transform_indices = @transform_1, window_bounds = array<i64: 128, 128>}, {transform_indices = @transform_2, window_bounds = array<i64: 2, 1280, 16>}, {transform_indices = @transform_3, window_bounds = array<i64: 1280, 128>}]} {
    %get3A = arith.constant 0 : index
    %get3A_0 = arith.constant 0 : index
    %get3A_1 = arith.constant 0 : index
    %get3A_2 = vector.load %arg3[%get3A, %get3A_0, %get3A_1] : memref<2x1280x16xf32, #tpu.memory_space<vmem>>, vector<2x1280x16xf32>
    %slice3A = vector.extract_strided_slice %get3A_2 {offsets = [0, 0, 0], sizes = [1, 1280, 1], strides = [1, 1, 1]} : vector<2x1280x16xf32> to vector<1x1280x1xf32>
    %squeeze3A = vector.shape_cast %slice3A : vector<1x1280x1xf32> to vector<1280x1xf32>
    %slice3A_3 = vector.extract_strided_slice %get3A_2 {offsets = [1, 0, 0], sizes = [1, 1280, 1], strides = [1, 1, 1]} : vector<2x1280x16xf32> to vector<1x1280x1xf32>
    %squeeze3A_4 = vector.shape_cast %slice3A_3 : vector<1x1280x1xf32> to vector<1280x1xf32>
    %add3A = arith.addf %squeeze3A, %squeeze3A_4 : vector<1280x1xf32>
    %sub3A = arith.constant 1.000000e+00 : f32
    %sub3A_5 = vector.broadcast %sub3A : f32 to vector<1280x1xf32>
    %sub3A_6 = arith.subf %add3A, %sub3A_5 : vector<1280x1xf32>
    %rsqrt3A = math.rsqrt %sub3A_6 : vector<1280x1xf32>
    %get3A_7 = arith.constant 0 : index
    %get3A_8 = arith.constant 0 : index
    %get3A_9 = vector.load %arg1[%get3A_7, %get3A_8] : memref<1280x128xf32, #tpu.memory_space<vmem>>, vector<1280x128xf32>
    %get3A_10 = arith.constant 0 : index
    %get3A_11 = arith.constant 0 : index
    %get3A_12 = vector.load %arg2[%get3A_10, %get3A_11] : memref<128x128xf32, #tpu.memory_space<vmem>>, vector<128x128xf32>
    %dot_general3A = arith.constant dense<0.000000e+00> : vector<1280x128xf32>
    %dot_general3A_13 = tpu.matmul %get3A_9, %get3A_12, %dot_general3A {dimension_numbers = #tpu.dot_dimension_numbers<[1], [0], [0], [1], [0, 0, 1, 1], [], []>, transpose_lhs_hint = false} : vector<1280x128xf32>, vector<128x128xf32>, vector<1280x128xf32> -> vector<1280x128xf32>
    %mul3A = vector.broadcast %rsqrt3A : vector<1280x1xf32> to vector<1280x128xf32>
    %mul3A_14 = arith.mulf %dot_general3A_13, %mul3A : vector<1280x128xf32>
    %swap3A = arith.constant 0 : index
    %swap3A_15 = arith.constant 0 : index
    %swap3A_16 = vector.load %arg4[%swap3A, %swap3A_15] : memref<1280x128xf32, #tpu.memory_space<vmem>>, vector<1280x128xf32>
    tpu.vector_store %arg4[%swap3A, %swap3A_15], %mul3A_14 {strides = array<i32>} : memref<1280x128xf32, #tpu.memory_space<vmem>>, vector<1280x128xf32>,
    return
  }
  func.func @transform_0(%arg0: i32) -> (i32, i32) {
    %c0_i32 = arith.constant 0 : i32
    %c0_i32_0 = arith.constant 0 : i32
    return %arg0, %c0_i32 : i32, i32
  }
  func.func @transform_1(%arg0: i32) -> (i32, i32) {
    %c0_i32 = arith.constant 0 : i32
    %c0_i32_0 = arith.constant 0 : i32
    %c0_i32_1 = arith.constant 0 : i32
    return %c0_i32, %c0_i32_0 : i32, i32
  }
  func.func @transform_2(%arg0: i32) -> (i32, i32, i32) {
    %c0_i32 = arith.constant 0 : i32
    %c0_i32_0 = arith.constant 0 : i32
    %c0_i32_1 = arith.constant 0 : i32
    return %c0_i32, %arg0, %c0_i32_0 : i32, i32, i32
  }
  func.func @transform_3(%arg0: i32) -> (i32, i32) {
    %c0_i32 = arith.constant 0 : i32
    %c0_i32_0 = arith.constant 0 : i32
    return %arg0, %c0_i32 : i32, i32
  }
}

module attributes {stable_mosaic.version = 14 : i64} {
  func.func @_tc_mid_body(%arg0: i32, %arg1: memref<1280x128xf32, #tpu.memory_space<vmem>>, %arg2: memref<2x1280x128xf32, #tpu.memory_space<vmem>>, %arg3: memref<2x1280x16xf32, #tpu.memory_space<vmem>>, %arg4: memref<1x128xf32, #tpu.memory_space<vmem>>, %arg5: memref<128x128xf32, #tpu.memory_space<vmem>>, %arg6: memref<1280x128xf32, #tpu.memory_space<vmem>>) attributes {dimension_semantics = [#tpu.dimension_semantics<arbitrary>], iteration_bounds = array<i64: 8>, scalar_prefetch = 0 : i64, scratch_operands = 0 : i64, tpu.core_type = #tpu.core_type<tc>, window_params = [{transform_indices = @transform_0, window_bounds = array<i64: 1280, 128>}, {transform_indices = @transform_1, window_bounds = array<i64: 2, 1280, 128>}, {transform_indices = @transform_2, window_bounds = array<i64: 2, 1280, 16>}, {pipeline_mode = #tpu.pipeline_mode<synchronous>, transform_indices = @transform_3, window_bounds = array<i64: 1, 128>}, {pipeline_mode = #tpu.pipeline_mode<synchronous>, transform_indices = @transform_4, window_bounds = array<i64: 128, 128>}, {transform_indices = @transform_5, window_bounds = array<i64: 1280, 128>}]} {
    %get3A = arith.constant 0 : index
    %get3A_0 = arith.constant 0 : index
    %get3A_1 = arith.constant 0 : index
    %get3A_2 = vector.load %arg3[%get3A, %get3A_0, %get3A_1] : memref<2x1280x16xf32, #tpu.memory_space<vmem>>, vector<2x1280x16xf32>
    %slice3A = vector.extract_strided_slice %get3A_2 {offsets = [0, 0, 0], sizes = [1, 1280, 1], strides = [1, 1, 1]} : vector<2x1280x16xf32> to vector<1x1280x1xf32>
    %squeeze3A = vector.shape_cast %slice3A : vector<1x1280x1xf32> to vector<1280x1xf32>
    %slice3A_3 = vector.extract_strided_slice %get3A_2 {offsets = [1, 0, 0], sizes = [1, 1280, 1], strides = [1, 1, 1]} : vector<2x1280x16xf32> to vector<1x1280x1xf32>
    %squeeze3A_4 = vector.shape_cast %slice3A_3 : vector<1x1280x1xf32> to vector<1280x1xf32>
    %add3A = arith.addf %squeeze3A, %squeeze3A_4 : vector<1280x1xf32>
    %sub3A = arith.constant 1.000000e+00 : f32
    %sub3A_5 = vector.broadcast %sub3A : f32 to vector<1280x1xf32>
    %sub3A_6 = arith.subf %add3A, %sub3A_5 : vector<1280x1xf32>
    %rsqrt3A = math.rsqrt %sub3A_6 : vector<1280x1xf32>
    %get3A_7 = arith.constant 0 : index
    %get3A_8 = arith.constant 0 : index
    %get3A_9 = arith.constant 0 : index
    %get3A_10 = vector.load %arg2[%get3A_7, %get3A_8, %get3A_9] : memref<2x1280x128xf32, #tpu.memory_space<vmem>>, vector<2x1280x128xf32>
    %slice3A_11 = vector.extract_strided_slice %get3A_10 {offsets = [0, 0, 0], sizes = [1, 1280, 128], strides = [1, 1, 1]} : vector<2x1280x128xf32> to vector<1x1280x128xf32>
    %squeeze3A_12 = vector.shape_cast %slice3A_11 : vector<1x1280x128xf32> to vector<1280x128xf32>
    %slice3A_13 = vector.extract_strided_slice %get3A_10 {offsets = [1, 0, 0], sizes = [1, 1280, 128], strides = [1, 1, 1]} : vector<2x1280x128xf32> to vector<1x1280x128xf32>
    %squeeze3A_14 = vector.shape_cast %slice3A_13 : vector<1x1280x128xf32> to vector<1280x128xf32>
    %add3A_15 = arith.addf %squeeze3A_12, %squeeze3A_14 : vector<1280x128xf32>
    %get3A_16 = arith.constant 0 : index
    %get3A_17 = arith.constant 0 : index
    %get3A_18 = vector.load %arg1[%get3A_16, %get3A_17] : memref<1280x128xf32, #tpu.memory_space<vmem>>, vector<1280x128xf32>
    %sub3A_19 = arith.subf %add3A_15, %get3A_18 : vector<1280x128xf32>
    %mul3A = vector.broadcast %rsqrt3A : vector<1280x1xf32> to vector<1280x128xf32>
    %mul3A_20 = arith.mulf %mul3A, %sub3A_19 : vector<1280x128xf32>
    %get3A_21 = arith.constant 0 : index
    %get3A_22 = arith.constant 0 : index
    %get3A_23 = vector.load %arg4[%get3A_21, %get3A_22] : memref<1x128xf32, #tpu.memory_space<vmem>>, vector<1x128xf32>
    %add3A_24 = vector.broadcast %get3A_23 : vector<1x128xf32> to vector<1280x128xf32>
    %add3A_25 = arith.addf %mul3A_20, %add3A_24 : vector<1280x128xf32>
    %max3A = arith.constant 0.000000e+00 : f32
    %max3A_26 = vector.broadcast %max3A : f32 to vector<1280x128xf32>
    %max3A_27 = arith.maximumf %add3A_25, %max3A_26 : vector<1280x128xf32>
    %get3A_28 = arith.constant 0 : index
    %get3A_29 = arith.constant 0 : index
    %get3A_30 = vector.load %arg5[%get3A_28, %get3A_29] : memref<128x128xf32, #tpu.memory_space<vmem>>, vector<128x128xf32>
    %dot_general3A = arith.constant dense<0.000000e+00> : vector<1280x128xf32>
    %dot_general3A_31 = tpu.matmul %max3A_27, %get3A_30, %dot_general3A {dimension_numbers = #tpu.dot_dimension_numbers<[1], [0], [0], [1], [0, 0, 1, 1], [], []>, transpose_lhs_hint = false} : vector<1280x128xf32>, vector<128x128xf32>, vector<1280x128xf32> -> vector<1280x128xf32>
    %mul3A_32 = vector.broadcast %rsqrt3A : vector<1280x1xf32> to vector<1280x128xf32>
    %mul3A_33 = arith.mulf %dot_general3A_31, %mul3A_32 : vector<1280x128xf32>
    %swap3A = arith.constant 0 : index
    %swap3A_34 = arith.constant 0 : index
    %swap3A_35 = vector.load %arg6[%swap3A, %swap3A_34] : memref<1280x128xf32, #tpu.memory_space<vmem>>, vector<1280x128xf32>
    tpu.vector_store %arg6[%swap3A, %swap3A_34], %mul3A_33 {strides = array<i32>} : memref<1280x128xf32, #tpu.memory_space<vmem>>, vector<1280x128xf32>,
    return
  }
  func.func @transform_0(%arg0: i32) -> (i32, i32) {
    %c0_i32 = arith.constant 0 : i32
    %c0_i32_0 = arith.constant 0 : i32
    return %arg0, %c0_i32 : i32, i32
  }
  func.func @transform_1(%arg0: i32) -> (i32, i32, i32) {
    %c0_i32 = arith.constant 0 : i32
    %c0_i32_0 = arith.constant 0 : i32
    %c0_i32_1 = arith.constant 0 : i32
    return %c0_i32, %arg0, %c0_i32_0 : i32, i32, i32
  }
  func.func @transform_2(%arg0: i32) -> (i32, i32, i32) {
    %c0_i32 = arith.constant 0 : i32
    %c0_i32_0 = arith.constant 0 : i32
    %c0_i32_1 = arith.constant 0 : i32
    return %c0_i32, %arg0, %c0_i32_0 : i32, i32, i32
  }
  func.func @transform_3(%arg0: i32) -> (i32, i32) {
    %c0_i32 = arith.constant 0 : i32
    %c0_i32_0 = arith.constant 0 : i32
    %c0_i32_1 = arith.constant 0 : i32
    return %c0_i32, %c0_i32_0 : i32, i32
  }
  func.func @transform_4(%arg0: i32) -> (i32, i32) {
    %c0_i32 = arith.constant 0 : i32
    %c0_i32_0 = arith.constant 0 : i32
    %c0_i32_1 = arith.constant 0 : i32
    return %c0_i32, %c0_i32_0 : i32, i32
  }
  func.func @transform_5(%arg0: i32) -> (i32, i32) {
    %c0_i32 = arith.constant 0 : i32
    %c0_i32_0 = arith.constant 0 : i32
    return %arg0, %c0_i32 : i32, i32
  }
}

module attributes {stable_mosaic.version = 14 : i64} {
  func.func @_tc_fin_body(%arg0: i32, %arg1: memref<1280x128xf32, #tpu.memory_space<vmem>>, %arg2: memref<2x1280x128xf32, #tpu.memory_space<vmem>>, %arg3: memref<2x1280x16xf32, #tpu.memory_space<vmem>>, %arg4: memref<1x128xf32, #tpu.memory_space<vmem>>, %arg5: memref<1280x128xf32, #tpu.memory_space<vmem>>) attributes {dimension_semantics = [#tpu.dimension_semantics<arbitrary>], iteration_bounds = array<i64: 8>, scalar_prefetch = 0 : i64, scratch_operands = 0 : i64, tpu.core_type = #tpu.core_type<tc>, window_params = [{transform_indices = @transform_0, window_bounds = array<i64: 1280, 128>}, {transform_indices = @transform_1, window_bounds = array<i64: 2, 1280, 128>}, {transform_indices = @transform_2, window_bounds = array<i64: 2, 1280, 16>}, {pipeline_mode = #tpu.pipeline_mode<synchronous>, transform_indices = @transform_3, window_bounds = array<i64: 1, 128>}, {transform_indices = @transform_4, window_bounds = array<i64: 1280, 128>}]} {
    %get3A = arith.constant 0 : index
    %get3A_0 = arith.constant 0 : index
    %get3A_1 = arith.constant 0 : index
    %get3A_2 = vector.load %arg3[%get3A, %get3A_0, %get3A_1] : memref<2x1280x16xf32, #tpu.memory_space<vmem>>, vector<2x1280x16xf32>
    %slice3A = vector.extract_strided_slice %get3A_2 {offsets = [0, 0, 0], sizes = [1, 1280, 1], strides = [1, 1, 1]} : vector<2x1280x16xf32> to vector<1x1280x1xf32>
    %squeeze3A = vector.shape_cast %slice3A : vector<1x1280x1xf32> to vector<1280x1xf32>
    %slice3A_3 = vector.extract_strided_slice %get3A_2 {offsets = [1, 0, 0], sizes = [1, 1280, 1], strides = [1, 1, 1]} : vector<2x1280x16xf32> to vector<1x1280x1xf32>
    %squeeze3A_4 = vector.shape_cast %slice3A_3 : vector<1x1280x1xf32> to vector<1280x1xf32>
    %add3A = arith.addf %squeeze3A, %squeeze3A_4 : vector<1280x1xf32>
    %sub3A = arith.constant 1.000000e+00 : f32
    %sub3A_5 = vector.broadcast %sub3A : f32 to vector<1280x1xf32>
    %sub3A_6 = arith.subf %add3A, %sub3A_5 : vector<1280x1xf32>
    %rsqrt3A = math.rsqrt %sub3A_6 : vector<1280x1xf32>
    %get3A_7 = arith.constant 0 : index
    %get3A_8 = arith.constant 0 : index
    %get3A_9 = arith.constant 0 : index
    %get3A_10 = vector.load %arg2[%get3A_7, %get3A_8, %get3A_9] : memref<2x1280x128xf32, #tpu.memory_space<vmem>>, vector<2x1280x128xf32>
    %slice3A_11 = vector.extract_strided_slice %get3A_10 {offsets = [0, 0, 0], sizes = [1, 1280, 128], strides = [1, 1, 1]} : vector<2x1280x128xf32> to vector<1x1280x128xf32>
    %squeeze3A_12 = vector.shape_cast %slice3A_11 : vector<1x1280x128xf32> to vector<1280x128xf32>
    %slice3A_13 = vector.extract_strided_slice %get3A_10 {offsets = [1, 0, 0], sizes = [1, 1280, 128], strides = [1, 1, 1]} : vector<2x1280x128xf32> to vector<1x1280x128xf32>
    %squeeze3A_14 = vector.shape_cast %slice3A_13 : vector<1x1280x128xf32> to vector<1280x128xf32>
    %add3A_15 = arith.addf %squeeze3A_12, %squeeze3A_14 : vector<1280x128xf32>
    %get3A_16 = arith.constant 0 : index
    %get3A_17 = arith.constant 0 : index
    %get3A_18 = vector.load %arg1[%get3A_16, %get3A_17] : memref<1280x128xf32, #tpu.memory_space<vmem>>, vector<1280x128xf32>
    %sub3A_19 = arith.subf %add3A_15, %get3A_18 : vector<1280x128xf32>
    %mul3A = vector.broadcast %rsqrt3A : vector<1280x1xf32> to vector<1280x128xf32>
    %mul3A_20 = arith.mulf %mul3A, %sub3A_19 : vector<1280x128xf32>
    %get3A_21 = arith.constant 0 : index
    %get3A_22 = arith.constant 0 : index
    %get3A_23 = vector.load %arg4[%get3A_21, %get3A_22] : memref<1x128xf32, #tpu.memory_space<vmem>>, vector<1x128xf32>
    %add3A_24 = vector.broadcast %get3A_23 : vector<1x128xf32> to vector<1280x128xf32>
    %add3A_25 = arith.addf %mul3A_20, %add3A_24 : vector<1280x128xf32>
    %swap3A = arith.constant 0 : index
    %swap3A_26 = arith.constant 0 : index
    %swap3A_27 = vector.load %arg5[%swap3A, %swap3A_26] : memref<1280x128xf32, #tpu.memory_space<vmem>>, vector<1280x128xf32>
    tpu.vector_store %arg5[%swap3A, %swap3A_26], %add3A_25 {strides = array<i32>} : memref<1280x128xf32, #tpu.memory_space<vmem>>, vector<1280x128xf32>,
    return
  }
  func.func @transform_0(%arg0: i32) -> (i32, i32) {
    %c0_i32 = arith.constant 0 : i32
    %c0_i32_0 = arith.constant 0 : i32
    return %arg0, %c0_i32 : i32, i32
  }
  func.func @transform_1(%arg0: i32) -> (i32, i32, i32) {
    %c0_i32 = arith.constant 0 : i32
    %c0_i32_0 = arith.constant 0 : i32
    %c0_i32_1 = arith.constant 0 : i32
    return %c0_i32, %arg0, %c0_i32_0 : i32, i32, i32
  }
  func.func @transform_2(%arg0: i32) -> (i32, i32, i32) {
    %c0_i32 = arith.constant 0 : i32
    %c0_i32_0 = arith.constant 0 : i32
    %c0_i32_1 = arith.constant 0 : i32
    return %c0_i32, %arg0, %c0_i32_0 : i32, i32, i32
  }
  func.func @transform_3(%arg0: i32) -> (i32, i32) {
    %c0_i32 = arith.constant 0 : i32
    %c0_i32_0 = arith.constant 0 : i32
    %c0_i32_1 = arith.constant 0 : i32
    return %c0_i32, %c0_i32_0 : i32, i32
  }
  func.func @transform_4(%arg0: i32) -> (i32, i32) {
    %c0_i32 = arith.constant 0 : i32
    %c0_i32_0 = arith.constant 0 : i32
    return %arg0, %c0_i32 : i32, i32
  }
}

</mosaic_0001>

<sc_bundles>
// kernel: kernel.11.cloned.1.call-start
scs
__scs_entry_jumppad:
0x0: {  	(pc) =	sbr.rel $0x88, $3  }
0x1: {  	(tag) =	ssettag $0x0;
	lr =	simm.s32 $0x1  }
0x2: {  	[smem:$0x3F9B] =	sst lr;
	_ =	strace $0xD0000000  }
0x3: {  	_ = 	snop  }
0x4: {  	_ = 	snop  }
0x5: {  	_ = 	snop  }
0x6: {  	_ = 	snop  }
0x7: {  	_ = 	snop  }
__scs_overlays_trampoline_lowered:
0x8: {  	[smem:$0x3FAA] =	sst s0  }
0x9: {  	[smem:$0x3FAB] =	sst s1  }
0xa: {  	[smem:$0x3FAC] =	sst s2  }
0xb: {  	[smem:$0x3FAD] =	sst s3  }
0xc: {  	[smem:$0x3FAE] =	sst s4  }
0xd: {  	[smem:$0x3FAF] =	sst s5  }
0xe: {  	[smem:$0x3FB0] =	sst s6  }
0xf: {  	[smem:$0x3FB1] =	sst s7  }
0x10: {  	[smem:$0x3FB2] =	sst s8  }
0x11: {  	[smem:$0x3FB3] =	sst s9;
	s0 =	simm.s32 @!p0 $0x0  }
0x12: {  	s1 =	sld [smem:$0x3F99];
	s0 =	simm.s32 @p0 $0x1  }
0x13: {  	[smem:$0x3FB4] =	sst s0;
	s0 =	simm.s32 @!p1 $0x0  }
0x14: {  	s2 =	sld [smem:$0x3F98];
	s0 =	simm.s32 @p1 $0x1  }
0x15: {  	[smem:$0x3FB5] =	sst s0;
	s0 =	simm.s32 @!p2 $0x0  }
0x16: {  	s3 =	sld [smem:$0x3FDB];
	s0 =	simm.s32 @p2 $0x1  }
0x17: {  	s4 =	simm.s32 $0x1BF5;
	[smem:$0x3FB7] =	sst s0  }
0x18: {  	s0 =	sld [smem:$0x3F9A];
	_ =	swait.ge [sflag:s4], $0x0  }
0x19: {  	s7 =	sld [smem:$0x3F9B]  }
0x1a: {  	s8 =	sadd.s32 $0xFFFFE003, lr  }
0x1b: {  	s9 =	sadd.s32 $0xFFFFFEF7, lr;
	s5 =	simm.s32 $0xFFFFFFFF;
	p2 =	slt.u32 s8, $0xFFFFF086  }
0x1c: {  	p1 =	slt.u32 s9, $0xF7A;
	s5 =	simm.s32 @!p2 $0x0  }
0x1d: {  	s5 =	simm.s32 @p1 $0x1;
	p0 =	seq.s32 s7, s2  }
0x1e: {  	s7 =	smul.u32 @!p0 $0xF7A, s2;
	p2 =	seq.s32 @!p0 s5, $0x0  }
0x1f: {  	s9 =	smul.u32 $0xF7A, s1;
	s8 =	simm.s32 @!p0 $0x1BF5;
	p2 =	por !p2, p0  }
0x20: {  	[sflag:s8] =	ssyncset.s32 @!p0 $0xFFFFF086;
	s6 =	sadd.s32 @!p0 s3, s7;
	s7 =	simm.s32 @!p0 $0x108  }
0x21: {  	s3 =	sadd.s32 s3, s9;
	s6 =	sadd.s32 @!p0 $0x88, s6;
	s7 =	simm.s32 @p2 $0x1082  }
0x22: {  	[simem:s7], [sflag:s8] =	dma.local @!p0 [hbm:s6], $0xF7A  }
0x23: {  	s9 =	sor.u32 $0xD0000000, s2;
	s6 =	simm.s32 $0x108;
	_ =	swait.ge @!p0 [sflag:s8], $0x0  }
0x24: {  	s3 =	sadd.s32 $0x88, s3;
	s6 =	simm.s32 @!p1 $0x1082;
	[sflag:s4] =	ssyncset.s32 $0xFFFFF086  }
0x25: {  	[simem:s6], [sflag:s4] =	dma.local [hbm:s3], $0xF7A  }
0x26: {  	[smem:$0x3F9B] =	sst s1;
	(tag) =	ssettag s2;
	_ =	strace s9  }
0x27: {  	s1 =	sld [smem:$0x3FAB]  }
0x28: {  	s2 =	sld [smem:$0x3FAC]  }
0x29: {  	s4 =	sld [smem:$0x3FAE]  }
0x2a: {  	p0 =	seq.s32 s5, $0x0;
	s5 =	sld [smem:$0x3FAF]  }
0x2b: {  	s6 =	sld [smem:$0x3FB0]  }
0x2c: {  	s7 =	sld [smem:$0x3FB1]  }
0x2d: {  	s3 =	simm.s32 $0x108;
	s8 =	sld [smem:$0x3FB2]  }
0x2e: {  	s3 =	simm.s32 @!p0 $0x1082;
	s9 =	sld [smem:$0x3FB3]  }
0x2f: {  	lr =	sadd.s32 s0, s3;
	s0 =	sld [smem:$0x3FAA]  }
0x30: {  	s3 =	sld [smem:$0x3FAD]  }
0x31: {  	[smem:$0x3FB6] =	sst s10  }
0x32: {  	s10 =	sld [smem:$0x3FB4];
	_ =	sdelay $0x3  }
0x33: {  	p0 =	seq.s32 s10, $0x1;
	s10 =	sld [smem:$0x3FB6];
	_ =	sdelay $0x3  }
0x34: {  	[smem:$0x3FB6] =	sst s10  }
0x35: {  	s10 =	sld [smem:$0x3FB5];
	_ =	sdelay $0x3  }
0x36: {  	p1 =	seq.s32 s10, $0x1;
	s10 =	sld [smem:$0x3FB6];
	_ =	sdelay $0x3  }
0x37: {  	[smem:$0x3FB6] =	sst s10  }
0x38: {  	s10 =	sld [smem:$0x3FB7]  }
0x39: {  	_ = 	snop;
	(pc) =	sbr.ind lr, $3  }
0x3a: {  	_ = 	snop  }
0x3b: {  	_ = 	snop  }
0x3c: {  	p2 =	seq.s32 s10, $0x1;
	s10 =	sld [smem:$0x3FB6]  }
0x3d: {  	_ =	shalt  }
0x3e: {  	_ =	shalt  }
0x3f: {  	_ =	shalt  }
0x40: {  	_ =	shalt  }
0x41: {  	_ =	shalt  }
0x42: {  	_ =	shalt  }
0x43: {  	_ =	shalt  }
0x44: {  	_ =	shalt  }
0x45: {  	_ =	shalt  }
0x46: {  	_ =	shalt  }
0x47: {  	_ =	shalt  }
0x48: {  	_ =	shalt  }
0x49: {  	_ =	shalt  }
0x4a: {  	_ =	shalt  }
0x4b: {  	_ =	shalt  }
0x4c: {  	_ =	shalt  }
0x4d: {  	_ =	shalt  }
0x4e: {  	_ =	shalt  }
0x4f: {  	_ =	shalt  }
0x50: {  	_ =	shalt  }
0x51: {  	_ =	shalt  }
0x52: {  	_ =	shalt  }
0x53: {  	_ =	shalt  }
0x54: {  	_ =	shalt  }
0x55: {  	_ =	shalt  }
0x56: {  	_ =	shalt  }
0x57: {  	_ =	shalt  }
0x58: {  	_ =	shalt  }
0x59: {  	_ =	shalt  }
0x5a: {  	_ =	shalt  }
0x5b: {  	_ =	shalt  }
0x5c: {  	_ =	shalt  }
0x5d: {  	_ =	shalt  }
0x5e: {  	_ =	shalt  }
0x5f: {  	_ =	shalt  }
0x60: {  	_ =	shalt  }
0x61: {  	_ =	shalt  }
0x62: {  	_ =	shalt  }
0x63: {  	_ =	shalt  }
0x64: {  	_ =	shalt  }
0x65: {  	_ =	shalt  }
0x66: {  	_ =	shalt  }
0x67: {  	_ =	shalt  }
0x68: {  	_ =	shalt  }
0x69: {  	_ =	shalt  }
0x6a: {  	_ =	shalt  }
0x6b: {  	_ =	shalt  }
0x6c: {  	_ =	shalt  }
0x6d: {  	_ =	shalt  }
0x6e: {  	_ =	shalt  }
0x6f: {  	_ =	shalt  }
0x70: {  	_ =	shalt  }
0x71: {  	_ =	shalt  }
0x72: {  	_ =	shalt  }
0x73: {  	_ =	shalt  }
0x74: {  	_ =	shalt  }
0x75: {  	_ =	shalt  }
0x76: {  	_ =	shalt  }
0x77: {  	_ =	shalt  }
0x78: {  	_ =	shalt  }
0x79: {  	_ =	shalt  }
0x7a: {  	_ =	shalt  }
0x7b: {  	_ =	shalt  }
0x7c: {  	_ =	shalt  }
0x7d: {  	_ =	shalt  }
0x7e: {  	_ =	shalt  }
0x7f: {  	_ =	shalt  }
0x80: {  	_ =	shalt  }
0x81: {  	_ =	shalt  }
0x82: {  	_ =	shalt  }
0x83: {  	_ =	shalt  }
0x84: {  	_ =	shalt  }
0x85: {  	_ =	shalt  }
0x86: {  	_ =	shalt  }
0x87: {  	_ =	shalt  }
.Lfunc_end0:
.L_simem_size_0:
called_computation.1_lowered:
.L_overlay_start_0:
0x88: {  	s2 =	sld [smem:$0x3FD9]  }
0x89: {  	s3 =	sld [smem:$0x3FFE];
	_ =	sdelay $0x1  }
0x8a: {  	s1 =	srdreg.scid  }
0x8b: {  	s0 =	sand.u32 $0x1, s1  }
0x8c: {  	s17 =	sshll.u32 s0, $0xA;
	s2 =	sadd.s32 s3, s2  }
0x8d: {  	s2 =	sadd.s32 s2, s17  }
0x8e: {  	[smem:$0x3FC2] =	sst s2  }
0x8f: {  	_ = 	snop  }
0x90: {  	s2 =	sld [smem:$0x3FD0];
	(tm) =	ssettm $0x1  }
0x91: {  	s18 =	sld [smem:$0x3FFB];
	_ =	sdelay $0x3  }
0x92: {  	_ =	strace s18  }
0x93: {  	s3 =	sld [smem:$0x3FFC];
	_ =	sdelay $0x3  }
0x94: {  	_ =	strace s3  }
0x95: {  	s3 =	sld [smem:$0x3FFD];
	_ =	sdelay $0x3  }
0x96: {  	_ =	strace s3  }
0x97: {  	_ =	strace $0x8FFFFFFF  }
0x98: {  	s19 =	sld [smem:$0x3FDB];
	_ =	sdelay $0x1  }
0x99: {  	s4 =	simm.s32 $_scs_section_size  }
0x9a: {  	s5 =	simm.s32 $_size__tile_overlayer_lowered;
	s6 =	simm.s32 $_tile_overlayer_lowered  }
0x9b: {  	s22 =	simm.s32 $0x1BFF;
	s21 =	sshll.u32 s6, $0x1;
	s3 =	sadd.s32 s4, s19  }
0x9c: {  	s7 =	simm.s32 $0x0;
	s20 =	sshll.u32 s5, $0x1;
	s5 =	sadd.s32 s21, s3  }
0x9d: {  	[timem:s7], [sflag:s22] =	dma.local [hbm:s5], s20  }
0x9e: {  	_ =	swait.ge [sflag:s22], s20  }
0x9f: {  	s4 =	ssub.s32 $0x0, s20;
	[sflag:s22] =	ssyncset.done $0x0  }
0xa0: {  	[sflag:s22] =	ssyncadd.s32 s4;
	_ =	sdelay $0x1  }
0xa1: {  	s23 =	simm.s32 $0x1B8B  }
0xa2: {  	_ =	swait.ge [sflag:s23], $0x1  }
0xa3: {  	[sflag:s23] =	ssyncset.done $0x0  }
0xa4: {  	s25 =	simm.s32 $0x1B8E;
	s24 =	sld [smem:$0x3FFE];
	[sflag:s23] =	ssyncadd.s32 $0xFFFFFFFF  }
0xa5: {  	s26 =	simm.s32 $execute0_lowered;
	[smem:$0x3FD2] =	sst s25  }
0xa6: {  	s5 =	sshll.u32 s26, $0x1;
	_ =	strace $0x80000049;
	[dreg:$0x1] =	wrdreg $0xFFFFFFFF  }
0xa7: {  	s28 =	simm.s32 $_size_execute0_lowered;
	s3 =	sadd.s32 s3, s5;
	[dreg:$0x0] =	wrdreg $0x0  }
0xa8: {  	s5 =	sshll.u32 s28, $0x1;
	[dreg:$0x2] =	wrdreg s3  }
0xa9: {  	[dreg:$0x3] =	wrdreg s5  }
0xaa: {  	[dreg:$0x4] =	wrdreg $0xC0  }
0xab: {  	_ =	task [dreg:s7], $0x5FFFF  }
0xac: {  	[dreg:$0x1] =	wrdreg $0xFFFFFFFF  }
0xad: {  	[dreg:$0x0] =	wrdreg $0x60  }
0xae: {  	[dreg:$0x2] =	wrdreg s24  }
0xaf: {  	[dreg:$0x3] =	wrdreg s2  }
0xb0: {  	[dreg:$0x4] =	wrdreg $0xA8000  }
0xb1: {  	[dreg:$0x5] =	wrdreg $0x9  }
0xb2: {  	_ =	task.clear_ibuf [dreg:s7], $0x6FFFF;
	_ =	strace $0x90000049  }
0xb3: {  	s29 =	simm.s32 $0x9;
	_ =	strace $0x8000004B  }
0xb4: {  	_ =	swait.ge [sflag:s29], $0x1  }
0xb5: {  	[sflag:s29] =	ssyncadd.s32 $0xFFFFFFFF  }
0xb6: {  	_ =	strace $0x9000004B  }
0xb7: {  	_ =	sfence  }
0xb8: {  	s30 =	sld [smem:$0x0];
	_ =	sdelay $0x2  }
0xb9: {  	s31 =	sshll.u32 s1, $0xD;
	s1 =	sshrl.u32 s1, $0x2  }
0xba: {  	s3 =	sand.u32 $0x4000, s31;
	s1 =	sadd.s32 s1, s30  }
0xbb: {  	s0 =	sor.u32 s3, s0;
	s1 =	sshll.u32 s1, $0x11  }
0xbc: {  	s0 =	sor.u32 s1, s0  }
0xbd: {  	s0 =	sadd.s32 $0x8F2B, s0  }
0xbe: {  	[sflag:s0] =	ssyncadd.remote.s32 $0x1  }
0xbf: {  	_ =	sfence.sel $0xFFFF  }
0xc0: {  	[dreg:$0x0] =	wrdreg $0xFFFFFFFF;
	(pc) =	sbr.abs _section_cstart, $3  }
0xc1: {  	[dreg:$0x1] =	wrdreg $0xFFFFFFFF  }
0xc2: {  	_ =	task.clear_ibuf [dreg:s7], $0x2FFFF;
	_ =	strace $0x9FFFFFFF  }
0xc3: {  	(tm) =	ssettm $0x7FFFFFFF  }
tec
execute0_lowered:
.L_overlay_start_1:
0x0: {  	(tag) =	ssettag $0x1  }
0x1: {  	s0 =	rddreg [dreg:$0x0]  }
0x2: {  	s1 =	rddreg [dreg:$0x1];
	s3 =	srdreg.scid  }
0x3: {  	s10 =	stileid.u32;
	s2 =	rddreg [dreg:$0x2]  }
0x4: {  	s6 =	simm.s32 $0x0;
	s29 =	simm.s32 $0x8800;
	s30 =	simm.s32 $0x2  }
0x5: {  	s11 =	simm.s32 $0x1580;
	s12 =	simm.s32 $0x7;
	s13 =	simm.s32 $0x300  }
0x6: {  	s14 =	simm.s32 $0x8;
	s15 =	simm.s32 $0x0;
	s5 =	smul.u32 $0x14000, s10  }
0x7: {  	s3 =	sand.u32 $0x1, s3;
	[smem:$0x7FF] =	sst s6;
	s9 =	smul.u32 $0x50000, s10  }
0x8: {  	s7 =	sadd.s32 $0x52200, s0;
	s20 =	sshll.u32 s10, $0x6;
	s4 =	smul.u32 $0x140000, s3  }
0x9: {  	_ =	strace $0x8000004A;
	s8 =	ssub.s32 $0x2, s3;
	s3 =	sshll.u32 s3, $0x4  }
0xa: {  	s18 =	sshrl.u32 s8, $0x1;
	s3 =	sor.u32 s10, s3;
	s19 =	sshrl.u32 s9, $0x2  }
0xb: {  	s10 =	simm.s32 $0x4;
	s17 =	sadd.s32 s5, s4;
	s4 =	sadd.s32 $0x66200, s0  }
0xc: {  	s8 =	ssub.s32 s8, s18;
	s3 =	smul.u32 $0x5000, s3;
	s9 =	sadd.s32 s19, s2  }
0xd: {  	s5 =	sshrl.u32 s5, $0x3;
	s18 =	simm.s32 $0x9;
	s19 =	simm.s32 $0x1400  }
0xe: {  	s6 =	sshrl.u32 s17, $0x3;
	s5 =	sadd.s32 s4, s5;
	s31 =	smax.u32 s8, $0x1  }
0xf: {  	s16 =	sshrl.u32 s9, $0x3;
	s8 =	simm.s32 $0x6;
	s9 =	simm.s32 $0x280  }
0x10: {  	s0 =	sadd.s32 s6, s0;
	[dreg:$0x4] =	wrdreg s5;
	s6 =	sor.u32 $0x1C09, s20  }
0x11: {  	s3 =	sshrl.u32 s3, $0x3;
	[dreg:$0xe] =	wrdreg s31;
	s20 =	simm.s32 $0x40  }
0x12: {  	s21 =	sadd.s32 s7, s3;
	s22 =	sadd.s32 s1, s3;
	s23 =	sadd.s32 $0x280, s3  }
0x13: {  	s25 =	sadd.s32 $0x500, s3;
	s3 =	sadd.s32 $0x780, s3;
	[dreg:$0x5] =	wrdreg s21  }
0x14: {  	s0 =	sadd.s32 $0x8E200, s0;
	[dreg:$0x6] =	wrdreg s22;
	s24 =	sadd.s32 s7, s23  }
0x15: {  	s5 =	sadd.s32 s1, s23;
	s26 =	sadd.s32 s7, s25;
	[dreg:$0xd] =	wrdreg s0  }
0x16: {  	s28 =	sadd.s32 s7, s3;
	s21 =	simm.s32 $0x2800;
	[dreg:$0x7] =	wrdreg s24  }
.Ltmp0:
0x17: {  	s23 =	simm.s32 $0x4800;
	[dreg:$0x8] =	wrdreg s5;
	(pc) =	sbr.rel .LBB2_1-.Ltmp0, $4  }
0x18: {  	s0 =	simm.s32 $0x200;
	s7 =	simm.s32 $0x1500;
	[dreg:$0x9] =	wrdreg s26  }
0x19: {  	s5 =	sadd.s32 s1, s25;
	[dreg:$0xb] =	wrdreg s28;
	s1 =	sadd.s32 s1, s3  }
0x1a: {  	s25 =	simm.s32 $0x6800;
	s26 =	simm.s32 $0x1;
	[dreg:$0xa] =	wrdreg s5  }
0x1b: {  	[dreg:$0xc] =	wrdreg s1;
	s1 =	simm.s32 $0x5;
	s5 =	simm.s32 $0x3  }
.LBB2_13:
0x1c: {  	_ =	swait.ge [sflag:s14], $0x2000  }
0x1d: {  	[sflag:s14] =	ssyncset.done $0x0  }
0x1e: {  	[sflag:s14] =	ssyncadd.s32 $0xFFFFE000  }
0x1f: {  	[bflag:$0x0] =	sbarrier.arrive $0xFFFF  }
0x20: {  	s3 =	rddreg [dreg:$0xd]  }
0x21: {  	[hbm:s3], [sflag:s28] =	dma.local [spmem:s31], $0x2800  }
0x22: {  	_ =	swait.ge [sflag:s18], $0x2800  }
0x23: {  	s16 =	smov.u32 s31;
	s15 =	sadd.s32 $0x1, s15;
	s31 =	rddreg [dreg:$0xe]  }
0x24: {  	p0 =	sne.s32 s15, s31  }
.Ltmp1:
0x25: {  	_ = 	snop;
	(pc) =	sbr.rel @!p0 .LBB2_14-.Ltmp1, $3  }
0x26: {  	_ =	sdelay $0x1  }
0x27: {  	[sflag:s18] =	ssyncset.done $0x0  }
0x28: {  	s6 =	smov.u32 s28;
	[sflag:s18] =	ssyncadd.s32 $0xFFFFD800  }
.LBB2_1:
0x29: {  	s3 =	rddreg [dreg:$0x4]  }
0x2a: {  	[spmem:s16], [sflag:s6] =	dma.local [hbm:s3], $0x2800  }
0x2b: {  	_ =	swait.ge [sflag:s18], $0x2800  }
0x2c: {  	[sflag:s18] =	ssyncset.done $0x0  }
0x2d: {  	[sflag:s18] =	ssyncadd.s32 $0xFFFFD800  }
0x2e: {  	[bflag:$0x0] =	sbarrier.arrive $0xFFFF  }
0x2f: {  	s17 =	simm.s32 $0x0;
	s22 =	rddreg [dreg:$0x5]  }
0x30: {  	[tilespmem:s17], [sflag:$0x9] =	stream.linear.gather [hbm4b:s22+s17], $0x1400, $0x38;
	[tilespmem:$0x1E800] =	vst v63  }
0x31: {  	_ =	swait.ge [sflag:s18], $0x1400  }
0x32: {  	[sflag:s18] =	ssyncset.done $0x0  }
0x33: {  	s24 =	rddreg [dreg:$0x6];
	[sflag:s18] =	ssyncadd.s32 $0xFFFFEC00  }
0x34: {  	[tilespmem:s19], [sflag:$0x9] =	stream.linear.gather [hbm4b:s24+s17], $0x1400, $0x38;
	[tilespmem:$0x1E800] =	vst v63  }
0x35: {  	_ =	swait.ge [sflag:s18], $0x1400  }
0x36: {  	[sflag:s18] =	ssyncset.done $0x0  }
0x37: {  	[sflag:s18] =	ssyncadd.s32 $0xFFFFEC00  }
0x38: {  	[tilespmem:s21], [sflag:$0x1] =	stream.indirect.gather [hbm4b:s4+s20], $0x80, s17, s20, $0xb8;
	[tilespmem:$0x1E800] =	vst v63  }
0x39: {  	s31 =	smov.u32 s16;
	s16 =	simm.s32 $0x80  }
0x3a: {  	[tilespmem:s23], [sflag:$0x2] =	stream.indirect.gather [hbm4b:s4+s20], $0x80, s16, s20, $0xb8;
	[tilespmem:$0x1E800] =	vst v63  }
0x3b: {  	s17 =	simm.s32 $0x100  }
0x3c: {  	[tilespmem:s25], [sflag:$0x3] =	stream.indirect.gather [hbm4b:s4+s20], $0x80, s17, s20, $0xb8;
	[tilespmem:$0x1E800] =	vst v63  }
0x3d: {  	_ =	swait.ge [sflag:s26], $0x2000  }
0x3e: {  	[sflag:s26] =	ssyncset.done $0x0  }
0x3f: {  	[sflag:s26] =	ssyncadd.s32 $0xFFFFE000  }
0x40: {  	[spmem:s2] =	stream.indirect.scatter.add.f32 [tilespmem:s21], [sflag:$0x5], $0x80, s19, s20, $0xb8;
	[tilespmem:$0x1E800] =	vst v63  }
0x41: {  	s22 =	simm.s32 $0x180  }
0x42: {  	[tilespmem:s29], [sflag:$0x4] =	stream.indirect.gather [hbm4b:s4+s20], $0x80, s22, s20, $0xb8;
	[tilespmem:$0x1E800] =	vst v63  }
0x43: {  	_ =	swait.ge [sflag:s30], $0x2000  }
0x44: {  	[sflag:s30] =	ssyncset.done $0x0  }
0x45: {  	s24 =	simm.s32 $0x1480;
	[sflag:s30] =	ssyncadd.s32 $0xFFFFE000  }
0x46: {  	[spmem:s2] =	stream.indirect.scatter.add.f32 [tilespmem:s23], [sflag:$0x6], $0x80, s24, s20, $0xb8;
	[tilespmem:$0x1E800] =	vst v63  }
0x47: {  	_ =	swait.ge [sflag:s1], $0x2000  }
0x48: {  	[sflag:s1] =	ssyncset.done $0x0  }
0x49: {  	[sflag:s1] =	ssyncadd.s32 $0xFFFFE000  }
0x4a: {  	[tilespmem:s21], [sflag:$0x1] =	stream.indirect.gather [hbm4b:s4+s20], $0x80, s0, s20, $0xb8;
	[tilespmem:$0x1E800] =	vst v63  }
0x4b: {  	_ =	swait.ge [sflag:s5], $0x2000  }
0x4c: {  	[sflag:s5] =	ssyncset.done $0x0  }
0x4d: {  	[sflag:s5] =	ssyncadd.s32 $0xFFFFE000  }
0x4e: {  	[spmem:s2] =	stream.indirect.scatter.add.f32 [tilespmem:s25], [sflag:$0x7], $0x80, s7, s20, $0xb8;
	[tilespmem:$0x1E800] =	vst v63  }
0x4f: {  	_ =	swait.ge [sflag:s8], $0x2000  }
0x50: {  	[sflag:s8] =	ssyncset.done $0x0  }
0x51: {  	[sflag:s8] =	ssyncadd.s32 $0xFFFFE000  }
0x52: {  	[tilespmem:s23], [sflag:$0x2] =	stream.indirect.gather [hbm4b:s4+s20], $0x80, s9, s20, $0xb8;
	[tilespmem:$0x1E800] =	vst v63  }
0x53: {  	_ =	swait.ge [sflag:s10], $0x2000  }
0x54: {  	[sflag:s10] =	ssyncset.done $0x0  }
0x55: {  	[sflag:s10] =	ssyncadd.s32 $0xFFFFE000  }
0x56: {  	[spmem:s2] =	stream.indirect.scatter.add.f32 [tilespmem:s29], [sflag:$0x8], $0x80, s11, s20, $0xb8;
	[tilespmem:$0x1E800] =	vst v63  }
0x57: {  	_ =	swait.ge [sflag:s12], $0x2000  }
0x58: {  	[sflag:s12] =	ssyncset.done $0x0  }
0x59: {  	s28 =	smov.u32 s6;
	s16 =	simm.s32 $0x0;
	[sflag:s12] =	ssyncadd.s32 $0xFFFFE000  }
0x5a: {  	[tilespmem:s25], [sflag:$0x3] =	stream.indirect.gather [hbm4b:s4+s20], $0x80, s13, s20, $0xb8;
	[tilespmem:$0x1E800] =	vst v63  }
.LBB2_2:
0x5b: {  	_ =	swait.ge [sflag:s26], $0x2000  }
0x5c: {  	s3 =	sshra.s32 s16, $0x2;
	[sflag:s26] =	ssyncset.done $0x0  }
0x5d: {  	s6 =	sadd.s32 $0x1600, s3;
	[sflag:s26] =	ssyncadd.s32 $0xFFFFE000  }
0x5e: {  	[spmem:s2] =	stream.indirect.scatter.add.f32 [tilespmem:s21], [sflag:$0x5], $0x80, s6, s20, $0xb8;
	[tilespmem:$0x1E800] =	vst v63  }
0x5f: {  	_ =	swait.ge [sflag:s14], $0x2000  }
0x60: {  	[sflag:s14] =	ssyncset.done $0x0  }
0x61: {  	s17 =	sadd.s32 $0x380, s3;
	[sflag:s14] =	ssyncadd.s32 $0xFFFFE000  }
0x62: {  	[tilespmem:s29], [sflag:$0x4] =	stream.indirect.gather [hbm4b:s4+s20], $0x80, s17, s20, $0xb8;
	[tilespmem:$0x1E800] =	vst v63  }
0x63: {  	_ =	swait.ge [sflag:s30], $0x2000  }
0x64: {  	[sflag:s30] =	ssyncset.done $0x0  }
0x65: {  	s22 =	sadd.s32 $0x1680, s3;
	[sflag:s30] =	ssyncadd.s32 $0xFFFFE000  }
0x66: {  	[spmem:s2] =	stream.indirect.scatter.add.f32 [tilespmem:s23], [sflag:$0x6], $0x80, s22, s20, $0xb8;
	[tilespmem:$0x1E800] =	vst v63  }
0x67: {  	_ =	swait.ge [sflag:s1], $0x2000  }
0x68: {  	p0 =	seq.s32 s16, $0x4000;
	[sflag:s1] =	ssyncset.done $0x0  }
0x69: {  	s6 =	simm.s32 @p0 $0x3;
	[sflag:s1] =	ssyncadd.s32 $0xFFFFE000  }
0x6a: {  	_ =	swait.ge @p0 [sflag:s6], $0x2000  }
0x6b: {  	[sflag:s6] =	ssyncset.done @p0 $0x0  }
0x6c: {  	[sflag:s6] =	ssyncadd.s32 @p0 $0xFFFFE000;
	s6 =	sshra.s32 @p0 s16, $0x2  }
0x6d: {  	s17 =	simm.s32 @p0 $0x40;
	s22 =	simm.s32 @p0 $0x6800;
	s6 =	sadd.s32 @p0 $0x1700, s6  }
0x6e: {  	[spmem:s2] =	stream.indirect.scatter.add.f32 @p0 [tilespmem:s22], [sflag:$0x7], $0x80, s6, s17, $0xb8;
	[tilespmem:$0x1E800] =	vst v63  }
0x6f: {  	s6 =	simm.s32 @p0 $0x6  }
0x70: {  	_ =	swait.ge @p0 [sflag:s6], $0x2000  }
0x71: {  	[sflag:s6] =	ssyncset.done @p0 $0x0  }
0x72: {  	[sflag:s6] =	ssyncadd.s32 @p0 $0xFFFFE000;
	s6 =	sshra.s32 @!p0 s16, $0x2  }
0x73: {  	s24 =	simm.s32 @!p0 $0x2800;
	s22 =	simm.s32 @!p0 $0x40;
	s17 =	sadd.s32 @!p0 $0x400, s6  }
0x74: {  	[tilespmem:s24], [sflag:$0x1] =	stream.indirect.gather @!p0 [hbm4b:s4+s22], $0x80, s17, s22, $0xb8;
	[tilespmem:$0x1E800] =	vst v63  }
0x75: {  	s17 =	simm.s32 @!p0 $0x3  }
0x76: {  	_ =	swait.ge @!p0 [sflag:s17], $0x2000  }
0x77: {  	[sflag:s17] =	ssyncset.done @!p0 $0x0  }
0x78: {  	s24 =	simm.s32 @!p0 $0x6800;
	[sflag:s17] =	ssyncadd.s32 @!p0 $0xFFFFE000;
	s17 =	sadd.s32 @!p0 $0x1700, s6  }
0x79: {  	[spmem:s2] =	stream.indirect.scatter.add.f32 @!p0 [tilespmem:s24], [sflag:$0x7], $0x80, s17, s22, $0xb8;
	[tilespmem:$0x1E800] =	vst v63  }
0x7a: {  	s17 =	simm.s32 @!p0 $0x6  }
0x7b: {  	_ =	swait.ge @!p0 [sflag:s17], $0x2000  }
0x7c: {  	[sflag:s17] =	ssyncset.done @!p0 $0x0  }
0x7d: {  	s6 =	sadd.s32 @!p0 $0x480, s6;
	[sflag:s17] =	ssyncadd.s32 @!p0 $0xFFFFE000;
	s17 =	simm.s32 @!p0 $0x4800  }
0x7e: {  	[tilespmem:s17], [sflag:$0x2] =	stream.indirect.gather @!p0 [hbm4b:s4+s22], $0x80, s6, s22, $0xb8;
	[tilespmem:$0x1E800] =	vst v63  }
0x7f: {  	_ =	swait.ge [sflag:s10], $0x2000  }
0x80: {  	[sflag:s10] =	ssyncset.done $0x0  }
.Ltmp2:
0x81: {  	s24 =	sadd.s32 $0x1780, s3;
	[sflag:s10] =	ssyncadd.s32 $0xFFFFE000;
	(pc) =	sbr.rel @p0 .LBB2_4-.Ltmp2, $4  }
0x82: {  	[spmem:s2] =	stream.indirect.scatter.add.f32 [tilespmem:s29], [sflag:$0x8], $0x80, s24, s20, $0xb8;
	[tilespmem:$0x1E800] =	vst v63  }
0x83: {  	_ =	swait.ge [sflag:s12], $0x2000  }
0x84: {  	[sflag:s12] =	ssyncset.done $0x0  }
0x85: {  	[sflag:s12] =	ssyncadd.s32 $0xFFFFE000  }
.Ltmp3:
0x86: {  	(pc) =	sbr.rel .LBB2_2-.Ltmp3, $3  }
0x87: {  	_ =	sdelay $0x1  }
0x88: {  	s3 =	sadd.s32 $0x500, s3;
	s16 =	sadd.s32 $0x800, s16  }
0x89: {  	[tilespmem:s25], [sflag:$0x3] =	stream.indirect.gather [hbm4b:s4+s20], $0x80, s3, s20, $0xb8;
	[tilespmem:$0x1E800] =	vst v63  }
.LBB2_4:
0x8a: {  	_ =	swait.ge [sflag:s14], $0x2000  }
0x8b: {  	[sflag:s14] =	ssyncset.done $0x0  }
0x8c: {  	s16 =	simm.s32 $0x0;
	s3 =	rddreg [dreg:$0x7];
	[sflag:s14] =	ssyncadd.s32 $0xFFFFE000  }
0x8d: {  	[tilespmem:s16], [sflag:$0x9] =	stream.linear.gather [hbm4b:s3+s16], $0x1400, $0x38;
	[tilespmem:$0x1E800] =	vst v63  }
0x8e: {  	_ =	swait.ge [sflag:s18], $0x1400  }
0x8f: {  	[sflag:s18] =	ssyncset.done $0x0  }
0x90: {  	s24 =	rddreg [dreg:$0x8];
	[sflag:s18] =	ssyncadd.s32 $0xFFFFEC00  }
0x91: {  	[tilespmem:s19], [sflag:$0x9] =	stream.linear.gather [hbm4b:s24+s16], $0x1400, $0x38;
	[tilespmem:$0x1E800] =	vst v63  }
0x92: {  	_ =	swait.ge [sflag:s18], $0x1400  }
0x93: {  	[sflag:s18] =	ssyncset.done $0x0  }
0x94: {  	[sflag:s18] =	ssyncadd.s32 $0xFFFFEC00  }
0x95: {  	[tilespmem:s21], [sflag:$0x1] =	stream.indirect.gather [hbm4b:s4+s20], $0x80, s16, s20, $0xb8;
	[tilespmem:$0x1E800] =	vst v63  }
0x96: {  	s6 =	simm.s32 $0x80  }
0x97: {  	[tilespmem:s23], [sflag:$0x2] =	stream.indirect.gather [hbm4b:s4+s20], $0x80, s6, s20, $0xb8;
	[tilespmem:$0x1E800] =	vst v63  }
0x98: {  	s17 =	simm.s32 $0x100  }
0x99: {  	[tilespmem:s25], [sflag:$0x3] =	stream.indirect.gather [hbm4b:s4+s20], $0x80, s17, s20, $0xb8;
	[tilespmem:$0x1E800] =	vst v63  }
0x9a: {  	_ =	swait.ge [sflag:s26], $0x2000  }
0x9b: {  	[sflag:s26] =	ssyncset.done $0x0  }
0x9c: {  	[sflag:s26] =	ssyncadd.s32 $0xFFFFE000  }
0x9d: {  	[spmem:s2] =	stream.indirect.scatter.add.f32 [tilespmem:s21], [sflag:$0x5], $0x80, s19, s20, $0xb8;
	[tilespmem:$0x1E800] =	vst v63  }
0x9e: {  	s22 =	simm.s32 $0x180  }
0x9f: {  	[tilespmem:s29], [sflag:$0x4] =	stream.indirect.gather [hbm4b:s4+s20], $0x80, s22, s20, $0xb8;
	[tilespmem:$0x1E800] =	vst v63  }
0xa0: {  	_ =	swait.ge [sflag:s30], $0x2000  }
0xa1: {  	[sflag:s30] =	ssyncset.done $0x0  }
0xa2: {  	s24 =	simm.s32 $0x1480;
	[sflag:s30] =	ssyncadd.s32 $0xFFFFE000  }
0xa3: {  	[spmem:s2] =	stream.indirect.scatter.add.f32 [tilespmem:s23], [sflag:$0x6], $0x80, s24, s20, $0xb8;
	[tilespmem:$0x1E800] =	vst v63  }
0xa4: {  	_ =	swait.ge [sflag:s1], $0x2000  }
0xa5: {  	[sflag:s1] =	ssyncset.done $0x0  }
0xa6: {  	[sflag:s1] =	ssyncadd.s32 $0xFFFFE000  }
0xa7: {  	[tilespmem:s21], [sflag:$0x1] =	stream.indirect.gather [hbm4b:s4+s20], $0x80, s0, s20, $0xb8;
	[tilespmem:$0x1E800] =	vst v63  }
0xa8: {  	_ =	swait.ge [sflag:s5], $0x2000  }
0xa9: {  	[sflag:s5] =	ssyncset.done $0x0  }
0xaa: {  	[sflag:s5] =	ssyncadd.s32 $0xFFFFE000  }
0xab: {  	[spmem:s2] =	stream.indirect.scatter.add.f32 [tilespmem:s25], [sflag:$0x7], $0x80, s7, s20, $0xb8;
	[tilespmem:$0x1E800] =	vst v63  }
0xac: {  	_ =	swait.ge [sflag:s8], $0x2000  }
0xad: {  	[sflag:s8] =	ssyncset.done $0x0  }
0xae: {  	[sflag:s8] =	ssyncadd.s32 $0xFFFFE000  }
0xaf: {  	[tilespmem:s23], [sflag:$0x2] =	stream.indirect.gather [hbm4b:s4+s20], $0x80, s9, s20, $0xb8;
	[tilespmem:$0x1E800] =	vst v63  }
0xb0: {  	_ =	swait.ge [sflag:s10], $0x2000  }
0xb1: {  	[sflag:s10] =	ssyncset.done $0x0  }
0xb2: {  	[sflag:s10] =	ssyncadd.s32 $0xFFFFE000  }
0xb3: {  	[spmem:s2] =	stream.indirect.scatter.add.f32 [tilespmem:s29], [sflag:$0x8], $0x80, s11, s20, $0xb8;
	[tilespmem:$0x1E800] =	vst v63  }
0xb4: {  	_ =	swait.ge [sflag:s12], $0x2000  }
0xb5: {  	[sflag:s12] =	ssyncset.done $0x0  }
0xb6: {  	[sflag:s12] =	ssyncadd.s32 $0xFFFFE000  }
0xb7: {  	[tilespmem:s25], [sflag:$0x3] =	stream.indirect.gather [hbm4b:s4+s20], $0x80, s13, s20, $0xb8;
	[tilespmem:$0x1E800] =	vst v63  }
.LBB2_5:
0xb8: {  	_ =	swait.ge [sflag:s26], $0x2000  }
0xb9: {  	s3 =	sshra.s32 s16, $0x2;
	[sflag:s26] =	ssyncset.done $0x0  }
0xba: {  	s6 =	sadd.s32 $0x1600, s3;
	[sflag:s26] =	ssyncadd.s32 $0xFFFFE000  }
0xbb: {  	[spmem:s2] =	stream.indirect.scatter.add.f32 [tilespmem:s21], [sflag:$0x5], $0x80, s6, s20, $0xb8;
	[tilespmem:$0x1E800] =	vst v63  }
0xbc: {  	_ =	swait.ge [sflag:s14], $0x2000  }
0xbd: {  	[sflag:s14] =	ssyncset.done $0x0  }
0xbe: {  	s17 =	sadd.s32 $0x380, s3;
	[sflag:s14] =	ssyncadd.s32 $0xFFFFE000  }
0xbf: {  	[tilespmem:s29], [sflag:$0x4] =	stream.indirect.gather [hbm4b:s4+s20], $0x80, s17, s20, $0xb8;
	[tilespmem:$0x1E800] =	vst v63  }
0xc0: {  	_ =	swait.ge [sflag:s30], $0x2000  }
0xc1: {  	[sflag:s30] =	ssyncset.done $0x0  }
0xc2: {  	s22 =	sadd.s32 $0x1680, s3;
	[sflag:s30] =	ssyncadd.s32 $0xFFFFE000  }
0xc3: {  	[spmem:s2] =	stream.indirect.scatter.add.f32 [tilespmem:s23], [sflag:$0x6], $0x80, s22, s20, $0xb8;
	[tilespmem:$0x1E800] =	vst v63  }
0xc4: {  	_ =	swait.ge [sflag:s1], $0x2000  }
0xc5: {  	p0 =	seq.s32 s16, $0x4000;
	[sflag:s1] =	ssyncset.done $0x0  }
0xc6: {  	s6 =	simm.s32 @p0 $0x3;
	[sflag:s1] =	ssyncadd.s32 $0xFFFFE000  }
0xc7: {  	_ =	swait.ge @p0 [sflag:s6], $0x2000  }
0xc8: {  	[sflag:s6] =	ssyncset.done @p0 $0x0  }
0xc9: {  	[sflag:s6] =	ssyncadd.s32 @p0 $0xFFFFE000;
	s6 =	sshra.s32 @p0 s16, $0x2  }
0xca: {  	s17 =	simm.s32 @p0 $0x40;
	s22 =	simm.s32 @p0 $0x6800;
	s6 =	sadd.s32 @p0 $0x1700, s6  }
0xcb: {  	[spmem:s2] =	stream.indirect.scatter.add.f32 @p0 [tilespmem:s22], [sflag:$0x7], $0x80, s6, s17, $0xb8;
	[tilespmem:$0x1E800] =	vst v63  }
0xcc: {  	s6 =	simm.s32 @p0 $0x6  }
0xcd: {  	_ =	swait.ge @p0 [sflag:s6], $0x2000  }
0xce: {  	[sflag:s6] =	ssyncset.done @p0 $0x0  }
0xcf: {  	[sflag:s6] =	ssyncadd.s32 @p0 $0xFFFFE000;
	s6 =	sshra.s32 @!p0 s16, $0x2  }
0xd0: {  	s24 =	simm.s32 @!p0 $0x2800;
	s22 =	simm.s32 @!p0 $0x40;
	s17 =	sadd.s32 @!p0 $0x400, s6  }
0xd1: {  	[tilespmem:s24], [sflag:$0x1] =	stream.indirect.gather @!p0 [hbm4b:s4+s22], $0x80, s17, s22, $0xb8;
	[tilespmem:$0x1E800] =	vst v63  }
0xd2: {  	s17 =	simm.s32 @!p0 $0x3  }
0xd3: {  	_ =	swait.ge @!p0 [sflag:s17], $0x2000  }
0xd4: {  	[sflag:s17] =	ssyncset.done @!p0 $0x0  }
0xd5: {  	s24 =	simm.s32 @!p0 $0x6800;
	[sflag:s17] =	ssyncadd.s32 @!p0 $0xFFFFE000;
	s17 =	sadd.s32 @!p0 $0x1700, s6  }
0xd6: {  	[spmem:s2] =	stream.indirect.scatter.add.f32 @!p0 [tilespmem:s24], [sflag:$0x7], $0x80, s17, s22, $0xb8;
	[tilespmem:$0x1E800] =	vst v63  }
0xd7: {  	s17 =	simm.s32 @!p0 $0x6  }
0xd8: {  	_ =	swait.ge @!p0 [sflag:s17], $0x2000  }
0xd9: {  	[sflag:s17] =	ssyncset.done @!p0 $0x0  }
0xda: {  	s6 =	sadd.s32 @!p0 $0x480, s6;
	[sflag:s17] =	ssyncadd.s32 @!p0 $0xFFFFE000;
	s17 =	simm.s32 @!p0 $0x4800  }
0xdb: {  	[tilespmem:s17], [sflag:$0x2] =	stream.indirect.gather @!p0 [hbm4b:s4+s22], $0x80, s6, s22, $0xb8;
	[tilespmem:$0x1E800] =	vst v63  }
0xdc: {  	_ =	swait.ge [sflag:s10], $0x2000  }
0xdd: {  	[sflag:s10] =	ssyncset.done $0x0  }
.Ltmp4:
0xde: {  	s24 =	sadd.s32 $0x1780, s3;
	[sflag:s10] =	ssyncadd.s32 $0xFFFFE000;
	(pc) =	sbr.rel @p0 .LBB2_7-.Ltmp4, $4  }
0xdf: {  	[spmem:s2] =	stream.indirect.scatter.add.f32 [tilespmem:s29], [sflag:$0x8], $0x80, s24, s20, $0xb8;
	[tilespmem:$0x1E800] =	vst v63  }
0xe0: {  	_ =	swait.ge [sflag:s12], $0x2000  }
0xe1: {  	[sflag:s12] =	ssyncset.done $0x0  }
0xe2: {  	[sflag:s12] =	ssyncadd.s32 $0xFFFFE000  }
.Ltmp5:
0xe3: {  	(pc) =	sbr.rel .LBB2_5-.Ltmp5, $3  }
0xe4: {  	_ =	sdelay $0x1  }
0xe5: {  	s3 =	sadd.s32 $0x500, s3;
	s16 =	sadd.s32 $0x800, s16  }
0xe6: {  	[tilespmem:s25], [sflag:$0x3] =	stream.indirect.gather [hbm4b:s4+s20], $0x80, s3, s20, $0xb8;
	[tilespmem:$0x1E800] =	vst v63  }
.LBB2_7:
0xe7: {  	_ =	swait.ge [sflag:s14], $0x2000  }
0xe8: {  	[sflag:s14] =	ssyncset.done $0x0  }
0xe9: {  	s16 =	simm.s32 $0x0;
	s3 =	rddreg [dreg:$0x9];
	[sflag:s14] =	ssyncadd.s32 $0xFFFFE000  }
0xea: {  	[tilespmem:s16], [sflag:$0x9] =	stream.linear.gather [hbm4b:s3+s16], $0x1400, $0x38;
	[tilespmem:$0x1E800] =	vst v63  }
0xeb: {  	_ =	swait.ge [sflag:s18], $0x1400  }
0xec: {  	[sflag:s18] =	ssyncset.done $0x0  }
0xed: {  	s24 =	rddreg [dreg:$0xa];
	[sflag:s18] =	ssyncadd.s32 $0xFFFFEC00  }
0xee: {  	[tilespmem:s19], [sflag:$0x9] =	stream.linear.gather [hbm4b:s24+s16], $0x1400, $0x38;
	[tilespmem:$0x1E800] =	vst v63  }
0xef: {  	_ =	swait.ge [sflag:s18], $0x1400  }
0xf0: {  	[sflag:s18] =	ssyncset.done $0x0  }
0xf1: {  	[sflag:s18] =	ssyncadd.s32 $0xFFFFEC00  }
0xf2: {  	[tilespmem:s21], [sflag:$0x1] =	stream.indirect.gather [hbm4b:s4+s20], $0x80, s16, s20, $0xb8;
	[tilespmem:$0x1E800] =	vst v63  }
0xf3: {  	s6 =	simm.s32 $0x80  }
0xf4: {  	[tilespmem:s23], [sflag:$0x2] =	stream.indirect.gather [hbm4b:s4+s20], $0x80, s6, s20, $0xb8;
	[tilespmem:$0x1E800] =	vst v63  }
0xf5: {  	s17 =	simm.s32 $0x100  }
0xf6: {  	[tilespmem:s25], [sflag:$0x3] =	stream.indirect.gather [hbm4b:s4+s20], $0x80, s17, s20, $0xb8;
	[tilespmem:$0x1E800] =	vst v63  }
0xf7: {  	_ =	swait.ge [sflag:s26], $0x2000  }
0xf8: {  	[sflag:s26] =	ssyncset.done $0x0  }
0xf9: {  	[sflag:s26] =	ssyncadd.s32 $0xFFFFE000  }
0xfa: {  	[spmem:s2] =	stream.indirect.scatter.add.f32 [tilespmem:s21], [sflag:$0x5], $0x80, s19, s20, $0xb8;
	[tilespmem:$0x1E800] =	vst v63  }
0xfb: {  	s22 =	simm.s32 $0x180  }
0xfc: {  	[tilespmem:s29], [sflag:$0x4] =	stream.indirect.gather [hbm4b:s4+s20], $0x80, s22, s20, $0xb8;
	[tilespmem:$0x1E800] =	vst v63  }
0xfd: {  	_ =	swait.ge [sflag:s30], $0x2000  }
0xfe: {  	[sflag:s30] =	ssyncset.done $0x0  }
0xff: {  	s24 =	simm.s32 $0x1480;
	[sflag:s30] =	ssyncadd.s32 $0xFFFFE000  }
0x100: {  	[spmem:s2] =	stream.indirect.scatter.add.f32 [tilespmem:s23], [sflag:$0x6], $0x80, s24, s20, $0xb8;
	[tilespmem:$0x1E800] =	vst v63  }
0x101: {  	_ =	swait.ge [sflag:s1], $0x2000  }
0x102: {  	[sflag:s1] =	ssyncset.done $0x0  }
0x103: {  	[sflag:s1] =	ssyncadd.s32 $0xFFFFE000  }
0x104: {  	[tilespmem:s21], [sflag:$0x1] =	stream.indirect.gather [hbm4b:s4+s20], $0x80, s0, s20, $0xb8;
	[tilespmem:$0x1E800] =	vst v63  }
0x105: {  	_ =	swait.ge [sflag:s5], $0x2000  }
0x106: {  	[sflag:s5] =	ssyncset.done $0x0  }
0x107: {  	[sflag:s5] =	ssyncadd.s32 $0xFFFFE000  }
0x108: {  	[spmem:s2] =	stream.indirect.scatter.add.f32 [tilespmem:s25], [sflag:$0x7], $0x80, s7, s20, $0xb8;
	[tilespmem:$0x1E800] =	vst v63  }
0x109: {  	_ =	swait.ge [sflag:s8], $0x2000  }
0x10a: {  	[sflag:s8] =	ssyncset.done $0x0  }
0x10b: {  	[sflag:s8] =	ssyncadd.s32 $0xFFFFE000  }
0x10c: {  	[tilespmem:s23], [sflag:$0x2] =	stream.indirect.gather [hbm4b:s4+s20], $0x80, s9, s20, $0xb8;
	[tilespmem:$0x1E800] =	vst v63  }
0x10d: {  	_ =	swait.ge [sflag:s10], $0x2000  }
0x10e: {  	[sflag:s10] =	ssyncset.done $0x0  }
0x10f: {  	[sflag:s10] =	ssyncadd.s32 $0xFFFFE000  }
0x110: {  	[spmem:s2] =	stream.indirect.scatter.add.f32 [tilespmem:s29], [sflag:$0x8], $0x80, s11, s20, $0xb8;
	[tilespmem:$0x1E800] =	vst v63  }
0x111: {  	_ =	swait.ge [sflag:s12], $0x2000  }
0x112: {  	[sflag:s12] =	ssyncset.done $0x0  }
0x113: {  	[sflag:s12] =	ssyncadd.s32 $0xFFFFE000  }
0x114: {  	[tilespmem:s25], [sflag:$0x3] =	stream.indirect.gather [hbm4b:s4+s20], $0x80, s13, s20, $0xb8;
	[tilespmem:$0x1E800] =	vst v63  }
.LBB2_8:
0x115: {  	_ =	swait.ge [sflag:s26], $0x2000  }
0x116: {  	s3 =	sshra.s32 s16, $0x2;
	[sflag:s26] =	ssyncset.done $0x0  }
0x117: {  	s6 =	sadd.s32 $0x1600, s3;
	[sflag:s26] =	ssyncadd.s32 $0xFFFFE000  }
0x118: {  	[spmem:s2] =	stream.indirect.scatter.add.f32 [tilespmem:s21], [sflag:$0x5], $0x80, s6, s20, $0xb8;
	[tilespmem:$0x1E800] =	vst v63  }
0x119: {  	_ =	swait.ge [sflag:s14], $0x2000  }
0x11a: {  	[sflag:s14] =	ssyncset.done $0x0  }
0x11b: {  	s17 =	sadd.s32 $0x380, s3;
	[sflag:s14] =	ssyncadd.s32 $0xFFFFE000  }
0x11c: {  	[tilespmem:s29], [sflag:$0x4] =	stream.indirect.gather [hbm4b:s4+s20], $0x80, s17, s20, $0xb8;
	[tilespmem:$0x1E800] =	vst v63  }
0x11d: {  	_ =	swait.ge [sflag:s30], $0x2000  }
0x11e: {  	[sflag:s30] =	ssyncset.done $0x0  }
0x11f: {  	s22 =	sadd.s32 $0x1680, s3;
	[sflag:s30] =	ssyncadd.s32 $0xFFFFE000  }
0x120: {  	[spmem:s2] =	stream.indirect.scatter.add.f32 [tilespmem:s23], [sflag:$0x6], $0x80, s22, s20, $0xb8;
	[tilespmem:$0x1E800] =	vst v63  }
0x121: {  	_ =	swait.ge [sflag:s1], $0x2000  }
0x122: {  	p0 =	seq.s32 s16, $0x4000;
	[sflag:s1] =	ssyncset.done $0x0  }
0x123: {  	s6 =	simm.s32 @p0 $0x3;
	[sflag:s1] =	ssyncadd.s32 $0xFFFFE000  }
0x124: {  	_ =	swait.ge @p0 [sflag:s6], $0x2000  }
0x125: {  	[sflag:s6] =	ssyncset.done @p0 $0x0  }
0x126: {  	[sflag:s6] =	ssyncadd.s32 @p0 $0xFFFFE000;
	s6 =	sshra.s32 @p0 s16, $0x2  }
0x127: {  	s17 =	simm.s32 @p0 $0x40;
	s22 =	simm.s32 @p0 $0x6800;
	s6 =	sadd.s32 @p0 $0x1700, s6  }
0x128: {  	[spmem:s2] =	stream.indirect.scatter.add.f32 @p0 [tilespmem:s22], [sflag:$0x7], $0x80, s6, s17, $0xb8;
	[tilespmem:$0x1E800] =	vst v63  }
0x129: {  	s6 =	simm.s32 @p0 $0x6  }
0x12a: {  	_ =	swait.ge @p0 [sflag:s6], $0x2000  }
0x12b: {  	[sflag:s6] =	ssyncset.done @p0 $0x0  }
0x12c: {  	[sflag:s6] =	ssyncadd.s32 @p0 $0xFFFFE000;
	s6 =	sshra.s32 @!p0 s16, $0x2  }
0x12d: {  	s24 =	simm.s32 @!p0 $0x2800;
	s22 =	simm.s32 @!p0 $0x40;
	s17 =	sadd.s32 @!p0 $0x400, s6  }
0x12e: {  	[tilespmem:s24], [sflag:$0x1] =	stream.indirect.gather @!p0 [hbm4b:s4+s22], $0x80, s17, s22, $0xb8;
	[tilespmem:$0x1E800] =	vst v63  }
0x12f: {  	s17 =	simm.s32 @!p0 $0x3  }
0x130: {  	_ =	swait.ge @!p0 [sflag:s17], $0x2000  }
0x131: {  	[sflag:s17] =	ssyncset.done @!p0 $0x0  }
0x132: {  	s24 =	simm.s32 @!p0 $0x6800;
	[sflag:s17] =	ssyncadd.s32 @!p0 $0xFFFFE000;
	s17 =	sadd.s32 @!p0 $0x1700, s6  }
0x133: {  	[spmem:s2] =	stream.indirect.scatter.add.f32 @!p0 [tilespmem:s24], [sflag:$0x7], $0x80, s17, s22, $0xb8;
	[tilespmem:$0x1E800] =	vst v63  }
0x134: {  	s17 =	simm.s32 @!p0 $0x6  }
0x135: {  	_ =	swait.ge @!p0 [sflag:s17], $0x2000  }
0x136: {  	[sflag:s17] =	ssyncset.done @!p0 $0x0  }
0x137: {  	s6 =	sadd.s32 @!p0 $0x480, s6;
	[sflag:s17] =	ssyncadd.s32 @!p0 $0xFFFFE000;
	s17 =	simm.s32 @!p0 $0x4800  }
0x138: {  	[tilespmem:s17], [sflag:$0x2] =	stream.indirect.gather @!p0 [hbm4b:s4+s22], $0x80, s6, s22, $0xb8;
	[tilespmem:$0x1E800] =	vst v63  }
0x139: {  	_ =	swait.ge [sflag:s10], $0x2000  }
0x13a: {  	[sflag:s10] =	ssyncset.done $0x0  }
.Ltmp6:
0x13b: {  	s24 =	sadd.s32 $0x1780, s3;
	[sflag:s10] =	ssyncadd.s32 $0xFFFFE000;
	(pc) =	sbr.rel @p0 .LBB2_10-.Ltmp6, $4  }
0x13c: {  	[spmem:s2] =	stream.indirect.scatter.add.f32 [tilespmem:s29], [sflag:$0x8], $0x80, s24, s20, $0xb8;
	[tilespmem:$0x1E800] =	vst v63  }
0x13d: {  	_ =	swait.ge [sflag:s12], $0x2000  }
0x13e: {  	[sflag:s12] =	ssyncset.done $0x0  }
0x13f: {  	[sflag:s12] =	ssyncadd.s32 $0xFFFFE000  }
.Ltmp7:
0x140: {  	(pc) =	sbr.rel .LBB2_8-.Ltmp7, $3  }
0x141: {  	_ =	sdelay $0x1  }
0x142: {  	s3 =	sadd.s32 $0x500, s3;
	s16 =	sadd.s32 $0x800, s16  }
0x143: {  	[tilespmem:s25], [sflag:$0x3] =	stream.indirect.gather [hbm4b:s4+s20], $0x80, s3, s20, $0xb8;
	[tilespmem:$0x1E800] =	vst v63  }
.LBB2_10:
0x144: {  	_ =	swait.ge [sflag:s14], $0x2000  }
0x145: {  	[sflag:s14] =	ssyncset.done $0x0  }
0x146: {  	s16 =	simm.s32 $0x0;
	s3 =	rddreg [dreg:$0xb];
	[sflag:s14] =	ssyncadd.s32 $0xFFFFE000  }
0x147: {  	[tilespmem:s16], [sflag:$0x9] =	stream.linear.gather [hbm4b:s3+s16], $0x1400, $0x38;
	[tilespmem:$0x1E800] =	vst v63  }
0x148: {  	_ =	swait.ge [sflag:s18], $0x1400  }
0x149: {  	[sflag:s18] =	ssyncset.done $0x0  }
0x14a: {  	s24 =	rddreg [dreg:$0xc];
	[sflag:s18] =	ssyncadd.s32 $0xFFFFEC00  }
0x14b: {  	[tilespmem:s19], [sflag:$0x9] =	stream.linear.gather [hbm4b:s24+s16], $0x1400, $0x38;
	[tilespmem:$0x1E800] =	vst v63  }
0x14c: {  	_ =	swait.ge [sflag:s18], $0x1400  }
0x14d: {  	[sflag:s18] =	ssyncset.done $0x0  }
0x14e: {  	[sflag:s18] =	ssyncadd.s32 $0xFFFFEC00  }
0x14f: {  	[tilespmem:s21], [sflag:$0x1] =	stream.indirect.gather [hbm4b:s4+s20], $0x80, s16, s20, $0xb8;
	[tilespmem:$0x1E800] =	vst v63  }
0x150: {  	s6 =	simm.s32 $0x80  }
0x151: {  	[tilespmem:s23], [sflag:$0x2] =	stream.indirect.gather [hbm4b:s4+s20], $0x80, s6, s20, $0xb8;
	[tilespmem:$0x1E800] =	vst v63  }
0x152: {  	s17 =	simm.s32 $0x100  }
0x153: {  	[tilespmem:s25], [sflag:$0x3] =	stream.indirect.gather [hbm4b:s4+s20], $0x80, s17, s20, $0xb8;
	[tilespmem:$0x1E800] =	vst v63  }
0x154: {  	_ =	swait.ge [sflag:s26], $0x2000  }
0x155: {  	[sflag:s26] =	ssyncset.done $0x0  }
0x156: {  	[sflag:s26] =	ssyncadd.s32 $0xFFFFE000  }
0x157: {  	[spmem:s2] =	stream.indirect.scatter.add.f32 [tilespmem:s21], [sflag:$0x5], $0x80, s19, s20, $0xb8;
	[tilespmem:$0x1E800] =	vst v63  }
0x158: {  	s22 =	simm.s32 $0x180  }
0x159: {  	[tilespmem:s29], [sflag:$0x4] =	stream.indirect.gather [hbm4b:s4+s20], $0x80, s22, s20, $0xb8;
	[tilespmem:$0x1E800] =	vst v63  }
0x15a: {  	_ =	swait.ge [sflag:s30], $0x2000  }
0x15b: {  	[sflag:s30] =	ssyncset.done $0x0  }
0x15c: {  	s24 =	simm.s32 $0x1480;
	[sflag:s30] =	ssyncadd.s32 $0xFFFFE000  }
0x15d: {  	[spmem:s2] =	stream.indirect.scatter.add.f32 [tilespmem:s23], [sflag:$0x6], $0x80, s24, s20, $0xb8;
	[tilespmem:$0x1E800] =	vst v63  }
0x15e: {  	_ =	swait.ge [sflag:s1], $0x2000  }
0x15f: {  	[sflag:s1] =	ssyncset.done $0x0  }
0x160: {  	[sflag:s1] =	ssyncadd.s32 $0xFFFFE000  }
0x161: {  	[tilespmem:s21], [sflag:$0x1] =	stream.indirect.gather [hbm4b:s4+s20], $0x80, s0, s20, $0xb8;
	[tilespmem:$0x1E800] =	vst v63  }
0x162: {  	_ =	swait.ge [sflag:s5], $0x2000  }
0x163: {  	[sflag:s5] =	ssyncset.done $0x0  }
0x164: {  	[sflag:s5] =	ssyncadd.s32 $0xFFFFE000  }
0x165: {  	[spmem:s2] =	stream.indirect.scatter.add.f32 [tilespmem:s25], [sflag:$0x7], $0x80, s7, s20, $0xb8;
	[tilespmem:$0x1E800] =	vst v63  }
0x166: {  	_ =	swait.ge [sflag:s8], $0x2000  }
0x167: {  	[sflag:s8] =	ssyncset.done $0x0  }
0x168: {  	[sflag:s8] =	ssyncadd.s32 $0xFFFFE000  }
0x169: {  	[tilespmem:s23], [sflag:$0x2] =	stream.indirect.gather [hbm4b:s4+s20], $0x80, s9, s20, $0xb8;
	[tilespmem:$0x1E800] =	vst v63  }
0x16a: {  	_ =	swait.ge [sflag:s10], $0x2000  }
0x16b: {  	[sflag:s10] =	ssyncset.done $0x0  }
0x16c: {  	[sflag:s10] =	ssyncadd.s32 $0xFFFFE000  }
0x16d: {  	[spmem:s2] =	stream.indirect.scatter.add.f32 [tilespmem:s29], [sflag:$0x8], $0x80, s11, s20, $0xb8;
	[tilespmem:$0x1E800] =	vst v63  }
0x16e: {  	_ =	swait.ge [sflag:s12], $0x2000  }
0x16f: {  	[sflag:s12] =	ssyncset.done $0x0  }
0x170: {  	[sflag:s12] =	ssyncadd.s32 $0xFFFFE000  }
0x171: {  	[tilespmem:s25], [sflag:$0x3] =	stream.indirect.gather [hbm4b:s4+s20], $0x80, s13, s20, $0xb8;
	[tilespmem:$0x1E800] =	vst v63  }
.LBB2_11:
0x172: {  	_ =	swait.ge [sflag:s26], $0x2000  }
0x173: {  	s3 =	sshra.s32 s16, $0x2;
	[sflag:s26] =	ssyncset.done $0x0  }
0x174: {  	s6 =	sadd.s32 $0x1600, s3;
	[sflag:s26] =	ssyncadd.s32 $0xFFFFE000  }
0x175: {  	[spmem:s2] =	stream.indirect.scatter.add.f32 [tilespmem:s21], [sflag:$0x5], $0x80, s6, s20, $0xb8;
	[tilespmem:$0x1E800] =	vst v63  }
0x176: {  	_ =	swait.ge [sflag:s14], $0x2000  }
0x177: {  	[sflag:s14] =	ssyncset.done $0x0  }
0x178: {  	s17 =	sadd.s32 $0x380, s3;
	[sflag:s14] =	ssyncadd.s32 $0xFFFFE000  }
0x179: {  	[tilespmem:s29], [sflag:$0x4] =	stream.indirect.gather [hbm4b:s4+s20], $0x80, s17, s20, $0xb8;
	[tilespmem:$0x1E800] =	vst v63  }
0x17a: {  	_ =	swait.ge [sflag:s30], $0x2000  }
0x17b: {  	[sflag:s30] =	ssyncset.done $0x0  }
0x17c: {  	s22 =	sadd.s32 $0x1680, s3;
	[sflag:s30] =	ssyncadd.s32 $0xFFFFE000  }
0x17d: {  	[spmem:s2] =	stream.indirect.scatter.add.f32 [tilespmem:s23], [sflag:$0x6], $0x80, s22, s20, $0xb8;
	[tilespmem:$0x1E800] =	vst v63  }
0x17e: {  	_ =	swait.ge [sflag:s1], $0x2000  }
0x17f: {  	p0 =	seq.s32 s16, $0x4000;
	[sflag:s1] =	ssyncset.done $0x0  }
0x180: {  	s6 =	simm.s32 @p0 $0x3;
	[sflag:s1] =	ssyncadd.s32 $0xFFFFE000  }
0x181: {  	_ =	swait.ge @p0 [sflag:s6], $0x2000  }
0x182: {  	[sflag:s6] =	ssyncset.done @p0 $0x0  }
0x183: {  	[sflag:s6] =	ssyncadd.s32 @p0 $0xFFFFE000;
	s6 =	sshra.s32 @p0 s16, $0x2  }
0x184: {  	s17 =	simm.s32 @p0 $0x40;
	s22 =	simm.s32 @p0 $0x6800;
	s6 =	sadd.s32 @p0 $0x1700, s6  }
0x185: {  	[spmem:s2] =	stream.indirect.scatter.add.f32 @p0 [tilespmem:s22], [sflag:$0x7], $0x80, s6, s17, $0xb8;
	[tilespmem:$0x1E800] =	vst v63  }
0x186: {  	s6 =	simm.s32 @p0 $0x6  }
0x187: {  	_ =	swait.ge @p0 [sflag:s6], $0x2000  }
0x188: {  	[sflag:s6] =	ssyncset.done @p0 $0x0  }
0x189: {  	[sflag:s6] =	ssyncadd.s32 @p0 $0xFFFFE000;
	s6 =	sshra.s32 @!p0 s16, $0x2  }
0x18a: {  	s24 =	simm.s32 @!p0 $0x2800;
	s22 =	simm.s32 @!p0 $0x40;
	s17 =	sadd.s32 @!p0 $0x400, s6  }
0x18b: {  	[tilespmem:s24], [sflag:$0x1] =	stream.indirect.gather @!p0 [hbm4b:s4+s22], $0x80, s17, s22, $0xb8;
	[tilespmem:$0x1E800] =	vst v63  }
0x18c: {  	s17 =	simm.s32 @!p0 $0x3  }
0x18d: {  	_ =	swait.ge @!p0 [sflag:s17], $0x2000  }
0x18e: {  	[sflag:s17] =	ssyncset.done @!p0 $0x0  }
0x18f: {  	s24 =	simm.s32 @!p0 $0x6800;
	[sflag:s17] =	ssyncadd.s32 @!p0 $0xFFFFE000;
	s17 =	sadd.s32 @!p0 $0x1700, s6  }
0x190: {  	[spmem:s2] =	stream.indirect.scatter.add.f32 @!p0 [tilespmem:s24], [sflag:$0x7], $0x80, s17, s22, $0xb8;
	[tilespmem:$0x1E800] =	vst v63  }
0x191: {  	s17 =	simm.s32 @!p0 $0x6  }
0x192: {  	_ =	swait.ge @!p0 [sflag:s17], $0x2000  }
0x193: {  	[sflag:s17] =	ssyncset.done @!p0 $0x0  }
0x194: {  	s6 =	sadd.s32 @!p0 $0x480, s6;
	[sflag:s17] =	ssyncadd.s32 @!p0 $0xFFFFE000;
	s17 =	simm.s32 @!p0 $0x4800  }
0x195: {  	[tilespmem:s17], [sflag:$0x2] =	stream.indirect.gather @!p0 [hbm4b:s4+s22], $0x80, s6, s22, $0xb8;
	[tilespmem:$0x1E800] =	vst v63  }
0x196: {  	_ =	swait.ge [sflag:s10], $0x2000  }
0x197: {  	[sflag:s10] =	ssyncset.done $0x0  }
.Ltmp8:
0x198: {  	s24 =	sadd.s32 $0x1780, s3;
	[sflag:s10] =	ssyncadd.s32 $0xFFFFE000;
	(pc) =	sbr.rel @p0 .LBB2_13-.Ltmp8, $4  }
0x199: {  	[spmem:s2] =	stream.indirect.scatter.add.f32 [tilespmem:s29], [sflag:$0x8], $0x80, s24, s20, $0xb8;
	[tilespmem:$0x1E800] =	vst v63  }
0x19a: {  	_ =	swait.ge [sflag:s12], $0x2000  }
0x19b: {  	[sflag:s12] =	ssyncset.done $0x0  }
0x19c: {  	[sflag:s12] =	ssyncadd.s32 $0xFFFFE000  }
.Ltmp9:
0x19d: {  	(pc) =	sbr.rel .LBB2_11-.Ltmp9, $3  }
0x19e: {  	_ =	sdelay $0x1  }
0x19f: {  	s3 =	sadd.s32 $0x500, s3;
	s16 =	sadd.s32 $0x800, s16  }
0x1a0: {  	[tilespmem:s25], [sflag:$0x3] =	stream.indirect.gather [hbm4b:s4+s20], $0x80, s3, s20, $0xb8;
	[tilespmem:$0x1E800] =	vst v63  }
.LBB2_14:
0x1a1: {  	_ =	sfence.sel $0x180000  }
0x1a2: {  	[bflag:$0x0] =	sbarrier.arrive $0xFFFF  }
0x1a3: {  	_ =	strace $0x9000004A  }
0x1a4: {  	s0 =	stileid.u32;
	[bflag:$0x2] =	sbarrier.arrive $0xFFFF  }
0x1a5: {  	p0 =	sne.s32 s0, $0x0;
	s0 =	rddreg [dreg:$0x3]  }
0x1a6: {  	s0 =	sadd.s32 @!p0 $0x100000, s0  }
0x1a7: {  	[sflag:s0] =	ssyncadd.tile.s32 @!p0 $0x1;
	_ =	shalt  }
.Lfunc_end2:
_tile_overlayer_lowered:
.L_overlay_start_2:
0x1a8: {  	(tag) =	ssettag $0x2  }
0x1a9: {  	s0 =	rddreg [dreg:$0x0];
	s2 =	stileid.u32  }
0x1aa: {  	s1 =	rddreg [dreg:$0x1];
	p0 =	sne.s32 s2, $0x0  }
0x1ab: {  	s3 =	rddreg [dreg:$0x2];
	[bflag:$0x3] =	sbarrier.arrive $0xFFFF;
	s2 =	simm.s32 @!p0 $0x1C09  }
0x1ac: {  	[timem:s3], [sflag:s2] =	dma.local @!p0 [hbm:s0], s1  }
0x1ad: {  	s0 =	simm.s32 @!p0 $0x9  }
0x1ae: {  	_ =	swait.ge @!p0 [sflag:s0], s1  }
0x1af: {  	s1 =	ssub.s32 @!p0 $0x0, s1;
	[sflag:s0] =	ssyncset.done @!p0 $0x0  }
0x1b0: {  	[sflag:s0] =	ssyncadd.s32 @!p0 s1  }
0x1b1: {  	[bflag:$0x3] =	sbarrier.arrive $0xFFFF  }
0x1b2: {  	_ =	shalt  }

// kernel: kernel.14.cloned.1.call-start
scs
__scs_entry_jumppad:
0x0: {  	(pc) =	sbr.rel $0x88, $3  }
0x1: {  	(tag) =	ssettag $0x0;
	lr =	simm.s32 $0x1  }
0x2: {  	[smem:$0x3F9B] =	sst lr;
	_ =	strace $0xD0000000  }
0x3: {  	_ = 	snop  }
0x4: {  	_ = 	snop  }
0x5: {  	_ = 	snop  }
0x6: {  	_ = 	snop  }
0x7: {  	_ = 	snop  }
__scs_overlays_trampoline_lowered:
0x8: {  	[smem:$0x3FAA] =	sst s0  }
0x9: {  	[smem:$0x3FAB] =	sst s1  }
0xa: {  	[smem:$0x3FAC] =	sst s2  }
0xb: {  	[smem:$0x3FAD] =	sst s3  }
0xc: {  	[smem:$0x3FAE] =	sst s4  }
0xd: {  	[smem:$0x3FAF] =	sst s5  }
0xe: {  	[smem:$0x3FB0] =	sst s6  }
0xf: {  	[smem:$0x3FB1] =	sst s7  }
0x10: {  	[smem:$0x3FB2] =	sst s8  }
0x11: {  	[smem:$0x3FB3] =	sst s9;
	s0 =	simm.s32 @!p0 $0x0  }
0x12: {  	s1 =	sld [smem:$0x3F99];
	s0 =	simm.s32 @p0 $0x1  }
0x13: {  	[smem:$0x3FB4] =	sst s0;
	s0 =	simm.s32 @!p1 $0x0  }
0x14: {  	s2 =	sld [smem:$0x3F98];
	s0 =	simm.s32 @p1 $0x1  }
0x15: {  	[smem:$0x3FB5] =	sst s0;
	s0 =	simm.s32 @!p2 $0x0  }
0x16: {  	s3 =	sld [smem:$0x3FDB];
	s0 =	simm.s32 @p2 $0x1  }
0x17: {  	s4 =	simm.s32 $0x1BF5;
	[smem:$0x3FB7] =	sst s0  }
0x18: {  	s0 =	sld [smem:$0x3F9A];
	_ =	swait.ge [sflag:s4], $0x0  }
0x19: {  	s7 =	sld [smem:$0x3F9B]  }
0x1a: {  	s8 =	sadd.s32 $0xFFFFE003, lr  }
0x1b: {  	s9 =	sadd.s32 $0xFFFFFEF7, lr;
	s5 =	simm.s32 $0xFFFFFFFF;
	p2 =	slt.u32 s8, $0xFFFFF086  }
0x1c: {  	p1 =	slt.u32 s9, $0xF7A;
	s5 =	simm.s32 @!p2 $0x0  }
0x1d: {  	s5 =	simm.s32 @p1 $0x1;
	p0 =	seq.s32 s7, s2  }
0x1e: {  	s7 =	smul.u32 @!p0 $0xF7A, s2;
	p2 =	seq.s32 @!p0 s5, $0x0  }
0x1f: {  	s9 =	smul.u32 $0xF7A, s1;
	s8 =	simm.s32 @!p0 $0x1BF5;
	p2 =	por !p2, p0  }
0x20: {  	[sflag:s8] =	ssyncset.s32 @!p0 $0xFFFFF086;
	s6 =	sadd.s32 @!p0 s3, s7;
	s7 =	simm.s32 @!p0 $0x108  }
0x21: {  	s3 =	sadd.s32 s3, s9;
	s6 =	sadd.s32 @!p0 $0x88, s6;
	s7 =	simm.s32 @p2 $0x1082  }
0x22: {  	[simem:s7], [sflag:s8] =	dma.local @!p0 [hbm:s6], $0xF7A  }
0x23: {  	s9 =	sor.u32 $0xD0000000, s2;
	s6 =	simm.s32 $0x108;
	_ =	swait.ge @!p0 [sflag:s8], $0x0  }
0x24: {  	s3 =	sadd.s32 $0x88, s3;
	s6 =	simm.s32 @!p1 $0x1082;
	[sflag:s4] =	ssyncset.s32 $0xFFFFF086  }
0x25: {  	[simem:s6], [sflag:s4] =	dma.local [hbm:s3], $0xF7A  }
0x26: {  	[smem:$0x3F9B] =	sst s1;
	(tag) =	ssettag s2;
	_ =	strace s9  }
0x27: {  	s1 =	sld [smem:$0x3FAB]  }
0x28: {  	s2 =	sld [smem:$0x3FAC]  }
0x29: {  	s4 =	sld [smem:$0x3FAE]  }
0x2a: {  	p0 =	seq.s32 s5, $0x0;
	s5 =	sld [smem:$0x3FAF]  }
0x2b: {  	s6 =	sld [smem:$0x3FB0]  }
0x2c: {  	s7 =	sld [smem:$0x3FB1]  }
0x2d: {  	s3 =	simm.s32 $0x108;
	s8 =	sld [smem:$0x3FB2]  }
0x2e: {  	s3 =	simm.s32 @!p0 $0x1082;
	s9 =	sld [smem:$0x3FB3]  }
0x2f: {  	lr =	sadd.s32 s0, s3;
	s0 =	sld [smem:$0x3FAA]  }
0x30: {  	s3 =	sld [smem:$0x3FAD]  }
0x31: {  	[smem:$0x3FB6] =	sst s10  }
0x32: {  	s10 =	sld [smem:$0x3FB4];
	_ =	sdelay $0x3  }
0x33: {  	p0 =	seq.s32 s10, $0x1;
	s10 =	sld [smem:$0x3FB6];
	_ =	sdelay $0x3  }
0x34: {  	[smem:$0x3FB6] =	sst s10  }
0x35: {  	s10 =	sld [smem:$0x3FB5];
	_ =	sdelay $0x3  }
0x36: {  	p1 =	seq.s32 s10, $0x1;
	s10 =	sld [smem:$0x3FB6];
	_ =	sdelay $0x3  }
0x37: {  	[smem:$0x3FB6] =	sst s10  }
0x38: {  	s10 =	sld [smem:$0x3FB7]  }
0x39: {  	_ = 	snop;
	(pc) =	sbr.ind lr, $3  }
0x3a: {  	_ = 	snop  }
0x3b: {  	_ = 	snop  }
0x3c: {  	p2 =	seq.s32 s10, $0x1;
	s10 =	sld [smem:$0x3FB6]  }
0x3d: {  	_ =	shalt  }
0x3e: {  	_ =	shalt  }
0x3f: {  	_ =	shalt  }
0x40: {  	_ =	shalt  }
0x41: {  	_ =	shalt  }
0x42: {  	_ =	shalt  }
0x43: {  	_ =	shalt  }
0x44: {  	_ =	shalt  }
0x45: {  	_ =	shalt  }
0x46: {  	_ =	shalt  }
0x47: {  	_ =	shalt  }
0x48: {  	_ =	shalt  }
0x49: {  	_ =	shalt  }
0x4a: {  	_ =	shalt  }
0x4b: {  	_ =	shalt  }
0x4c: {  	_ =	shalt  }
0x4d: {  	_ =	shalt  }
0x4e: {  	_ =	shalt  }
0x4f: {  	_ =	shalt  }
0x50: {  	_ =	shalt  }
0x51: {  	_ =	shalt  }
0x52: {  	_ =	shalt  }
0x53: {  	_ =	shalt  }
0x54: {  	_ =	shalt  }
0x55: {  	_ =	shalt  }
0x56: {  	_ =	shalt  }
0x57: {  	_ =	shalt  }
0x58: {  	_ =	shalt  }
0x59: {  	_ =	shalt  }
0x5a: {  	_ =	shalt  }
0x5b: {  	_ =	shalt  }
0x5c: {  	_ =	shalt  }
0x5d: {  	_ =	shalt  }
0x5e: {  	_ =	shalt  }
0x5f: {  	_ =	shalt  }
0x60: {  	_ =	shalt  }
0x61: {  	_ =	shalt  }
0x62: {  	_ =	shalt  }
0x63: {  	_ =	shalt  }
0x64: {  	_ =	shalt  }
0x65: {  	_ =	shalt  }
0x66: {  	_ =	shalt  }
0x67: {  	_ =	shalt  }
0x68: {  	_ =	shalt  }
0x69: {  	_ =	shalt  }
0x6a: {  	_ =	shalt  }
0x6b: {  	_ =	shalt  }
0x6c: {  	_ =	shalt  }
0x6d: {  	_ =	shalt  }
0x6e: {  	_ =	shalt  }
0x6f: {  	_ =	shalt  }
0x70: {  	_ =	shalt  }
0x71: {  	_ =	shalt  }
0x72: {  	_ =	shalt  }
0x73: {  	_ =	shalt  }
0x74: {  	_ =	shalt  }
0x75: {  	_ =	shalt  }
0x76: {  	_ =	shalt  }
0x77: {  	_ =	shalt  }
0x78: {  	_ =	shalt  }
0x79: {  	_ =	shalt  }
0x7a: {  	_ =	shalt  }
0x7b: {  	_ =	shalt  }
0x7c: {  	_ =	shalt  }
0x7d: {  	_ =	shalt  }
0x7e: {  	_ =	shalt  }
0x7f: {  	_ =	shalt  }
0x80: {  	_ =	shalt  }
0x81: {  	_ =	shalt  }
0x82: {  	_ =	shalt  }
0x83: {  	_ =	shalt  }
0x84: {  	_ =	shalt  }
0x85: {  	_ =	shalt  }
0x86: {  	_ =	shalt  }
0x87: {  	_ =	shalt  }
.Lfunc_end0:
.L_simem_size_0:
called_computation.2_lowered:
.L_overlay_start_0:
0x88: {  	s2 =	sld [smem:$0x3FD9]  }
0x89: {  	s3 =	sld [smem:$0x3FFE];
	_ =	sdelay $0x1  }
0x8a: {  	s1 =	srdreg.scid  }
0x8b: {  	s0 =	sand.u32 $0x1, s1  }
0x8c: {  	s17 =	sshll.u32 s0, $0xA;
	s2 =	sadd.s32 s3, s2  }
0x8d: {  	s2 =	sadd.s32 s2, s17  }
0x8e: {  	[smem:$0x3FC2] =	sst s2  }
0x8f: {  	_ = 	snop  }
0x90: {  	s2 =	sld [smem:$0x3FD0];
	(tm) =	ssettm $0x1  }
0x91: {  	s18 =	sld [smem:$0x3FFB];
	_ =	sdelay $0x3  }
0x92: {  	_ =	strace s18  }
0x93: {  	s3 =	sld [smem:$0x3FFC];
	_ =	sdelay $0x3  }
0x94: {  	_ =	strace s3  }
0x95: {  	s3 =	sld [smem:$0x3FFD];
	_ =	sdelay $0x3  }
0x96: {  	_ =	strace s3  }
0x97: {  	_ =	strace $0x8FFFFFFF  }
0x98: {  	s19 =	sld [smem:$0x3FDB];
	_ =	sdelay $0x1  }
0x99: {  	s4 =	simm.s32 $_scs_section_size  }
0x9a: {  	s5 =	simm.s32 $_size__tile_overlayer_lowered;
	s6 =	simm.s32 $_tile_overlayer_lowered  }
0x9b: {  	s22 =	simm.s32 $0x1BFF;
	s21 =	sshll.u32 s6, $0x1;
	s3 =	sadd.s32 s4, s19  }
0x9c: {  	s7 =	simm.s32 $0x0;
	s20 =	sshll.u32 s5, $0x1;
	s5 =	sadd.s32 s21, s3  }
0x9d: {  	[timem:s7], [sflag:s22] =	dma.local [hbm:s5], s20  }
0x9e: {  	_ =	swait.ge [sflag:s22], s20  }
0x9f: {  	s4 =	ssub.s32 $0x0, s20;
	[sflag:s22] =	ssyncset.done $0x0  }
0xa0: {  	[sflag:s22] =	ssyncadd.s32 s4;
	_ =	sdelay $0x1  }
0xa1: {  	s23 =	simm.s32 $0x1B8B  }
0xa2: {  	_ =	swait.ge [sflag:s23], $0x1  }
0xa3: {  	[sflag:s23] =	ssyncset.done $0x0  }
0xa4: {  	s25 =	simm.s32 $0x1B8E;
	s24 =	sld [smem:$0x3FFE];
	[sflag:s23] =	ssyncadd.s32 $0xFFFFFFFF  }
0xa5: {  	s26 =	simm.s32 $execute0_lowered;
	[smem:$0x3FD2] =	sst s25  }
0xa6: {  	s5 =	sshll.u32 s26, $0x1;
	_ =	strace $0x8000004C;
	[dreg:$0x1] =	wrdreg $0xFFFFFFFF  }
0xa7: {  	s28 =	simm.s32 $_size_execute0_lowered;
	s3 =	sadd.s32 s3, s5;
	[dreg:$0x0] =	wrdreg $0x0  }
0xa8: {  	s5 =	sshll.u32 s28, $0x1;
	[dreg:$0x2] =	wrdreg s3  }
0xa9: {  	[dreg:$0x3] =	wrdreg s5  }
0xaa: {  	[dreg:$0x4] =	wrdreg $0xC0  }
0xab: {  	_ =	task [dreg:s7], $0x5FFFF  }
0xac: {  	[dreg:$0x1] =	wrdreg $0xFFFFFFFF  }
0xad: {  	[dreg:$0x0] =	wrdreg $0x60  }
0xae: {  	[dreg:$0x2] =	wrdreg s24  }
0xaf: {  	[dreg:$0x3] =	wrdreg s2  }
0xb0: {  	[dreg:$0x4] =	wrdreg $0xA8000  }
0xb1: {  	[dreg:$0x5] =	wrdreg $0x9  }
0xb2: {  	_ =	task.clear_ibuf [dreg:s7], $0x6FFFF;
	_ =	strace $0x9000004C  }
0xb3: {  	s29 =	simm.s32 $0x9;
	_ =	strace $0x8000004E  }
0xb4: {  	_ =	swait.ge [sflag:s29], $0x1  }
0xb5: {  	[sflag:s29] =	ssyncadd.s32 $0xFFFFFFFF  }
0xb6: {  	_ =	strace $0x9000004E  }
0xb7: {  	_ =	sfence  }
0xb8: {  	s30 =	sld [smem:$0x0];
	_ =	sdelay $0x2  }
0xb9: {  	s31 =	sshll.u32 s1, $0xD;
	s1 =	sshrl.u32 s1, $0x2  }
0xba: {  	s3 =	sand.u32 $0x4000, s31;
	s1 =	sadd.s32 s1, s30  }
0xbb: {  	s0 =	sor.u32 s3, s0;
	s1 =	sshll.u32 s1, $0x11  }
0xbc: {  	s0 =	sor.u32 s1, s0  }
0xbd: {  	s0 =	sadd.s32 $0x8F2B, s0  }
0xbe: {  	[sflag:s0] =	ssyncadd.remote.s32 $0x1  }
0xbf: {  	_ =	sfence.sel $0xFFFF  }
0xc0: {  	[dreg:$0x0] =	wrdreg $0xFFFFFFFF;
	(pc) =	sbr.abs _section_cstart, $3  }
0xc1: {  	[dreg:$0x1] =	wrdreg $0xFFFFFFFF  }
0xc2: {  	_ =	task.clear_ibuf [dreg:s7], $0x2FFFF;
	_ =	strace $0x9FFFFFFF  }
0xc3: {  	(tm) =	ssettm $0x7FFFFFFF  }
tec
execute0_lowered:
.L_overlay_start_1:
0x0: {  	(tag) =	ssettag $0x1  }
0x1: {  	s0 =	rddreg [dreg:$0x0]  }
0x2: {  	s1 =	rddreg [dreg:$0x1];
	s3 =	srdreg.scid  }
0x3: {  	s10 =	stileid.u32;
	s2 =	rddreg [dreg:$0x2]  }
0x4: {  	s6 =	simm.s32 $0x0;
	s29 =	simm.s32 $0x8800;
	s30 =	simm.s32 $0x2  }
0x5: {  	s11 =	simm.s32 $0x1580;
	s12 =	simm.s32 $0x7;
	s13 =	simm.s32 $0x300  }
0x6: {  	s14 =	simm.s32 $0x8;
	s15 =	simm.s32 $0x0;
	s5 =	smul.u32 $0x14000, s10  }
0x7: {  	s3 =	sand.u32 $0x1, s3;
	[smem:$0x7FF] =	sst s6;
	s9 =	smul.u32 $0x50000, s10  }
0x8: {  	s7 =	sadd.s32 $0x52200, s0;
	s20 =	sshll.u32 s10, $0x6;
	s4 =	smul.u32 $0x140000, s3  }
0x9: {  	_ =	strace $0x8000004D;
	s8 =	ssub.s32 $0x2, s3;
	s3 =	sshll.u32 s3, $0x4  }
0xa: {  	s18 =	sshrl.u32 s8, $0x1;
	s3 =	sor.u32 s10, s3;
	s19 =	sshrl.u32 s9, $0x2  }
0xb: {  	s10 =	simm.s32 $0x4;
	s17 =	sadd.s32 s5, s4;
	s4 =	sadd.s32 $0x66200, s0  }
0xc: {  	s8 =	ssub.s32 s8, s18;
	s3 =	smul.u32 $0x5000, s3;
	s9 =	sadd.s32 s19, s2  }
0xd: {  	s5 =	sshrl.u32 s5, $0x3;
	s18 =	simm.s32 $0x9;
	s19 =	simm.s32 $0x1400  }
0xe: {  	s6 =	sshrl.u32 s17, $0x3;
	s5 =	sadd.s32 s4, s5;
	s31 =	smax.u32 s8, $0x1  }
0xf: {  	s16 =	sshrl.u32 s9, $0x3;
	s8 =	simm.s32 $0x6;
	s9 =	simm.s32 $0x280  }
0x10: {  	s0 =	sadd.s32 s6, s0;
	[dreg:$0x4] =	wrdreg s5;
	s6 =	sor.u32 $0x1C09, s20  }
0x11: {  	s3 =	sshrl.u32 s3, $0x3;
	[dreg:$0xe] =	wrdreg s31;
	s20 =	simm.s32 $0x40  }
0x12: {  	s21 =	sadd.s32 s7, s3;
	s22 =	sadd.s32 s1, s3;
	s23 =	sadd.s32 $0x280, s3  }
0x13: {  	s25 =	sadd.s32 $0x500, s3;
	s3 =	sadd.s32 $0x780, s3;
	[dreg:$0x5] =	wrdreg s21  }
0x14: {  	s0 =	sadd.s32 $0x8E200, s0;
	[dreg:$0x6] =	wrdreg s22;
	s24 =	sadd.s32 s7, s23  }
0x15: {  	s5 =	sadd.s32 s1, s23;
	s26 =	sadd.s32 s7, s25;
	[dreg:$0xd] =	wrdreg s0  }
0x16: {  	s28 =	sadd.s32 s7, s3;
	s21 =	simm.s32 $0x2800;
	[dreg:$0x7] =	wrdreg s24  }
.Ltmp0:
0x17: {  	s23 =	simm.s32 $0x4800;
	[dreg:$0x8] =	wrdreg s5;
	(pc) =	sbr.rel .LBB2_1-.Ltmp0, $4  }
0x18: {  	s0 =	simm.s32 $0x200;
	s7 =	simm.s32 $0x1500;
	[dreg:$0x9] =	wrdreg s26  }
0x19: {  	s5 =	sadd.s32 s1, s25;
	[dreg:$0xb] =	wrdreg s28;
	s1 =	sadd.s32 s1, s3  }
0x1a: {  	s25 =	simm.s32 $0x6800;
	s26 =	simm.s32 $0x1;
	[dreg:$0xa] =	wrdreg s5  }
0x1b: {  	[dreg:$0xc] =	wrdreg s1;
	s1 =	simm.s32 $0x5;
	s5 =	simm.s32 $0x3  }
.LBB2_13:
0x1c: {  	_ =	swait.ge [sflag:s14], $0x2000  }
0x1d: {  	[sflag:s14] =	ssyncset.done $0x0  }
0x1e: {  	[sflag:s14] =	ssyncadd.s32 $0xFFFFE000  }
0x1f: {  	[bflag:$0x0] =	sbarrier.arrive $0xFFFF  }
0x20: {  	s3 =	rddreg [dreg:$0xd]  }
0x21: {  	[hbm:s3], [sflag:s28] =	dma.local [spmem:s31], $0x2800  }
0x22: {  	_ =	swait.ge [sflag:s18], $0x2800  }
0x23: {  	s16 =	smov.u32 s31;
	s15 =	sadd.s32 $0x1, s15;
	s31 =	rddreg [dreg:$0xe]  }
0x24: {  	p0 =	sne.s32 s15, s31  }
.Ltmp1:
0x25: {  	_ = 	snop;
	(pc) =	sbr.rel @!p0 .LBB2_14-.Ltmp1, $3  }
0x26: {  	_ =	sdelay $0x1  }
0x27: {  	[sflag:s18] =	ssyncset.done $0x0  }
0x28: {  	s6 =	smov.u32 s28;
	[sflag:s18] =	ssyncadd.s32 $0xFFFFD800  }
.LBB2_1:
0x29: {  	s3 =	rddreg [dreg:$0x4]  }
0x2a: {  	[spmem:s16], [sflag:s6] =	dma.local [hbm:s3], $0x2800  }
0x2b: {  	_ =	swait.ge [sflag:s18], $0x2800  }
0x2c: {  	[sflag:s18] =	ssyncset.done $0x0  }
0x2d: {  	[sflag:s18] =	ssyncadd.s32 $0xFFFFD800  }
0x2e: {  	[bflag:$0x0] =	sbarrier.arrive $0xFFFF  }
0x2f: {  	s17 =	simm.s32 $0x0;
	s22 =	rddreg [dreg:$0x5]  }
0x30: {  	[tilespmem:s17], [sflag:$0x9] =	stream.linear.gather [hbm4b:s22+s17], $0x1400, $0x38;
	[tilespmem:$0x1E800] =	vst v63  }
0x31: {  	_ =	swait.ge [sflag:s18], $0x1400  }
0x32: {  	[sflag:s18] =	ssyncset.done $0x0  }
0x33: {  	s24 =	rddreg [dreg:$0x6];
	[sflag:s18] =	ssyncadd.s32 $0xFFFFEC00  }
0x34: {  	[tilespmem:s19], [sflag:$0x9] =	stream.linear.gather [hbm4b:s24+s17], $0x1400, $0x38;
	[tilespmem:$0x1E800] =	vst v63  }
0x35: {  	_ =	swait.ge [sflag:s18], $0x1400  }
0x36: {  	[sflag:s18] =	ssyncset.done $0x0  }
0x37: {  	[sflag:s18] =	ssyncadd.s32 $0xFFFFEC00  }
0x38: {  	[tilespmem:s21], [sflag:$0x1] =	stream.indirect.gather [hbm4b:s4+s20], $0x80, s17, s20, $0xb8;
	[tilespmem:$0x1E800] =	vst v63  }
0x39: {  	s31 =	smov.u32 s16;
	s16 =	simm.s32 $0x80  }
0x3a: {  	[tilespmem:s23], [sflag:$0x2] =	stream.indirect.gather [hbm4b:s4+s20], $0x80, s16, s20, $0xb8;
	[tilespmem:$0x1E800] =	vst v63  }
0x3b: {  	s17 =	simm.s32 $0x100  }
0x3c: {  	[tilespmem:s25], [sflag:$0x3] =	stream.indirect.gather [hbm4b:s4+s20], $0x80, s17, s20, $0xb8;
	[tilespmem:$0x1E800] =	vst v63  }
0x3d: {  	_ =	swait.ge [sflag:s26], $0x2000  }
0x3e: {  	[sflag:s26] =	ssyncset.done $0x0  }
0x3f: {  	[sflag:s26] =	ssyncadd.s32 $0xFFFFE000  }
0x40: {  	[spmem:s2] =	stream.indirect.scatter.add.f32 [tilespmem:s21], [sflag:$0x5], $0x80, s19, s20, $0xb8;
	[tilespmem:$0x1E800] =	vst v63  }
0x41: {  	s22 =	simm.s32 $0x180  }
0x42: {  	[tilespmem:s29], [sflag:$0x4] =	stream.indirect.gather [hbm4b:s4+s20], $0x80, s22, s20, $0xb8;
	[tilespmem:$0x1E800] =	vst v63  }
0x43: {  	_ =	swait.ge [sflag:s30], $0x2000  }
0x44: {  	[sflag:s30] =	ssyncset.done $0x0  }
0x45: {  	s24 =	simm.s32 $0x1480;
	[sflag:s30] =	ssyncadd.s32 $0xFFFFE000  }
0x46: {  	[spmem:s2] =	stream.indirect.scatter.add.f32 [tilespmem:s23], [sflag:$0x6], $0x80, s24, s20, $0xb8;
	[tilespmem:$0x1E800] =	vst v63  }
0x47: {  	_ =	swait.ge [sflag:s1], $0x2000  }
0x48: {  	[sflag:s1] =	ssyncset.done $0x0  }
0x49: {  	[sflag:s1] =	ssyncadd.s32 $0xFFFFE000  }
0x4a: {  	[tilespmem:s21], [sflag:$0x1] =	stream.indirect.gather [hbm4b:s4+s20], $0x80, s0, s20, $0xb8;
	[tilespmem:$0x1E800] =	vst v63  }
0x4b: {  	_ =	swait.ge [sflag:s5], $0x2000  }
0x4c: {  	[sflag:s5] =	ssyncset.done $0x0  }
0x4d: {  	[sflag:s5] =	ssyncadd.s32 $0xFFFFE000  }
0x4e: {  	[spmem:s2] =	stream.indirect.scatter.add.f32 [tilespmem:s25], [sflag:$0x7], $0x80, s7, s20, $0xb8;
	[tilespmem:$0x1E800] =	vst v63  }
0x4f: {  	_ =	swait.ge [sflag:s8], $0x2000  }
0x50: {  	[sflag:s8] =	ssyncset.done $0x0  }
0x51: {  	[sflag:s8] =	ssyncadd.s32 $0xFFFFE000  }
0x52: {  	[tilespmem:s23], [sflag:$0x2] =	stream.indirect.gather [hbm4b:s4+s20], $0x80, s9, s20, $0xb8;
	[tilespmem:$0x1E800] =	vst v63  }
0x53: {  	_ =	swait.ge [sflag:s10], $0x2000  }
0x54: {  	[sflag:s10] =	ssyncset.done $0x0  }
0x55: {  	[sflag:s10] =	ssyncadd.s32 $0xFFFFE000  }
0x56: {  	[spmem:s2] =	stream.indirect.scatter.add.f32 [tilespmem:s29], [sflag:$0x8], $0x80, s11, s20, $0xb8;
	[tilespmem:$0x1E800] =	vst v63  }
0x57: {  	_ =	swait.ge [sflag:s12], $0x2000  }
0x58: {  	[sflag:s12] =	ssyncset.done $0x0  }
0x59: {  	s28 =	smov.u32 s6;
	s16 =	simm.s32 $0x0;
	[sflag:s12] =	ssyncadd.s32 $0xFFFFE000  }
0x5a: {  	[tilespmem:s25], [sflag:$0x3] =	stream.indirect.gather [hbm4b:s4+s20], $0x80, s13, s20, $0xb8;
	[tilespmem:$0x1E800] =	vst v63  }
.LBB2_2:
0x5b: {  	_ =	swait.ge [sflag:s26], $0x2000  }
0x5c: {  	s3 =	sshra.s32 s16, $0x2;
	[sflag:s26] =	ssyncset.done $0x0  }
0x5d: {  	s6 =	sadd.s32 $0x1600, s3;
	[sflag:s26] =	ssyncadd.s32 $0xFFFFE000  }
0x5e: {  	[spmem:s2] =	stream.indirect.scatter.add.f32 [tilespmem:s21], [sflag:$0x5], $0x80, s6, s20, $0xb8;
	[tilespmem:$0x1E800] =	vst v63  }
0x5f: {  	_ =	swait.ge [sflag:s14], $0x2000  }
0x60: {  	[sflag:s14] =	ssyncset.done $0x0  }
0x61: {  	s17 =	sadd.s32 $0x380, s3;
	[sflag:s14] =	ssyncadd.s32 $0xFFFFE000  }
0x62: {  	[tilespmem:s29], [sflag:$0x4] =	stream.indirect.gather [hbm4b:s4+s20], $0x80, s17, s20, $0xb8;
	[tilespmem:$0x1E800] =	vst v63  }
0x63: {  	_ =	swait.ge [sflag:s30], $0x2000  }
0x64: {  	[sflag:s30] =	ssyncset.done $0x0  }
0x65: {  	s22 =	sadd.s32 $0x1680, s3;
	[sflag:s30] =	ssyncadd.s32 $0xFFFFE000  }
0x66: {  	[spmem:s2] =	stream.indirect.scatter.add.f32 [tilespmem:s23], [sflag:$0x6], $0x80, s22, s20, $0xb8;
	[tilespmem:$0x1E800] =	vst v63  }
0x67: {  	_ =	swait.ge [sflag:s1], $0x2000  }
0x68: {  	p0 =	seq.s32 s16, $0x4000;
	[sflag:s1] =	ssyncset.done $0x0  }
0x69: {  	s6 =	simm.s32 @p0 $0x3;
	[sflag:s1] =	ssyncadd.s32 $0xFFFFE000  }
0x6a: {  	_ =	swait.ge @p0 [sflag:s6], $0x2000  }
0x6b: {  	[sflag:s6] =	ssyncset.done @p0 $0x0  }
0x6c: {  	[sflag:s6] =	ssyncadd.s32 @p0 $0xFFFFE000;
	s6 =	sshra.s32 @p0 s16, $0x2  }
0x6d: {  	s17 =	simm.s32 @p0 $0x40;
	s22 =	simm.s32 @p0 $0x6800;
	s6 =	sadd.s32 @p0 $0x1700, s6  }
0x6e: {  	[spmem:s2] =	stream.indirect.scatter.add.f32 @p0 [tilespmem:s22], [sflag:$0x7], $0x80, s6, s17, $0xb8;
	[tilespmem:$0x1E800] =	vst v63  }
0x6f: {  	s6 =	simm.s32 @p0 $0x6  }
0x70: {  	_ =	swait.ge @p0 [sflag:s6], $0x2000  }
0x71: {  	[sflag:s6] =	ssyncset.done @p0 $0x0  }
0x72: {  	[sflag:s6] =	ssyncadd.s32 @p0 $0xFFFFE000;
	s6 =	sshra.s32 @!p0 s16, $0x2  }
0x73: {  	s24 =	simm.s32 @!p0 $0x2800;
	s22 =	simm.s32 @!p0 $0x40;
	s17 =	sadd.s32 @!p0 $0x400, s6  }
0x74: {  	[tilespmem:s24], [sflag:$0x1] =	stream.indirect.gather @!p0 [hbm4b:s4+s22], $0x80, s17, s22, $0xb8;
	[tilespmem:$0x1E800] =	vst v63  }
0x75: {  	s17 =	simm.s32 @!p0 $0x3  }
0x76: {  	_ =	swait.ge @!p0 [sflag:s17], $0x2000  }
0x77: {  	[sflag:s17] =	ssyncset.done @!p0 $0x0  }
0x78: {  	s24 =	simm.s32 @!p0 $0x6800;
	[sflag:s17] =	ssyncadd.s32 @!p0 $0xFFFFE000;
	s17 =	sadd.s32 @!p0 $0x1700, s6  }
0x79: {  	[spmem:s2] =	stream.indirect.scatter.add.f32 @!p0 [tilespmem:s24], [sflag:$0x7], $0x80, s17, s22, $0xb8;
	[tilespmem:$0x1E800] =	vst v63  }
0x7a: {  	s17 =	simm.s32 @!p0 $0x6  }
0x7b: {  	_ =	swait.ge @!p0 [sflag:s17], $0x2000  }
0x7c: {  	[sflag:s17] =	ssyncset.done @!p0 $0x0  }
0x7d: {  	s6 =	sadd.s32 @!p0 $0x480, s6;
	[sflag:s17] =	ssyncadd.s32 @!p0 $0xFFFFE000;
	s17 =	simm.s32 @!p0 $0x4800  }
0x7e: {  	[tilespmem:s17], [sflag:$0x2] =	stream.indirect.gather @!p0 [hbm4b:s4+s22], $0x80, s6, s22, $0xb8;
	[tilespmem:$0x1E800] =	vst v63  }
0x7f: {  	_ =	swait.ge [sflag:s10], $0x2000  }
0x80: {  	[sflag:s10] =	ssyncset.done $0x0  }
.Ltmp2:
0x81: {  	s24 =	sadd.s32 $0x1780, s3;
	[sflag:s10] =	ssyncadd.s32 $0xFFFFE000;
	(pc) =	sbr.rel @p0 .LBB2_4-.Ltmp2, $4  }
0x82: {  	[spmem:s2] =	stream.indirect.scatter.add.f32 [tilespmem:s29], [sflag:$0x8], $0x80, s24, s20, $0xb8;
	[tilespmem:$0x1E800] =	vst v63  }
0x83: {  	_ =	swait.ge [sflag:s12], $0x2000  }
0x84: {  	[sflag:s12] =	ssyncset.done $0x0  }
0x85: {  	[sflag:s12] =	ssyncadd.s32 $0xFFFFE000  }
.Ltmp3:
0x86: {  	(pc) =	sbr.rel .LBB2_2-.Ltmp3, $3  }
0x87: {  	_ =	sdelay $0x1  }
0x88: {  	s3 =	sadd.s32 $0x500, s3;
	s16 =	sadd.s32 $0x800, s16  }
0x89: {  	[tilespmem:s25], [sflag:$0x3] =	stream.indirect.gather [hbm4b:s4+s20], $0x80, s3, s20, $0xb8;
	[tilespmem:$0x1E800] =	vst v63  }
.LBB2_4:
0x8a: {  	_ =	swait.ge [sflag:s14], $0x2000  }
0x8b: {  	[sflag:s14] =	ssyncset.done $0x0  }
0x8c: {  	s16 =	simm.s32 $0x0;
	s3 =	rddreg [dreg:$0x7];
	[sflag:s14] =	ssyncadd.s32 $0xFFFFE000  }
0x8d: {  	[tilespmem:s16], [sflag:$0x9] =	stream.linear.gather [hbm4b:s3+s16], $0x1400, $0x38;
	[tilespmem:$0x1E800] =	vst v63  }
0x8e: {  	_ =	swait.ge [sflag:s18], $0x1400  }
0x8f: {  	[sflag:s18] =	ssyncset.done $0x0  }
0x90: {  	s24 =	rddreg [dreg:$0x8];
	[sflag:s18] =	ssyncadd.s32 $0xFFFFEC00  }
0x91: {  	[tilespmem:s19], [sflag:$0x9] =	stream.linear.gather [hbm4b:s24+s16], $0x1400, $0x38;
	[tilespmem:$0x1E800] =	vst v63  }
0x92: {  	_ =	swait.ge [sflag:s18], $0x1400  }
0x93: {  	[sflag:s18] =	ssyncset.done $0x0  }
0x94: {  	[sflag:s18] =	ssyncadd.s32 $0xFFFFEC00  }
0x95: {  	[tilespmem:s21], [sflag:$0x1] =	stream.indirect.gather [hbm4b:s4+s20], $0x80, s16, s20, $0xb8;
	[tilespmem:$0x1E800] =	vst v63  }
0x96: {  	s6 =	simm.s32 $0x80  }
0x97: {  	[tilespmem:s23], [sflag:$0x2] =	stream.indirect.gather [hbm4b:s4+s20], $0x80, s6, s20, $0xb8;
	[tilespmem:$0x1E800] =	vst v63  }
0x98: {  	s17 =	simm.s32 $0x100  }
0x99: {  	[tilespmem:s25], [sflag:$0x3] =	stream.indirect.gather [hbm4b:s4+s20], $0x80, s17, s20, $0xb8;
	[tilespmem:$0x1E800] =	vst v63  }
0x9a: {  	_ =	swait.ge [sflag:s26], $0x2000  }
0x9b: {  	[sflag:s26] =	ssyncset.done $0x0  }
0x9c: {  	[sflag:s26] =	ssyncadd.s32 $0xFFFFE000  }
0x9d: {  	[spmem:s2] =	stream.indirect.scatter.add.f32 [tilespmem:s21], [sflag:$0x5], $0x80, s19, s20, $0xb8;
	[tilespmem:$0x1E800] =	vst v63  }
0x9e: {  	s22 =	simm.s32 $0x180  }
0x9f: {  	[tilespmem:s29], [sflag:$0x4] =	stream.indirect.gather [hbm4b:s4+s20], $0x80, s22, s20, $0xb8;
	[tilespmem:$0x1E800] =	vst v63  }
0xa0: {  	_ =	swait.ge [sflag:s30], $0x2000  }
0xa1: {  	[sflag:s30] =	ssyncset.done $0x0  }
0xa2: {  	s24 =	simm.s32 $0x1480;
	[sflag:s30] =	ssyncadd.s32 $0xFFFFE000  }
0xa3: {  	[spmem:s2] =	stream.indirect.scatter.add.f32 [tilespmem:s23], [sflag:$0x6], $0x80, s24, s20, $0xb8;
	[tilespmem:$0x1E800] =	vst v63  }
0xa4: {  	_ =	swait.ge [sflag:s1], $0x2000  }
0xa5: {  	[sflag:s1] =	ssyncset.done $0x0  }
0xa6: {  	[sflag:s1] =	ssyncadd.s32 $0xFFFFE000  }
0xa7: {  	[tilespmem:s21], [sflag:$0x1] =	stream.indirect.gather [hbm4b:s4+s20], $0x80, s0, s20, $0xb8;
	[tilespmem:$0x1E800] =	vst v63  }
0xa8: {  	_ =	swait.ge [sflag:s5], $0x2000  }
0xa9: {  	[sflag:s5] =	ssyncset.done $0x0  }
0xaa: {  	[sflag:s5] =	ssyncadd.s32 $0xFFFFE000  }
0xab: {  	[spmem:s2] =	stream.indirect.scatter.add.f32 [tilespmem:s25], [sflag:$0x7], $0x80, s7, s20, $0xb8;
	[tilespmem:$0x1E800] =	vst v63  }
0xac: {  	_ =	swait.ge [sflag:s8], $0x2000  }
0xad: {  	[sflag:s8] =	ssyncset.done $0x0  }
0xae: {  	[sflag:s8] =	ssyncadd.s32 $0xFFFFE000  }
0xaf: {  	[tilespmem:s23], [sflag:$0x2] =	stream.indirect.gather [hbm4b:s4+s20], $0x80, s9, s20, $0xb8;
	[tilespmem:$0x1E800] =	vst v63  }
0xb0: {  	_ =	swait.ge [sflag:s10], $0x2000  }
0xb1: {  	[sflag:s10] =	ssyncset.done $0x0  }
0xb2: {  	[sflag:s10] =	ssyncadd.s32 $0xFFFFE000  }
0xb3: {  	[spmem:s2] =	stream.indirect.scatter.add.f32 [tilespmem:s29], [sflag:$0x8], $0x80, s11, s20, $0xb8;
	[tilespmem:$0x1E800] =	vst v63  }
0xb4: {  	_ =	swait.ge [sflag:s12], $0x2000  }
0xb5: {  	[sflag:s12] =	ssyncset.done $0x0  }
0xb6: {  	[sflag:s12] =	ssyncadd.s32 $0xFFFFE000  }
0xb7: {  	[tilespmem:s25], [sflag:$0x3] =	stream.indirect.gather [hbm4b:s4+s20], $0x80, s13, s20, $0xb8;
	[tilespmem:$0x1E800] =	vst v63  }
.LBB2_5:
0xb8: {  	_ =	swait.ge [sflag:s26], $0x2000  }
0xb9: {  	s3 =	sshra.s32 s16, $0x2;
	[sflag:s26] =	ssyncset.done $0x0  }
0xba: {  	s6 =	sadd.s32 $0x1600, s3;
	[sflag:s26] =	ssyncadd.s32 $0xFFFFE000  }
0xbb: {  	[spmem:s2] =	stream.indirect.scatter.add.f32 [tilespmem:s21], [sflag:$0x5], $0x80, s6, s20, $0xb8;
	[tilespmem:$0x1E800] =	vst v63  }
0xbc: {  	_ =	swait.ge [sflag:s14], $0x2000  }
0xbd: {  	[sflag:s14] =	ssyncset.done $0x0  }
0xbe: {  	s17 =	sadd.s32 $0x380, s3;
	[sflag:s14] =	ssyncadd.s32 $0xFFFFE000  }
0xbf: {  	[tilespmem:s29], [sflag:$0x4] =	stream.indirect.gather [hbm4b:s4+s20], $0x80, s17, s20, $0xb8;
	[tilespmem:$0x1E800] =	vst v63  }
0xc0: {  	_ =	swait.ge [sflag:s30], $0x2000  }
0xc1: {  	[sflag:s30] =	ssyncset.done $0x0  }
0xc2: {  	s22 =	sadd.s32 $0x1680, s3;
	[sflag:s30] =	ssyncadd.s32 $0xFFFFE000  }
0xc3: {  	[spmem:s2] =	stream.indirect.scatter.add.f32 [tilespmem:s23], [sflag:$0x6], $0x80, s22, s20, $0xb8;
	[tilespmem:$0x1E800] =	vst v63  }
0xc4: {  	_ =	swait.ge [sflag:s1], $0x2000  }
0xc5: {  	p0 =	seq.s32 s16, $0x4000;
	[sflag:s1] =	ssyncset.done $0x0  }
0xc6: {  	s6 =	simm.s32 @p0 $0x3;
	[sflag:s1] =	ssyncadd.s32 $0xFFFFE000  }
0xc7: {  	_ =	swait.ge @p0 [sflag:s6], $0x2000  }
0xc8: {  	[sflag:s6] =	ssyncset.done @p0 $0x0  }
0xc9: {  	[sflag:s6] =	ssyncadd.s32 @p0 $0xFFFFE000;
	s6 =	sshra.s32 @p0 s16, $0x2  }
0xca: {  	s17 =	simm.s32 @p0 $0x40;
	s22 =	simm.s32 @p0 $0x6800;
	s6 =	sadd.s32 @p0 $0x1700, s6  }
0xcb: {  	[spmem:s2] =	stream.indirect.scatter.add.f32 @p0 [tilespmem:s22], [sflag:$0x7], $0x80, s6, s17, $0xb8;
	[tilespmem:$0x1E800] =	vst v63  }
0xcc: {  	s6 =	simm.s32 @p0 $0x6  }
0xcd: {  	_ =	swait.ge @p0 [sflag:s6], $0x2000  }
0xce: {  	[sflag:s6] =	ssyncset.done @p0 $0x0  }
0xcf: {  	[sflag:s6] =	ssyncadd.s32 @p0 $0xFFFFE000;
	s6 =	sshra.s32 @!p0 s16, $0x2  }
0xd0: {  	s24 =	simm.s32 @!p0 $0x2800;
	s22 =	simm.s32 @!p0 $0x40;
	s17 =	sadd.s32 @!p0 $0x400, s6  }
0xd1: {  	[tilespmem:s24], [sflag:$0x1] =	stream.indirect.gather @!p0 [hbm4b:s4+s22], $0x80, s17, s22, $0xb8;
	[tilespmem:$0x1E800] =	vst v63  }
0xd2: {  	s17 =	simm.s32 @!p0 $0x3  }
0xd3: {  	_ =	swait.ge @!p0 [sflag:s17], $0x2000  }
0xd4: {  	[sflag:s17] =	ssyncset.done @!p0 $0x0  }
0xd5: {  	s24 =	simm.s32 @!p0 $0x6800;
	[sflag:s17] =	ssyncadd.s32 @!p0 $0xFFFFE000;
	s17 =	sadd.s32 @!p0 $0x1700, s6  }
0xd6: {  	[spmem:s2] =	stream.indirect.scatter.add.f32 @!p0 [tilespmem:s24], [sflag:$0x7], $0x80, s17, s22, $0xb8;
	[tilespmem:$0x1E800] =	vst v63  }
0xd7: {  	s17 =	simm.s32 @!p0 $0x6  }
0xd8: {  	_ =	swait.ge @!p0 [sflag:s17], $0x2000  }
0xd9: {  	[sflag:s17] =	ssyncset.done @!p0 $0x0  }
0xda: {  	s6 =	sadd.s32 @!p0 $0x480, s6;
	[sflag:s17] =	ssyncadd.s32 @!p0 $0xFFFFE000;
	s17 =	simm.s32 @!p0 $0x4800  }
0xdb: {  	[tilespmem:s17], [sflag:$0x2] =	stream.indirect.gather @!p0 [hbm4b:s4+s22], $0x80, s6, s22, $0xb8;
	[tilespmem:$0x1E800] =	vst v63  }
0xdc: {  	_ =	swait.ge [sflag:s10], $0x2000  }
0xdd: {  	[sflag:s10] =	ssyncset.done $0x0  }
.Ltmp4:
0xde: {  	s24 =	sadd.s32 $0x1780, s3;
	[sflag:s10] =	ssyncadd.s32 $0xFFFFE000;
	(pc) =	sbr.rel @p0 .LBB2_7-.Ltmp4, $4  }
0xdf: {  	[spmem:s2] =	stream.indirect.scatter.add.f32 [tilespmem:s29], [sflag:$0x8], $0x80, s24, s20, $0xb8;
	[tilespmem:$0x1E800] =	vst v63  }
0xe0: {  	_ =	swait.ge [sflag:s12], $0x2000  }
0xe1: {  	[sflag:s12] =	ssyncset.done $0x0  }
0xe2: {  	[sflag:s12] =	ssyncadd.s32 $0xFFFFE000  }
.Ltmp5:
0xe3: {  	(pc) =	sbr.rel .LBB2_5-.Ltmp5, $3  }
0xe4: {  	_ =	sdelay $0x1  }
0xe5: {  	s3 =	sadd.s32 $0x500, s3;
	s16 =	sadd.s32 $0x800, s16  }
0xe6: {  	[tilespmem:s25], [sflag:$0x3] =	stream.indirect.gather [hbm4b:s4+s20], $0x80, s3, s20, $0xb8;
	[tilespmem:$0x1E800] =	vst v63  }
.LBB2_7:
0xe7: {  	_ =	swait.ge [sflag:s14], $0x2000  }
0xe8: {  	[sflag:s14] =	ssyncset.done $0x0  }
0xe9: {  	s16 =	simm.s32 $0x0;
	s3 =	rddreg [dreg:$0x9];
	[sflag:s14] =	ssyncadd.s32 $0xFFFFE000  }
0xea: {  	[tilespmem:s16], [sflag:$0x9] =	stream.linear.gather [hbm4b:s3+s16], $0x1400, $0x38;
	[tilespmem:$0x1E800] =	vst v63  }
0xeb: {  	_ =	swait.ge [sflag:s18], $0x1400  }
0xec: {  	[sflag:s18] =	ssyncset.done $0x0  }
0xed: {  	s24 =	rddreg [dreg:$0xa];
	[sflag:s18] =	ssyncadd.s32 $0xFFFFEC00  }
0xee: {  	[tilespmem:s19], [sflag:$0x9] =	stream.linear.gather [hbm4b:s24+s16], $0x1400, $0x38;
	[tilespmem:$0x1E800] =	vst v63  }
0xef: {  	_ =	swait.ge [sflag:s18], $0x1400  }
0xf0: {  	[sflag:s18] =	ssyncset.done $0x0  }
0xf1: {  	[sflag:s18] =	ssyncadd.s32 $0xFFFFEC00  }
0xf2: {  	[tilespmem:s21], [sflag:$0x1] =	stream.indirect.gather [hbm4b:s4+s20], $0x80, s16, s20, $0xb8;
	[tilespmem:$0x1E800] =	vst v63  }
0xf3: {  	s6 =	simm.s32 $0x80  }
0xf4: {  	[tilespmem:s23], [sflag:$0x2] =	stream.indirect.gather [hbm4b:s4+s20], $0x80, s6, s20, $0xb8;
	[tilespmem:$0x1E800] =	vst v63  }
0xf5: {  	s17 =	simm.s32 $0x100  }
0xf6: {  	[tilespmem:s25], [sflag:$0x3] =	stream.indirect.gather [hbm4b:s4+s20], $0x80, s17, s20, $0xb8;
	[tilespmem:$0x1E800] =	vst v63  }
0xf7: {  	_ =	swait.ge [sflag:s26], $0x2000  }
0xf8: {  	[sflag:s26] =	ssyncset.done $0x0  }
0xf9: {  	[sflag:s26] =	ssyncadd.s32 $0xFFFFE000  }
0xfa: {  	[spmem:s2] =	stream.indirect.scatter.add.f32 [tilespmem:s21], [sflag:$0x5], $0x80, s19, s20, $0xb8;
	[tilespmem:$0x1E800] =	vst v63  }
0xfb: {  	s22 =	simm.s32 $0x180  }
0xfc: {  	[tilespmem:s29], [sflag:$0x4] =	stream.indirect.gather [hbm4b:s4+s20], $0x80, s22, s20, $0xb8;
	[tilespmem:$0x1E800] =	vst v63  }
0xfd: {  	_ =	swait.ge [sflag:s30], $0x2000  }
0xfe: {  	[sflag:s30] =	ssyncset.done $0x0  }
0xff: {  	s24 =	simm.s32 $0x1480;
	[sflag:s30] =	ssyncadd.s32 $0xFFFFE000  }
0x100: {  	[spmem:s2] =	stream.indirect.scatter.add.f32 [tilespmem:s23], [sflag:$0x6], $0x80, s24, s20, $0xb8;
	[tilespmem:$0x1E800] =	vst v63  }
0x101: {  	_ =	swait.ge [sflag:s1], $0x2000  }
0x102: {  	[sflag:s1] =	ssyncset.done $0x0  }
0x103: {  	[sflag:s1] =	ssyncadd.s32 $0xFFFFE000  }
0x104: {  	[tilespmem:s21], [sflag:$0x1] =	stream.indirect.gather [hbm4b:s4+s20], $0x80, s0, s20, $0xb8;
	[tilespmem:$0x1E800] =	vst v63  }
0x105: {  	_ =	swait.ge [sflag:s5], $0x2000  }
0x106: {  	[sflag:s5] =	ssyncset.done $0x0  }
0x107: {  	[sflag:s5] =	ssyncadd.s32 $0xFFFFE000  }
0x108: {  	[spmem:s2] =	stream.indirect.scatter.add.f32 [tilespmem:s25], [sflag:$0x7], $0x80, s7, s20, $0xb8;
	[tilespmem:$0x1E800] =	vst v63  }
0x109: {  	_ =	swait.ge [sflag:s8], $0x2000  }
0x10a: {  	[sflag:s8] =	ssyncset.done $0x0  }
0x10b: {  	[sflag:s8] =	ssyncadd.s32 $0xFFFFE000  }
0x10c: {  	[tilespmem:s23], [sflag:$0x2] =	stream.indirect.gather [hbm4b:s4+s20], $0x80, s9, s20, $0xb8;
	[tilespmem:$0x1E800] =	vst v63  }
0x10d: {  	_ =	swait.ge [sflag:s10], $0x2000  }
0x10e: {  	[sflag:s10] =	ssyncset.done $0x0  }
0x10f: {  	[sflag:s10] =	ssyncadd.s32 $0xFFFFE000  }
0x110: {  	[spmem:s2] =	stream.indirect.scatter.add.f32 [tilespmem:s29], [sflag:$0x8], $0x80, s11, s20, $0xb8;
	[tilespmem:$0x1E800] =	vst v63  }
0x111: {  	_ =	swait.ge [sflag:s12], $0x2000  }
0x112: {  	[sflag:s12] =	ssyncset.done $0x0  }
0x113: {  	[sflag:s12] =	ssyncadd.s32 $0xFFFFE000  }
0x114: {  	[tilespmem:s25], [sflag:$0x3] =	stream.indirect.gather [hbm4b:s4+s20], $0x80, s13, s20, $0xb8;
	[tilespmem:$0x1E800] =	vst v63  }
.LBB2_8:
0x115: {  	_ =	swait.ge [sflag:s26], $0x2000  }
0x116: {  	s3 =	sshra.s32 s16, $0x2;
	[sflag:s26] =	ssyncset.done $0x0  }
0x117: {  	s6 =	sadd.s32 $0x1600, s3;
	[sflag:s26] =	ssyncadd.s32 $0xFFFFE000  }
0x118: {  	[spmem:s2] =	stream.indirect.scatter.add.f32 [tilespmem:s21], [sflag:$0x5], $0x80, s6, s20, $0xb8;
	[tilespmem:$0x1E800] =	vst v63  }
0x119: {  	_ =	swait.ge [sflag:s14], $0x2000  }
0x11a: {  	[sflag:s14] =	ssyncset.done $0x0  }
0x11b: {  	s17 =	sadd.s32 $0x380, s3;
	[sflag:s14] =	ssyncadd.s32 $0xFFFFE000  }
0x11c: {  	[tilespmem:s29], [sflag:$0x4] =	stream.indirect.gather [hbm4b:s4+s20], $0x80, s17, s20, $0xb8;
	[tilespmem:$0x1E800] =	vst v63  }
0x11d: {  	_ =	swait.ge [sflag:s30], $0x2000  }
0x11e: {  	[sflag:s30] =	ssyncset.done $0x0  }
0x11f: {  	s22 =	sadd.s32 $0x1680, s3;
	[sflag:s30] =	ssyncadd.s32 $0xFFFFE000  }
0x120: {  	[spmem:s2] =	stream.indirect.scatter.add.f32 [tilespmem:s23], [sflag:$0x6], $0x80, s22, s20, $0xb8;
	[tilespmem:$0x1E800] =	vst v63  }
0x121: {  	_ =	swait.ge [sflag:s1], $0x2000  }
0x122: {  	p0 =	seq.s32 s16, $0x4000;
	[sflag:s1] =	ssyncset.done $0x0  }
0x123: {  	s6 =	simm.s32 @p0 $0x3;
	[sflag:s1] =	ssyncadd.s32 $0xFFFFE000  }
0x124: {  	_ =	swait.ge @p0 [sflag:s6], $0x2000  }
0x125: {  	[sflag:s6] =	ssyncset.done @p0 $0x0  }
0x126: {  	[sflag:s6] =	ssyncadd.s32 @p0 $0xFFFFE000;
	s6 =	sshra.s32 @p0 s16, $0x2  }
0x127: {  	s17 =	simm.s32 @p0 $0x40;
	s22 =	simm.s32 @p0 $0x6800;
	s6 =	sadd.s32 @p0 $0x1700, s6  }
0x128: {  	[spmem:s2] =	stream.indirect.scatter.add.f32 @p0 [tilespmem:s22], [sflag:$0x7], $0x80, s6, s17, $0xb8;
	[tilespmem:$0x1E800] =	vst v63  }
0x129: {  	s6 =	simm.s32 @p0 $0x6  }
0x12a: {  	_ =	swait.ge @p0 [sflag:s6], $0x2000  }
0x12b: {  	[sflag:s6] =	ssyncset.done @p0 $0x0  }
0x12c: {  	[sflag:s6] =	ssyncadd.s32 @p0 $0xFFFFE000;
	s6 =	sshra.s32 @!p0 s16, $0x2  }
0x12d: {  	s24 =	simm.s32 @!p0 $0x2800;
	s22 =	simm.s32 @!p0 $0x40;
	s17 =	sadd.s32 @!p0 $0x400, s6  }
0x12e: {  	[tilespmem:s24], [sflag:$0x1] =	stream.indirect.gather @!p0 [hbm4b:s4+s22], $0x80, s17, s22, $0xb8;
	[tilespmem:$0x1E800] =	vst v63  }
0x12f: {  	s17 =	simm.s32 @!p0 $0x3  }
0x130: {  	_ =	swait.ge @!p0 [sflag:s17], $0x2000  }
0x131: {  	[sflag:s17] =	ssyncset.done @!p0 $0x0  }
0x132: {  	s24 =	simm.s32 @!p0 $0x6800;
	[sflag:s17] =	ssyncadd.s32 @!p0 $0xFFFFE000;
	s17 =	sadd.s32 @!p0 $0x1700, s6  }
0x133: {  	[spmem:s2] =	stream.indirect.scatter.add.f32 @!p0 [tilespmem:s24], [sflag:$0x7], $0x80, s17, s22, $0xb8;
	[tilespmem:$0x1E800] =	vst v63  }
0x134: {  	s17 =	simm.s32 @!p0 $0x6  }
0x135: {  	_ =	swait.ge @!p0 [sflag:s17], $0x2000  }
0x136: {  	[sflag:s17] =	ssyncset.done @!p0 $0x0  }
0x137: {  	s6 =	sadd.s32 @!p0 $0x480, s6;
	[sflag:s17] =	ssyncadd.s32 @!p0 $0xFFFFE000;
	s17 =	simm.s32 @!p0 $0x4800  }
0x138: {  	[tilespmem:s17], [sflag:$0x2] =	stream.indirect.gather @!p0 [hbm4b:s4+s22], $0x80, s6, s22, $0xb8;
	[tilespmem:$0x1E800] =	vst v63  }
0x139: {  	_ =	swait.ge [sflag:s10], $0x2000  }
0x13a: {  	[sflag:s10] =	ssyncset.done $0x0  }
.Ltmp6:
0x13b: {  	s24 =	sadd.s32 $0x1780, s3;
	[sflag:s10] =	ssyncadd.s32 $0xFFFFE000;
	(pc) =	sbr.rel @p0 .LBB2_10-.Ltmp6, $4  }
0x13c: {  	[spmem:s2] =	stream.indirect.scatter.add.f32 [tilespmem:s29], [sflag:$0x8], $0x80, s24, s20, $0xb8;
	[tilespmem:$0x1E800] =	vst v63  }
0x13d: {  	_ =	swait.ge [sflag:s12], $0x2000  }
0x13e: {  	[sflag:s12] =	ssyncset.done $0x0  }
0x13f: {  	[sflag:s12] =	ssyncadd.s32 $0xFFFFE000  }
.Ltmp7:
0x140: {  	(pc) =	sbr.rel .LBB2_8-.Ltmp7, $3  }
0x141: {  	_ =	sdelay $0x1  }
0x142: {  	s3 =	sadd.s32 $0x500, s3;
	s16 =	sadd.s32 $0x800, s16  }
0x143: {  	[tilespmem:s25], [sflag:$0x3] =	stream.indirect.gather [hbm4b:s4+s20], $0x80, s3, s20, $0xb8;
	[tilespmem:$0x1E800] =	vst v63  }
.LBB2_10:
0x144: {  	_ =	swait.ge [sflag:s14], $0x2000  }
0x145: {  	[sflag:s14] =	ssyncset.done $0x0  }
0x146: {  	s16 =	simm.s32 $0x0;
	s3 =	rddreg [dreg:$0xb];
	[sflag:s14] =	ssyncadd.s32 $0xFFFFE000  }
0x147: {  	[tilespmem:s16], [sflag:$0x9] =	stream.linear.gather [hbm4b:s3+s16], $0x1400, $0x38;
	[tilespmem:$0x1E800] =	vst v63  }
0x148: {  	_ =	swait.ge [sflag:s18], $0x1400  }
0x149: {  	[sflag:s18] =	ssyncset.done $0x0  }
0x14a: {  	s24 =	rddreg [dreg:$0xc];
	[sflag:s18] =	ssyncadd.s32 $0xFFFFEC00  }
0x14b: {  	[tilespmem:s19], [sflag:$0x9] =	stream.linear.gather [hbm4b:s24+s16], $0x1400, $0x38;
	[tilespmem:$0x1E800] =	vst v63  }
0x14c: {  	_ =	swait.ge [sflag:s18], $0x1400  }
0x14d: {  	[sflag:s18] =	ssyncset.done $0x0  }
0x14e: {  	[sflag:s18] =	ssyncadd.s32 $0xFFFFEC00  }
0x14f: {  	[tilespmem:s21], [sflag:$0x1] =	stream.indirect.gather [hbm4b:s4+s20], $0x80, s16, s20, $0xb8;
	[tilespmem:$0x1E800] =	vst v63  }
0x150: {  	s6 =	simm.s32 $0x80  }
0x151: {  	[tilespmem:s23], [sflag:$0x2] =	stream.indirect.gather [hbm4b:s4+s20], $0x80, s6, s20, $0xb8;
	[tilespmem:$0x1E800] =	vst v63  }
0x152: {  	s17 =	simm.s32 $0x100  }
0x153: {  	[tilespmem:s25], [sflag:$0x3] =	stream.indirect.gather [hbm4b:s4+s20], $0x80, s17, s20, $0xb8;
	[tilespmem:$0x1E800] =	vst v63  }
0x154: {  	_ =	swait.ge [sflag:s26], $0x2000  }
0x155: {  	[sflag:s26] =	ssyncset.done $0x0  }
0x156: {  	[sflag:s26] =	ssyncadd.s32 $0xFFFFE000  }
0x157: {  	[spmem:s2] =	stream.indirect.scatter.add.f32 [tilespmem:s21], [sflag:$0x5], $0x80, s19, s20, $0xb8;
	[tilespmem:$0x1E800] =	vst v63  }
0x158: {  	s22 =	simm.s32 $0x180  }
0x159: {  	[tilespmem:s29], [sflag:$0x4] =	stream.indirect.gather [hbm4b:s4+s20], $0x80, s22, s20, $0xb8;
	[tilespmem:$0x1E800] =	vst v63  }
0x15a: {  	_ =	swait.ge [sflag:s30], $0x2000  }
0x15b: {  	[sflag:s30] =	ssyncset.done $0x0  }
0x15c: {  	s24 =	simm.s32 $0x1480;
	[sflag:s30] =	ssyncadd.s32 $0xFFFFE000  }
0x15d: {  	[spmem:s2] =	stream.indirect.scatter.add.f32 [tilespmem:s23], [sflag:$0x6], $0x80, s24, s20, $0xb8;
	[tilespmem:$0x1E800] =	vst v63  }
0x15e: {  	_ =	swait.ge [sflag:s1], $0x2000  }
0x15f: {  	[sflag:s1] =	ssyncset.done $0x0  }
0x160: {  	[sflag:s1] =	ssyncadd.s32 $0xFFFFE000  }
0x161: {  	[tilespmem:s21], [sflag:$0x1] =	stream.indirect.gather [hbm4b:s4+s20], $0x80, s0, s20, $0xb8;
	[tilespmem:$0x1E800] =	vst v63  }
0x162: {  	_ =	swait.ge [sflag:s5], $0x2000  }
0x163: {  	[sflag:s5] =	ssyncset.done $0x0  }
0x164: {  	[sflag:s5] =	ssyncadd.s32 $0xFFFFE000  }
0x165: {  	[spmem:s2] =	stream.indirect.scatter.add.f32 [tilespmem:s25], [sflag:$0x7], $0x80, s7, s20, $0xb8;
	[tilespmem:$0x1E800] =	vst v63  }
0x166: {  	_ =	swait.ge [sflag:s8], $0x2000  }
0x167: {  	[sflag:s8] =	ssyncset.done $0x0  }
0x168: {  	[sflag:s8] =	ssyncadd.s32 $0xFFFFE000  }
0x169: {  	[tilespmem:s23], [sflag:$0x2] =	stream.indirect.gather [hbm4b:s4+s20], $0x80, s9, s20, $0xb8;
	[tilespmem:$0x1E800] =	vst v63  }
0x16a: {  	_ =	swait.ge [sflag:s10], $0x2000  }
0x16b: {  	[sflag:s10] =	ssyncset.done $0x0  }
0x16c: {  	[sflag:s10] =	ssyncadd.s32 $0xFFFFE000  }
0x16d: {  	[spmem:s2] =	stream.indirect.scatter.add.f32 [tilespmem:s29], [sflag:$0x8], $0x80, s11, s20, $0xb8;
	[tilespmem:$0x1E800] =	vst v63  }
0x16e: {  	_ =	swait.ge [sflag:s12], $0x2000  }
0x16f: {  	[sflag:s12] =	ssyncset.done $0x0  }
0x170: {  	[sflag:s12] =	ssyncadd.s32 $0xFFFFE000  }
0x171: {  	[tilespmem:s25], [sflag:$0x3] =	stream.indirect.gather [hbm4b:s4+s20], $0x80, s13, s20, $0xb8;
	[tilespmem:$0x1E800] =	vst v63  }
.LBB2_11:
0x172: {  	_ =	swait.ge [sflag:s26], $0x2000  }
0x173: {  	s3 =	sshra.s32 s16, $0x2;
	[sflag:s26] =	ssyncset.done $0x0  }
0x174: {  	s6 =	sadd.s32 $0x1600, s3;
	[sflag:s26] =	ssyncadd.s32 $0xFFFFE000  }
0x175: {  	[spmem:s2] =	stream.indirect.scatter.add.f32 [tilespmem:s21], [sflag:$0x5], $0x80, s6, s20, $0xb8;
	[tilespmem:$0x1E800] =	vst v63  }
0x176: {  	_ =	swait.ge [sflag:s14], $0x2000  }
0x177: {  	[sflag:s14] =	ssyncset.done $0x0  }
0x178: {  	s17 =	sadd.s32 $0x380, s3;
	[sflag:s14] =	ssyncadd.s32 $0xFFFFE000  }
0x179: {  	[tilespmem:s29], [sflag:$0x4] =	stream.indirect.gather [hbm4b:s4+s20], $0x80, s17, s20, $0xb8;
	[tilespmem:$0x1E800] =	vst v63  }
0x17a: {  	_ =	swait.ge [sflag:s30], $0x2000  }
0x17b: {  	[sflag:s30] =	ssyncset.done $0x0  }
0x17c: {  	s22 =	sadd.s32 $0x1680, s3;
	[sflag:s30] =	ssyncadd.s32 $0xFFFFE000  }
0x17d: {  	[spmem:s2] =	stream.indirect.scatter.add.f32 [tilespmem:s23], [sflag:$0x6], $0x80, s22, s20, $0xb8;
	[tilespmem:$0x1E800] =	vst v63  }
0x17e: {  	_ =	swait.ge [sflag:s1], $0x2000  }
0x17f: {  	p0 =	seq.s32 s16, $0x4000;
	[sflag:s1] =	ssyncset.done $0x0  }
0x180: {  	s6 =	simm.s32 @p0 $0x3;
	[sflag:s1] =	ssyncadd.s32 $0xFFFFE000  }
0x181: {  	_ =	swait.ge @p0 [sflag:s6], $0x2000  }
0x182: {  	[sflag:s6] =	ssyncset.done @p0 $0x0  }
0x183: {  	[sflag:s6] =	ssyncadd.s32 @p0 $0xFFFFE000;
	s6 =	sshra.s32 @p0 s16, $0x2  }
0x184: {  	s17 =	simm.s32 @p0 $0x40;
	s22 =	simm.s32 @p0 $0x6800;
	s6 =	sadd.s32 @p0 $0x1700, s6  }
0x185: {  	[spmem:s2] =	stream.indirect.scatter.add.f32 @p0 [tilespmem:s22], [sflag:$0x7], $0x80, s6, s17, $0xb8;
	[tilespmem:$0x1E800] =	vst v63  }
0x186: {  	s6 =	simm.s32 @p0 $0x6  }
0x187: {  	_ =	swait.ge @p0 [sflag:s6], $0x2000  }
0x188: {  	[sflag:s6] =	ssyncset.done @p0 $0x0  }
0x189: {  	[sflag:s6] =	ssyncadd.s32 @p0 $0xFFFFE000;
	s6 =	sshra.s32 @!p0 s16, $0x2  }
0x18a: {  	s24 =	simm.s32 @!p0 $0x2800;
	s22 =	simm.s32 @!p0 $0x40;
	s17 =	sadd.s32 @!p0 $0x400, s6  }
0x18b: {  	[tilespmem:s24], [sflag:$0x1] =	stream.indirect.gather @!p0 [hbm4b:s4+s22], $0x80, s17, s22, $0xb8;
	[tilespmem:$0x1E800] =	vst v63  }
0x18c: {  	s17 =	simm.s32 @!p0 $0x3  }
0x18d: {  	_ =	swait.ge @!p0 [sflag:s17], $0x2000  }
0x18e: {  	[sflag:s17] =	ssyncset.done @!p0 $0x0  }
0x18f: {  	s24 =	simm.s32 @!p0 $0x6800;
	[sflag:s17] =	ssyncadd.s32 @!p0 $0xFFFFE000;
	s17 =	sadd.s32 @!p0 $0x1700, s6  }
0x190: {  	[spmem:s2] =	stream.indirect.scatter.add.f32 @!p0 [tilespmem:s24], [sflag:$0x7], $0x80, s17, s22, $0xb8;
	[tilespmem:$0x1E800] =	vst v63  }
0x191: {  	s17 =	simm.s32 @!p0 $0x6  }
0x192: {  	_ =	swait.ge @!p0 [sflag:s17], $0x2000  }
0x193: {  	[sflag:s17] =	ssyncset.done @!p0 $0x0  }
0x194: {  	s6 =	sadd.s32 @!p0 $0x480, s6;
	[sflag:s17] =	ssyncadd.s32 @!p0 $0xFFFFE000;
	s17 =	simm.s32 @!p0 $0x4800  }
0x195: {  	[tilespmem:s17], [sflag:$0x2] =	stream.indirect.gather @!p0 [hbm4b:s4+s22], $0x80, s6, s22, $0xb8;
	[tilespmem:$0x1E800] =	vst v63  }
0x196: {  	_ =	swait.ge [sflag:s10], $0x2000  }
0x197: {  	[sflag:s10] =	ssyncset.done $0x0  }
.Ltmp8:
0x198: {  	s24 =	sadd.s32 $0x1780, s3;
	[sflag:s10] =	ssyncadd.s32 $0xFFFFE000;
	(pc) =	sbr.rel @p0 .LBB2_13-.Ltmp8, $4  }
0x199: {  	[spmem:s2] =	stream.indirect.scatter.add.f32 [tilespmem:s29], [sflag:$0x8], $0x80, s24, s20, $0xb8;
	[tilespmem:$0x1E800] =	vst v63  }
0x19a: {  	_ =	swait.ge [sflag:s12], $0x2000  }
0x19b: {  	[sflag:s12] =	ssyncset.done $0x0  }
0x19c: {  	[sflag:s12] =	ssyncadd.s32 $0xFFFFE000  }
.Ltmp9:
0x19d: {  	(pc) =	sbr.rel .LBB2_11-.Ltmp9, $3  }
0x19e: {  	_ =	sdelay $0x1  }
0x19f: {  	s3 =	sadd.s32 $0x500, s3;
	s16 =	sadd.s32 $0x800, s16  }
0x1a0: {  	[tilespmem:s25], [sflag:$0x3] =	stream.indirect.gather [hbm4b:s4+s20], $0x80, s3, s20, $0xb8;
	[tilespmem:$0x1E800] =	vst v63  }
.LBB2_14:
0x1a1: {  	_ =	sfence.sel $0x180000  }
0x1a2: {  	[bflag:$0x0] =	sbarrier.arrive $0xFFFF  }
0x1a3: {  	_ =	strace $0x9000004D  }
0x1a4: {  	s0 =	stileid.u32;
	[bflag:$0x2] =	sbarrier.arrive $0xFFFF  }
0x1a5: {  	p0 =	sne.s32 s0, $0x0;
	s0 =	rddreg [dreg:$0x3]  }
0x1a6: {  	s0 =	sadd.s32 @!p0 $0x100000, s0  }
0x1a7: {  	[sflag:s0] =	ssyncadd.tile.s32 @!p0 $0x1;
	_ =	shalt  }
.Lfunc_end2:
_tile_overlayer_lowered:
.L_overlay_start_2:
0x1a8: {  	(tag) =	ssettag $0x2  }
0x1a9: {  	s0 =	rddreg [dreg:$0x0];
	s2 =	stileid.u32  }
0x1aa: {  	s1 =	rddreg [dreg:$0x1];
	p0 =	sne.s32 s2, $0x0  }
0x1ab: {  	s3 =	rddreg [dreg:$0x2];
	[bflag:$0x3] =	sbarrier.arrive $0xFFFF;
	s2 =	simm.s32 @!p0 $0x1C09  }
0x1ac: {  	[timem:s3], [sflag:s2] =	dma.local @!p0 [hbm:s0], s1  }
0x1ad: {  	s0 =	simm.s32 @!p0 $0x9  }
0x1ae: {  	_ =	swait.ge @!p0 [sflag:s0], s1  }
0x1af: {  	s1 =	ssub.s32 @!p0 $0x0, s1;
	[sflag:s0] =	ssyncset.done @!p0 $0x0  }
0x1b0: {  	[sflag:s0] =	ssyncadd.s32 @!p0 s1  }
0x1b1: {  	[bflag:$0x3] =	sbarrier.arrive $0xFFFF  }
0x1b2: {  	_ =	shalt  }

// kernel: kernel.8.cloned.1.call-start
scs
__scs_entry_jumppad:
0x0: {  	(pc) =	sbr.rel $0x88, $3  }
0x1: {  	(tag) =	ssettag $0x0;
	lr =	simm.s32 $0x1  }
0x2: {  	[smem:$0x3F9B] =	sst lr;
	_ =	strace $0xD0000000  }
0x3: {  	_ = 	snop  }
0x4: {  	_ = 	snop  }
0x5: {  	_ = 	snop  }
0x6: {  	_ = 	snop  }
0x7: {  	_ = 	snop  }
__scs_overlays_trampoline_lowered:
0x8: {  	[smem:$0x3FAA] =	sst s0  }
0x9: {  	[smem:$0x3FAB] =	sst s1  }
0xa: {  	[smem:$0x3FAC] =	sst s2  }
0xb: {  	[smem:$0x3FAD] =	sst s3  }
0xc: {  	[smem:$0x3FAE] =	sst s4  }
0xd: {  	[smem:$0x3FAF] =	sst s5  }
0xe: {  	[smem:$0x3FB0] =	sst s6  }
0xf: {  	[smem:$0x3FB1] =	sst s7  }
0x10: {  	[smem:$0x3FB2] =	sst s8  }
0x11: {  	[smem:$0x3FB3] =	sst s9;
	s0 =	simm.s32 @!p0 $0x0  }
0x12: {  	s1 =	sld [smem:$0x3F99];
	s0 =	simm.s32 @p0 $0x1  }
0x13: {  	[smem:$0x3FB4] =	sst s0;
	s0 =	simm.s32 @!p1 $0x0  }
0x14: {  	s2 =	sld [smem:$0x3F98];
	s0 =	simm.s32 @p1 $0x1  }
0x15: {  	[smem:$0x3FB5] =	sst s0;
	s0 =	simm.s32 @!p2 $0x0  }
0x16: {  	s3 =	sld [smem:$0x3FDB];
	s0 =	simm.s32 @p2 $0x1  }
0x17: {  	s4 =	simm.s32 $0x1BF5;
	[smem:$0x3FB7] =	sst s0  }
0x18: {  	s0 =	sld [smem:$0x3F9A];
	_ =	swait.ge [sflag:s4], $0x0  }
0x19: {  	s7 =	sld [smem:$0x3F9B]  }
0x1a: {  	s8 =	sadd.s32 $0xFFFFE003, lr  }
0x1b: {  	s9 =	sadd.s32 $0xFFFFFEF7, lr;
	s5 =	simm.s32 $0xFFFFFFFF;
	p2 =	slt.u32 s8, $0xFFFFF086  }
0x1c: {  	p1 =	slt.u32 s9, $0xF7A;
	s5 =	simm.s32 @!p2 $0x0  }
0x1d: {  	s5 =	simm.s32 @p1 $0x1;
	p0 =	seq.s32 s7, s2  }
0x1e: {  	s7 =	smul.u32 @!p0 $0xF7A, s2;
	p2 =	seq.s32 @!p0 s5, $0x0  }
0x1f: {  	s9 =	smul.u32 $0xF7A, s1;
	s8 =	simm.s32 @!p0 $0x1BF5;
	p2 =	por !p2, p0  }
0x20: {  	[sflag:s8] =	ssyncset.s32 @!p0 $0xFFFFF086;
	s6 =	sadd.s32 @!p0 s3, s7;
	s7 =	simm.s32 @!p0 $0x108  }
0x21: {  	s3 =	sadd.s32 s3, s9;
	s6 =	sadd.s32 @!p0 $0x88, s6;
	s7 =	simm.s32 @p2 $0x1082  }
0x22: {  	[simem:s7], [sflag:s8] =	dma.local @!p0 [hbm:s6], $0xF7A  }
0x23: {  	s9 =	sor.u32 $0xD0000000, s2;
	s6 =	simm.s32 $0x108;
	_ =	swait.ge @!p0 [sflag:s8], $0x0  }
0x24: {  	s3 =	sadd.s32 $0x88, s3;
	s6 =	simm.s32 @!p1 $0x1082;
	[sflag:s4] =	ssyncset.s32 $0xFFFFF086  }
0x25: {  	[simem:s6], [sflag:s4] =	dma.local [hbm:s3], $0xF7A  }
0x26: {  	[smem:$0x3F9B] =	sst s1;
	(tag) =	ssettag s2;
	_ =	strace s9  }
0x27: {  	s1 =	sld [smem:$0x3FAB]  }
0x28: {  	s2 =	sld [smem:$0x3FAC]  }
0x29: {  	s4 =	sld [smem:$0x3FAE]  }
0x2a: {  	p0 =	seq.s32 s5, $0x0;
	s5 =	sld [smem:$0x3FAF]  }
0x2b: {  	s6 =	sld [smem:$0x3FB0]  }
0x2c: {  	s7 =	sld [smem:$0x3FB1]  }
0x2d: {  	s3 =	simm.s32 $0x108;
	s8 =	sld [smem:$0x3FB2]  }
0x2e: {  	s3 =	simm.s32 @!p0 $0x1082;
	s9 =	sld [smem:$0x3FB3]  }
0x2f: {  	lr =	sadd.s32 s0, s3;
	s0 =	sld [smem:$0x3FAA]  }
0x30: {  	s3 =	sld [smem:$0x3FAD]  }
0x31: {  	[smem:$0x3FB6] =	sst s10  }
0x32: {  	s10 =	sld [smem:$0x3FB4];
	_ =	sdelay $0x3  }
0x33: {  	p0 =	seq.s32 s10, $0x1;
	s10 =	sld [smem:$0x3FB6];
	_ =	sdelay $0x3  }
0x34: {  	[smem:$0x3FB6] =	sst s10  }
0x35: {  	s10 =	sld [smem:$0x3FB5];
	_ =	sdelay $0x3  }
0x36: {  	p1 =	seq.s32 s10, $0x1;
	s10 =	sld [smem:$0x3FB6];
	_ =	sdelay $0x3  }
0x37: {  	[smem:$0x3FB6] =	sst s10  }
0x38: {  	s10 =	sld [smem:$0x3FB7]  }
0x39: {  	_ = 	snop;
	(pc) =	sbr.ind lr, $3  }
0x3a: {  	_ = 	snop  }
0x3b: {  	_ = 	snop  }
0x3c: {  	p2 =	seq.s32 s10, $0x1;
	s10 =	sld [smem:$0x3FB6]  }
0x3d: {  	_ =	shalt  }
0x3e: {  	_ =	shalt  }
0x3f: {  	_ =	shalt  }
0x40: {  	_ =	shalt  }
0x41: {  	_ =	shalt  }
0x42: {  	_ =	shalt  }
0x43: {  	_ =	shalt  }
0x44: {  	_ =	shalt  }
0x45: {  	_ =	shalt  }
0x46: {  	_ =	shalt  }
0x47: {  	_ =	shalt  }
0x48: {  	_ =	shalt  }
0x49: {  	_ =	shalt  }
0x4a: {  	_ =	shalt  }
0x4b: {  	_ =	shalt  }
0x4c: {  	_ =	shalt  }
0x4d: {  	_ =	shalt  }
0x4e: {  	_ =	shalt  }
0x4f: {  	_ =	shalt  }
0x50: {  	_ =	shalt  }
0x51: {  	_ =	shalt  }
0x52: {  	_ =	shalt  }
0x53: {  	_ =	shalt  }
0x54: {  	_ =	shalt  }
0x55: {  	_ =	shalt  }
0x56: {  	_ =	shalt  }
0x57: {  	_ =	shalt  }
0x58: {  	_ =	shalt  }
0x59: {  	_ =	shalt  }
0x5a: {  	_ =	shalt  }
0x5b: {  	_ =	shalt  }
0x5c: {  	_ =	shalt  }
0x5d: {  	_ =	shalt  }
0x5e: {  	_ =	shalt  }
0x5f: {  	_ =	shalt  }
0x60: {  	_ =	shalt  }
0x61: {  	_ =	shalt  }
0x62: {  	_ =	shalt  }
0x63: {  	_ =	shalt  }
0x64: {  	_ =	shalt  }
0x65: {  	_ =	shalt  }
0x66: {  	_ =	shalt  }
0x67: {  	_ =	shalt  }
0x68: {  	_ =	shalt  }
0x69: {  	_ =	shalt  }
0x6a: {  	_ =	shalt  }
0x6b: {  	_ =	shalt  }
0x6c: {  	_ =	shalt  }
0x6d: {  	_ =	shalt  }
0x6e: {  	_ =	shalt  }
0x6f: {  	_ =	shalt  }
0x70: {  	_ =	shalt  }
0x71: {  	_ =	shalt  }
0x72: {  	_ =	shalt  }
0x73: {  	_ =	shalt  }
0x74: {  	_ =	shalt  }
0x75: {  	_ =	shalt  }
0x76: {  	_ =	shalt  }
0x77: {  	_ =	shalt  }
0x78: {  	_ =	shalt  }
0x79: {  	_ =	shalt  }
0x7a: {  	_ =	shalt  }
0x7b: {  	_ =	shalt  }
0x7c: {  	_ =	shalt  }
0x7d: {  	_ =	shalt  }
0x7e: {  	_ =	shalt  }
0x7f: {  	_ =	shalt  }
0x80: {  	_ =	shalt  }
0x81: {  	_ =	shalt  }
0x82: {  	_ =	shalt  }
0x83: {  	_ =	shalt  }
0x84: {  	_ =	shalt  }
0x85: {  	_ =	shalt  }
0x86: {  	_ =	shalt  }
0x87: {  	_ =	shalt  }
.Lfunc_end0:
.L_simem_size_0:
called_computation_lowered:
.L_overlay_start_0:
0x88: {  	s2 =	sld [smem:$0x3FD9]  }
0x89: {  	s3 =	sld [smem:$0x3FFE];
	_ =	sdelay $0x1  }
0x8a: {  	s1 =	srdreg.scid  }
0x8b: {  	s0 =	sand.u32 $0x1, s1  }
0x8c: {  	s17 =	sshll.u32 s0, $0xA;
	s2 =	sadd.s32 s3, s2  }
0x8d: {  	s2 =	sadd.s32 s2, s17  }
0x8e: {  	[smem:$0x3FC2] =	sst s2  }
0x8f: {  	_ = 	snop  }
0x90: {  	s2 =	sld [smem:$0x3FD0];
	(tm) =	ssettm $0x1  }
0x91: {  	s18 =	sld [smem:$0x3FFB];
	_ =	sdelay $0x3  }
0x92: {  	_ =	strace s18  }
0x93: {  	s3 =	sld [smem:$0x3FFC];
	_ =	sdelay $0x3  }
0x94: {  	_ =	strace s3  }
0x95: {  	s3 =	sld [smem:$0x3FFD];
	_ =	sdelay $0x3  }
0x96: {  	_ =	strace s3  }
0x97: {  	_ =	strace $0x8FFFFFFF  }
0x98: {  	s19 =	sld [smem:$0x3FDB];
	_ =	sdelay $0x1  }
0x99: {  	s4 =	simm.s32 $_scs_section_size  }
0x9a: {  	s5 =	simm.s32 $_size__tile_overlayer_lowered;
	s6 =	simm.s32 $_tile_overlayer_lowered  }
0x9b: {  	s22 =	simm.s32 $0x1BFF;
	s21 =	sshll.u32 s6, $0x1;
	s3 =	sadd.s32 s4, s19  }
0x9c: {  	s7 =	simm.s32 $0x0;
	s20 =	sshll.u32 s5, $0x1;
	s5 =	sadd.s32 s21, s3  }
0x9d: {  	[timem:s7], [sflag:s22] =	dma.local [hbm:s5], s20  }
0x9e: {  	_ =	swait.ge [sflag:s22], s20  }
0x9f: {  	s4 =	ssub.s32 $0x0, s20;
	[sflag:s22] =	ssyncset.done $0x0  }
0xa0: {  	[sflag:s22] =	ssyncadd.s32 s4;
	_ =	sdelay $0x1  }
0xa1: {  	s23 =	simm.s32 $0x1B8B  }
0xa2: {  	_ =	swait.ge [sflag:s23], $0x1  }
0xa3: {  	[sflag:s23] =	ssyncset.done $0x0  }
0xa4: {  	s25 =	simm.s32 $0x1B8E;
	s24 =	sld [smem:$0x3FFE];
	[sflag:s23] =	ssyncadd.s32 $0xFFFFFFFF  }
0xa5: {  	s26 =	simm.s32 $execute0_lowered;
	[smem:$0x3FD2] =	sst s25  }
0xa6: {  	s5 =	sshll.u32 s26, $0x1;
	_ =	strace $0x80000046;
	[dreg:$0x1] =	wrdreg $0xFFFFFFFF  }
0xa7: {  	s28 =	simm.s32 $_size_execute0_lowered;
	s3 =	sadd.s32 s3, s5;
	[dreg:$0x0] =	wrdreg $0x0  }
0xa8: {  	s5 =	sshll.u32 s28, $0x1;
	[dreg:$0x2] =	wrdreg s3  }
0xa9: {  	[dreg:$0x3] =	wrdreg s5  }
0xaa: {  	[dreg:$0x4] =	wrdreg $0xC0  }
0xab: {  	_ =	task [dreg:s7], $0x5FFFF  }
0xac: {  	[dreg:$0x1] =	wrdreg $0xFFFFFFFF  }
0xad: {  	[dreg:$0x0] =	wrdreg $0x60  }
0xae: {  	[dreg:$0x2] =	wrdreg s2  }
0xaf: {  	[dreg:$0x3] =	wrdreg s24  }
0xb0: {  	[dreg:$0x4] =	wrdreg $0x70000  }
0xb1: {  	[dreg:$0x5] =	wrdreg $0x9  }
0xb2: {  	_ =	task.clear_ibuf [dreg:s7], $0x6FFFF;
	_ =	strace $0x90000046  }
0xb3: {  	s29 =	simm.s32 $0x9;
	_ =	strace $0x80000048  }
0xb4: {  	_ =	swait.ge [sflag:s29], $0x1  }
0xb5: {  	[sflag:s29] =	ssyncadd.s32 $0xFFFFFFFF  }
0xb6: {  	_ =	strace $0x90000048  }
0xb7: {  	_ =	sfence  }
0xb8: {  	s30 =	sld [smem:$0x0];
	_ =	sdelay $0x2  }
0xb9: {  	s31 =	sshll.u32 s1, $0xD;
	s1 =	sshrl.u32 s1, $0x2  }
0xba: {  	s3 =	sand.u32 $0x4000, s31;
	s1 =	sadd.s32 s1, s30  }
0xbb: {  	s0 =	sor.u32 s3, s0;
	s1 =	sshll.u32 s1, $0x11  }
0xbc: {  	s0 =	sor.u32 s1, s0  }
0xbd: {  	s0 =	sadd.s32 $0x8F2B, s0  }
0xbe: {  	[sflag:s0] =	ssyncadd.remote.s32 $0x1  }
0xbf: {  	_ =	sfence.sel $0xFFFF  }
0xc0: {  	[dreg:$0x0] =	wrdreg $0xFFFFFFFF;
	(pc) =	sbr.abs _section_cstart, $3  }
0xc1: {  	[dreg:$0x1] =	wrdreg $0xFFFFFFFF  }
0xc2: {  	_ =	task.clear_ibuf [dreg:s7], $0x2FFFF;
	_ =	strace $0x9FFFFFFF  }
0xc3: {  	(tm) =	ssettm $0x7FFFFFFF  }
tec
execute0_lowered:
.L_overlay_start_1:
0x0: {  	(tag) =	ssettag $0x1  }
0x1: {  	s14 =	rddreg [dreg:$0x0]  }
0x2: {  	s4 =	rddreg [dreg:$0x1]  }
0x3: {  	s0 =	srdreg.scid;
	s2 =	rddreg [dreg:$0x2]  }
0x4: {  	s1 =	rddreg [dreg:$0x3];
	s5 =	sand.u32 $0x1, s0  }
0x5: {  	s3 =	simm.s32 $0x0;
	s0 =	stileid.u32;
	s6 =	smul.u32 $0x140000, s5  }
0x6: {  	s18 =	simm.s32 $0x1;
	[smem:$0x7FF] =	sst s3;
	s7 =	smul.u32 $0x14000, s0  }
0x7: {  	s19 =	simm.s32 $0x40;
	s28 =	smul.u32 $0x50000, s0;
	_ =	strace $0x80000047  }
0x8: {  	s29 =	ssub.s32 $0x2, s5;
	s5 =	sshll.u32 s5, $0x4;
	s20 =	sshll.u32 s0, $0x6  }
0x9: {  	s31 =	sshrl.u32 s29, $0x1;
	s11 =	sor.u32 s0, s5;
	s20 =	sor.u32 $0x1C01, s20  }
0xa: {  	s6 =	sadd.s32 s7, s6;
	s16 =	ssub.s32 s29, s31;
	s17 =	smul.u32 $0xA00, s11  }
0xb: {  	s30 =	sshrl.u32 s28, $0x2;
	s6 =	sshrl.u32 s6, $0x3;
	s16 =	smax.u32 s16, $0x1  }
0xc: {  	s15 =	sadd.s32 s6, s4;
	s4 =	sadd.s32 s30, s2;
	s14 =	sadd.s32 s14, s17  }
0xd: {  	s17 =	simm.s32 $0x5000;
	s5 =	sadd.s32 $0x2000, s4;
	s6 =	sadd.s32 $0x4000, s4  }
0xe: {  	s7 =	sadd.s32 $0x6000, s4;
	s8 =	sadd.s32 $0x8000, s4;
	s9 =	sadd.s32 $0xA000, s4  }
0xf: {  	s10 =	sadd.s32 $0xC000, s4;
	s11 =	sadd.s32 $0xE000, s4;
	s12 =	sadd.s32 $0x10000, s4  }
0x10: {  	v0 =	vimm.f32 $1.000000000e+00;
	s13 =	sadd.s32 $0x12000, s4;
	s15 =	sadd.s32 $0x2200, s15;
	s21 =	sshrl.u32 s4, $0x3  }
.LBB2_1:
0x11: {  	s22 =	simm.s32 $0x200;
	s23 =	simm.s32 $0x0  }
.LBB2_2:
0x12: {  	p0 =	sne.s32 s22, $0x7E00;
	[tilespmem:s23+$0x5000] =	vst v0;
	s23 =	smov.u32 s22;
	s22 =	sadd.s32 $0x200, s22  }
.Ltmp0:
0x13: {  	(pc) =	sbr.rel @p0 .LBB2_2-.Ltmp0, $2  }
0x14: {  	_ =	sdelay $0x2  }
0x15: {  	s23 =	sshra.s32 s23, $0x2  }
0x16: {  	[tilespmem:s23+$0x5000] =	vst v0  }
0x17: {  	[spmem:s4] =	stream.linear.scatter [tilespmem:s17], [sflag:$0x1], $0x2000, $0x38;
	[tilespmem:$0x9800] =	vst v63  }
0x18: {  	_ =	swait.ge [sflag:s18], $0x2000  }
0x19: {  	[sflag:s18] =	ssyncset.done $0x0  }
0x1a: {  	[sflag:s18] =	ssyncadd.s32 $0xFFFFE000  }
0x1b: {  	[spmem:s5] =	stream.linear.scatter [tilespmem:s17], [sflag:$0x1], $0x2000, $0x38;
	[tilespmem:$0x9800] =	vst v63  }
0x1c: {  	_ =	swait.ge [sflag:s18], $0x2000  }
0x1d: {  	[sflag:s18] =	ssyncset.done $0x0  }
0x1e: {  	[sflag:s18] =	ssyncadd.s32 $0xFFFFE000  }
0x1f: {  	[spmem:s6] =	stream.linear.scatter [tilespmem:s17], [sflag:$0x1], $0x2000, $0x38;
	[tilespmem:$0x9800] =	vst v63  }
0x20: {  	_ =	swait.ge [sflag:s18], $0x2000  }
0x21: {  	[sflag:s18] =	ssyncset.done $0x0  }
0x22: {  	[sflag:s18] =	ssyncadd.s32 $0xFFFFE000  }
0x23: {  	[spmem:s7] =	stream.linear.scatter [tilespmem:s17], [sflag:$0x1], $0x2000, $0x38;
	[tilespmem:$0x9800] =	vst v63  }
0x24: {  	_ =	swait.ge [sflag:s18], $0x2000  }
0x25: {  	[sflag:s18] =	ssyncset.done $0x0  }
0x26: {  	[sflag:s18] =	ssyncadd.s32 $0xFFFFE000  }
0x27: {  	[spmem:s8] =	stream.linear.scatter [tilespmem:s17], [sflag:$0x1], $0x2000, $0x38;
	[tilespmem:$0x9800] =	vst v63  }
0x28: {  	_ =	swait.ge [sflag:s18], $0x2000  }
0x29: {  	[sflag:s18] =	ssyncset.done $0x0  }
0x2a: {  	[sflag:s18] =	ssyncadd.s32 $0xFFFFE000  }
0x2b: {  	[spmem:s9] =	stream.linear.scatter [tilespmem:s17], [sflag:$0x1], $0x2000, $0x38;
	[tilespmem:$0x9800] =	vst v63  }
0x2c: {  	_ =	swait.ge [sflag:s18], $0x2000  }
0x2d: {  	[sflag:s18] =	ssyncset.done $0x0  }
0x2e: {  	[sflag:s18] =	ssyncadd.s32 $0xFFFFE000  }
0x2f: {  	[spmem:s10] =	stream.linear.scatter [tilespmem:s17], [sflag:$0x1], $0x2000, $0x38;
	[tilespmem:$0x9800] =	vst v63  }
0x30: {  	_ =	swait.ge [sflag:s18], $0x2000  }
0x31: {  	[sflag:s18] =	ssyncset.done $0x0  }
0x32: {  	[sflag:s18] =	ssyncadd.s32 $0xFFFFE000  }
0x33: {  	[spmem:s11] =	stream.linear.scatter [tilespmem:s17], [sflag:$0x1], $0x2000, $0x38;
	[tilespmem:$0x9800] =	vst v63  }
0x34: {  	_ =	swait.ge [sflag:s18], $0x2000  }
0x35: {  	[sflag:s18] =	ssyncset.done $0x0  }
0x36: {  	[sflag:s18] =	ssyncadd.s32 $0xFFFFE000  }
0x37: {  	[spmem:s12] =	stream.linear.scatter [tilespmem:s17], [sflag:$0x1], $0x2000, $0x38;
	[tilespmem:$0x9800] =	vst v63  }
0x38: {  	_ =	swait.ge [sflag:s18], $0x2000  }
0x39: {  	[sflag:s18] =	ssyncset.done $0x0  }
0x3a: {  	[sflag:s18] =	ssyncadd.s32 $0xFFFFE000  }
0x3b: {  	[spmem:s13] =	stream.linear.scatter [tilespmem:s17], [sflag:$0x1], $0x2000, $0x38;
	[tilespmem:$0x9800] =	vst v63  }
0x3c: {  	_ =	swait.ge [sflag:s18], $0x2000  }
0x3d: {  	[sflag:s18] =	ssyncset.done $0x0  }
0x3e: {  	s22 =	simm.s32 $0x0;
	[sflag:s18] =	ssyncadd.s32 $0xFFFFE000  }
0x3f: {  	[tilespmem:s22], [sflag:$0x1] =	stream.linear.gather [hbm4b:s14+s22], $0x5000, $0x38;
	[tilespmem:$0x9800] =	vst v63  }
0x40: {  	_ =	swait.ge [sflag:s18], $0x5000  }
0x41: {  	[sflag:s18] =	ssyncset.done $0x0  }
0x42: {  	[sflag:s18] =	ssyncadd.s32 $0xFFFFB000  }
0x43: {  	s31 =	simm.s32 $0x0;
	[bflag:$0x0] =	sbarrier.arrive $0xFFFF  }
0x44: {  	[spmem:s2] =	stream.indirect.scatter.add.f32 [tilespmem:s17], [sflag:$0x1], $0x10, s31, s19, $0xb8;
	[tilespmem:$0x9800] =	vst v63  }
0x45: {  	_ =	swait.ge [sflag:s18], $0x400  }
0x46: {  	s22 =	simm.s32 $0x200;
	[sflag:s18] =	ssyncset.done $0x0  }
.LBB2_4:
0x47: {  	s23 =	sshra.s32 s22, $0x2;
	[sflag:s18] =	ssyncadd.s32 $0xFFFFFC00;
	p0 =	sne.s32 s22, $0x13E00  }
0x48: {  	[spmem:s2] =	stream.indirect.scatter.add.f32 [tilespmem:s17], [sflag:$0x1], $0x10, s23, s19, $0xb8;
	[tilespmem:$0x9800] =	vst v63  }
.Ltmp1:
0x49: {  	_ = 	snop;
	(pc) =	sbr.rel @p0 .LBB2_4-.Ltmp1, $4  }
0x4a: {  	_ = 	snop  }
0x4b: {  	s22 =	sadd.s32 $0x200, s22  }
0x4c: {  	_ =	swait.ge [sflag:s18], $0x400  }
0x4d: {  	[sflag:s18] =	ssyncset.done $0x0  }
0x4e: {  	s3 =	sadd.s32 $0x1, s3  }
0x4f: {  	[sflag:s18] =	ssyncadd.s32 $0xFFFFFC00;
	p0 =	sne.s32 s3, s16  }
.Ltmp2:
0x50: {  	[bflag:$0x0] =	sbarrier.arrive $0xFFFF;
	(pc) =	sbr.rel @p0 .LBB2_1-.Ltmp2, $4  }
0x51: {  	[hbm:s15], [sflag:s20] =	dma.local [spmem:s21], $0x2800  }
0x52: {  	_ =	swait.ge [sflag:s18], $0x2800  }
0x53: {  	[sflag:s18] =	ssyncset.done $0x0  }
0x54: {  	[sflag:s18] =	ssyncadd.s32 $0xFFFFD800  }
0x55: {  	_ =	sfence.sel $0x180000  }
0x56: {  	[bflag:$0x0] =	sbarrier.arrive $0xFFFF  }
0x57: {  	p0 =	sne.s32 s0, $0x0;
	_ =	strace $0x90000047  }
0x58: {  	s0 =	sadd.s32 @!p0 $0x100000, s1;
	[bflag:$0x2] =	sbarrier.arrive $0xFFFF  }
0x59: {  	[sflag:s0] =	ssyncadd.tile.s32 @!p0 $0x1;
	_ =	shalt  }
.Lfunc_end2:
_tile_overlayer_lowered:
.L_overlay_start_2:
0x5a: {  	(tag) =	ssettag $0x2  }
0x5b: {  	s0 =	rddreg [dreg:$0x0];
	s2 =	stileid.u32  }
0x5c: {  	s1 =	rddreg [dreg:$0x1];
	p0 =	sne.s32 s2, $0x0  }
0x5d: {  	s3 =	rddreg [dreg:$0x2];
	[bflag:$0x3] =	sbarrier.arrive $0xFFFF;
	s2 =	simm.s32 @!p0 $0x1C01  }
0x5e: {  	[timem:s3], [sflag:s2] =	dma.local @!p0 [hbm:s0], s1  }
0x5f: {  	s0 =	simm.s32 @!p0 $0x1  }
0x60: {  	_ =	swait.ge @!p0 [sflag:s0], s1  }
0x61: {  	s1 =	ssub.s32 @!p0 $0x0, s1;
	[sflag:s0] =	ssyncset.done @!p0 $0x0  }
0x62: {  	[sflag:s0] =	ssyncadd.s32 @!p0 s1  }
0x63: {  	[bflag:$0x3] =	sbarrier.arrive $0xFFFF  }
0x64: {  	_ =	shalt  }

</sc_bundles>
